<compile_context>
chip_gen: v7x
topology: tpu7x:2x2x1
jax: 0.10.2.dev20260603
libtpu: 0.0.44.dev20260713+nightly
codegen_flags: <defaults>
</compile_context>

<pallas_src>
import functools

import jax
import jax.numpy as jnp
from jax import lax
from jax.experimental import pallas as pl
from jax.experimental.pallas import tpu as pltpu
from jax.experimental.pallas import tpu_sc as plsc

N = 10000
E = 320000
F_IN = 128
H = 64
HP = 128
C = 10

NC = 2
NS = 16
NW = NC * NS
CH = 128
NCH = 80
NB = 8
NBLK = NCH // NB
EPT = CH * NCH
EPAD = EPT * NW
JUNK = 112
NACC = N + JUNK
ZR = NACC // NS


NBUF = 8
LAG = NBUF // 2
YI = 632
YI15 = 520


def _seg_body(y_h, src_h, dst_h, out_h, srcb, dstb, rows_v, acc, *sems_all):
    semg = sems_all[:NBUF]
    sems = sems_all[NBUF:2 * NBUF]
    semi = sems_all[2 * NBUF]
    c = lax.axis_index("c")
    s = lax.axis_index("s")
    wid = c * NS + s
    pltpu.sync_copy(src_h.at[wid, pl.ds(0, NB)], srcb.at[0])
    pltpu.sync_copy(dst_h.at[wid, pl.ds(0, NB)], dstb.at[0])

    @pl.when(s < NS - 1)
    def _():
        pltpu.sync_copy(y_h.at[pl.ds(s * YI, YI)], acc.at[pl.ds(s * YI, YI)])

    @pl.when(s == NS - 1)
    def _():
        pltpu.sync_copy(y_h.at[pl.ds((NS - 1) * YI, YI15)],
                        acc.at[pl.ds((NS - 1) * YI, YI15)])

    plsc.subcore_barrier()

    def scat(bb, k, b):
        return pltpu.make_async_copy(rows_v.at[b], acc.at[dstb.at[bb, k]],
                                     sems[b])

    for k in range(LAG):
        pltpu.async_copy(y_h.at[srcb.at[0, k]], rows_v.at[k], semg[k])

    def block(blk, carry):
        bb = blk % 3
        nbb = (blk + 1) % 3
        for k in range(NB):
            j = blk * NB + k
            b = k % NBUF
            b2 = (k - LAG) % NBUF
            if k == 0:
                @pl.when(blk + 1 < NBLK)
                def _():
                    nxt = (blk + 1) * NB
                    pltpu.make_async_copy(
                        src_h.at[wid, pl.ds(nxt, NB)], srcb.at[nbb], semi).start()
                    pltpu.make_async_copy(
                        dst_h.at[wid, pl.ds(nxt, NB)], dstb.at[nbb], semi).start()
            pltpu.make_async_copy(
                y_h.at[srcb.at[bb, k]], rows_v.at[b], semg[b]).wait()
            pltpu.async_copy(rows_v.at[b], acc.at[dstb.at[bb, k]],
                             sems[b], add=True)
            if k < LAG:
                @pl.when(j >= LAG)
                def _():
                    scat((blk - 1) % 3, NB - LAG + k, b2).wait()
            else:
                scat(bb, k - LAG, b2).wait()
            if k == NB - LAG - 1:
                @pl.when(blk + 1 < NBLK)
                def _():
                    nxt = (blk + 1) * NB
                    pltpu.make_async_copy(
                        src_h.at[wid, pl.ds(nxt, NB)], srcb.at[nbb], semi).wait()
                    pltpu.make_async_copy(
                        dst_h.at[wid, pl.ds(nxt, NB)], dstb.at[nbb], semi).wait()
            if k + LAG < NB:
                pltpu.async_copy(y_h.at[srcb.at[bb, k + LAG]], rows_v.at[b2],
                                 semg[b2])
            else:
                @pl.when(j + LAG < NCH)
                def _():
                    pltpu.async_copy(y_h.at[srcb.at[nbb, k + LAG - NB]],
                                     rows_v.at[b2], semg[b2])
        return carry

    lax.fori_loop(0, NBLK, block, 0)
    bl = (NBLK - 1) % 3
    for k in range(NB - LAG, NB):
        scat(bl, k, k % NBUF).wait()
    plsc.subcore_barrier()
    pltpu.sync_copy(acc.at[pl.ds(s * ZR, ZR)], out_h.at[c, pl.ds(s * ZR, ZR)])


_seg_kernel = functools.partial(
    pl.kernel,
    out_type=jax.ShapeDtypeStruct((NC, NACC, H), jnp.float32),
    mesh=plsc.VectorSubcoreMesh(core_axis_name="c", subcore_axis_name="s"),
    compiler_params=pltpu.CompilerParams(use_tc_tiling_on_sc=False),
    scratch_types=[
        pltpu.VMEM((3, NB, CH), jnp.int32),
        pltpu.VMEM((3, NB, CH), jnp.int32),
        pltpu.VMEM((NBUF, CH, H), jnp.float32),
        pltpu.VMEM_SHARED((NACC, H), jnp.float32),
    ] + [pltpu.SemaphoreType.DMA] * (2 * NBUF + 1),
)(_seg_body)


N2 = N // 2
NACC2 = NACC // 2


def _bdiag(w_ref):
    w = w_ref[...]
    z = jnp.zeros_like(w)
    return jnp.concatenate(
        [jnp.concatenate([w, z], axis=1), jnp.concatenate([z, w], axis=1)],
        axis=0)


def _dup(v_ref):
    v = v_ref[...]
    return jnp.concatenate([v, v], axis=1)


def _pair_bn(u, g_ref, be_ref):
    mu2 = jnp.mean(u, axis=0, keepdims=True)
    e2 = jnp.mean(u * u, axis=0, keepdims=True)
    mu = 0.5 * (mu2[:, :H] + mu2[:, H:])
    var = 0.5 * (e2[:, :H] + e2[:, H:]) - mu * mu
    muf = jnp.concatenate([mu, mu], axis=1)
    varf = jnp.concatenate([var, var], axis=1)
    return (u - muf) * lax.rsqrt(varf + 1e-5) * _dup(g_ref) + _dup(be_ref)


def _mm_body(x_ref, w_ref, o_ref):
    o_ref[...] = jnp.dot(x_ref[...], w_ref[...],
                         preferred_element_type=jnp.float32)


def _mid_body(y_ref, p_ref, b1_ref, w2_ref, b2_ref, g_ref, be_ref,
              w1n_ref, o_ref):
    h = p_ref[0, :N2, :] + p_ref[1, :N2, :] - y_ref[...] + _dup(b1_ref)
    h = jnp.maximum(h, 0.0)
    u = jnp.dot(h, _bdiag(w2_ref),
                preferred_element_type=jnp.float32) + _dup(b2_ref)
    u = jnp.maximum(u, 0.0)
    hb = _pair_bn(u, g_ref, be_ref)
    o_ref[...] = jnp.dot(hb, _bdiag(w1n_ref), preferred_element_type=jnp.float32)


def _head_body(y_ref, p_ref, b1_ref, w2_ref, b2_ref, g_ref, be_ref,
               l1w_ref, l1b_ref, l2w_ref, l2b_ref, o_ref):
    h = p_ref[0, :N2, :] + p_ref[1, :N2, :] - y_ref[...] + _dup(b1_ref)
    h = jnp.maximum(h, 0.0)
    u = jnp.dot(h, _bdiag(w2_ref),
                preferred_element_type=jnp.float32) + _dup(b2_ref)
    u = jnp.maximum(u, 0.0)
    hb = _pair_bn(u, g_ref, be_ref)
    t = jnp.maximum(
        jnp.dot(hb, _bdiag(l1w_ref), preferred_element_type=jnp.float32)
        + _dup(l1b_ref), 0.0)
    l2w = l2w_ref[...]
    z = jnp.zeros_like(l2w)
    l2d = jnp.concatenate(
        [jnp.concatenate([l2w, z], axis=1), jnp.concatenate([z, l2w], axis=1)],
        axis=0)
    logits = jnp.dot(t, l2d, preferred_element_type=jnp.float32) + _dup(l2b_ref)
    le, lo = logits[:, :C], logits[:, C:]
    me = jnp.max(le, axis=-1, keepdims=True)
    mo = jnp.max(lo, axis=-1, keepdims=True)
    lse_e = me + jnp.log(jnp.sum(jnp.exp(le - me), axis=-1, keepdims=True))
    lse_o = mo + jnp.log(jnp.sum(jnp.exp(lo - mo), axis=-1, keepdims=True))
    o_ref[...] = logits - jnp.concatenate(
        [jnp.broadcast_to(lse_e, (N2, C)), jnp.broadcast_to(lse_o, (N2, C))],
        axis=1)


def _tc(body, out_shape, *args):
    return pl.pallas_call(body, out_shape=out_shape)(*args)


def _padw(w):
    return jnp.pad(w, ((0, 0), (0, HP - H)))


def kernel(x, edge_index, c0_W1, c0_b1, c0_W2, c0_b2, c0_g, c0_be,
           c1_W1, c1_b1, c1_W2, c1_b2, c1_g, c1_be,
           c2_W1, c2_b1, c2_W2, c2_b2, c2_g, c2_be,
           l1_W, l1_b, l2_W, l2_b):
    src, dst = edge_index[0], edge_index[1]
    pad = EPAD - E
    ar = jnp.arange(pad, dtype=jnp.int32)
    src_r = jnp.concatenate([src, ar % N]).reshape(NW, NCH, CH)
    dst_r = jnp.concatenate([dst, N + (ar % JUNK)]).reshape(NW, NCH, CH)

    f32 = jnp.float32
    b1s = [c0_b1.reshape(1, H), c1_b1.reshape(1, H), c2_b1.reshape(1, H)]
    b2s = [c0_b2.reshape(1, H), c1_b2.reshape(1, H), c2_b2.reshape(1, H)]
    gs = [c0_g.reshape(1, H), c1_g.reshape(1, H), c2_g.reshape(1, H)]
    bes = [c0_be.reshape(1, H), c1_be.reshape(1, H), c2_be.reshape(1, H)]
    W2s = [c0_W2, c1_W2, c2_W2]

    y0 = _tc(_mm_body, jax.ShapeDtypeStruct((N, H), f32), x, c0_W1)
    y2 = y0.reshape(N2, 2 * H)

    for i in range(3):
        p = _seg_kernel(y2.reshape(N, H), src_r, dst_r)
        p2 = p.reshape(NC, NACC2, 2 * H)
        if i < 2:
            w1n = c1_W1 if i == 0 else c2_W1
            y2 = _tc(_mid_body, jax.ShapeDtypeStruct((N2, 2 * H), f32),
                     y2, p2, b1s[i], W2s[i], b2s[i], gs[i], bes[i], w1n)
        else:
            out2 = _tc(_head_body, jax.ShapeDtypeStruct((N2, 2 * C), f32),
                       y2, p2, b1s[i], W2s[i], b2s[i], gs[i], bes[i],
                       l1_W, l1_b.reshape(1, H), l2_W, l2_b.reshape(1, C))
    return out2.reshape(N, C)

# --- scband reference (transcript-rebuilt; emitter-appended) ---
"""Pipeline reference for scband-gin-15719580303914 (READ-ONLY COPY).

The authoritative reference and input builder live on the scoring server;
editing this copy changes nothing except your own understanding.
"""

import jax, jax.numpy as jnp
import numpy as np

N = 10000
E = 320000
F_IN = 128
H = 64
C = 10
NUM_LAYERS = 3

def _init(key, shape):
    return (jax.random.normal(key, shape, dtype=jnp.float32) * (1.0 / np.sqrt(shape[0]))).astype(jnp.float32)

def setup_inputs(seed: int = 0):
    key = jax.random.key(seed)
    ks = jax.random.split(key, 64)
    inp = {}
    inp["x"] = jax.random.normal(ks[0], (N, F_IN), dtype=jnp.float32)
    inp["edge_index"] = jax.random.randint(ks[1], (2, E), 0, N, dtype=jnp.int32)
    ki = 2
    for i in range(NUM_LAYERS):
        d_in = F_IN if i == 0 else H
        inp["c%d_W1" % i] = _init(ks[ki], (d_in, H)); ki += 1
        inp["c%d_b1" % i] = jnp.zeros((H,), jnp.float32)
        inp["c%d_W2" % i] = _init(ks[ki], (H, H)); ki += 1
        inp["c%d_b2" % i] = jnp.zeros((H,), jnp.float32)
        inp["c%d_g" % i] = jnp.ones((H,), jnp.float32)
        inp["c%d_be" % i] = jnp.zeros((H,), jnp.float32)
    inp["l1_W"] = _init(ks[ki], (H, H)); ki += 1
    inp["l1_b"] = jnp.zeros((H,), jnp.float32)
    inp["l2_W"] = _init(ks[ki], (H, C)); ki += 1
    inp["l2_b"] = jnp.zeros((C,), jnp.float32)
    return inp

def _gin_conv(x, src, dst, W1, b1, W2, b2, g, be):
    # GIN aggregation: sum of neighbor features (eps=0, train_eps=False)
    agg = jax.ops.segment_sum(x[src], dst, num_segments=x.shape[0])
    h = x + agg
    h = jnp.maximum(h @ W1 + b1, 0.0)
    h = jnp.maximum(h @ W2 + b2, 0.0)
    # BatchNorm1d in training mode (batch stats, biased variance)
    mu = jnp.mean(h, axis=0)
    var = jnp.var(h, axis=0)
    return (h - mu) * jax.lax.rsqrt(var + 1e-5) * g + be

def reference(x, edge_index, c0_W1, c0_b1, c0_W2, c0_b2, c0_g, c0_be, c1_W1, c1_b1, c1_W2, c1_b2, c1_g, c1_be, c2_W1, c2_b1, c2_W2, c2_b2, c2_g, c2_be, l1_W, l1_b, l2_W, l2_b):
    src, dst = edge_index[0], edge_index[1]
    h = _gin_conv(x, src, dst, c0_W1, c0_b1, c0_W2, c0_b2, c0_g, c0_be)
    h = _gin_conv(h, src, dst, c1_W1, c1_b1, c1_W2, c1_b2, c1_g, c1_be)
    h = _gin_conv(h, src, dst, c2_W1, c2_b1, c2_W2, c2_b2, c2_g, c2_be)
    h = jnp.maximum(h @ l1_W + l1_b, 0.0)
    # dropout is identity in eval / deterministic reference
    logits = h @ l2_W + l2_b
    return logits - jax.scipy.special.logsumexp(logits, axis=-1, keepdims=True)

if __name__ == "__main__":
    import jax
    _d = setup_inputs()
    print(jax.jit(kernel)(*tuple(_d.values())))

</pallas_src>

<mosaic_0001>
#map = affine_map<(d0, d1) -> (0, 0)>
#map1 = affine_map<(d0, d1) -> (0, 0, 0)>
module attributes {stable_mosaic.version = 14 : i64} {
  func.func @_seg_body(%arg0: i32, %arg1: i32, %arg2: memref<10000x64xf32, #tpu.memory_space<hbm>>, %arg3: memref<32x80x128xi32, #tpu.memory_space<hbm>>, %arg4: memref<32x80x128xi32, #tpu.memory_space<hbm>>, %arg5: memref<2x10112x64xf32, #tpu.memory_space<hbm>>, %arg6: memref<3x8x128xi32, #tpu.memory_space<vmem>>, %arg7: memref<3x8x128xi32, #tpu.memory_space<vmem>>, %arg8: memref<8x128x64xf32, #tpu.memory_space<vmem>>, %arg9: memref<10112x64xf32, #tpu.memory_space<vmem_shared>>, %arg10: memref<!tpu.dma_semaphore, #tpu.memory_space<semaphore_mem>>, %arg11: memref<!tpu.dma_semaphore, #tpu.memory_space<semaphore_mem>>, %arg12: memref<!tpu.dma_semaphore, #tpu.memory_space<semaphore_mem>>, %arg13: memref<!tpu.dma_semaphore, #tpu.memory_space<semaphore_mem>>, %arg14: memref<!tpu.dma_semaphore, #tpu.memory_space<semaphore_mem>>, %arg15: memref<!tpu.dma_semaphore, #tpu.memory_space<semaphore_mem>>, %arg16: memref<!tpu.dma_semaphore, #tpu.memory_space<semaphore_mem>>, %arg17: memref<!tpu.dma_semaphore, #tpu.memory_space<semaphore_mem>>, %arg18: memref<!tpu.dma_semaphore, #tpu.memory_space<semaphore_mem>>, %arg19: memref<!tpu.dma_semaphore, #tpu.memory_space<semaphore_mem>>, %arg20: memref<!tpu.dma_semaphore, #tpu.memory_space<semaphore_mem>>, %arg21: memref<!tpu.dma_semaphore, #tpu.memory_space<semaphore_mem>>, %arg22: memref<!tpu.dma_semaphore, #tpu.memory_space<semaphore_mem>>, %arg23: memref<!tpu.dma_semaphore, #tpu.memory_space<semaphore_mem>>, %arg24: memref<!tpu.dma_semaphore, #tpu.memory_space<semaphore_mem>>, %arg25: memref<!tpu.dma_semaphore, #tpu.memory_space<semaphore_mem>>, %arg26: memref<!tpu.dma_semaphore, #tpu.memory_space<semaphore_mem>>) attributes {dimension_semantics = [#tpu.dimension_semantics<core_parallel>, #tpu.dimension_semantics<subcore_parallel>], iteration_bounds = array<i64: 2, 16>, scalar_prefetch = 0 : i64, scratch_operands = 21 : i64, tpu.core_type = #tpu.core_type<sc_vector_subcore>, window_params = [{transform_indices = #map}, {transform_indices = #map1}, {transform_indices = #map1}, {transform_indices = #map1}]} {
    %mul3A = arith.constant 16 : i32
    %mul3A_0 = arith.muli %arg0, %mul3A : i32
    %add3A = arith.addi %mul3A_0, %arg1 : i32
    %run_scoped3A = arith.constant 0 : i32
    "tpu.region"() ({
      %run_scoped3A_120 = tpu.sem_alloc : memref<!tpu.dma_semaphore, #tpu.memory_space<semaphore_mem>>
      %dma_start3A_121 = arith.constant 0 : i32
      %dma_start3A_122 = arith.constant 0 : i32
      %dma_start3A_123 = tpu.memref_slice %arg6[%run_scoped3A, %dma_start3A_121, %dma_start3A_122] : memref<3x8x128xi32, #tpu.memory_space<vmem>> -> memref<1x8x128xi32, #tpu.memory_space<vmem>>
      %dma_start3A_124 = tpu.memref_squeeze %dma_start3A_123 : memref<1x8x128xi32, #tpu.memory_space<vmem>> -> memref<8x128xi32, #tpu.memory_space<vmem>>
      %dma_start3A_125 = arith.constant 0 : i32
      %dma_start3A_126 = arith.constant 0 : i32
      %dma_start3A_127 = tpu.memref_slice %arg3[%add3A, %dma_start3A_125, %dma_start3A_126] : memref<32x80x128xi32, #tpu.memory_space<hbm>> -> memref<1x8x128xi32, #tpu.memory_space<hbm>>
      %dma_start3A_128 = tpu.memref_squeeze %dma_start3A_127 : memref<1x8x128xi32, #tpu.memory_space<hbm>> -> memref<8x128xi32, #tpu.memory_space<hbm>>
      %dma_start3A_129 = arith.constant 0 : i32
      %dma_start3A_130 = arith.constant 0 : i32
      %dma_start3A_131 = tpu.memref_slice %arg6[%run_scoped3A, %dma_start3A_129, %dma_start3A_130] : memref<3x8x128xi32, #tpu.memory_space<vmem>> -> memref<1x8x128xi32, #tpu.memory_space<vmem>>
      %dma_start3A_132 = tpu.memref_squeeze %dma_start3A_131 : memref<1x8x128xi32, #tpu.memory_space<vmem>> -> memref<8x128xi32, #tpu.memory_space<vmem>>
      %dma_start3A_133 = arith.constant 0 : i32
      %dma_start3A_134 = arith.constant 0 : i32
      %dma_start3A_135 = tpu.memref_slice %arg3[%add3A, %dma_start3A_133, %dma_start3A_134] : memref<32x80x128xi32, #tpu.memory_space<hbm>> -> memref<1x8x128xi32, #tpu.memory_space<hbm>>
      %dma_start3A_136 = tpu.memref_squeeze %dma_start3A_135 : memref<1x8x128xi32, #tpu.memory_space<hbm>> -> memref<8x128xi32, #tpu.memory_space<hbm>>
      tpu.enqueue_dma source(%dma_start3A_136 : memref<8x128xi32, #tpu.memory_space<hbm>>) target(%dma_start3A_132 : memref<8x128xi32, #tpu.memory_space<vmem>>) target_semaphore(%run_scoped3A_120 : memref<!tpu.dma_semaphore, #tpu.memory_space<semaphore_mem>>)
      %dma_wait3A_137 = arith.constant 0 : i32
      %dma_wait3A_138 = arith.constant 0 : i32
      %dma_wait3A_139 = tpu.memref_slice %arg6[%run_scoped3A, %dma_wait3A_137, %dma_wait3A_138] : memref<3x8x128xi32, #tpu.memory_space<vmem>> -> memref<1x8x128xi32, #tpu.memory_space<vmem>>
      %dma_wait3A_140 = tpu.memref_squeeze %dma_wait3A_139 : memref<1x8x128xi32, #tpu.memory_space<vmem>> -> memref<8x128xi32, #tpu.memory_space<vmem>>
      %dma_wait3A_141 = arith.constant 0 : i32
      %dma_wait3A_142 = arith.constant 0 : i32
      %dma_wait3A_143 = tpu.memref_slice %arg3[%add3A, %dma_wait3A_141, %dma_wait3A_142] : memref<32x80x128xi32, #tpu.memory_space<hbm>> -> memref<1x8x128xi32, #tpu.memory_space<hbm>>
      %dma_wait3A_144 = tpu.memref_squeeze %dma_wait3A_143 : memref<1x8x128xi32, #tpu.memory_space<hbm>> -> memref<8x128xi32, #tpu.memory_space<hbm>>
      %dma_wait3A_145 = arith.constant 0 : i32
      %dma_wait3A_146 = arith.constant 0 : i32
      %dma_wait3A_147 = tpu.memref_slice %arg6[%run_scoped3A, %dma_wait3A_145, %dma_wait3A_146] : memref<3x8x128xi32, #tpu.memory_space<vmem>> -> memref<1x8x128xi32, #tpu.memory_space<vmem>>
      %dma_wait3A_148 = tpu.memref_squeeze %dma_wait3A_147 : memref<1x8x128xi32, #tpu.memory_space<vmem>> -> memref<8x128xi32, #tpu.memory_space<vmem>>
      %dma_wait3A_149 = arith.constant 0 : i32
      %dma_wait3A_150 = arith.constant 0 : i32
      %dma_wait3A_151 = tpu.memref_slice %arg3[%add3A, %dma_wait3A_149, %dma_wait3A_150] : memref<32x80x128xi32, #tpu.memory_space<hbm>> -> memref<1x8x128xi32, #tpu.memory_space<hbm>>
      %dma_wait3A_152 = tpu.memref_squeeze %dma_wait3A_151 : memref<1x8x128xi32, #tpu.memory_space<hbm>> -> memref<8x128xi32, #tpu.memory_space<hbm>>
      tpu.wait_dma2 semaphore(%run_scoped3A_120 : memref<!tpu.dma_semaphore, #tpu.memory_space<semaphore_mem>>) src(%dma_wait3A_152 : memref<8x128xi32, #tpu.memory_space<hbm>>) dst(%dma_wait3A_148 : memref<8x128xi32, #tpu.memory_space<vmem>>)
      tpu.yield
    }) : () -> ()
    %run_scoped3A_1 = arith.constant 0 : i32
    "tpu.region"() ({
      %run_scoped3A_120 = tpu.sem_alloc : memref<!tpu.dma_semaphore, #tpu.memory_space<semaphore_mem>>
      %dma_start3A_121 = arith.constant 0 : i32
      %dma_start3A_122 = arith.constant 0 : i32
      %dma_start3A_123 = tpu.memref_slice %arg7[%run_scoped3A_1, %dma_start3A_121, %dma_start3A_122] : memref<3x8x128xi32, #tpu.memory_space<vmem>> -> memref<1x8x128xi32, #tpu.memory_space<vmem>>
      %dma_start3A_124 = tpu.memref_squeeze %dma_start3A_123 : memref<1x8x128xi32, #tpu.memory_space<vmem>> -> memref<8x128xi32, #tpu.memory_space<vmem>>
      %dma_start3A_125 = arith.constant 0 : i32
      %dma_start3A_126 = arith.constant 0 : i32
      %dma_start3A_127 = tpu.memref_slice %arg4[%add3A, %dma_start3A_125, %dma_start3A_126] : memref<32x80x128xi32, #tpu.memory_space<hbm>> -> memref<1x8x128xi32, #tpu.memory_space<hbm>>
      %dma_start3A_128 = tpu.memref_squeeze %dma_start3A_127 : memref<1x8x128xi32, #tpu.memory_space<hbm>> -> memref<8x128xi32, #tpu.memory_space<hbm>>
      %dma_start3A_129 = arith.constant 0 : i32
      %dma_start3A_130 = arith.constant 0 : i32
      %dma_start3A_131 = tpu.memref_slice %arg7[%run_scoped3A_1, %dma_start3A_129, %dma_start3A_130] : memref<3x8x128xi32, #tpu.memory_space<vmem>> -> memref<1x8x128xi32, #tpu.memory_space<vmem>>
      %dma_start3A_132 = tpu.memref_squeeze %dma_start3A_131 : memref<1x8x128xi32, #tpu.memory_space<vmem>> -> memref<8x128xi32, #tpu.memory_space<vmem>>
      %dma_start3A_133 = arith.constant 0 : i32
      %dma_start3A_134 = arith.constant 0 : i32
      %dma_start3A_135 = tpu.memref_slice %arg4[%add3A, %dma_start3A_133, %dma_start3A_134] : memref<32x80x128xi32, #tpu.memory_space<hbm>> -> memref<1x8x128xi32, #tpu.memory_space<hbm>>
      %dma_start3A_136 = tpu.memref_squeeze %dma_start3A_135 : memref<1x8x128xi32, #tpu.memory_space<hbm>> -> memref<8x128xi32, #tpu.memory_space<hbm>>
      tpu.enqueue_dma source(%dma_start3A_136 : memref<8x128xi32, #tpu.memory_space<hbm>>) target(%dma_start3A_132 : memref<8x128xi32, #tpu.memory_space<vmem>>) target_semaphore(%run_scoped3A_120 : memref<!tpu.dma_semaphore, #tpu.memory_space<semaphore_mem>>)
      %dma_wait3A_137 = arith.constant 0 : i32
      %dma_wait3A_138 = arith.constant 0 : i32
      %dma_wait3A_139 = tpu.memref_slice %arg7[%run_scoped3A_1, %dma_wait3A_137, %dma_wait3A_138] : memref<3x8x128xi32, #tpu.memory_space<vmem>> -> memref<1x8x128xi32, #tpu.memory_space<vmem>>
      %dma_wait3A_140 = tpu.memref_squeeze %dma_wait3A_139 : memref<1x8x128xi32, #tpu.memory_space<vmem>> -> memref<8x128xi32, #tpu.memory_space<vmem>>
      %dma_wait3A_141 = arith.constant 0 : i32
      %dma_wait3A_142 = arith.constant 0 : i32
      %dma_wait3A_143 = tpu.memref_slice %arg4[%add3A, %dma_wait3A_141, %dma_wait3A_142] : memref<32x80x128xi32, #tpu.memory_space<hbm>> -> memref<1x8x128xi32, #tpu.memory_space<hbm>>
      %dma_wait3A_144 = tpu.memref_squeeze %dma_wait3A_143 : memref<1x8x128xi32, #tpu.memory_space<hbm>> -> memref<8x128xi32, #tpu.memory_space<hbm>>
      %dma_wait3A_145 = arith.constant 0 : i32
      %dma_wait3A_146 = arith.constant 0 : i32
      %dma_wait3A_147 = tpu.memref_slice %arg7[%run_scoped3A_1, %dma_wait3A_145, %dma_wait3A_146] : memref<3x8x128xi32, #tpu.memory_space<vmem>> -> memref<1x8x128xi32, #tpu.memory_space<vmem>>
      %dma_wait3A_148 = tpu.memref_squeeze %dma_wait3A_147 : memref<1x8x128xi32, #tpu.memory_space<vmem>> -> memref<8x128xi32, #tpu.memory_space<vmem>>
      %dma_wait3A_149 = arith.constant 0 : i32
      %dma_wait3A_150 = arith.constant 0 : i32
      %dma_wait3A_151 = tpu.memref_slice %arg4[%add3A, %dma_wait3A_149, %dma_wait3A_150] : memref<32x80x128xi32, #tpu.memory_space<hbm>> -> memref<1x8x128xi32, #tpu.memory_space<hbm>>
      %dma_wait3A_152 = tpu.memref_squeeze %dma_wait3A_151 : memref<1x8x128xi32, #tpu.memory_space<hbm>> -> memref<8x128xi32, #tpu.memory_space<hbm>>
      tpu.wait_dma2 semaphore(%run_scoped3A_120 : memref<!tpu.dma_semaphore, #tpu.memory_space<semaphore_mem>>) src(%dma_wait3A_152 : memref<8x128xi32, #tpu.memory_space<hbm>>) dst(%dma_wait3A_148 : memref<8x128xi32, #tpu.memory_space<vmem>>)
      tpu.yield
    }) : () -> ()
    %lt3A = arith.constant 15 : i32
    %lt3A_2 = arith.cmpi slt, %arg1, %lt3A : i32
    %convert_element_type3A = arith.extui %lt3A_2 : i1 to i32
    %cond3A = arith.constant 0 : i32
    %cond3A_3 = arith.cmpi ne, %convert_element_type3A, %cond3A : i32
    scf.if %cond3A_3 {
      %mul3A_120 = arith.constant 632 : i32
      %mul3A_121 = arith.muli %arg1, %mul3A_120 : i32
      %mul3A_122 = arith.constant 632 : i32
      %mul3A_123 = arith.muli %arg1, %mul3A_122 : i32
      "tpu.region"() ({
        %run_scoped3A_124 = tpu.sem_alloc : memref<!tpu.dma_semaphore, #tpu.memory_space<semaphore_mem>>
        %dma_start3A_125 = arith.constant 0 : i32
        %dma_start3A_126 = tpu.memref_slice %arg9[%mul3A_123, %dma_start3A_125] : memref<10112x64xf32, #tpu.memory_space<vmem_shared>> -> memref<632x64xf32, #tpu.memory_space<vmem_shared>>
        %dma_start3A_127 = arith.constant 0 : i32
        %dma_start3A_128 = tpu.memref_slice %arg2[%mul3A_121, %dma_start3A_127] : memref<10000x64xf32, #tpu.memory_space<hbm>> -> memref<632x64xf32, #tpu.memory_space<hbm>>
        tpu.enqueue_dma source(%dma_start3A_128 : memref<632x64xf32, #tpu.memory_space<hbm>>) target(%dma_start3A_126 : memref<632x64xf32, #tpu.memory_space<vmem_shared>>) target_semaphore(%run_scoped3A_124 : memref<!tpu.dma_semaphore, #tpu.memory_space<semaphore_mem>>)
        %dma_wait3A_129 = arith.constant 0 : i32
        %dma_wait3A_130 = tpu.memref_slice %arg9[%mul3A_123, %dma_wait3A_129] : memref<10112x64xf32, #tpu.memory_space<vmem_shared>> -> memref<632x64xf32, #tpu.memory_space<vmem_shared>>
        %dma_wait3A_131 = arith.constant 0 : i32
        %dma_wait3A_132 = tpu.memref_slice %arg2[%mul3A_121, %dma_wait3A_131] : memref<10000x64xf32, #tpu.memory_space<hbm>> -> memref<632x64xf32, #tpu.memory_space<hbm>>
        tpu.wait_dma2 semaphore(%run_scoped3A_124 : memref<!tpu.dma_semaphore, #tpu.memory_space<semaphore_mem>>) src(%dma_wait3A_132 : memref<632x64xf32, #tpu.memory_space<hbm>>) dst(%dma_wait3A_130 : memref<632x64xf32, #tpu.memory_space<vmem_shared>>)
        tpu.yield
      }) : () -> ()
    } else {
    }
    %eq3A = arith.constant 15 : i32
    %eq3A_4 = arith.cmpi eq, %arg1, %eq3A : i32
    %convert_element_type3A_5 = arith.extui %eq3A_4 : i1 to i32
    %cond3A_6 = arith.constant 0 : i32
    %cond3A_7 = arith.cmpi ne, %convert_element_type3A_5, %cond3A_6 : i32
    scf.if %cond3A_7 {
      "tpu.region"() ({
        %run_scoped3A_120 = tpu.sem_alloc : memref<!tpu.dma_semaphore, #tpu.memory_space<semaphore_mem>>
        %dma_start3A_121 = arith.constant 9480 : i32
        %dma_start3A_122 = arith.constant 0 : i32
        %dma_start3A_123 = tpu.memref_slice %arg9[%dma_start3A_121, %dma_start3A_122] : memref<10112x64xf32, #tpu.memory_space<vmem_shared>> -> memref<520x64xf32, #tpu.memory_space<vmem_shared>>
        %dma_start3A_124 = arith.constant 9480 : i32
        %dma_start3A_125 = arith.constant 0 : i32
        %dma_start3A_126 = tpu.memref_slice %arg2[%dma_start3A_124, %dma_start3A_125] : memref<10000x64xf32, #tpu.memory_space<hbm>> -> memref<520x64xf32, #tpu.memory_space<hbm>>
        tpu.enqueue_dma source(%dma_start3A_126 : memref<520x64xf32, #tpu.memory_space<hbm>>) target(%dma_start3A_123 : memref<520x64xf32, #tpu.memory_space<vmem_shared>>) target_semaphore(%run_scoped3A_120 : memref<!tpu.dma_semaphore, #tpu.memory_space<semaphore_mem>>)
        %dma_wait3A_127 = arith.constant 9480 : i32
        %dma_wait3A_128 = arith.constant 0 : i32
        %dma_wait3A_129 = tpu.memref_slice %arg9[%dma_wait3A_127, %dma_wait3A_128] : memref<10112x64xf32, #tpu.memory_space<vmem_shared>> -> memref<520x64xf32, #tpu.memory_space<vmem_shared>>
        %dma_wait3A_130 = arith.constant 9480 : i32
        %dma_wait3A_131 = arith.constant 0 : i32
        %dma_wait3A_132 = tpu.memref_slice %arg2[%dma_wait3A_130, %dma_wait3A_131] : memref<10000x64xf32, #tpu.memory_space<hbm>> -> memref<520x64xf32, #tpu.memory_space<hbm>>
        tpu.wait_dma2 semaphore(%run_scoped3A_120 : memref<!tpu.dma_semaphore, #tpu.memory_space<semaphore_mem>>) src(%dma_wait3A_132 : memref<520x64xf32, #tpu.memory_space<hbm>>) dst(%dma_wait3A_129 : memref<520x64xf32, #tpu.memory_space<vmem_shared>>)
        tpu.yield
      }) : () -> ()
    } else {
    }
    %barrier3A = arith.constant 0 : index
    tpu.barrier barrier_id(%barrier3A)
    %dma_start3A = arith.constant 0 : i32
    %dma_start3A_8 = arith.constant 0 : i32
    %dma_start3A_9 = arith.constant 0 : i32
    %dma_start3A_10 = arith.constant 0 : i32
    %dma_start3A_11 = arith.constant 0 : i32
    %dma_start3A_12 = tpu.memref_slice %arg8[%dma_start3A_9, %dma_start3A_10, %dma_start3A_11] : memref<8x128x64xf32, #tpu.memory_space<vmem>> -> memref<1x128x64xf32, #tpu.memory_space<vmem>>
    %dma_start3A_13 = tpu.memref_squeeze %dma_start3A_12 : memref<1x128x64xf32, #tpu.memory_space<vmem>> -> memref<128x64xf32, #tpu.memory_space<vmem>>
    %dma_start3A_14 = arith.constant 0 : i32
    %dma_start3A_15 = tpu.memref_slice %arg6[%dma_start3A, %dma_start3A_8, %dma_start3A_14] : memref<3x8x128xi32, #tpu.memory_space<vmem>> -> memref<1x1x128xi32, #tpu.memory_space<vmem>>
    %dma_start3A_16 = tpu.memref_squeeze %dma_start3A_15 : memref<1x1x128xi32, #tpu.memory_space<vmem>> -> memref<128xi32, #tpu.memory_space<vmem>>
    %dma_start3A_17 = arith.constant 0 : i32
    %dma_start3A_18 = arith.constant 0 : i32
    %dma_start3A_19 = tpu.memref_slice %arg2[%dma_start3A_17, %dma_start3A_18] : memref<10000x64xf32, #tpu.memory_space<hbm>> -> memref<10000x64xf32, #tpu.memory_space<hbm>>
    tpu.enqueue_indirect_dma source(%dma_start3A_19 : memref<10000x64xf32, #tpu.memory_space<hbm>>) target(%dma_start3A_13 : memref<128x64xf32, #tpu.memory_space<vmem>>) offsets(%dma_start3A_16 : memref<128xi32, #tpu.memory_space<vmem>>) semaphore(%arg10 : memref<!tpu.dma_semaphore, #tpu.memory_space<semaphore_mem>>)
    %dma_start3A_20 = arith.constant 0 : i32
    %dma_start3A_21 = arith.constant 1 : i32
    %dma_start3A_22 = arith.constant 1 : i32
    %dma_start3A_23 = arith.constant 0 : i32
    %dma_start3A_24 = arith.constant 0 : i32
    %dma_start3A_25 = tpu.memref_slice %arg8[%dma_start3A_22, %dma_start3A_23, %dma_start3A_24] : memref<8x128x64xf32, #tpu.memory_space<vmem>> -> memref<1x128x64xf32, #tpu.memory_space<vmem>>
    %dma_start3A_26 = tpu.memref_squeeze %dma_start3A_25 : memref<1x128x64xf32, #tpu.memory_space<vmem>> -> memref<128x64xf32, #tpu.memory_space<vmem>>
    %dma_start3A_27 = arith.constant 0 : i32
    %dma_start3A_28 = tpu.memref_slice %arg6[%dma_start3A_20, %dma_start3A_21, %dma_start3A_27] : memref<3x8x128xi32, #tpu.memory_space<vmem>> -> memref<1x1x128xi32, #tpu.memory_space<vmem>>
    %dma_start3A_29 = tpu.memref_squeeze %dma_start3A_28 : memref<1x1x128xi32, #tpu.memory_space<vmem>> -> memref<128xi32, #tpu.memory_space<vmem>>
    %dma_start3A_30 = arith.constant 0 : i32
    %dma_start3A_31 = arith.constant 0 : i32
    %dma_start3A_32 = tpu.memref_slice %arg2[%dma_start3A_30, %dma_start3A_31] : memref<10000x64xf32, #tpu.memory_space<hbm>> -> memref<10000x64xf32, #tpu.memory_space<hbm>>
    tpu.enqueue_indirect_dma source(%dma_start3A_32 : memref<10000x64xf32, #tpu.memory_space<hbm>>) target(%dma_start3A_26 : memref<128x64xf32, #tpu.memory_space<vmem>>) offsets(%dma_start3A_29 : memref<128xi32, #tpu.memory_space<vmem>>) semaphore(%arg11 : memref<!tpu.dma_semaphore, #tpu.memory_space<semaphore_mem>>)
    %dma_start3A_33 = arith.constant 0 : i32
    %dma_start3A_34 = arith.constant 2 : i32
    %dma_start3A_35 = arith.constant 2 : i32
    %dma_start3A_36 = arith.constant 0 : i32
    %dma_start3A_37 = arith.constant 0 : i32
    %dma_start3A_38 = tpu.memref_slice %arg8[%dma_start3A_35, %dma_start3A_36, %dma_start3A_37] : memref<8x128x64xf32, #tpu.memory_space<vmem>> -> memref<1x128x64xf32, #tpu.memory_space<vmem>>
    %dma_start3A_39 = tpu.memref_squeeze %dma_start3A_38 : memref<1x128x64xf32, #tpu.memory_space<vmem>> -> memref<128x64xf32, #tpu.memory_space<vmem>>
    %dma_start3A_40 = arith.constant 0 : i32
    %dma_start3A_41 = tpu.memref_slice %arg6[%dma_start3A_33, %dma_start3A_34, %dma_start3A_40] : memref<3x8x128xi32, #tpu.memory_space<vmem>> -> memref<1x1x128xi32, #tpu.memory_space<vmem>>
    %dma_start3A_42 = tpu.memref_squeeze %dma_start3A_41 : memref<1x1x128xi32, #tpu.memory_space<vmem>> -> memref<128xi32, #tpu.memory_space<vmem>>
    %dma_start3A_43 = arith.constant 0 : i32
    %dma_start3A_44 = arith.constant 0 : i32
    %dma_start3A_45 = tpu.memref_slice %arg2[%dma_start3A_43, %dma_start3A_44] : memref<10000x64xf32, #tpu.memory_space<hbm>> -> memref<10000x64xf32, #tpu.memory_space<hbm>>
    tpu.enqueue_indirect_dma source(%dma_start3A_45 : memref<10000x64xf32, #tpu.memory_space<hbm>>) target(%dma_start3A_39 : memref<128x64xf32, #tpu.memory_space<vmem>>) offsets(%dma_start3A_42 : memref<128xi32, #tpu.memory_space<vmem>>) semaphore(%arg12 : memref<!tpu.dma_semaphore, #tpu.memory_space<semaphore_mem>>)
    %dma_start3A_46 = arith.constant 0 : i32
    %dma_start3A_47 = arith.constant 3 : i32
    %dma_start3A_48 = arith.constant 3 : i32
    %dma_start3A_49 = arith.constant 0 : i32
    %dma_start3A_50 = arith.constant 0 : i32
    %dma_start3A_51 = tpu.memref_slice %arg8[%dma_start3A_48, %dma_start3A_49, %dma_start3A_50] : memref<8x128x64xf32, #tpu.memory_space<vmem>> -> memref<1x128x64xf32, #tpu.memory_space<vmem>>
    %dma_start3A_52 = tpu.memref_squeeze %dma_start3A_51 : memref<1x128x64xf32, #tpu.memory_space<vmem>> -> memref<128x64xf32, #tpu.memory_space<vmem>>
    %dma_start3A_53 = arith.constant 0 : i32
    %dma_start3A_54 = tpu.memref_slice %arg6[%dma_start3A_46, %dma_start3A_47, %dma_start3A_53] : memref<3x8x128xi32, #tpu.memory_space<vmem>> -> memref<1x1x128xi32, #tpu.memory_space<vmem>>
    %dma_start3A_55 = tpu.memref_squeeze %dma_start3A_54 : memref<1x1x128xi32, #tpu.memory_space<vmem>> -> memref<128xi32, #tpu.memory_space<vmem>>
    %dma_start3A_56 = arith.constant 0 : i32
    %dma_start3A_57 = arith.constant 0 : i32
    %dma_start3A_58 = tpu.memref_slice %arg2[%dma_start3A_56, %dma_start3A_57] : memref<10000x64xf32, #tpu.memory_space<hbm>> -> memref<10000x64xf32, #tpu.memory_space<hbm>>
    tpu.enqueue_indirect_dma source(%dma_start3A_58 : memref<10000x64xf32, #tpu.memory_space<hbm>>) target(%dma_start3A_52 : memref<128x64xf32, #tpu.memory_space<vmem>>) offsets(%dma_start3A_55 : memref<128xi32, #tpu.memory_space<vmem>>) semaphore(%arg13 : memref<!tpu.dma_semaphore, #tpu.memory_space<semaphore_mem>>)
    %scan3A = arith.constant 0 : i32
    %scan3A_59 = arith.constant 0 : i32
    %scan3A_60 = arith.constant 10 : i32
    %scan3A_61 = arith.addi %scan3A_59, %scan3A_60 : i32
    %scan3A_62 = arith.constant 1 : i32
    scf.for %scan3A_120 = %scan3A_59 to %scan3A_61 step %scan3A_62  : i32 {
      %jit3A = arith.constant 3 : i32
      %eq3A_121 = arith.constant 0 : i32
      %eq3A_122 = arith.cmpi eq, %jit3A, %eq3A_121 : i32
      %jit3A_123 = arith.constant 1 : i32
      %select_n3A = arith.select %eq3A_122, %jit3A_123, %jit3A : i32
      %rem3A = arith.remsi %scan3A_120, %select_n3A : i32
      %ne3A = arith.constant 0 : i32
      %ne3A_124 = arith.cmpi ne, %rem3A, %ne3A : i32
      %lt3A_125 = arith.constant 0 : i32
      %lt3A_126 = arith.cmpi slt, %rem3A, %lt3A_125 : i32
      %lt3A_127 = arith.constant 0 : i32
      %lt3A_128 = arith.cmpi slt, %select_n3A, %lt3A_127 : i32
      %ne3A_129 = arith.xori %lt3A_126, %lt3A_128 : i1
      %and3A = arith.andi %ne3A_129, %ne3A_124 : i1
      %add3A_130 = arith.addi %rem3A, %select_n3A : i32
      %select_n3A_131 = arith.select %and3A, %add3A_130, %rem3A : i32
      %add3A_132 = arith.constant 1 : i32
      %add3A_133 = arith.addi %scan3A_120, %add3A_132 : i32
      %jit3A_134 = arith.constant 3 : i32
      %eq3A_135 = arith.constant 0 : i32
      %eq3A_136 = arith.cmpi eq, %jit3A_134, %eq3A_135 : i32
      %jit3A_137 = arith.constant 1 : i32
      %select_n3A_138 = arith.select %eq3A_136, %jit3A_137, %jit3A_134 : i32
      %rem3A_139 = arith.remsi %add3A_133, %select_n3A_138 : i32
      %ne3A_140 = arith.constant 0 : i32
      %ne3A_141 = arith.cmpi ne, %rem3A_139, %ne3A_140 : i32
      %lt3A_142 = arith.constant 0 : i32
      %lt3A_143 = arith.cmpi slt, %rem3A_139, %lt3A_142 : i32
      %lt3A_144 = arith.constant 0 : i32
      %lt3A_145 = arith.cmpi slt, %select_n3A_138, %lt3A_144 : i32
      %ne3A_146 = arith.xori %lt3A_143, %lt3A_145 : i1
      %and3A_147 = arith.andi %ne3A_146, %ne3A_141 : i1
      %add3A_148 = arith.addi %rem3A_139, %select_n3A_138 : i32
      %select_n3A_149 = arith.select %and3A_147, %add3A_148, %rem3A_139 : i32
      %mul3A_150 = arith.constant 8 : i32
      %mul3A_151 = arith.muli %scan3A_120, %mul3A_150 : i32
      %add3A_152 = arith.constant 0 : i32
      %add3A_153 = arith.addi %mul3A_151, %add3A_152 : i32
      %add3A_154 = arith.constant 1 : i32
      %add3A_155 = arith.addi %scan3A_120, %add3A_154 : i32
      %lt3A_156 = arith.constant 10 : i32
      %lt3A_157 = arith.cmpi slt, %add3A_155, %lt3A_156 : i32
      %convert_element_type3A_158 = arith.extui %lt3A_157 : i1 to i32
      %cond3A_159 = arith.constant 0 : i32
      %cond3A_160 = arith.cmpi ne, %convert_element_type3A_158, %cond3A_159 : i32
      scf.if %cond3A_160 {
        %add3A_531 = arith.constant 1 : i32
        %add3A_532 = arith.addi %scan3A_120, %add3A_531 : i32
        %mul3A_533 = arith.constant 8 : i32
        %mul3A_534 = arith.muli %add3A_532, %mul3A_533 : i32
        %dma_start3A_535 = arith.constant 0 : i32
        %dma_start3A_536 = arith.constant 0 : i32
        %dma_start3A_537 = tpu.memref_slice %arg6[%select_n3A_149, %dma_start3A_535, %dma_start3A_536] : memref<3x8x128xi32, #tpu.memory_space<vmem>> -> memref<1x8x128xi32, #tpu.memory_space<vmem>>
        %dma_start3A_538 = tpu.memref_squeeze %dma_start3A_537 : memref<1x8x128xi32, #tpu.memory_space<vmem>> -> memref<8x128xi32, #tpu.memory_space<vmem>>
        %dma_start3A_539 = arith.constant 0 : i32
        %dma_start3A_540 = tpu.memref_slice %arg3[%add3A, %mul3A_534, %dma_start3A_539] : memref<32x80x128xi32, #tpu.memory_space<hbm>> -> memref<1x8x128xi32, #tpu.memory_space<hbm>>
        %dma_start3A_541 = tpu.memref_squeeze %dma_start3A_540 : memref<1x8x128xi32, #tpu.memory_space<hbm>> -> memref<8x128xi32, #tpu.memory_space<hbm>>
        %dma_start3A_542 = arith.constant 0 : i32
        %dma_start3A_543 = arith.constant 0 : i32
        %dma_start3A_544 = tpu.memref_slice %arg6[%select_n3A_149, %dma_start3A_542, %dma_start3A_543] : memref<3x8x128xi32, #tpu.memory_space<vmem>> -> memref<1x8x128xi32, #tpu.memory_space<vmem>>
        %dma_start3A_545 = tpu.memref_squeeze %dma_start3A_544 : memref<1x8x128xi32, #tpu.memory_space<vmem>> -> memref<8x128xi32, #tpu.memory_space<vmem>>
        %dma_start3A_546 = arith.constant 0 : i32
        %dma_start3A_547 = tpu.memref_slice %arg3[%add3A, %mul3A_534, %dma_start3A_546] : memref<32x80x128xi32, #tpu.memory_space<hbm>> -> memref<1x8x128xi32, #tpu.memory_space<hbm>>
        %dma_start3A_548 = tpu.memref_squeeze %dma_start3A_547 : memref<1x8x128xi32, #tpu.memory_space<hbm>> -> memref<8x128xi32, #tpu.memory_space<hbm>>
        tpu.enqueue_dma source(%dma_start3A_548 : memref<8x128xi32, #tpu.memory_space<hbm>>) target(%dma_start3A_545 : memref<8x128xi32, #tpu.memory_space<vmem>>) target_semaphore(%arg26 : memref<!tpu.dma_semaphore, #tpu.memory_space<semaphore_mem>>)
        %dma_start3A_549 = arith.constant 0 : i32
        %dma_start3A_550 = arith.constant 0 : i32
        %dma_start3A_551 = tpu.memref_slice %arg7[%select_n3A_149, %dma_start3A_549, %dma_start3A_550] : memref<3x8x128xi32, #tpu.memory_space<vmem>> -> memref<1x8x128xi32, #tpu.memory_space<vmem>>
        %dma_start3A_552 = tpu.memref_squeeze %dma_start3A_551 : memref<1x8x128xi32, #tpu.memory_space<vmem>> -> memref<8x128xi32, #tpu.memory_space<vmem>>
        %dma_start3A_553 = arith.constant 0 : i32
        %dma_start3A_554 = tpu.memref_slice %arg4[%add3A, %mul3A_534, %dma_start3A_553] : memref<32x80x128xi32, #tpu.memory_space<hbm>> -> memref<1x8x128xi32, #tpu.memory_space<hbm>>
        %dma_start3A_555 = tpu.memref_squeeze %dma_start3A_554 : memref<1x8x128xi32, #tpu.memory_space<hbm>> -> memref<8x128xi32, #tpu.memory_space<hbm>>
        %dma_start3A_556 = arith.constant 0 : i32
        %dma_start3A_557 = arith.constant 0 : i32
        %dma_start3A_558 = tpu.memref_slice %arg7[%select_n3A_149, %dma_start3A_556, %dma_start3A_557] : memref<3x8x128xi32, #tpu.memory_space<vmem>> -> memref<1x8x128xi32, #tpu.memory_space<vmem>>
        %dma_start3A_559 = tpu.memref_squeeze %dma_start3A_558 : memref<1x8x128xi32, #tpu.memory_space<vmem>> -> memref<8x128xi32, #tpu.memory_space<vmem>>
        %dma_start3A_560 = arith.constant 0 : i32
        %dma_start3A_561 = tpu.memref_slice %arg4[%add3A, %mul3A_534, %dma_start3A_560] : memref<32x80x128xi32, #tpu.memory_space<hbm>> -> memref<1x8x128xi32, #tpu.memory_space<hbm>>
        %dma_start3A_562 = tpu.memref_squeeze %dma_start3A_561 : memref<1x8x128xi32, #tpu.memory_space<hbm>> -> memref<8x128xi32, #tpu.memory_space<hbm>>
        tpu.enqueue_dma source(%dma_start3A_562 : memref<8x128xi32, #tpu.memory_space<hbm>>) target(%dma_start3A_559 : memref<8x128xi32, #tpu.memory_space<vmem>>) target_semaphore(%arg26 : memref<!tpu.dma_semaphore, #tpu.memory_space<semaphore_mem>>)
      } else {
      }
      %dma_wait3A_161 = arith.constant 0 : i32
      %dma_wait3A_162 = arith.constant 0 : i32
      %dma_wait3A_163 = arith.constant 0 : i32
      %dma_wait3A_164 = arith.constant 0 : i32
      %dma_wait3A_165 = tpu.memref_slice %arg8[%dma_wait3A_162, %dma_wait3A_163, %dma_wait3A_164] : memref<8x128x64xf32, #tpu.memory_space<vmem>> -> memref<1x128x64xf32, #tpu.memory_space<vmem>>
      %dma_wait3A_166 = tpu.memref_squeeze %dma_wait3A_165 : memref<1x128x64xf32, #tpu.memory_space<vmem>> -> memref<128x64xf32, #tpu.memory_space<vmem>>
      %dma_wait3A_167 = arith.constant 0 : i32
      %dma_wait3A_168 = tpu.memref_slice %arg6[%select_n3A_131, %dma_wait3A_161, %dma_wait3A_167] : memref<3x8x128xi32, #tpu.memory_space<vmem>> -> memref<1x1x128xi32, #tpu.memory_space<vmem>>
      %dma_wait3A_169 = tpu.memref_squeeze %dma_wait3A_168 : memref<1x1x128xi32, #tpu.memory_space<vmem>> -> memref<128xi32, #tpu.memory_space<vmem>>
      %dma_wait3A_170 = arith.constant 0 : i32
      %dma_wait3A_171 = arith.constant 0 : i32
      %dma_wait3A_172 = tpu.memref_slice %arg2[%dma_wait3A_170, %dma_wait3A_171] : memref<10000x64xf32, #tpu.memory_space<hbm>> -> memref<10000x64xf32, #tpu.memory_space<hbm>>
      tpu.wait_indirect_dma semaphore(%arg10 : memref<!tpu.dma_semaphore, #tpu.memory_space<semaphore_mem>>) src(%dma_wait3A_172 : memref<10000x64xf32, #tpu.memory_space<hbm>>) dst(%dma_wait3A_166 : memref<128x64xf32, #tpu.memory_space<vmem>>)
      %dma_start3A_173 = arith.constant 0 : i32
      %dma_start3A_174 = arith.constant 0 : i32
      %dma_start3A_175 = arith.constant 0 : i32
      %dma_start3A_176 = arith.constant 0 : i32
      %dma_start3A_177 = tpu.memref_slice %arg8[%dma_start3A_173, %dma_start3A_175, %dma_start3A_176] : memref<8x128x64xf32, #tpu.memory_space<vmem>> -> memref<1x128x64xf32, #tpu.memory_space<vmem>>
      %dma_start3A_178 = tpu.memref_squeeze %dma_start3A_177 : memref<1x128x64xf32, #tpu.memory_space<vmem>> -> memref<128x64xf32, #tpu.memory_space<vmem>>
      %dma_start3A_179 = arith.constant 0 : i32
      %dma_start3A_180 = tpu.memref_slice %arg7[%select_n3A_131, %dma_start3A_174, %dma_start3A_179] : memref<3x8x128xi32, #tpu.memory_space<vmem>> -> memref<1x1x128xi32, #tpu.memory_space<vmem>>
      %dma_start3A_181 = tpu.memref_squeeze %dma_start3A_180 : memref<1x1x128xi32, #tpu.memory_space<vmem>> -> memref<128xi32, #tpu.memory_space<vmem>>
      %dma_start3A_182 = arith.constant 0 : i32
      %dma_start3A_183 = arith.constant 0 : i32
      %dma_start3A_184 = tpu.memref_slice %arg9[%dma_start3A_182, %dma_start3A_183] : memref<10112x64xf32, #tpu.memory_space<vmem_shared>> -> memref<10112x64xf32, #tpu.memory_space<vmem_shared>>
      tpu.enqueue_indirect_dma source(%dma_start3A_178 : memref<128x64xf32, #tpu.memory_space<vmem>>) target(%dma_start3A_184 : memref<10112x64xf32, #tpu.memory_space<vmem_shared>>) offsets(%dma_start3A_181 : memref<128xi32, #tpu.memory_space<vmem>>) semaphore(%arg18 : memref<!tpu.dma_semaphore, #tpu.memory_space<semaphore_mem>>) {add = true}
      %ge3A = arith.constant 4 : i32
      %ge3A_185 = arith.cmpi sge, %add3A_153, %ge3A : i32
      %convert_element_type3A_186 = arith.extui %ge3A_185 : i1 to i32
      %cond3A_187 = arith.constant 0 : i32
      %cond3A_188 = arith.cmpi ne, %convert_element_type3A_186, %cond3A_187 : i32
      scf.if %cond3A_188 {
        %sub3A = arith.constant 1 : i32
        %sub3A_531 = arith.subi %scan3A_120, %sub3A : i32
        %jit3A_532 = arith.constant 3 : i32
        %eq3A_533 = arith.constant 0 : i32
        %eq3A_534 = arith.cmpi eq, %jit3A_532, %eq3A_533 : i32
        %jit3A_535 = arith.constant 1 : i32
        %select_n3A_536 = arith.select %eq3A_534, %jit3A_535, %jit3A_532 : i32
        %rem3A_537 = arith.remsi %sub3A_531, %select_n3A_536 : i32
        %ne3A_538 = arith.constant 0 : i32
        %ne3A_539 = arith.cmpi ne, %rem3A_537, %ne3A_538 : i32
        %lt3A_540 = arith.constant 0 : i32
        %lt3A_541 = arith.cmpi slt, %rem3A_537, %lt3A_540 : i32
        %lt3A_542 = arith.constant 0 : i32
        %lt3A_543 = arith.cmpi slt, %select_n3A_536, %lt3A_542 : i32
        %ne3A_544 = arith.xori %lt3A_541, %lt3A_543 : i1
        %and3A_545 = arith.andi %ne3A_544, %ne3A_539 : i1
        %add3A_546 = arith.addi %rem3A_537, %select_n3A_536 : i32
        %select_n3A_547 = arith.select %and3A_545, %add3A_546, %rem3A_537 : i32
        %dma_wait3A_548 = arith.constant 4 : i32
        %dma_wait3A_549 = arith.constant 4 : i32
        %dma_wait3A_550 = arith.constant 0 : i32
        %dma_wait3A_551 = arith.constant 0 : i32
        %dma_wait3A_552 = tpu.memref_slice %arg8[%dma_wait3A_548, %dma_wait3A_550, %dma_wait3A_551] : memref<8x128x64xf32, #tpu.memory_space<vmem>> -> memref<1x128x64xf32, #tpu.memory_space<vmem>>
        %dma_wait3A_553 = tpu.memref_squeeze %dma_wait3A_552 : memref<1x128x64xf32, #tpu.memory_space<vmem>> -> memref<128x64xf32, #tpu.memory_space<vmem>>
        %dma_wait3A_554 = arith.constant 0 : i32
        %dma_wait3A_555 = tpu.memref_slice %arg7[%select_n3A_547, %dma_wait3A_549, %dma_wait3A_554] : memref<3x8x128xi32, #tpu.memory_space<vmem>> -> memref<1x1x128xi32, #tpu.memory_space<vmem>>
        %dma_wait3A_556 = tpu.memref_squeeze %dma_wait3A_555 : memref<1x1x128xi32, #tpu.memory_space<vmem>> -> memref<128xi32, #tpu.memory_space<vmem>>
        %dma_wait3A_557 = arith.constant 0 : i32
        %dma_wait3A_558 = arith.constant 0 : i32
        %dma_wait3A_559 = tpu.memref_slice %arg9[%dma_wait3A_557, %dma_wait3A_558] : memref<10112x64xf32, #tpu.memory_space<vmem_shared>> -> memref<10112x64xf32, #tpu.memory_space<vmem_shared>>
        tpu.wait_indirect_dma semaphore(%arg22 : memref<!tpu.dma_semaphore, #tpu.memory_space<semaphore_mem>>) src(%dma_wait3A_553 : memref<128x64xf32, #tpu.memory_space<vmem>>) dst(%dma_wait3A_559 : memref<10112x64xf32, #tpu.memory_space<vmem_shared>>)
      } else {
      }
      %dma_start3A_189 = arith.constant 4 : i32
      %dma_start3A_190 = arith.constant 4 : i32
      %dma_start3A_191 = arith.constant 0 : i32
      %dma_start3A_192 = arith.constant 0 : i32
      %dma_start3A_193 = tpu.memref_slice %arg8[%dma_start3A_190, %dma_start3A_191, %dma_start3A_192] : memref<8x128x64xf32, #tpu.memory_space<vmem>> -> memref<1x128x64xf32, #tpu.memory_space<vmem>>
      %dma_start3A_194 = tpu.memref_squeeze %dma_start3A_193 : memref<1x128x64xf32, #tpu.memory_space<vmem>> -> memref<128x64xf32, #tpu.memory_space<vmem>>
      %dma_start3A_195 = arith.constant 0 : i32
      %dma_start3A_196 = tpu.memref_slice %arg6[%select_n3A_131, %dma_start3A_189, %dma_start3A_195] : memref<3x8x128xi32, #tpu.memory_space<vmem>> -> memref<1x1x128xi32, #tpu.memory_space<vmem>>
      %dma_start3A_197 = tpu.memref_squeeze %dma_start3A_196 : memref<1x1x128xi32, #tpu.memory_space<vmem>> -> memref<128xi32, #tpu.memory_space<vmem>>
      %dma_start3A_198 = arith.constant 0 : i32
      %dma_start3A_199 = arith.constant 0 : i32
      %dma_start3A_200 = tpu.memref_slice %arg2[%dma_start3A_198, %dma_start3A_199] : memref<10000x64xf32, #tpu.memory_space<hbm>> -> memref<10000x64xf32, #tpu.memory_space<hbm>>
      tpu.enqueue_indirect_dma source(%dma_start3A_200 : memref<10000x64xf32, #tpu.memory_space<hbm>>) target(%dma_start3A_194 : memref<128x64xf32, #tpu.memory_space<vmem>>) offsets(%dma_start3A_197 : memref<128xi32, #tpu.memory_space<vmem>>) semaphore(%arg14 : memref<!tpu.dma_semaphore, #tpu.memory_space<semaphore_mem>>)
      %mul3A_201 = arith.constant 8 : i32
      %mul3A_202 = arith.muli %scan3A_120, %mul3A_201 : i32
      %add3A_203 = arith.constant 1 : i32
      %add3A_204 = arith.addi %mul3A_202, %add3A_203 : i32
      %dma_wait3A_205 = arith.constant 1 : i32
      %dma_wait3A_206 = arith.constant 1 : i32
      %dma_wait3A_207 = arith.constant 0 : i32
      %dma_wait3A_208 = arith.constant 0 : i32
      %dma_wait3A_209 = tpu.memref_slice %arg8[%dma_wait3A_206, %dma_wait3A_207, %dma_wait3A_208] : memref<8x128x64xf32, #tpu.memory_space<vmem>> -> memref<1x128x64xf32, #tpu.memory_space<vmem>>
      %dma_wait3A_210 = tpu.memref_squeeze %dma_wait3A_209 : memref<1x128x64xf32, #tpu.memory_space<vmem>> -> memref<128x64xf32, #tpu.memory_space<vmem>>
      %dma_wait3A_211 = arith.constant 0 : i32
      %dma_wait3A_212 = tpu.memref_slice %arg6[%select_n3A_131, %dma_wait3A_205, %dma_wait3A_211] : memref<3x8x128xi32, #tpu.memory_space<vmem>> -> memref<1x1x128xi32, #tpu.memory_space<vmem>>
      %dma_wait3A_213 = tpu.memref_squeeze %dma_wait3A_212 : memref<1x1x128xi32, #tpu.memory_space<vmem>> -> memref<128xi32, #tpu.memory_space<vmem>>
      %dma_wait3A_214 = arith.constant 0 : i32
      %dma_wait3A_215 = arith.constant 0 : i32
      %dma_wait3A_216 = tpu.memref_slice %arg2[%dma_wait3A_214, %dma_wait3A_215] : memref<10000x64xf32, #tpu.memory_space<hbm>> -> memref<10000x64xf32, #tpu.memory_space<hbm>>
      tpu.wait_indirect_dma semaphore(%arg11 : memref<!tpu.dma_semaphore, #tpu.memory_space<semaphore_mem>>) src(%dma_wait3A_216 : memref<10000x64xf32, #tpu.memory_space<hbm>>) dst(%dma_wait3A_210 : memref<128x64xf32, #tpu.memory_space<vmem>>)
      %dma_start3A_217 = arith.constant 1 : i32
      %dma_start3A_218 = arith.constant 1 : i32
      %dma_start3A_219 = arith.constant 0 : i32
      %dma_start3A_220 = arith.constant 0 : i32
      %dma_start3A_221 = tpu.memref_slice %arg8[%dma_start3A_217, %dma_start3A_219, %dma_start3A_220] : memref<8x128x64xf32, #tpu.memory_space<vmem>> -> memref<1x128x64xf32, #tpu.memory_space<vmem>>
      %dma_start3A_222 = tpu.memref_squeeze %dma_start3A_221 : memref<1x128x64xf32, #tpu.memory_space<vmem>> -> memref<128x64xf32, #tpu.memory_space<vmem>>
      %dma_start3A_223 = arith.constant 0 : i32
      %dma_start3A_224 = tpu.memref_slice %arg7[%select_n3A_131, %dma_start3A_218, %dma_start3A_223] : memref<3x8x128xi32, #tpu.memory_space<vmem>> -> memref<1x1x128xi32, #tpu.memory_space<vmem>>
      %dma_start3A_225 = tpu.memref_squeeze %dma_start3A_224 : memref<1x1x128xi32, #tpu.memory_space<vmem>> -> memref<128xi32, #tpu.memory_space<vmem>>
      %dma_start3A_226 = arith.constant 0 : i32
      %dma_start3A_227 = arith.constant 0 : i32
      %dma_start3A_228 = tpu.memref_slice %arg9[%dma_start3A_226, %dma_start3A_227] : memref<10112x64xf32, #tpu.memory_space<vmem_shared>> -> memref<10112x64xf32, #tpu.memory_space<vmem_shared>>
      tpu.enqueue_indirect_dma source(%dma_start3A_222 : memref<128x64xf32, #tpu.memory_space<vmem>>) target(%dma_start3A_228 : memref<10112x64xf32, #tpu.memory_space<vmem_shared>>) offsets(%dma_start3A_225 : memref<128xi32, #tpu.memory_space<vmem>>) semaphore(%arg19 : memref<!tpu.dma_semaphore, #tpu.memory_space<semaphore_mem>>) {add = true}
      %ge3A_229 = arith.constant 4 : i32
      %ge3A_230 = arith.cmpi sge, %add3A_204, %ge3A_229 : i32
      %convert_element_type3A_231 = arith.extui %ge3A_230 : i1 to i32
      %cond3A_232 = arith.constant 0 : i32
      %cond3A_233 = arith.cmpi ne, %convert_element_type3A_231, %cond3A_232 : i32
      scf.if %cond3A_233 {
        %sub3A = arith.constant 1 : i32
        %sub3A_531 = arith.subi %scan3A_120, %sub3A : i32
        %jit3A_532 = arith.constant 3 : i32
        %eq3A_533 = arith.constant 0 : i32
        %eq3A_534 = arith.cmpi eq, %jit3A_532, %eq3A_533 : i32
        %jit3A_535 = arith.constant 1 : i32
        %select_n3A_536 = arith.select %eq3A_534, %jit3A_535, %jit3A_532 : i32
        %rem3A_537 = arith.remsi %sub3A_531, %select_n3A_536 : i32
        %ne3A_538 = arith.constant 0 : i32
        %ne3A_539 = arith.cmpi ne, %rem3A_537, %ne3A_538 : i32
        %lt3A_540 = arith.constant 0 : i32
        %lt3A_541 = arith.cmpi slt, %rem3A_537, %lt3A_540 : i32
        %lt3A_542 = arith.constant 0 : i32
        %lt3A_543 = arith.cmpi slt, %select_n3A_536, %lt3A_542 : i32
        %ne3A_544 = arith.xori %lt3A_541, %lt3A_543 : i1
        %and3A_545 = arith.andi %ne3A_544, %ne3A_539 : i1
        %add3A_546 = arith.addi %rem3A_537, %select_n3A_536 : i32
        %select_n3A_547 = arith.select %and3A_545, %add3A_546, %rem3A_537 : i32
        %dma_wait3A_548 = arith.constant 5 : i32
        %dma_wait3A_549 = arith.constant 5 : i32
        %dma_wait3A_550 = arith.constant 0 : i32
        %dma_wait3A_551 = arith.constant 0 : i32
        %dma_wait3A_552 = tpu.memref_slice %arg8[%dma_wait3A_548, %dma_wait3A_550, %dma_wait3A_551] : memref<8x128x64xf32, #tpu.memory_space<vmem>> -> memref<1x128x64xf32, #tpu.memory_space<vmem>>
        %dma_wait3A_553 = tpu.memref_squeeze %dma_wait3A_552 : memref<1x128x64xf32, #tpu.memory_space<vmem>> -> memref<128x64xf32, #tpu.memory_space<vmem>>
        %dma_wait3A_554 = arith.constant 0 : i32
        %dma_wait3A_555 = tpu.memref_slice %arg7[%select_n3A_547, %dma_wait3A_549, %dma_wait3A_554] : memref<3x8x128xi32, #tpu.memory_space<vmem>> -> memref<1x1x128xi32, #tpu.memory_space<vmem>>
        %dma_wait3A_556 = tpu.memref_squeeze %dma_wait3A_555 : memref<1x1x128xi32, #tpu.memory_space<vmem>> -> memref<128xi32, #tpu.memory_space<vmem>>
        %dma_wait3A_557 = arith.constant 0 : i32
        %dma_wait3A_558 = arith.constant 0 : i32
        %dma_wait3A_559 = tpu.memref_slice %arg9[%dma_wait3A_557, %dma_wait3A_558] : memref<10112x64xf32, #tpu.memory_space<vmem_shared>> -> memref<10112x64xf32, #tpu.memory_space<vmem_shared>>
        tpu.wait_indirect_dma semaphore(%arg23 : memref<!tpu.dma_semaphore, #tpu.memory_space<semaphore_mem>>) src(%dma_wait3A_553 : memref<128x64xf32, #tpu.memory_space<vmem>>) dst(%dma_wait3A_559 : memref<10112x64xf32, #tpu.memory_space<vmem_shared>>)
      } else {
      }
      %dma_start3A_234 = arith.constant 5 : i32
      %dma_start3A_235 = arith.constant 5 : i32
      %dma_start3A_236 = arith.constant 0 : i32
      %dma_start3A_237 = arith.constant 0 : i32
      %dma_start3A_238 = tpu.memref_slice %arg8[%dma_start3A_235, %dma_start3A_236, %dma_start3A_237] : memref<8x128x64xf32, #tpu.memory_space<vmem>> -> memref<1x128x64xf32, #tpu.memory_space<vmem>>
      %dma_start3A_239 = tpu.memref_squeeze %dma_start3A_238 : memref<1x128x64xf32, #tpu.memory_space<vmem>> -> memref<128x64xf32, #tpu.memory_space<vmem>>
      %dma_start3A_240 = arith.constant 0 : i32
      %dma_start3A_241 = tpu.memref_slice %arg6[%select_n3A_131, %dma_start3A_234, %dma_start3A_240] : memref<3x8x128xi32, #tpu.memory_space<vmem>> -> memref<1x1x128xi32, #tpu.memory_space<vmem>>
      %dma_start3A_242 = tpu.memref_squeeze %dma_start3A_241 : memref<1x1x128xi32, #tpu.memory_space<vmem>> -> memref<128xi32, #tpu.memory_space<vmem>>
      %dma_start3A_243 = arith.constant 0 : i32
      %dma_start3A_244 = arith.constant 0 : i32
      %dma_start3A_245 = tpu.memref_slice %arg2[%dma_start3A_243, %dma_start3A_244] : memref<10000x64xf32, #tpu.memory_space<hbm>> -> memref<10000x64xf32, #tpu.memory_space<hbm>>
      tpu.enqueue_indirect_dma source(%dma_start3A_245 : memref<10000x64xf32, #tpu.memory_space<hbm>>) target(%dma_start3A_239 : memref<128x64xf32, #tpu.memory_space<vmem>>) offsets(%dma_start3A_242 : memref<128xi32, #tpu.memory_space<vmem>>) semaphore(%arg15 : memref<!tpu.dma_semaphore, #tpu.memory_space<semaphore_mem>>)
      %mul3A_246 = arith.constant 8 : i32
      %mul3A_247 = arith.muli %scan3A_120, %mul3A_246 : i32
      %add3A_248 = arith.constant 2 : i32
      %add3A_249 = arith.addi %mul3A_247, %add3A_248 : i32
      %dma_wait3A_250 = arith.constant 2 : i32
      %dma_wait3A_251 = arith.constant 2 : i32
      %dma_wait3A_252 = arith.constant 0 : i32
      %dma_wait3A_253 = arith.constant 0 : i32
      %dma_wait3A_254 = tpu.memref_slice %arg8[%dma_wait3A_251, %dma_wait3A_252, %dma_wait3A_253] : memref<8x128x64xf32, #tpu.memory_space<vmem>> -> memref<1x128x64xf32, #tpu.memory_space<vmem>>
      %dma_wait3A_255 = tpu.memref_squeeze %dma_wait3A_254 : memref<1x128x64xf32, #tpu.memory_space<vmem>> -> memref<128x64xf32, #tpu.memory_space<vmem>>
      %dma_wait3A_256 = arith.constant 0 : i32
      %dma_wait3A_257 = tpu.memref_slice %arg6[%select_n3A_131, %dma_wait3A_250, %dma_wait3A_256] : memref<3x8x128xi32, #tpu.memory_space<vmem>> -> memref<1x1x128xi32, #tpu.memory_space<vmem>>
      %dma_wait3A_258 = tpu.memref_squeeze %dma_wait3A_257 : memref<1x1x128xi32, #tpu.memory_space<vmem>> -> memref<128xi32, #tpu.memory_space<vmem>>
      %dma_wait3A_259 = arith.constant 0 : i32
      %dma_wait3A_260 = arith.constant 0 : i32
      %dma_wait3A_261 = tpu.memref_slice %arg2[%dma_wait3A_259, %dma_wait3A_260] : memref<10000x64xf32, #tpu.memory_space<hbm>> -> memref<10000x64xf32, #tpu.memory_space<hbm>>
      tpu.wait_indirect_dma semaphore(%arg12 : memref<!tpu.dma_semaphore, #tpu.memory_space<semaphore_mem>>) src(%dma_wait3A_261 : memref<10000x64xf32, #tpu.memory_space<hbm>>) dst(%dma_wait3A_255 : memref<128x64xf32, #tpu.memory_space<vmem>>)
      %dma_start3A_262 = arith.constant 2 : i32
      %dma_start3A_263 = arith.constant 2 : i32
      %dma_start3A_264 = arith.constant 0 : i32
      %dma_start3A_265 = arith.constant 0 : i32
      %dma_start3A_266 = tpu.memref_slice %arg8[%dma_start3A_262, %dma_start3A_264, %dma_start3A_265] : memref<8x128x64xf32, #tpu.memory_space<vmem>> -> memref<1x128x64xf32, #tpu.memory_space<vmem>>
      %dma_start3A_267 = tpu.memref_squeeze %dma_start3A_266 : memref<1x128x64xf32, #tpu.memory_space<vmem>> -> memref<128x64xf32, #tpu.memory_space<vmem>>
      %dma_start3A_268 = arith.constant 0 : i32
      %dma_start3A_269 = tpu.memref_slice %arg7[%select_n3A_131, %dma_start3A_263, %dma_start3A_268] : memref<3x8x128xi32, #tpu.memory_space<vmem>> -> memref<1x1x128xi32, #tpu.memory_space<vmem>>
      %dma_start3A_270 = tpu.memref_squeeze %dma_start3A_269 : memref<1x1x128xi32, #tpu.memory_space<vmem>> -> memref<128xi32, #tpu.memory_space<vmem>>
      %dma_start3A_271 = arith.constant 0 : i32
      %dma_start3A_272 = arith.constant 0 : i32
      %dma_start3A_273 = tpu.memref_slice %arg9[%dma_start3A_271, %dma_start3A_272] : memref<10112x64xf32, #tpu.memory_space<vmem_shared>> -> memref<10112x64xf32, #tpu.memory_space<vmem_shared>>
      tpu.enqueue_indirect_dma source(%dma_start3A_267 : memref<128x64xf32, #tpu.memory_space<vmem>>) target(%dma_start3A_273 : memref<10112x64xf32, #tpu.memory_space<vmem_shared>>) offsets(%dma_start3A_270 : memref<128xi32, #tpu.memory_space<vmem>>) semaphore(%arg20 : memref<!tpu.dma_semaphore, #tpu.memory_space<semaphore_mem>>) {add = true}
      %ge3A_274 = arith.constant 4 : i32
      %ge3A_275 = arith.cmpi sge, %add3A_249, %ge3A_274 : i32
      %convert_element_type3A_276 = arith.extui %ge3A_275 : i1 to i32
      %cond3A_277 = arith.constant 0 : i32
      %cond3A_278 = arith.cmpi ne, %convert_element_type3A_276, %cond3A_277 : i32
      scf.if %cond3A_278 {
        %sub3A = arith.constant 1 : i32
        %sub3A_531 = arith.subi %scan3A_120, %sub3A : i32
        %jit3A_532 = arith.constant 3 : i32
        %eq3A_533 = arith.constant 0 : i32
        %eq3A_534 = arith.cmpi eq, %jit3A_532, %eq3A_533 : i32
        %jit3A_535 = arith.constant 1 : i32
        %select_n3A_536 = arith.select %eq3A_534, %jit3A_535, %jit3A_532 : i32
        %rem3A_537 = arith.remsi %sub3A_531, %select_n3A_536 : i32
        %ne3A_538 = arith.constant 0 : i32
        %ne3A_539 = arith.cmpi ne, %rem3A_537, %ne3A_538 : i32
        %lt3A_540 = arith.constant 0 : i32
        %lt3A_541 = arith.cmpi slt, %rem3A_537, %lt3A_540 : i32
        %lt3A_542 = arith.constant 0 : i32
        %lt3A_543 = arith.cmpi slt, %select_n3A_536, %lt3A_542 : i32
        %ne3A_544 = arith.xori %lt3A_541, %lt3A_543 : i1
        %and3A_545 = arith.andi %ne3A_544, %ne3A_539 : i1
        %add3A_546 = arith.addi %rem3A_537, %select_n3A_536 : i32
        %select_n3A_547 = arith.select %and3A_545, %add3A_546, %rem3A_537 : i32
        %dma_wait3A_548 = arith.constant 6 : i32
        %dma_wait3A_549 = arith.constant 6 : i32
        %dma_wait3A_550 = arith.constant 0 : i32
        %dma_wait3A_551 = arith.constant 0 : i32
        %dma_wait3A_552 = tpu.memref_slice %arg8[%dma_wait3A_548, %dma_wait3A_550, %dma_wait3A_551] : memref<8x128x64xf32, #tpu.memory_space<vmem>> -> memref<1x128x64xf32, #tpu.memory_space<vmem>>
        %dma_wait3A_553 = tpu.memref_squeeze %dma_wait3A_552 : memref<1x128x64xf32, #tpu.memory_space<vmem>> -> memref<128x64xf32, #tpu.memory_space<vmem>>
        %dma_wait3A_554 = arith.constant 0 : i32
        %dma_wait3A_555 = tpu.memref_slice %arg7[%select_n3A_547, %dma_wait3A_549, %dma_wait3A_554] : memref<3x8x128xi32, #tpu.memory_space<vmem>> -> memref<1x1x128xi32, #tpu.memory_space<vmem>>
        %dma_wait3A_556 = tpu.memref_squeeze %dma_wait3A_555 : memref<1x1x128xi32, #tpu.memory_space<vmem>> -> memref<128xi32, #tpu.memory_space<vmem>>
        %dma_wait3A_557 = arith.constant 0 : i32
        %dma_wait3A_558 = arith.constant 0 : i32
        %dma_wait3A_559 = tpu.memref_slice %arg9[%dma_wait3A_557, %dma_wait3A_558] : memref<10112x64xf32, #tpu.memory_space<vmem_shared>> -> memref<10112x64xf32, #tpu.memory_space<vmem_shared>>
        tpu.wait_indirect_dma semaphore(%arg24 : memref<!tpu.dma_semaphore, #tpu.memory_space<semaphore_mem>>) src(%dma_wait3A_553 : memref<128x64xf32, #tpu.memory_space<vmem>>) dst(%dma_wait3A_559 : memref<10112x64xf32, #tpu.memory_space<vmem_shared>>)
      } else {
      }
      %dma_start3A_279 = arith.constant 6 : i32
      %dma_start3A_280 = arith.constant 6 : i32
      %dma_start3A_281 = arith.constant 0 : i32
      %dma_start3A_282 = arith.constant 0 : i32
      %dma_start3A_283 = tpu.memref_slice %arg8[%dma_start3A_280, %dma_start3A_281, %dma_start3A_282] : memref<8x128x64xf32, #tpu.memory_space<vmem>> -> memref<1x128x64xf32, #tpu.memory_space<vmem>>
      %dma_start3A_284 = tpu.memref_squeeze %dma_start3A_283 : memref<1x128x64xf32, #tpu.memory_space<vmem>> -> memref<128x64xf32, #tpu.memory_space<vmem>>
      %dma_start3A_285 = arith.constant 0 : i32
      %dma_start3A_286 = tpu.memref_slice %arg6[%select_n3A_131, %dma_start3A_279, %dma_start3A_285] : memref<3x8x128xi32, #tpu.memory_space<vmem>> -> memref<1x1x128xi32, #tpu.memory_space<vmem>>
      %dma_start3A_287 = tpu.memref_squeeze %dma_start3A_286 : memref<1x1x128xi32, #tpu.memory_space<vmem>> -> memref<128xi32, #tpu.memory_space<vmem>>
      %dma_start3A_288 = arith.constant 0 : i32
      %dma_start3A_289 = arith.constant 0 : i32
      %dma_start3A_290 = tpu.memref_slice %arg2[%dma_start3A_288, %dma_start3A_289] : memref<10000x64xf32, #tpu.memory_space<hbm>> -> memref<10000x64xf32, #tpu.memory_space<hbm>>
      tpu.enqueue_indirect_dma source(%dma_start3A_290 : memref<10000x64xf32, #tpu.memory_space<hbm>>) target(%dma_start3A_284 : memref<128x64xf32, #tpu.memory_space<vmem>>) offsets(%dma_start3A_287 : memref<128xi32, #tpu.memory_space<vmem>>) semaphore(%arg16 : memref<!tpu.dma_semaphore, #tpu.memory_space<semaphore_mem>>)
      %mul3A_291 = arith.constant 8 : i32
      %mul3A_292 = arith.muli %scan3A_120, %mul3A_291 : i32
      %add3A_293 = arith.constant 3 : i32
      %add3A_294 = arith.addi %mul3A_292, %add3A_293 : i32
      %dma_wait3A_295 = arith.constant 3 : i32
      %dma_wait3A_296 = arith.constant 3 : i32
      %dma_wait3A_297 = arith.constant 0 : i32
      %dma_wait3A_298 = arith.constant 0 : i32
      %dma_wait3A_299 = tpu.memref_slice %arg8[%dma_wait3A_296, %dma_wait3A_297, %dma_wait3A_298] : memref<8x128x64xf32, #tpu.memory_space<vmem>> -> memref<1x128x64xf32, #tpu.memory_space<vmem>>
      %dma_wait3A_300 = tpu.memref_squeeze %dma_wait3A_299 : memref<1x128x64xf32, #tpu.memory_space<vmem>> -> memref<128x64xf32, #tpu.memory_space<vmem>>
      %dma_wait3A_301 = arith.constant 0 : i32
      %dma_wait3A_302 = tpu.memref_slice %arg6[%select_n3A_131, %dma_wait3A_295, %dma_wait3A_301] : memref<3x8x128xi32, #tpu.memory_space<vmem>> -> memref<1x1x128xi32, #tpu.memory_space<vmem>>
      %dma_wait3A_303 = tpu.memref_squeeze %dma_wait3A_302 : memref<1x1x128xi32, #tpu.memory_space<vmem>> -> memref<128xi32, #tpu.memory_space<vmem>>
      %dma_wait3A_304 = arith.constant 0 : i32
      %dma_wait3A_305 = arith.constant 0 : i32
      %dma_wait3A_306 = tpu.memref_slice %arg2[%dma_wait3A_304, %dma_wait3A_305] : memref<10000x64xf32, #tpu.memory_space<hbm>> -> memref<10000x64xf32, #tpu.memory_space<hbm>>
      tpu.wait_indirect_dma semaphore(%arg13 : memref<!tpu.dma_semaphore, #tpu.memory_space<semaphore_mem>>) src(%dma_wait3A_306 : memref<10000x64xf32, #tpu.memory_space<hbm>>) dst(%dma_wait3A_300 : memref<128x64xf32, #tpu.memory_space<vmem>>)
      %dma_start3A_307 = arith.constant 3 : i32
      %dma_start3A_308 = arith.constant 3 : i32
      %dma_start3A_309 = arith.constant 0 : i32
      %dma_start3A_310 = arith.constant 0 : i32
      %dma_start3A_311 = tpu.memref_slice %arg8[%dma_start3A_307, %dma_start3A_309, %dma_start3A_310] : memref<8x128x64xf32, #tpu.memory_space<vmem>> -> memref<1x128x64xf32, #tpu.memory_space<vmem>>
      %dma_start3A_312 = tpu.memref_squeeze %dma_start3A_311 : memref<1x128x64xf32, #tpu.memory_space<vmem>> -> memref<128x64xf32, #tpu.memory_space<vmem>>
      %dma_start3A_313 = arith.constant 0 : i32
      %dma_start3A_314 = tpu.memref_slice %arg7[%select_n3A_131, %dma_start3A_308, %dma_start3A_313] : memref<3x8x128xi32, #tpu.memory_space<vmem>> -> memref<1x1x128xi32, #tpu.memory_space<vmem>>
      %dma_start3A_315 = tpu.memref_squeeze %dma_start3A_314 : memref<1x1x128xi32, #tpu.memory_space<vmem>> -> memref<128xi32, #tpu.memory_space<vmem>>
      %dma_start3A_316 = arith.constant 0 : i32
      %dma_start3A_317 = arith.constant 0 : i32
      %dma_start3A_318 = tpu.memref_slice %arg9[%dma_start3A_316, %dma_start3A_317] : memref<10112x64xf32, #tpu.memory_space<vmem_shared>> -> memref<10112x64xf32, #tpu.memory_space<vmem_shared>>
      tpu.enqueue_indirect_dma source(%dma_start3A_312 : memref<128x64xf32, #tpu.memory_space<vmem>>) target(%dma_start3A_318 : memref<10112x64xf32, #tpu.memory_space<vmem_shared>>) offsets(%dma_start3A_315 : memref<128xi32, #tpu.memory_space<vmem>>) semaphore(%arg21 : memref<!tpu.dma_semaphore, #tpu.memory_space<semaphore_mem>>) {add = true}
      %ge3A_319 = arith.constant 4 : i32
      %ge3A_320 = arith.cmpi sge, %add3A_294, %ge3A_319 : i32
      %convert_element_type3A_321 = arith.extui %ge3A_320 : i1 to i32
      %cond3A_322 = arith.constant 0 : i32
      %cond3A_323 = arith.cmpi ne, %convert_element_type3A_321, %cond3A_322 : i32
      scf.if %cond3A_323 {
        %sub3A = arith.constant 1 : i32
        %sub3A_531 = arith.subi %scan3A_120, %sub3A : i32
        %jit3A_532 = arith.constant 3 : i32
        %eq3A_533 = arith.constant 0 : i32
        %eq3A_534 = arith.cmpi eq, %jit3A_532, %eq3A_533 : i32
        %jit3A_535 = arith.constant 1 : i32
        %select_n3A_536 = arith.select %eq3A_534, %jit3A_535, %jit3A_532 : i32
        %rem3A_537 = arith.remsi %sub3A_531, %select_n3A_536 : i32
        %ne3A_538 = arith.constant 0 : i32
        %ne3A_539 = arith.cmpi ne, %rem3A_537, %ne3A_538 : i32
        %lt3A_540 = arith.constant 0 : i32
        %lt3A_541 = arith.cmpi slt, %rem3A_537, %lt3A_540 : i32
        %lt3A_542 = arith.constant 0 : i32
        %lt3A_543 = arith.cmpi slt, %select_n3A_536, %lt3A_542 : i32
        %ne3A_544 = arith.xori %lt3A_541, %lt3A_543 : i1
        %and3A_545 = arith.andi %ne3A_544, %ne3A_539 : i1
        %add3A_546 = arith.addi %rem3A_537, %select_n3A_536 : i32
        %select_n3A_547 = arith.select %and3A_545, %add3A_546, %rem3A_537 : i32
        %dma_wait3A_548 = arith.constant 7 : i32
        %dma_wait3A_549 = arith.constant 7 : i32
        %dma_wait3A_550 = arith.constant 0 : i32
        %dma_wait3A_551 = arith.constant 0 : i32
        %dma_wait3A_552 = tpu.memref_slice %arg8[%dma_wait3A_548, %dma_wait3A_550, %dma_wait3A_551] : memref<8x128x64xf32, #tpu.memory_space<vmem>> -> memref<1x128x64xf32, #tpu.memory_space<vmem>>
        %dma_wait3A_553 = tpu.memref_squeeze %dma_wait3A_552 : memref<1x128x64xf32, #tpu.memory_space<vmem>> -> memref<128x64xf32, #tpu.memory_space<vmem>>
        %dma_wait3A_554 = arith.constant 0 : i32
        %dma_wait3A_555 = tpu.memref_slice %arg7[%select_n3A_547, %dma_wait3A_549, %dma_wait3A_554] : memref<3x8x128xi32, #tpu.memory_space<vmem>> -> memref<1x1x128xi32, #tpu.memory_space<vmem>>
        %dma_wait3A_556 = tpu.memref_squeeze %dma_wait3A_555 : memref<1x1x128xi32, #tpu.memory_space<vmem>> -> memref<128xi32, #tpu.memory_space<vmem>>
        %dma_wait3A_557 = arith.constant 0 : i32
        %dma_wait3A_558 = arith.constant 0 : i32
        %dma_wait3A_559 = tpu.memref_slice %arg9[%dma_wait3A_557, %dma_wait3A_558] : memref<10112x64xf32, #tpu.memory_space<vmem_shared>> -> memref<10112x64xf32, #tpu.memory_space<vmem_shared>>
        tpu.wait_indirect_dma semaphore(%arg25 : memref<!tpu.dma_semaphore, #tpu.memory_space<semaphore_mem>>) src(%dma_wait3A_553 : memref<128x64xf32, #tpu.memory_space<vmem>>) dst(%dma_wait3A_559 : memref<10112x64xf32, #tpu.memory_space<vmem_shared>>)
      } else {
      }
      %add3A_324 = arith.constant 1 : i32
      %add3A_325 = arith.addi %scan3A_120, %add3A_324 : i32
      %lt3A_326 = arith.constant 10 : i32
      %lt3A_327 = arith.cmpi slt, %add3A_325, %lt3A_326 : i32
      %convert_element_type3A_328 = arith.extui %lt3A_327 : i1 to i32
      %cond3A_329 = arith.constant 0 : i32
      %cond3A_330 = arith.cmpi ne, %convert_element_type3A_328, %cond3A_329 : i32
      scf.if %cond3A_330 {
        %add3A_531 = arith.constant 1 : i32
        %add3A_532 = arith.addi %scan3A_120, %add3A_531 : i32
        %mul3A_533 = arith.constant 8 : i32
        %mul3A_534 = arith.muli %add3A_532, %mul3A_533 : i32
        %dma_wait3A_535 = arith.constant 0 : i32
        %dma_wait3A_536 = arith.constant 0 : i32
        %dma_wait3A_537 = tpu.memref_slice %arg6[%select_n3A_149, %dma_wait3A_535, %dma_wait3A_536] : memref<3x8x128xi32, #tpu.memory_space<vmem>> -> memref<1x8x128xi32, #tpu.memory_space<vmem>>
        %dma_wait3A_538 = tpu.memref_squeeze %dma_wait3A_537 : memref<1x8x128xi32, #tpu.memory_space<vmem>> -> memref<8x128xi32, #tpu.memory_space<vmem>>
        %dma_wait3A_539 = arith.constant 0 : i32
        %dma_wait3A_540 = tpu.memref_slice %arg3[%add3A, %mul3A_534, %dma_wait3A_539] : memref<32x80x128xi32, #tpu.memory_space<hbm>> -> memref<1x8x128xi32, #tpu.memory_space<hbm>>
        %dma_wait3A_541 = tpu.memref_squeeze %dma_wait3A_540 : memref<1x8x128xi32, #tpu.memory_space<hbm>> -> memref<8x128xi32, #tpu.memory_space<hbm>>
        %dma_wait3A_542 = arith.constant 0 : i32
        %dma_wait3A_543 = arith.constant 0 : i32
        %dma_wait3A_544 = tpu.memref_slice %arg6[%select_n3A_149, %dma_wait3A_542, %dma_wait3A_543] : memref<3x8x128xi32, #tpu.memory_space<vmem>> -> memref<1x8x128xi32, #tpu.memory_space<vmem>>
        %dma_wait3A_545 = tpu.memref_squeeze %dma_wait3A_544 : memref<1x8x128xi32, #tpu.memory_space<vmem>> -> memref<8x128xi32, #tpu.memory_space<vmem>>
        %dma_wait3A_546 = arith.constant 0 : i32
        %dma_wait3A_547 = tpu.memref_slice %arg3[%add3A, %mul3A_534, %dma_wait3A_546] : memref<32x80x128xi32, #tpu.memory_space<hbm>> -> memref<1x8x128xi32, #tpu.memory_space<hbm>>
        %dma_wait3A_548 = tpu.memref_squeeze %dma_wait3A_547 : memref<1x8x128xi32, #tpu.memory_space<hbm>> -> memref<8x128xi32, #tpu.memory_space<hbm>>
        tpu.wait_dma2 semaphore(%arg26 : memref<!tpu.dma_semaphore, #tpu.memory_space<semaphore_mem>>) src(%dma_wait3A_548 : memref<8x128xi32, #tpu.memory_space<hbm>>) dst(%dma_wait3A_545 : memref<8x128xi32, #tpu.memory_space<vmem>>)
        %dma_wait3A_549 = arith.constant 0 : i32
        %dma_wait3A_550 = arith.constant 0 : i32
        %dma_wait3A_551 = tpu.memref_slice %arg7[%select_n3A_149, %dma_wait3A_549, %dma_wait3A_550] : memref<3x8x128xi32, #tpu.memory_space<vmem>> -> memref<1x8x128xi32, #tpu.memory_space<vmem>>
        %dma_wait3A_552 = tpu.memref_squeeze %dma_wait3A_551 : memref<1x8x128xi32, #tpu.memory_space<vmem>> -> memref<8x128xi32, #tpu.memory_space<vmem>>
        %dma_wait3A_553 = arith.constant 0 : i32
        %dma_wait3A_554 = tpu.memref_slice %arg4[%add3A, %mul3A_534, %dma_wait3A_553] : memref<32x80x128xi32, #tpu.memory_space<hbm>> -> memref<1x8x128xi32, #tpu.memory_space<hbm>>
        %dma_wait3A_555 = tpu.memref_squeeze %dma_wait3A_554 : memref<1x8x128xi32, #tpu.memory_space<hbm>> -> memref<8x128xi32, #tpu.memory_space<hbm>>
        %dma_wait3A_556 = arith.constant 0 : i32
        %dma_wait3A_557 = arith.constant 0 : i32
        %dma_wait3A_558 = tpu.memref_slice %arg7[%select_n3A_149, %dma_wait3A_556, %dma_wait3A_557] : memref<3x8x128xi32, #tpu.memory_space<vmem>> -> memref<1x8x128xi32, #tpu.memory_space<vmem>>
        %dma_wait3A_559 = tpu.memref_squeeze %dma_wait3A_558 : memref<1x8x128xi32, #tpu.memory_space<vmem>> -> memref<8x128xi32, #tpu.memory_space<vmem>>
        %dma_wait3A_560 = arith.constant 0 : i32
        %dma_wait3A_561 = tpu.memref_slice %arg4[%add3A, %mul3A_534, %dma_wait3A_560] : memref<32x80x128xi32, #tpu.memory_space<hbm>> -> memref<1x8x128xi32, #tpu.memory_space<hbm>>
        %dma_wait3A_562 = tpu.memref_squeeze %dma_wait3A_561 : memref<1x8x128xi32, #tpu.memory_space<hbm>> -> memref<8x128xi32, #tpu.memory_space<hbm>>
        tpu.wait_dma2 semaphore(%arg26 : memref<!tpu.dma_semaphore, #tpu.memory_space<semaphore_mem>>) src(%dma_wait3A_562 : memref<8x128xi32, #tpu.memory_space<hbm>>) dst(%dma_wait3A_559 : memref<8x128xi32, #tpu.memory_space<vmem>>)
      } else {
      }
      %dma_start3A_331 = arith.constant 7 : i32
      %dma_start3A_332 = arith.constant 7 : i32
      %dma_start3A_333 = arith.constant 0 : i32
      %dma_start3A_334 = arith.constant 0 : i32
      %dma_start3A_335 = tpu.memref_slice %arg8[%dma_start3A_332, %dma_start3A_333, %dma_start3A_334] : memref<8x128x64xf32, #tpu.memory_space<vmem>> -> memref<1x128x64xf32, #tpu.memory_space<vmem>>
      %dma_start3A_336 = tpu.memref_squeeze %dma_start3A_335 : memref<1x128x64xf32, #tpu.memory_space<vmem>> -> memref<128x64xf32, #tpu.memory_space<vmem>>
      %dma_start3A_337 = arith.constant 0 : i32
      %dma_start3A_338 = tpu.memref_slice %arg6[%select_n3A_131, %dma_start3A_331, %dma_start3A_337] : memref<3x8x128xi32, #tpu.memory_space<vmem>> -> memref<1x1x128xi32, #tpu.memory_space<vmem>>
      %dma_start3A_339 = tpu.memref_squeeze %dma_start3A_338 : memref<1x1x128xi32, #tpu.memory_space<vmem>> -> memref<128xi32, #tpu.memory_space<vmem>>
      %dma_start3A_340 = arith.constant 0 : i32
      %dma_start3A_341 = arith.constant 0 : i32
      %dma_start3A_342 = tpu.memref_slice %arg2[%dma_start3A_340, %dma_start3A_341] : memref<10000x64xf32, #tpu.memory_space<hbm>> -> memref<10000x64xf32, #tpu.memory_space<hbm>>
      tpu.enqueue_indirect_dma source(%dma_start3A_342 : memref<10000x64xf32, #tpu.memory_space<hbm>>) target(%dma_start3A_336 : memref<128x64xf32, #tpu.memory_space<vmem>>) offsets(%dma_start3A_339 : memref<128xi32, #tpu.memory_space<vmem>>) semaphore(%arg17 : memref<!tpu.dma_semaphore, #tpu.memory_space<semaphore_mem>>)
      %mul3A_343 = arith.constant 8 : i32
      %mul3A_344 = arith.muli %scan3A_120, %mul3A_343 : i32
      %add3A_345 = arith.constant 4 : i32
      %add3A_346 = arith.addi %mul3A_344, %add3A_345 : i32
      %dma_wait3A_347 = arith.constant 4 : i32
      %dma_wait3A_348 = arith.constant 4 : i32
      %dma_wait3A_349 = arith.constant 0 : i32
      %dma_wait3A_350 = arith.constant 0 : i32
      %dma_wait3A_351 = tpu.memref_slice %arg8[%dma_wait3A_348, %dma_wait3A_349, %dma_wait3A_350] : memref<8x128x64xf32, #tpu.memory_space<vmem>> -> memref<1x128x64xf32, #tpu.memory_space<vmem>>
      %dma_wait3A_352 = tpu.memref_squeeze %dma_wait3A_351 : memref<1x128x64xf32, #tpu.memory_space<vmem>> -> memref<128x64xf32, #tpu.memory_space<vmem>>
      %dma_wait3A_353 = arith.constant 0 : i32
      %dma_wait3A_354 = tpu.memref_slice %arg6[%select_n3A_131, %dma_wait3A_347, %dma_wait3A_353] : memref<3x8x128xi32, #tpu.memory_space<vmem>> -> memref<1x1x128xi32, #tpu.memory_space<vmem>>
      %dma_wait3A_355 = tpu.memref_squeeze %dma_wait3A_354 : memref<1x1x128xi32, #tpu.memory_space<vmem>> -> memref<128xi32, #tpu.memory_space<vmem>>
      %dma_wait3A_356 = arith.constant 0 : i32
      %dma_wait3A_357 = arith.constant 0 : i32
      %dma_wait3A_358 = tpu.memref_slice %arg2[%dma_wait3A_356, %dma_wait3A_357] : memref<10000x64xf32, #tpu.memory_space<hbm>> -> memref<10000x64xf32, #tpu.memory_space<hbm>>
      tpu.wait_indirect_dma semaphore(%arg14 : memref<!tpu.dma_semaphore, #tpu.memory_space<semaphore_mem>>) src(%dma_wait3A_358 : memref<10000x64xf32, #tpu.memory_space<hbm>>) dst(%dma_wait3A_352 : memref<128x64xf32, #tpu.memory_space<vmem>>)
      %dma_start3A_359 = arith.constant 4 : i32
      %dma_start3A_360 = arith.constant 4 : i32
      %dma_start3A_361 = arith.constant 0 : i32
      %dma_start3A_362 = arith.constant 0 : i32
      %dma_start3A_363 = tpu.memref_slice %arg8[%dma_start3A_359, %dma_start3A_361, %dma_start3A_362] : memref<8x128x64xf32, #tpu.memory_space<vmem>> -> memref<1x128x64xf32, #tpu.memory_space<vmem>>
      %dma_start3A_364 = tpu.memref_squeeze %dma_start3A_363 : memref<1x128x64xf32, #tpu.memory_space<vmem>> -> memref<128x64xf32, #tpu.memory_space<vmem>>
      %dma_start3A_365 = arith.constant 0 : i32
      %dma_start3A_366 = tpu.memref_slice %arg7[%select_n3A_131, %dma_start3A_360, %dma_start3A_365] : memref<3x8x128xi32, #tpu.memory_space<vmem>> -> memref<1x1x128xi32, #tpu.memory_space<vmem>>
      %dma_start3A_367 = tpu.memref_squeeze %dma_start3A_366 : memref<1x1x128xi32, #tpu.memory_space<vmem>> -> memref<128xi32, #tpu.memory_space<vmem>>
      %dma_start3A_368 = arith.constant 0 : i32
      %dma_start3A_369 = arith.constant 0 : i32
      %dma_start3A_370 = tpu.memref_slice %arg9[%dma_start3A_368, %dma_start3A_369] : memref<10112x64xf32, #tpu.memory_space<vmem_shared>> -> memref<10112x64xf32, #tpu.memory_space<vmem_shared>>
      tpu.enqueue_indirect_dma source(%dma_start3A_364 : memref<128x64xf32, #tpu.memory_space<vmem>>) target(%dma_start3A_370 : memref<10112x64xf32, #tpu.memory_space<vmem_shared>>) offsets(%dma_start3A_367 : memref<128xi32, #tpu.memory_space<vmem>>) semaphore(%arg22 : memref<!tpu.dma_semaphore, #tpu.memory_space<semaphore_mem>>) {add = true}
      %dma_wait3A_371 = arith.constant 0 : i32
      %dma_wait3A_372 = arith.constant 0 : i32
      %dma_wait3A_373 = arith.constant 0 : i32
      %dma_wait3A_374 = arith.constant 0 : i32
      %dma_wait3A_375 = tpu.memref_slice %arg8[%dma_wait3A_371, %dma_wait3A_373, %dma_wait3A_374] : memref<8x128x64xf32, #tpu.memory_space<vmem>> -> memref<1x128x64xf32, #tpu.memory_space<vmem>>
      %dma_wait3A_376 = tpu.memref_squeeze %dma_wait3A_375 : memref<1x128x64xf32, #tpu.memory_space<vmem>> -> memref<128x64xf32, #tpu.memory_space<vmem>>
      %dma_wait3A_377 = arith.constant 0 : i32
      %dma_wait3A_378 = tpu.memref_slice %arg7[%select_n3A_131, %dma_wait3A_372, %dma_wait3A_377] : memref<3x8x128xi32, #tpu.memory_space<vmem>> -> memref<1x1x128xi32, #tpu.memory_space<vmem>>
      %dma_wait3A_379 = tpu.memref_squeeze %dma_wait3A_378 : memref<1x1x128xi32, #tpu.memory_space<vmem>> -> memref<128xi32, #tpu.memory_space<vmem>>
      %dma_wait3A_380 = arith.constant 0 : i32
      %dma_wait3A_381 = arith.constant 0 : i32
      %dma_wait3A_382 = tpu.memref_slice %arg9[%dma_wait3A_380, %dma_wait3A_381] : memref<10112x64xf32, #tpu.memory_space<vmem_shared>> -> memref<10112x64xf32, #tpu.memory_space<vmem_shared>>
      tpu.wait_indirect_dma semaphore(%arg18 : memref<!tpu.dma_semaphore, #tpu.memory_space<semaphore_mem>>) src(%dma_wait3A_376 : memref<128x64xf32, #tpu.memory_space<vmem>>) dst(%dma_wait3A_382 : memref<10112x64xf32, #tpu.memory_space<vmem_shared>>)
      %add3A_383 = arith.constant 4 : i32
      %add3A_384 = arith.addi %add3A_346, %add3A_383 : i32
      %lt3A_385 = arith.constant 80 : i32
      %lt3A_386 = arith.cmpi slt, %add3A_384, %lt3A_385 : i32
      %convert_element_type3A_387 = arith.extui %lt3A_386 : i1 to i32
      %cond3A_388 = arith.constant 0 : i32
      %cond3A_389 = arith.cmpi ne, %convert_element_type3A_387, %cond3A_388 : i32
      scf.if %cond3A_389 {
        %dma_start3A_531 = arith.constant 0 : i32
        %dma_start3A_532 = arith.constant 0 : i32
        %dma_start3A_533 = arith.constant 0 : i32
        %dma_start3A_534 = arith.constant 0 : i32
        %dma_start3A_535 = tpu.memref_slice %arg8[%dma_start3A_532, %dma_start3A_533, %dma_start3A_534] : memref<8x128x64xf32, #tpu.memory_space<vmem>> -> memref<1x128x64xf32, #tpu.memory_space<vmem>>
        %dma_start3A_536 = tpu.memref_squeeze %dma_start3A_535 : memref<1x128x64xf32, #tpu.memory_space<vmem>> -> memref<128x64xf32, #tpu.memory_space<vmem>>
        %dma_start3A_537 = arith.constant 0 : i32
        %dma_start3A_538 = tpu.memref_slice %arg6[%select_n3A_149, %dma_start3A_531, %dma_start3A_537] : memref<3x8x128xi32, #tpu.memory_space<vmem>> -> memref<1x1x128xi32, #tpu.memory_space<vmem>>
        %dma_start3A_539 = tpu.memref_squeeze %dma_start3A_538 : memref<1x1x128xi32, #tpu.memory_space<vmem>> -> memref<128xi32, #tpu.memory_space<vmem>>
        %dma_start3A_540 = arith.constant 0 : i32
        %dma_start3A_541 = arith.constant 0 : i32
        %dma_start3A_542 = tpu.memref_slice %arg2[%dma_start3A_540, %dma_start3A_541] : memref<10000x64xf32, #tpu.memory_space<hbm>> -> memref<10000x64xf32, #tpu.memory_space<hbm>>
        tpu.enqueue_indirect_dma source(%dma_start3A_542 : memref<10000x64xf32, #tpu.memory_space<hbm>>) target(%dma_start3A_536 : memref<128x64xf32, #tpu.memory_space<vmem>>) offsets(%dma_start3A_539 : memref<128xi32, #tpu.memory_space<vmem>>) semaphore(%arg10 : memref<!tpu.dma_semaphore, #tpu.memory_space<semaphore_mem>>)
      } else {
      }
      %mul3A_390 = arith.constant 8 : i32
      %mul3A_391 = arith.muli %scan3A_120, %mul3A_390 : i32
      %add3A_392 = arith.constant 5 : i32
      %add3A_393 = arith.addi %mul3A_391, %add3A_392 : i32
      %dma_wait3A_394 = arith.constant 5 : i32
      %dma_wait3A_395 = arith.constant 5 : i32
      %dma_wait3A_396 = arith.constant 0 : i32
      %dma_wait3A_397 = arith.constant 0 : i32
      %dma_wait3A_398 = tpu.memref_slice %arg8[%dma_wait3A_395, %dma_wait3A_396, %dma_wait3A_397] : memref<8x128x64xf32, #tpu.memory_space<vmem>> -> memref<1x128x64xf32, #tpu.memory_space<vmem>>
      %dma_wait3A_399 = tpu.memref_squeeze %dma_wait3A_398 : memref<1x128x64xf32, #tpu.memory_space<vmem>> -> memref<128x64xf32, #tpu.memory_space<vmem>>
      %dma_wait3A_400 = arith.constant 0 : i32
      %dma_wait3A_401 = tpu.memref_slice %arg6[%select_n3A_131, %dma_wait3A_394, %dma_wait3A_400] : memref<3x8x128xi32, #tpu.memory_space<vmem>> -> memref<1x1x128xi32, #tpu.memory_space<vmem>>
      %dma_wait3A_402 = tpu.memref_squeeze %dma_wait3A_401 : memref<1x1x128xi32, #tpu.memory_space<vmem>> -> memref<128xi32, #tpu.memory_space<vmem>>
      %dma_wait3A_403 = arith.constant 0 : i32
      %dma_wait3A_404 = arith.constant 0 : i32
      %dma_wait3A_405 = tpu.memref_slice %arg2[%dma_wait3A_403, %dma_wait3A_404] : memref<10000x64xf32, #tpu.memory_space<hbm>> -> memref<10000x64xf32, #tpu.memory_space<hbm>>
      tpu.wait_indirect_dma semaphore(%arg15 : memref<!tpu.dma_semaphore, #tpu.memory_space<semaphore_mem>>) src(%dma_wait3A_405 : memref<10000x64xf32, #tpu.memory_space<hbm>>) dst(%dma_wait3A_399 : memref<128x64xf32, #tpu.memory_space<vmem>>)
      %dma_start3A_406 = arith.constant 5 : i32
      %dma_start3A_407 = arith.constant 5 : i32
      %dma_start3A_408 = arith.constant 0 : i32
      %dma_start3A_409 = arith.constant 0 : i32
      %dma_start3A_410 = tpu.memref_slice %arg8[%dma_start3A_406, %dma_start3A_408, %dma_start3A_409] : memref<8x128x64xf32, #tpu.memory_space<vmem>> -> memref<1x128x64xf32, #tpu.memory_space<vmem>>
      %dma_start3A_411 = tpu.memref_squeeze %dma_start3A_410 : memref<1x128x64xf32, #tpu.memory_space<vmem>> -> memref<128x64xf32, #tpu.memory_space<vmem>>
      %dma_start3A_412 = arith.constant 0 : i32
      %dma_start3A_413 = tpu.memref_slice %arg7[%select_n3A_131, %dma_start3A_407, %dma_start3A_412] : memref<3x8x128xi32, #tpu.memory_space<vmem>> -> memref<1x1x128xi32, #tpu.memory_space<vmem>>
      %dma_start3A_414 = tpu.memref_squeeze %dma_start3A_413 : memref<1x1x128xi32, #tpu.memory_space<vmem>> -> memref<128xi32, #tpu.memory_space<vmem>>
      %dma_start3A_415 = arith.constant 0 : i32
      %dma_start3A_416 = arith.constant 0 : i32
      %dma_start3A_417 = tpu.memref_slice %arg9[%dma_start3A_415, %dma_start3A_416] : memref<10112x64xf32, #tpu.memory_space<vmem_shared>> -> memref<10112x64xf32, #tpu.memory_space<vmem_shared>>
      tpu.enqueue_indirect_dma source(%dma_start3A_411 : memref<128x64xf32, #tpu.memory_space<vmem>>) target(%dma_start3A_417 : memref<10112x64xf32, #tpu.memory_space<vmem_shared>>) offsets(%dma_start3A_414 : memref<128xi32, #tpu.memory_space<vmem>>) semaphore(%arg23 : memref<!tpu.dma_semaphore, #tpu.memory_space<semaphore_mem>>) {add = true}
      %dma_wait3A_418 = arith.constant 1 : i32
      %dma_wait3A_419 = arith.constant 1 : i32
      %dma_wait3A_420 = arith.constant 0 : i32
      %dma_wait3A_421 = arith.constant 0 : i32
      %dma_wait3A_422 = tpu.memref_slice %arg8[%dma_wait3A_418, %dma_wait3A_420, %dma_wait3A_421] : memref<8x128x64xf32, #tpu.memory_space<vmem>> -> memref<1x128x64xf32, #tpu.memory_space<vmem>>
      %dma_wait3A_423 = tpu.memref_squeeze %dma_wait3A_422 : memref<1x128x64xf32, #tpu.memory_space<vmem>> -> memref<128x64xf32, #tpu.memory_space<vmem>>
      %dma_wait3A_424 = arith.constant 0 : i32
      %dma_wait3A_425 = tpu.memref_slice %arg7[%select_n3A_131, %dma_wait3A_419, %dma_wait3A_424] : memref<3x8x128xi32, #tpu.memory_space<vmem>> -> memref<1x1x128xi32, #tpu.memory_space<vmem>>
      %dma_wait3A_426 = tpu.memref_squeeze %dma_wait3A_425 : memref<1x1x128xi32, #tpu.memory_space<vmem>> -> memref<128xi32, #tpu.memory_space<vmem>>
      %dma_wait3A_427 = arith.constant 0 : i32
      %dma_wait3A_428 = arith.constant 0 : i32
      %dma_wait3A_429 = tpu.memref_slice %arg9[%dma_wait3A_427, %dma_wait3A_428] : memref<10112x64xf32, #tpu.memory_space<vmem_shared>> -> memref<10112x64xf32, #tpu.memory_space<vmem_shared>>
      tpu.wait_indirect_dma semaphore(%arg19 : memref<!tpu.dma_semaphore, #tpu.memory_space<semaphore_mem>>) src(%dma_wait3A_423 : memref<128x64xf32, #tpu.memory_space<vmem>>) dst(%dma_wait3A_429 : memref<10112x64xf32, #tpu.memory_space<vmem_shared>>)
      %add3A_430 = arith.constant 4 : i32
      %add3A_431 = arith.addi %add3A_393, %add3A_430 : i32
      %lt3A_432 = arith.constant 80 : i32
      %lt3A_433 = arith.cmpi slt, %add3A_431, %lt3A_432 : i32
      %convert_element_type3A_434 = arith.extui %lt3A_433 : i1 to i32
      %cond3A_435 = arith.constant 0 : i32
      %cond3A_436 = arith.cmpi ne, %convert_element_type3A_434, %cond3A_435 : i32
      scf.if %cond3A_436 {
        %dma_start3A_531 = arith.constant 1 : i32
        %dma_start3A_532 = arith.constant 1 : i32
        %dma_start3A_533 = arith.constant 0 : i32
        %dma_start3A_534 = arith.constant 0 : i32
        %dma_start3A_535 = tpu.memref_slice %arg8[%dma_start3A_532, %dma_start3A_533, %dma_start3A_534] : memref<8x128x64xf32, #tpu.memory_space<vmem>> -> memref<1x128x64xf32, #tpu.memory_space<vmem>>
        %dma_start3A_536 = tpu.memref_squeeze %dma_start3A_535 : memref<1x128x64xf32, #tpu.memory_space<vmem>> -> memref<128x64xf32, #tpu.memory_space<vmem>>
        %dma_start3A_537 = arith.constant 0 : i32
        %dma_start3A_538 = tpu.memref_slice %arg6[%select_n3A_149, %dma_start3A_531, %dma_start3A_537] : memref<3x8x128xi32, #tpu.memory_space<vmem>> -> memref<1x1x128xi32, #tpu.memory_space<vmem>>
        %dma_start3A_539 = tpu.memref_squeeze %dma_start3A_538 : memref<1x1x128xi32, #tpu.memory_space<vmem>> -> memref<128xi32, #tpu.memory_space<vmem>>
        %dma_start3A_540 = arith.constant 0 : i32
        %dma_start3A_541 = arith.constant 0 : i32
        %dma_start3A_542 = tpu.memref_slice %arg2[%dma_start3A_540, %dma_start3A_541] : memref<10000x64xf32, #tpu.memory_space<hbm>> -> memref<10000x64xf32, #tpu.memory_space<hbm>>
        tpu.enqueue_indirect_dma source(%dma_start3A_542 : memref<10000x64xf32, #tpu.memory_space<hbm>>) target(%dma_start3A_536 : memref<128x64xf32, #tpu.memory_space<vmem>>) offsets(%dma_start3A_539 : memref<128xi32, #tpu.memory_space<vmem>>) semaphore(%arg11 : memref<!tpu.dma_semaphore, #tpu.memory_space<semaphore_mem>>)
      } else {
      }
      %mul3A_437 = arith.constant 8 : i32
      %mul3A_438 = arith.muli %scan3A_120, %mul3A_437 : i32
      %add3A_439 = arith.constant 6 : i32
      %add3A_440 = arith.addi %mul3A_438, %add3A_439 : i32
      %dma_wait3A_441 = arith.constant 6 : i32
      %dma_wait3A_442 = arith.constant 6 : i32
      %dma_wait3A_443 = arith.constant 0 : i32
      %dma_wait3A_444 = arith.constant 0 : i32
      %dma_wait3A_445 = tpu.memref_slice %arg8[%dma_wait3A_442, %dma_wait3A_443, %dma_wait3A_444] : memref<8x128x64xf32, #tpu.memory_space<vmem>> -> memref<1x128x64xf32, #tpu.memory_space<vmem>>
      %dma_wait3A_446 = tpu.memref_squeeze %dma_wait3A_445 : memref<1x128x64xf32, #tpu.memory_space<vmem>> -> memref<128x64xf32, #tpu.memory_space<vmem>>
      %dma_wait3A_447 = arith.constant 0 : i32
      %dma_wait3A_448 = tpu.memref_slice %arg6[%select_n3A_131, %dma_wait3A_441, %dma_wait3A_447] : memref<3x8x128xi32, #tpu.memory_space<vmem>> -> memref<1x1x128xi32, #tpu.memory_space<vmem>>
      %dma_wait3A_449 = tpu.memref_squeeze %dma_wait3A_448 : memref<1x1x128xi32, #tpu.memory_space<vmem>> -> memref<128xi32, #tpu.memory_space<vmem>>
      %dma_wait3A_450 = arith.constant 0 : i32
      %dma_wait3A_451 = arith.constant 0 : i32
      %dma_wait3A_452 = tpu.memref_slice %arg2[%dma_wait3A_450, %dma_wait3A_451] : memref<10000x64xf32, #tpu.memory_space<hbm>> -> memref<10000x64xf32, #tpu.memory_space<hbm>>
      tpu.wait_indirect_dma semaphore(%arg16 : memref<!tpu.dma_semaphore, #tpu.memory_space<semaphore_mem>>) src(%dma_wait3A_452 : memref<10000x64xf32, #tpu.memory_space<hbm>>) dst(%dma_wait3A_446 : memref<128x64xf32, #tpu.memory_space<vmem>>)
      %dma_start3A_453 = arith.constant 6 : i32
      %dma_start3A_454 = arith.constant 6 : i32
      %dma_start3A_455 = arith.constant 0 : i32
      %dma_start3A_456 = arith.constant 0 : i32
      %dma_start3A_457 = tpu.memref_slice %arg8[%dma_start3A_453, %dma_start3A_455, %dma_start3A_456] : memref<8x128x64xf32, #tpu.memory_space<vmem>> -> memref<1x128x64xf32, #tpu.memory_space<vmem>>
      %dma_start3A_458 = tpu.memref_squeeze %dma_start3A_457 : memref<1x128x64xf32, #tpu.memory_space<vmem>> -> memref<128x64xf32, #tpu.memory_space<vmem>>
      %dma_start3A_459 = arith.constant 0 : i32
      %dma_start3A_460 = tpu.memref_slice %arg7[%select_n3A_131, %dma_start3A_454, %dma_start3A_459] : memref<3x8x128xi32, #tpu.memory_space<vmem>> -> memref<1x1x128xi32, #tpu.memory_space<vmem>>
      %dma_start3A_461 = tpu.memref_squeeze %dma_start3A_460 : memref<1x1x128xi32, #tpu.memory_space<vmem>> -> memref<128xi32, #tpu.memory_space<vmem>>
      %dma_start3A_462 = arith.constant 0 : i32
      %dma_start3A_463 = arith.constant 0 : i32
      %dma_start3A_464 = tpu.memref_slice %arg9[%dma_start3A_462, %dma_start3A_463] : memref<10112x64xf32, #tpu.memory_space<vmem_shared>> -> memref<10112x64xf32, #tpu.memory_space<vmem_shared>>
      tpu.enqueue_indirect_dma source(%dma_start3A_458 : memref<128x64xf32, #tpu.memory_space<vmem>>) target(%dma_start3A_464 : memref<10112x64xf32, #tpu.memory_space<vmem_shared>>) offsets(%dma_start3A_461 : memref<128xi32, #tpu.memory_space<vmem>>) semaphore(%arg24 : memref<!tpu.dma_semaphore, #tpu.memory_space<semaphore_mem>>) {add = true}
      %dma_wait3A_465 = arith.constant 2 : i32
      %dma_wait3A_466 = arith.constant 2 : i32
      %dma_wait3A_467 = arith.constant 0 : i32
      %dma_wait3A_468 = arith.constant 0 : i32
      %dma_wait3A_469 = tpu.memref_slice %arg8[%dma_wait3A_465, %dma_wait3A_467, %dma_wait3A_468] : memref<8x128x64xf32, #tpu.memory_space<vmem>> -> memref<1x128x64xf32, #tpu.memory_space<vmem>>
      %dma_wait3A_470 = tpu.memref_squeeze %dma_wait3A_469 : memref<1x128x64xf32, #tpu.memory_space<vmem>> -> memref<128x64xf32, #tpu.memory_space<vmem>>
      %dma_wait3A_471 = arith.constant 0 : i32
      %dma_wait3A_472 = tpu.memref_slice %arg7[%select_n3A_131, %dma_wait3A_466, %dma_wait3A_471] : memref<3x8x128xi32, #tpu.memory_space<vmem>> -> memref<1x1x128xi32, #tpu.memory_space<vmem>>
      %dma_wait3A_473 = tpu.memref_squeeze %dma_wait3A_472 : memref<1x1x128xi32, #tpu.memory_space<vmem>> -> memref<128xi32, #tpu.memory_space<vmem>>
      %dma_wait3A_474 = arith.constant 0 : i32
      %dma_wait3A_475 = arith.constant 0 : i32
      %dma_wait3A_476 = tpu.memref_slice %arg9[%dma_wait3A_474, %dma_wait3A_475] : memref<10112x64xf32, #tpu.memory_space<vmem_shared>> -> memref<10112x64xf32, #tpu.memory_space<vmem_shared>>
      tpu.wait_indirect_dma semaphore(%arg20 : memref<!tpu.dma_semaphore, #tpu.memory_space<semaphore_mem>>) src(%dma_wait3A_470 : memref<128x64xf32, #tpu.memory_space<vmem>>) dst(%dma_wait3A_476 : memref<10112x64xf32, #tpu.memory_space<vmem_shared>>)
      %add3A_477 = arith.constant 4 : i32
      %add3A_478 = arith.addi %add3A_440, %add3A_477 : i32
      %lt3A_479 = arith.constant 80 : i32
      %lt3A_480 = arith.cmpi slt, %add3A_478, %lt3A_479 : i32
      %convert_element_type3A_481 = arith.extui %lt3A_480 : i1 to i32
      %cond3A_482 = arith.constant 0 : i32
      %cond3A_483 = arith.cmpi ne, %convert_element_type3A_481, %cond3A_482 : i32
      scf.if %cond3A_483 {
        %dma_start3A_531 = arith.constant 2 : i32
        %dma_start3A_532 = arith.constant 2 : i32
        %dma_start3A_533 = arith.constant 0 : i32
        %dma_start3A_534 = arith.constant 0 : i32
        %dma_start3A_535 = tpu.memref_slice %arg8[%dma_start3A_532, %dma_start3A_533, %dma_start3A_534] : memref<8x128x64xf32, #tpu.memory_space<vmem>> -> memref<1x128x64xf32, #tpu.memory_space<vmem>>
        %dma_start3A_536 = tpu.memref_squeeze %dma_start3A_535 : memref<1x128x64xf32, #tpu.memory_space<vmem>> -> memref<128x64xf32, #tpu.memory_space<vmem>>
        %dma_start3A_537 = arith.constant 0 : i32
        %dma_start3A_538 = tpu.memref_slice %arg6[%select_n3A_149, %dma_start3A_531, %dma_start3A_537] : memref<3x8x128xi32, #tpu.memory_space<vmem>> -> memref<1x1x128xi32, #tpu.memory_space<vmem>>
        %dma_start3A_539 = tpu.memref_squeeze %dma_start3A_538 : memref<1x1x128xi32, #tpu.memory_space<vmem>> -> memref<128xi32, #tpu.memory_space<vmem>>
        %dma_start3A_540 = arith.constant 0 : i32
        %dma_start3A_541 = arith.constant 0 : i32
        %dma_start3A_542 = tpu.memref_slice %arg2[%dma_start3A_540, %dma_start3A_541] : memref<10000x64xf32, #tpu.memory_space<hbm>> -> memref<10000x64xf32, #tpu.memory_space<hbm>>
        tpu.enqueue_indirect_dma source(%dma_start3A_542 : memref<10000x64xf32, #tpu.memory_space<hbm>>) target(%dma_start3A_536 : memref<128x64xf32, #tpu.memory_space<vmem>>) offsets(%dma_start3A_539 : memref<128xi32, #tpu.memory_space<vmem>>) semaphore(%arg12 : memref<!tpu.dma_semaphore, #tpu.memory_space<semaphore_mem>>)
      } else {
      }
      %mul3A_484 = arith.constant 8 : i32
      %mul3A_485 = arith.muli %scan3A_120, %mul3A_484 : i32
      %add3A_486 = arith.constant 7 : i32
      %add3A_487 = arith.addi %mul3A_485, %add3A_486 : i32
      %dma_wait3A_488 = arith.constant 7 : i32
      %dma_wait3A_489 = arith.constant 7 : i32
      %dma_wait3A_490 = arith.constant 0 : i32
      %dma_wait3A_491 = arith.constant 0 : i32
      %dma_wait3A_492 = tpu.memref_slice %arg8[%dma_wait3A_489, %dma_wait3A_490, %dma_wait3A_491] : memref<8x128x64xf32, #tpu.memory_space<vmem>> -> memref<1x128x64xf32, #tpu.memory_space<vmem>>
      %dma_wait3A_493 = tpu.memref_squeeze %dma_wait3A_492 : memref<1x128x64xf32, #tpu.memory_space<vmem>> -> memref<128x64xf32, #tpu.memory_space<vmem>>
      %dma_wait3A_494 = arith.constant 0 : i32
      %dma_wait3A_495 = tpu.memref_slice %arg6[%select_n3A_131, %dma_wait3A_488, %dma_wait3A_494] : memref<3x8x128xi32, #tpu.memory_space<vmem>> -> memref<1x1x128xi32, #tpu.memory_space<vmem>>
      %dma_wait3A_496 = tpu.memref_squeeze %dma_wait3A_495 : memref<1x1x128xi32, #tpu.memory_space<vmem>> -> memref<128xi32, #tpu.memory_space<vmem>>
      %dma_wait3A_497 = arith.constant 0 : i32
      %dma_wait3A_498 = arith.constant 0 : i32
      %dma_wait3A_499 = tpu.memref_slice %arg2[%dma_wait3A_497, %dma_wait3A_498] : memref<10000x64xf32, #tpu.memory_space<hbm>> -> memref<10000x64xf32, #tpu.memory_space<hbm>>
      tpu.wait_indirect_dma semaphore(%arg17 : memref<!tpu.dma_semaphore, #tpu.memory_space<semaphore_mem>>) src(%dma_wait3A_499 : memref<10000x64xf32, #tpu.memory_space<hbm>>) dst(%dma_wait3A_493 : memref<128x64xf32, #tpu.memory_space<vmem>>)
      %dma_start3A_500 = arith.constant 7 : i32
      %dma_start3A_501 = arith.constant 7 : i32
      %dma_start3A_502 = arith.constant 0 : i32
      %dma_start3A_503 = arith.constant 0 : i32
      %dma_start3A_504 = tpu.memref_slice %arg8[%dma_start3A_500, %dma_start3A_502, %dma_start3A_503] : memref<8x128x64xf32, #tpu.memory_space<vmem>> -> memref<1x128x64xf32, #tpu.memory_space<vmem>>
      %dma_start3A_505 = tpu.memref_squeeze %dma_start3A_504 : memref<1x128x64xf32, #tpu.memory_space<vmem>> -> memref<128x64xf32, #tpu.memory_space<vmem>>
      %dma_start3A_506 = arith.constant 0 : i32
      %dma_start3A_507 = tpu.memref_slice %arg7[%select_n3A_131, %dma_start3A_501, %dma_start3A_506] : memref<3x8x128xi32, #tpu.memory_space<vmem>> -> memref<1x1x128xi32, #tpu.memory_space<vmem>>
      %dma_start3A_508 = tpu.memref_squeeze %dma_start3A_507 : memref<1x1x128xi32, #tpu.memory_space<vmem>> -> memref<128xi32, #tpu.memory_space<vmem>>
      %dma_start3A_509 = arith.constant 0 : i32
      %dma_start3A_510 = arith.constant 0 : i32
      %dma_start3A_511 = tpu.memref_slice %arg9[%dma_start3A_509, %dma_start3A_510] : memref<10112x64xf32, #tpu.memory_space<vmem_shared>> -> memref<10112x64xf32, #tpu.memory_space<vmem_shared>>
      tpu.enqueue_indirect_dma source(%dma_start3A_505 : memref<128x64xf32, #tpu.memory_space<vmem>>) target(%dma_start3A_511 : memref<10112x64xf32, #tpu.memory_space<vmem_shared>>) offsets(%dma_start3A_508 : memref<128xi32, #tpu.memory_space<vmem>>) semaphore(%arg25 : memref<!tpu.dma_semaphore, #tpu.memory_space<semaphore_mem>>) {add = true}
      %dma_wait3A_512 = arith.constant 3 : i32
      %dma_wait3A_513 = arith.constant 3 : i32
      %dma_wait3A_514 = arith.constant 0 : i32
      %dma_wait3A_515 = arith.constant 0 : i32
      %dma_wait3A_516 = tpu.memref_slice %arg8[%dma_wait3A_512, %dma_wait3A_514, %dma_wait3A_515] : memref<8x128x64xf32, #tpu.memory_space<vmem>> -> memref<1x128x64xf32, #tpu.memory_space<vmem>>
      %dma_wait3A_517 = tpu.memref_squeeze %dma_wait3A_516 : memref<1x128x64xf32, #tpu.memory_space<vmem>> -> memref<128x64xf32, #tpu.memory_space<vmem>>
      %dma_wait3A_518 = arith.constant 0 : i32
      %dma_wait3A_519 = tpu.memref_slice %arg7[%select_n3A_131, %dma_wait3A_513, %dma_wait3A_518] : memref<3x8x128xi32, #tpu.memory_space<vmem>> -> memref<1x1x128xi32, #tpu.memory_space<vmem>>
      %dma_wait3A_520 = tpu.memref_squeeze %dma_wait3A_519 : memref<1x1x128xi32, #tpu.memory_space<vmem>> -> memref<128xi32, #tpu.memory_space<vmem>>
      %dma_wait3A_521 = arith.constant 0 : i32
      %dma_wait3A_522 = arith.constant 0 : i32
      %dma_wait3A_523 = tpu.memref_slice %arg9[%dma_wait3A_521, %dma_wait3A_522] : memref<10112x64xf32, #tpu.memory_space<vmem_shared>> -> memref<10112x64xf32, #tpu.memory_space<vmem_shared>>
      tpu.wait_indirect_dma semaphore(%arg21 : memref<!tpu.dma_semaphore, #tpu.memory_space<semaphore_mem>>) src(%dma_wait3A_517 : memref<128x64xf32, #tpu.memory_space<vmem>>) dst(%dma_wait3A_523 : memref<10112x64xf32, #tpu.memory_space<vmem_shared>>)
      %add3A_524 = arith.constant 4 : i32
      %add3A_525 = arith.addi %add3A_487, %add3A_524 : i32
      %lt3A_526 = arith.constant 80 : i32
      %lt3A_527 = arith.cmpi slt, %add3A_525, %lt3A_526 : i32
      %convert_element_type3A_528 = arith.extui %lt3A_527 : i1 to i32
      %cond3A_529 = arith.constant 0 : i32
      %cond3A_530 = arith.cmpi ne, %convert_element_type3A_528, %cond3A_529 : i32
      scf.if %cond3A_530 {
        %dma_start3A_531 = arith.constant 3 : i32
        %dma_start3A_532 = arith.constant 3 : i32
        %dma_start3A_533 = arith.constant 0 : i32
        %dma_start3A_534 = arith.constant 0 : i32
        %dma_start3A_535 = tpu.memref_slice %arg8[%dma_start3A_532, %dma_start3A_533, %dma_start3A_534] : memref<8x128x64xf32, #tpu.memory_space<vmem>> -> memref<1x128x64xf32, #tpu.memory_space<vmem>>
        %dma_start3A_536 = tpu.memref_squeeze %dma_start3A_535 : memref<1x128x64xf32, #tpu.memory_space<vmem>> -> memref<128x64xf32, #tpu.memory_space<vmem>>
        %dma_start3A_537 = arith.constant 0 : i32
        %dma_start3A_538 = tpu.memref_slice %arg6[%select_n3A_149, %dma_start3A_531, %dma_start3A_537] : memref<3x8x128xi32, #tpu.memory_space<vmem>> -> memref<1x1x128xi32, #tpu.memory_space<vmem>>
        %dma_start3A_539 = tpu.memref_squeeze %dma_start3A_538 : memref<1x1x128xi32, #tpu.memory_space<vmem>> -> memref<128xi32, #tpu.memory_space<vmem>>
        %dma_start3A_540 = arith.constant 0 : i32
        %dma_start3A_541 = arith.constant 0 : i32
        %dma_start3A_542 = tpu.memref_slice %arg2[%dma_start3A_540, %dma_start3A_541] : memref<10000x64xf32, #tpu.memory_space<hbm>> -> memref<10000x64xf32, #tpu.memory_space<hbm>>
        tpu.enqueue_indirect_dma source(%dma_start3A_542 : memref<10000x64xf32, #tpu.memory_space<hbm>>) target(%dma_start3A_536 : memref<128x64xf32, #tpu.memory_space<vmem>>) offsets(%dma_start3A_539 : memref<128xi32, #tpu.memory_space<vmem>>) semaphore(%arg13 : memref<!tpu.dma_semaphore, #tpu.memory_space<semaphore_mem>>)
      } else {
      }
    }
    %scan3A_63 = arith.constant 10 : i32
    %dma_wait3A = arith.constant 4 : i32
    %dma_wait3A_64 = arith.constant 0 : i32
    %dma_wait3A_65 = arith.constant 4 : i32
    %dma_wait3A_66 = arith.constant 0 : i32
    %dma_wait3A_67 = arith.constant 0 : i32
    %dma_wait3A_68 = tpu.memref_slice %arg8[%dma_wait3A, %dma_wait3A_66, %dma_wait3A_67] : memref<8x128x64xf32, #tpu.memory_space<vmem>> -> memref<1x128x64xf32, #tpu.memory_space<vmem>>
    %dma_wait3A_69 = tpu.memref_squeeze %dma_wait3A_68 : memref<1x128x64xf32, #tpu.memory_space<vmem>> -> memref<128x64xf32, #tpu.memory_space<vmem>>
    %dma_wait3A_70 = arith.constant 0 : i32
    %dma_wait3A_71 = tpu.memref_slice %arg7[%dma_wait3A_64, %dma_wait3A_65, %dma_wait3A_70] : memref<3x8x128xi32, #tpu.memory_space<vmem>> -> memref<1x1x128xi32, #tpu.memory_space<vmem>>
    %dma_wait3A_72 = tpu.memref_squeeze %dma_wait3A_71 : memref<1x1x128xi32, #tpu.memory_space<vmem>> -> memref<128xi32, #tpu.memory_space<vmem>>
    %dma_wait3A_73 = arith.constant 0 : i32
    %dma_wait3A_74 = arith.constant 0 : i32
    %dma_wait3A_75 = tpu.memref_slice %arg9[%dma_wait3A_73, %dma_wait3A_74] : memref<10112x64xf32, #tpu.memory_space<vmem_shared>> -> memref<10112x64xf32, #tpu.memory_space<vmem_shared>>
    tpu.wait_indirect_dma semaphore(%arg22 : memref<!tpu.dma_semaphore, #tpu.memory_space<semaphore_mem>>) src(%dma_wait3A_69 : memref<128x64xf32, #tpu.memory_space<vmem>>) dst(%dma_wait3A_75 : memref<10112x64xf32, #tpu.memory_space<vmem_shared>>)
    %dma_wait3A_76 = arith.constant 5 : i32
    %dma_wait3A_77 = arith.constant 0 : i32
    %dma_wait3A_78 = arith.constant 5 : i32
    %dma_wait3A_79 = arith.constant 0 : i32
    %dma_wait3A_80 = arith.constant 0 : i32
    %dma_wait3A_81 = tpu.memref_slice %arg8[%dma_wait3A_76, %dma_wait3A_79, %dma_wait3A_80] : memref<8x128x64xf32, #tpu.memory_space<vmem>> -> memref<1x128x64xf32, #tpu.memory_space<vmem>>
    %dma_wait3A_82 = tpu.memref_squeeze %dma_wait3A_81 : memref<1x128x64xf32, #tpu.memory_space<vmem>> -> memref<128x64xf32, #tpu.memory_space<vmem>>
    %dma_wait3A_83 = arith.constant 0 : i32
    %dma_wait3A_84 = tpu.memref_slice %arg7[%dma_wait3A_77, %dma_wait3A_78, %dma_wait3A_83] : memref<3x8x128xi32, #tpu.memory_space<vmem>> -> memref<1x1x128xi32, #tpu.memory_space<vmem>>
    %dma_wait3A_85 = tpu.memref_squeeze %dma_wait3A_84 : memref<1x1x128xi32, #tpu.memory_space<vmem>> -> memref<128xi32, #tpu.memory_space<vmem>>
    %dma_wait3A_86 = arith.constant 0 : i32
    %dma_wait3A_87 = arith.constant 0 : i32
    %dma_wait3A_88 = tpu.memref_slice %arg9[%dma_wait3A_86, %dma_wait3A_87] : memref<10112x64xf32, #tpu.memory_space<vmem_shared>> -> memref<10112x64xf32, #tpu.memory_space<vmem_shared>>
    tpu.wait_indirect_dma semaphore(%arg23 : memref<!tpu.dma_semaphore, #tpu.memory_space<semaphore_mem>>) src(%dma_wait3A_82 : memref<128x64xf32, #tpu.memory_space<vmem>>) dst(%dma_wait3A_88 : memref<10112x64xf32, #tpu.memory_space<vmem_shared>>)
    %dma_wait3A_89 = arith.constant 6 : i32
    %dma_wait3A_90 = arith.constant 0 : i32
    %dma_wait3A_91 = arith.constant 6 : i32
    %dma_wait3A_92 = arith.constant 0 : i32
    %dma_wait3A_93 = arith.constant 0 : i32
    %dma_wait3A_94 = tpu.memref_slice %arg8[%dma_wait3A_89, %dma_wait3A_92, %dma_wait3A_93] : memref<8x128x64xf32, #tpu.memory_space<vmem>> -> memref<1x128x64xf32, #tpu.memory_space<vmem>>
    %dma_wait3A_95 = tpu.memref_squeeze %dma_wait3A_94 : memref<1x128x64xf32, #tpu.memory_space<vmem>> -> memref<128x64xf32, #tpu.memory_space<vmem>>
    %dma_wait3A_96 = arith.constant 0 : i32
    %dma_wait3A_97 = tpu.memref_slice %arg7[%dma_wait3A_90, %dma_wait3A_91, %dma_wait3A_96] : memref<3x8x128xi32, #tpu.memory_space<vmem>> -> memref<1x1x128xi32, #tpu.memory_space<vmem>>
    %dma_wait3A_98 = tpu.memref_squeeze %dma_wait3A_97 : memref<1x1x128xi32, #tpu.memory_space<vmem>> -> memref<128xi32, #tpu.memory_space<vmem>>
    %dma_wait3A_99 = arith.constant 0 : i32
    %dma_wait3A_100 = arith.constant 0 : i32
    %dma_wait3A_101 = tpu.memref_slice %arg9[%dma_wait3A_99, %dma_wait3A_100] : memref<10112x64xf32, #tpu.memory_space<vmem_shared>> -> memref<10112x64xf32, #tpu.memory_space<vmem_shared>>
    tpu.wait_indirect_dma semaphore(%arg24 : memref<!tpu.dma_semaphore, #tpu.memory_space<semaphore_mem>>) src(%dma_wait3A_95 : memref<128x64xf32, #tpu.memory_space<vmem>>) dst(%dma_wait3A_101 : memref<10112x64xf32, #tpu.memory_space<vmem_shared>>)
    %dma_wait3A_102 = arith.constant 7 : i32
    %dma_wait3A_103 = arith.constant 0 : i32
    %dma_wait3A_104 = arith.constant 7 : i32
    %dma_wait3A_105 = arith.constant 0 : i32
    %dma_wait3A_106 = arith.constant 0 : i32
    %dma_wait3A_107 = tpu.memref_slice %arg8[%dma_wait3A_102, %dma_wait3A_105, %dma_wait3A_106] : memref<8x128x64xf32, #tpu.memory_space<vmem>> -> memref<1x128x64xf32, #tpu.memory_space<vmem>>
    %dma_wait3A_108 = tpu.memref_squeeze %dma_wait3A_107 : memref<1x128x64xf32, #tpu.memory_space<vmem>> -> memref<128x64xf32, #tpu.memory_space<vmem>>
    %dma_wait3A_109 = arith.constant 0 : i32
    %dma_wait3A_110 = tpu.memref_slice %arg7[%dma_wait3A_103, %dma_wait3A_104, %dma_wait3A_109] : memref<3x8x128xi32, #tpu.memory_space<vmem>> -> memref<1x1x128xi32, #tpu.memory_space<vmem>>
    %dma_wait3A_111 = tpu.memref_squeeze %dma_wait3A_110 : memref<1x1x128xi32, #tpu.memory_space<vmem>> -> memref<128xi32, #tpu.memory_space<vmem>>
    %dma_wait3A_112 = arith.constant 0 : i32
    %dma_wait3A_113 = arith.constant 0 : i32
    %dma_wait3A_114 = tpu.memref_slice %arg9[%dma_wait3A_112, %dma_wait3A_113] : memref<10112x64xf32, #tpu.memory_space<vmem_shared>> -> memref<10112x64xf32, #tpu.memory_space<vmem_shared>>
    tpu.wait_indirect_dma semaphore(%arg25 : memref<!tpu.dma_semaphore, #tpu.memory_space<semaphore_mem>>) src(%dma_wait3A_108 : memref<128x64xf32, #tpu.memory_space<vmem>>) dst(%dma_wait3A_114 : memref<10112x64xf32, #tpu.memory_space<vmem_shared>>)
    %barrier3A_115 = arith.constant 0 : index
    tpu.barrier barrier_id(%barrier3A_115)
    %mul3A_116 = arith.constant 632 : i32
    %mul3A_117 = arith.muli %arg1, %mul3A_116 : i32
    %mul3A_118 = arith.constant 632 : i32
    %mul3A_119 = arith.muli %arg1, %mul3A_118 : i32
    "tpu.region"() ({
      %run_scoped3A_120 = tpu.sem_alloc : memref<!tpu.dma_semaphore, #tpu.memory_space<semaphore_mem>>
      %dma_start3A_121 = arith.constant 0 : i32
      %dma_start3A_122 = tpu.memref_slice %arg5[%arg0, %mul3A_119, %dma_start3A_121] : memref<2x10112x64xf32, #tpu.memory_space<hbm>> -> memref<1x632x64xf32, #tpu.memory_space<hbm>>
      %dma_start3A_123 = tpu.memref_squeeze %dma_start3A_122 : memref<1x632x64xf32, #tpu.memory_space<hbm>> -> memref<632x64xf32, #tpu.memory_space<hbm>>
      %dma_start3A_124 = arith.constant 0 : i32
      %dma_start3A_125 = tpu.memref_slice %arg9[%mul3A_117, %dma_start3A_124] : memref<10112x64xf32, #tpu.memory_space<vmem_shared>> -> memref<632x64xf32, #tpu.memory_space<vmem_shared>>
      tpu.enqueue_dma source(%dma_start3A_125 : memref<632x64xf32, #tpu.memory_space<vmem_shared>>) target(%dma_start3A_123 : memref<632x64xf32, #tpu.memory_space<hbm>>) target_semaphore(%run_scoped3A_120 : memref<!tpu.dma_semaphore, #tpu.memory_space<semaphore_mem>>)
      %dma_wait3A_126 = arith.constant 0 : i32
      %dma_wait3A_127 = tpu.memref_slice %arg5[%arg0, %mul3A_119, %dma_wait3A_126] : memref<2x10112x64xf32, #tpu.memory_space<hbm>> -> memref<1x632x64xf32, #tpu.memory_space<hbm>>
      %dma_wait3A_128 = tpu.memref_squeeze %dma_wait3A_127 : memref<1x632x64xf32, #tpu.memory_space<hbm>> -> memref<632x64xf32, #tpu.memory_space<hbm>>
      %dma_wait3A_129 = arith.constant 0 : i32
      %dma_wait3A_130 = tpu.memref_slice %arg9[%mul3A_117, %dma_wait3A_129] : memref<10112x64xf32, #tpu.memory_space<vmem_shared>> -> memref<632x64xf32, #tpu.memory_space<vmem_shared>>
      tpu.wait_dma2 semaphore(%run_scoped3A_120 : memref<!tpu.dma_semaphore, #tpu.memory_space<semaphore_mem>>) src(%dma_wait3A_130 : memref<632x64xf32, #tpu.memory_space<vmem_shared>>) dst(%dma_wait3A_128 : memref<632x64xf32, #tpu.memory_space<hbm>>)
      tpu.yield
    }) : () -> ()
    return
  }
}

#map = affine_map<(d0, d1) -> (0, 0)>
#map1 = affine_map<(d0, d1) -> (0, 0, 0)>
module attributes {stable_mosaic.version = 14 : i64} {
  func.func @_seg_body(%arg0: i32, %arg1: i32, %arg2: memref<10000x64xf32, #tpu.memory_space<hbm>>, %arg3: memref<32x80x128xi32, #tpu.memory_space<hbm>>, %arg4: memref<32x80x128xi32, #tpu.memory_space<hbm>>, %arg5: memref<2x10112x64xf32, #tpu.memory_space<hbm>>, %arg6: memref<3x8x128xi32, #tpu.memory_space<vmem>>, %arg7: memref<3x8x128xi32, #tpu.memory_space<vmem>>, %arg8: memref<8x128x64xf32, #tpu.memory_space<vmem>>, %arg9: memref<10112x64xf32, #tpu.memory_space<vmem_shared>>, %arg10: memref<!tpu.dma_semaphore, #tpu.memory_space<semaphore_mem>>, %arg11: memref<!tpu.dma_semaphore, #tpu.memory_space<semaphore_mem>>, %arg12: memref<!tpu.dma_semaphore, #tpu.memory_space<semaphore_mem>>, %arg13: memref<!tpu.dma_semaphore, #tpu.memory_space<semaphore_mem>>, %arg14: memref<!tpu.dma_semaphore, #tpu.memory_space<semaphore_mem>>, %arg15: memref<!tpu.dma_semaphore, #tpu.memory_space<semaphore_mem>>, %arg16: memref<!tpu.dma_semaphore, #tpu.memory_space<semaphore_mem>>, %arg17: memref<!tpu.dma_semaphore, #tpu.memory_space<semaphore_mem>>, %arg18: memref<!tpu.dma_semaphore, #tpu.memory_space<semaphore_mem>>, %arg19: memref<!tpu.dma_semaphore, #tpu.memory_space<semaphore_mem>>, %arg20: memref<!tpu.dma_semaphore, #tpu.memory_space<semaphore_mem>>, %arg21: memref<!tpu.dma_semaphore, #tpu.memory_space<semaphore_mem>>, %arg22: memref<!tpu.dma_semaphore, #tpu.memory_space<semaphore_mem>>, %arg23: memref<!tpu.dma_semaphore, #tpu.memory_space<semaphore_mem>>, %arg24: memref<!tpu.dma_semaphore, #tpu.memory_space<semaphore_mem>>, %arg25: memref<!tpu.dma_semaphore, #tpu.memory_space<semaphore_mem>>, %arg26: memref<!tpu.dma_semaphore, #tpu.memory_space<semaphore_mem>>) attributes {dimension_semantics = [#tpu.dimension_semantics<core_parallel>, #tpu.dimension_semantics<subcore_parallel>], iteration_bounds = array<i64: 2, 16>, scalar_prefetch = 0 : i64, scratch_operands = 21 : i64, tpu.core_type = #tpu.core_type<sc_vector_subcore>, window_params = [{transform_indices = #map}, {transform_indices = #map1}, {transform_indices = #map1}, {transform_indices = #map1}]} {
    %mul3A = arith.constant 16 : i32
    %mul3A_0 = arith.muli %arg0, %mul3A : i32
    %add3A = arith.addi %mul3A_0, %arg1 : i32
    %run_scoped3A = arith.constant 0 : i32
    "tpu.region"() ({
      %run_scoped3A_120 = tpu.sem_alloc : memref<!tpu.dma_semaphore, #tpu.memory_space<semaphore_mem>>
      %dma_start3A_121 = arith.constant 0 : i32
      %dma_start3A_122 = arith.constant 0 : i32
      %dma_start3A_123 = tpu.memref_slice %arg6[%run_scoped3A, %dma_start3A_121, %dma_start3A_122] : memref<3x8x128xi32, #tpu.memory_space<vmem>> -> memref<1x8x128xi32, #tpu.memory_space<vmem>>
      %dma_start3A_124 = tpu.memref_squeeze %dma_start3A_123 : memref<1x8x128xi32, #tpu.memory_space<vmem>> -> memref<8x128xi32, #tpu.memory_space<vmem>>
      %dma_start3A_125 = arith.constant 0 : i32
      %dma_start3A_126 = arith.constant 0 : i32
      %dma_start3A_127 = tpu.memref_slice %arg3[%add3A, %dma_start3A_125, %dma_start3A_126] : memref<32x80x128xi32, #tpu.memory_space<hbm>> -> memref<1x8x128xi32, #tpu.memory_space<hbm>>
      %dma_start3A_128 = tpu.memref_squeeze %dma_start3A_127 : memref<1x8x128xi32, #tpu.memory_space<hbm>> -> memref<8x128xi32, #tpu.memory_space<hbm>>
      %dma_start3A_129 = arith.constant 0 : i32
      %dma_start3A_130 = arith.constant 0 : i32
      %dma_start3A_131 = tpu.memref_slice %arg6[%run_scoped3A, %dma_start3A_129, %dma_start3A_130] : memref<3x8x128xi32, #tpu.memory_space<vmem>> -> memref<1x8x128xi32, #tpu.memory_space<vmem>>
      %dma_start3A_132 = tpu.memref_squeeze %dma_start3A_131 : memref<1x8x128xi32, #tpu.memory_space<vmem>> -> memref<8x128xi32, #tpu.memory_space<vmem>>
      %dma_start3A_133 = arith.constant 0 : i32
      %dma_start3A_134 = arith.constant 0 : i32
      %dma_start3A_135 = tpu.memref_slice %arg3[%add3A, %dma_start3A_133, %dma_start3A_134] : memref<32x80x128xi32, #tpu.memory_space<hbm>> -> memref<1x8x128xi32, #tpu.memory_space<hbm>>
      %dma_start3A_136 = tpu.memref_squeeze %dma_start3A_135 : memref<1x8x128xi32, #tpu.memory_space<hbm>> -> memref<8x128xi32, #tpu.memory_space<hbm>>
      tpu.enqueue_dma source(%dma_start3A_136 : memref<8x128xi32, #tpu.memory_space<hbm>>) target(%dma_start3A_132 : memref<8x128xi32, #tpu.memory_space<vmem>>) target_semaphore(%run_scoped3A_120 : memref<!tpu.dma_semaphore, #tpu.memory_space<semaphore_mem>>)
      %dma_wait3A_137 = arith.constant 0 : i32
      %dma_wait3A_138 = arith.constant 0 : i32
      %dma_wait3A_139 = tpu.memref_slice %arg6[%run_scoped3A, %dma_wait3A_137, %dma_wait3A_138] : memref<3x8x128xi32, #tpu.memory_space<vmem>> -> memref<1x8x128xi32, #tpu.memory_space<vmem>>
      %dma_wait3A_140 = tpu.memref_squeeze %dma_wait3A_139 : memref<1x8x128xi32, #tpu.memory_space<vmem>> -> memref<8x128xi32, #tpu.memory_space<vmem>>
      %dma_wait3A_141 = arith.constant 0 : i32
      %dma_wait3A_142 = arith.constant 0 : i32
      %dma_wait3A_143 = tpu.memref_slice %arg3[%add3A, %dma_wait3A_141, %dma_wait3A_142] : memref<32x80x128xi32, #tpu.memory_space<hbm>> -> memref<1x8x128xi32, #tpu.memory_space<hbm>>
      %dma_wait3A_144 = tpu.memref_squeeze %dma_wait3A_143 : memref<1x8x128xi32, #tpu.memory_space<hbm>> -> memref<8x128xi32, #tpu.memory_space<hbm>>
      %dma_wait3A_145 = arith.constant 0 : i32
      %dma_wait3A_146 = arith.constant 0 : i32
      %dma_wait3A_147 = tpu.memref_slice %arg6[%run_scoped3A, %dma_wait3A_145, %dma_wait3A_146] : memref<3x8x128xi32, #tpu.memory_space<vmem>> -> memref<1x8x128xi32, #tpu.memory_space<vmem>>
      %dma_wait3A_148 = tpu.memref_squeeze %dma_wait3A_147 : memref<1x8x128xi32, #tpu.memory_space<vmem>> -> memref<8x128xi32, #tpu.memory_space<vmem>>
      %dma_wait3A_149 = arith.constant 0 : i32
      %dma_wait3A_150 = arith.constant 0 : i32
      %dma_wait3A_151 = tpu.memref_slice %arg3[%add3A, %dma_wait3A_149, %dma_wait3A_150] : memref<32x80x128xi32, #tpu.memory_space<hbm>> -> memref<1x8x128xi32, #tpu.memory_space<hbm>>
      %dma_wait3A_152 = tpu.memref_squeeze %dma_wait3A_151 : memref<1x8x128xi32, #tpu.memory_space<hbm>> -> memref<8x128xi32, #tpu.memory_space<hbm>>
      tpu.wait_dma2 semaphore(%run_scoped3A_120 : memref<!tpu.dma_semaphore, #tpu.memory_space<semaphore_mem>>) src(%dma_wait3A_152 : memref<8x128xi32, #tpu.memory_space<hbm>>) dst(%dma_wait3A_148 : memref<8x128xi32, #tpu.memory_space<vmem>>)
      tpu.yield
    }) : () -> ()
    %run_scoped3A_1 = arith.constant 0 : i32
    "tpu.region"() ({
      %run_scoped3A_120 = tpu.sem_alloc : memref<!tpu.dma_semaphore, #tpu.memory_space<semaphore_mem>>
      %dma_start3A_121 = arith.constant 0 : i32
      %dma_start3A_122 = arith.constant 0 : i32
      %dma_start3A_123 = tpu.memref_slice %arg7[%run_scoped3A_1, %dma_start3A_121, %dma_start3A_122] : memref<3x8x128xi32, #tpu.memory_space<vmem>> -> memref<1x8x128xi32, #tpu.memory_space<vmem>>
      %dma_start3A_124 = tpu.memref_squeeze %dma_start3A_123 : memref<1x8x128xi32, #tpu.memory_space<vmem>> -> memref<8x128xi32, #tpu.memory_space<vmem>>
      %dma_start3A_125 = arith.constant 0 : i32
      %dma_start3A_126 = arith.constant 0 : i32
      %dma_start3A_127 = tpu.memref_slice %arg4[%add3A, %dma_start3A_125, %dma_start3A_126] : memref<32x80x128xi32, #tpu.memory_space<hbm>> -> memref<1x8x128xi32, #tpu.memory_space<hbm>>
      %dma_start3A_128 = tpu.memref_squeeze %dma_start3A_127 : memref<1x8x128xi32, #tpu.memory_space<hbm>> -> memref<8x128xi32, #tpu.memory_space<hbm>>
      %dma_start3A_129 = arith.constant 0 : i32
      %dma_start3A_130 = arith.constant 0 : i32
      %dma_start3A_131 = tpu.memref_slice %arg7[%run_scoped3A_1, %dma_start3A_129, %dma_start3A_130] : memref<3x8x128xi32, #tpu.memory_space<vmem>> -> memref<1x8x128xi32, #tpu.memory_space<vmem>>
      %dma_start3A_132 = tpu.memref_squeeze %dma_start3A_131 : memref<1x8x128xi32, #tpu.memory_space<vmem>> -> memref<8x128xi32, #tpu.memory_space<vmem>>
      %dma_start3A_133 = arith.constant 0 : i32
      %dma_start3A_134 = arith.constant 0 : i32
      %dma_start3A_135 = tpu.memref_slice %arg4[%add3A, %dma_start3A_133, %dma_start3A_134] : memref<32x80x128xi32, #tpu.memory_space<hbm>> -> memref<1x8x128xi32, #tpu.memory_space<hbm>>
      %dma_start3A_136 = tpu.memref_squeeze %dma_start3A_135 : memref<1x8x128xi32, #tpu.memory_space<hbm>> -> memref<8x128xi32, #tpu.memory_space<hbm>>
      tpu.enqueue_dma source(%dma_start3A_136 : memref<8x128xi32, #tpu.memory_space<hbm>>) target(%dma_start3A_132 : memref<8x128xi32, #tpu.memory_space<vmem>>) target_semaphore(%run_scoped3A_120 : memref<!tpu.dma_semaphore, #tpu.memory_space<semaphore_mem>>)
      %dma_wait3A_137 = arith.constant 0 : i32
      %dma_wait3A_138 = arith.constant 0 : i32
      %dma_wait3A_139 = tpu.memref_slice %arg7[%run_scoped3A_1, %dma_wait3A_137, %dma_wait3A_138] : memref<3x8x128xi32, #tpu.memory_space<vmem>> -> memref<1x8x128xi32, #tpu.memory_space<vmem>>
      %dma_wait3A_140 = tpu.memref_squeeze %dma_wait3A_139 : memref<1x8x128xi32, #tpu.memory_space<vmem>> -> memref<8x128xi32, #tpu.memory_space<vmem>>
      %dma_wait3A_141 = arith.constant 0 : i32
      %dma_wait3A_142 = arith.constant 0 : i32
      %dma_wait3A_143 = tpu.memref_slice %arg4[%add3A, %dma_wait3A_141, %dma_wait3A_142] : memref<32x80x128xi32, #tpu.memory_space<hbm>> -> memref<1x8x128xi32, #tpu.memory_space<hbm>>
      %dma_wait3A_144 = tpu.memref_squeeze %dma_wait3A_143 : memref<1x8x128xi32, #tpu.memory_space<hbm>> -> memref<8x128xi32, #tpu.memory_space<hbm>>
      %dma_wait3A_145 = arith.constant 0 : i32
      %dma_wait3A_146 = arith.constant 0 : i32
      %dma_wait3A_147 = tpu.memref_slice %arg7[%run_scoped3A_1, %dma_wait3A_145, %dma_wait3A_146] : memref<3x8x128xi32, #tpu.memory_space<vmem>> -> memref<1x8x128xi32, #tpu.memory_space<vmem>>
      %dma_wait3A_148 = tpu.memref_squeeze %dma_wait3A_147 : memref<1x8x128xi32, #tpu.memory_space<vmem>> -> memref<8x128xi32, #tpu.memory_space<vmem>>
      %dma_wait3A_149 = arith.constant 0 : i32
      %dma_wait3A_150 = arith.constant 0 : i32
      %dma_wait3A_151 = tpu.memref_slice %arg4[%add3A, %dma_wait3A_149, %dma_wait3A_150] : memref<32x80x128xi32, #tpu.memory_space<hbm>> -> memref<1x8x128xi32, #tpu.memory_space<hbm>>
      %dma_wait3A_152 = tpu.memref_squeeze %dma_wait3A_151 : memref<1x8x128xi32, #tpu.memory_space<hbm>> -> memref<8x128xi32, #tpu.memory_space<hbm>>
      tpu.wait_dma2 semaphore(%run_scoped3A_120 : memref<!tpu.dma_semaphore, #tpu.memory_space<semaphore_mem>>) src(%dma_wait3A_152 : memref<8x128xi32, #tpu.memory_space<hbm>>) dst(%dma_wait3A_148 : memref<8x128xi32, #tpu.memory_space<vmem>>)
      tpu.yield
    }) : () -> ()
    %lt3A = arith.constant 15 : i32
    %lt3A_2 = arith.cmpi slt, %arg1, %lt3A : i32
    %convert_element_type3A = arith.extui %lt3A_2 : i1 to i32
    %cond3A = arith.constant 0 : i32
    %cond3A_3 = arith.cmpi ne, %convert_element_type3A, %cond3A : i32
    scf.if %cond3A_3 {
      %mul3A_120 = arith.constant 632 : i32
      %mul3A_121 = arith.muli %arg1, %mul3A_120 : i32
      %mul3A_122 = arith.constant 632 : i32
      %mul3A_123 = arith.muli %arg1, %mul3A_122 : i32
      "tpu.region"() ({
        %run_scoped3A_124 = tpu.sem_alloc : memref<!tpu.dma_semaphore, #tpu.memory_space<semaphore_mem>>
        %dma_start3A_125 = arith.constant 0 : i32
        %dma_start3A_126 = tpu.memref_slice %arg9[%mul3A_123, %dma_start3A_125] : memref<10112x64xf32, #tpu.memory_space<vmem_shared>> -> memref<632x64xf32, #tpu.memory_space<vmem_shared>>
        %dma_start3A_127 = arith.constant 0 : i32
        %dma_start3A_128 = tpu.memref_slice %arg2[%mul3A_121, %dma_start3A_127] : memref<10000x64xf32, #tpu.memory_space<hbm>> -> memref<632x64xf32, #tpu.memory_space<hbm>>
        tpu.enqueue_dma source(%dma_start3A_128 : memref<632x64xf32, #tpu.memory_space<hbm>>) target(%dma_start3A_126 : memref<632x64xf32, #tpu.memory_space<vmem_shared>>) target_semaphore(%run_scoped3A_124 : memref<!tpu.dma_semaphore, #tpu.memory_space<semaphore_mem>>)
        %dma_wait3A_129 = arith.constant 0 : i32
        %dma_wait3A_130 = tpu.memref_slice %arg9[%mul3A_123, %dma_wait3A_129] : memref<10112x64xf32, #tpu.memory_space<vmem_shared>> -> memref<632x64xf32, #tpu.memory_space<vmem_shared>>
        %dma_wait3A_131 = arith.constant 0 : i32
        %dma_wait3A_132 = tpu.memref_slice %arg2[%mul3A_121, %dma_wait3A_131] : memref<10000x64xf32, #tpu.memory_space<hbm>> -> memref<632x64xf32, #tpu.memory_space<hbm>>
        tpu.wait_dma2 semaphore(%run_scoped3A_124 : memref<!tpu.dma_semaphore, #tpu.memory_space<semaphore_mem>>) src(%dma_wait3A_132 : memref<632x64xf32, #tpu.memory_space<hbm>>) dst(%dma_wait3A_130 : memref<632x64xf32, #tpu.memory_space<vmem_shared>>)
        tpu.yield
      }) : () -> ()
    } else {
    }
    %eq3A = arith.constant 15 : i32
    %eq3A_4 = arith.cmpi eq, %arg1, %eq3A : i32
    %convert_element_type3A_5 = arith.extui %eq3A_4 : i1 to i32
    %cond3A_6 = arith.constant 0 : i32
    %cond3A_7 = arith.cmpi ne, %convert_element_type3A_5, %cond3A_6 : i32
    scf.if %cond3A_7 {
      "tpu.region"() ({
        %run_scoped3A_120 = tpu.sem_alloc : memref<!tpu.dma_semaphore, #tpu.memory_space<semaphore_mem>>
        %dma_start3A_121 = arith.constant 9480 : i32
        %dma_start3A_122 = arith.constant 0 : i32
        %dma_start3A_123 = tpu.memref_slice %arg9[%dma_start3A_121, %dma_start3A_122] : memref<10112x64xf32, #tpu.memory_space<vmem_shared>> -> memref<520x64xf32, #tpu.memory_space<vmem_shared>>
        %dma_start3A_124 = arith.constant 9480 : i32
        %dma_start3A_125 = arith.constant 0 : i32
        %dma_start3A_126 = tpu.memref_slice %arg2[%dma_start3A_124, %dma_start3A_125] : memref<10000x64xf32, #tpu.memory_space<hbm>> -> memref<520x64xf32, #tpu.memory_space<hbm>>
        tpu.enqueue_dma source(%dma_start3A_126 : memref<520x64xf32, #tpu.memory_space<hbm>>) target(%dma_start3A_123 : memref<520x64xf32, #tpu.memory_space<vmem_shared>>) target_semaphore(%run_scoped3A_120 : memref<!tpu.dma_semaphore, #tpu.memory_space<semaphore_mem>>)
        %dma_wait3A_127 = arith.constant 9480 : i32
        %dma_wait3A_128 = arith.constant 0 : i32
        %dma_wait3A_129 = tpu.memref_slice %arg9[%dma_wait3A_127, %dma_wait3A_128] : memref<10112x64xf32, #tpu.memory_space<vmem_shared>> -> memref<520x64xf32, #tpu.memory_space<vmem_shared>>
        %dma_wait3A_130 = arith.constant 9480 : i32
        %dma_wait3A_131 = arith.constant 0 : i32
        %dma_wait3A_132 = tpu.memref_slice %arg2[%dma_wait3A_130, %dma_wait3A_131] : memref<10000x64xf32, #tpu.memory_space<hbm>> -> memref<520x64xf32, #tpu.memory_space<hbm>>
        tpu.wait_dma2 semaphore(%run_scoped3A_120 : memref<!tpu.dma_semaphore, #tpu.memory_space<semaphore_mem>>) src(%dma_wait3A_132 : memref<520x64xf32, #tpu.memory_space<hbm>>) dst(%dma_wait3A_129 : memref<520x64xf32, #tpu.memory_space<vmem_shared>>)
        tpu.yield
      }) : () -> ()
    } else {
    }
    %barrier3A = arith.constant 0 : index
    tpu.barrier barrier_id(%barrier3A)
    %dma_start3A = arith.constant 0 : i32
    %dma_start3A_8 = arith.constant 0 : i32
    %dma_start3A_9 = arith.constant 0 : i32
    %dma_start3A_10 = arith.constant 0 : i32
    %dma_start3A_11 = arith.constant 0 : i32
    %dma_start3A_12 = tpu.memref_slice %arg8[%dma_start3A_9, %dma_start3A_10, %dma_start3A_11] : memref<8x128x64xf32, #tpu.memory_space<vmem>> -> memref<1x128x64xf32, #tpu.memory_space<vmem>>
    %dma_start3A_13 = tpu.memref_squeeze %dma_start3A_12 : memref<1x128x64xf32, #tpu.memory_space<vmem>> -> memref<128x64xf32, #tpu.memory_space<vmem>>
    %dma_start3A_14 = arith.constant 0 : i32
    %dma_start3A_15 = tpu.memref_slice %arg6[%dma_start3A, %dma_start3A_8, %dma_start3A_14] : memref<3x8x128xi32, #tpu.memory_space<vmem>> -> memref<1x1x128xi32, #tpu.memory_space<vmem>>
    %dma_start3A_16 = tpu.memref_squeeze %dma_start3A_15 : memref<1x1x128xi32, #tpu.memory_space<vmem>> -> memref<128xi32, #tpu.memory_space<vmem>>
    %dma_start3A_17 = arith.constant 0 : i32
    %dma_start3A_18 = arith.constant 0 : i32
    %dma_start3A_19 = tpu.memref_slice %arg2[%dma_start3A_17, %dma_start3A_18] : memref<10000x64xf32, #tpu.memory_space<hbm>> -> memref<10000x64xf32, #tpu.memory_space<hbm>>
    tpu.enqueue_indirect_dma source(%dma_start3A_19 : memref<10000x64xf32, #tpu.memory_space<hbm>>) target(%dma_start3A_13 : memref<128x64xf32, #tpu.memory_space<vmem>>) offsets(%dma_start3A_16 : memref<128xi32, #tpu.memory_space<vmem>>) semaphore(%arg10 : memref<!tpu.dma_semaphore, #tpu.memory_space<semaphore_mem>>)
    %dma_start3A_20 = arith.constant 0 : i32
    %dma_start3A_21 = arith.constant 1 : i32
    %dma_start3A_22 = arith.constant 1 : i32
    %dma_start3A_23 = arith.constant 0 : i32
    %dma_start3A_24 = arith.constant 0 : i32
    %dma_start3A_25 = tpu.memref_slice %arg8[%dma_start3A_22, %dma_start3A_23, %dma_start3A_24] : memref<8x128x64xf32, #tpu.memory_space<vmem>> -> memref<1x128x64xf32, #tpu.memory_space<vmem>>
    %dma_start3A_26 = tpu.memref_squeeze %dma_start3A_25 : memref<1x128x64xf32, #tpu.memory_space<vmem>> -> memref<128x64xf32, #tpu.memory_space<vmem>>
    %dma_start3A_27 = arith.constant 0 : i32
    %dma_start3A_28 = tpu.memref_slice %arg6[%dma_start3A_20, %dma_start3A_21, %dma_start3A_27] : memref<3x8x128xi32, #tpu.memory_space<vmem>> -> memref<1x1x128xi32, #tpu.memory_space<vmem>>
    %dma_start3A_29 = tpu.memref_squeeze %dma_start3A_28 : memref<1x1x128xi32, #tpu.memory_space<vmem>> -> memref<128xi32, #tpu.memory_space<vmem>>
    %dma_start3A_30 = arith.constant 0 : i32
    %dma_start3A_31 = arith.constant 0 : i32
    %dma_start3A_32 = tpu.memref_slice %arg2[%dma_start3A_30, %dma_start3A_31] : memref<10000x64xf32, #tpu.memory_space<hbm>> -> memref<10000x64xf32, #tpu.memory_space<hbm>>
    tpu.enqueue_indirect_dma source(%dma_start3A_32 : memref<10000x64xf32, #tpu.memory_space<hbm>>) target(%dma_start3A_26 : memref<128x64xf32, #tpu.memory_space<vmem>>) offsets(%dma_start3A_29 : memref<128xi32, #tpu.memory_space<vmem>>) semaphore(%arg11 : memref<!tpu.dma_semaphore, #tpu.memory_space<semaphore_mem>>)
    %dma_start3A_33 = arith.constant 0 : i32
    %dma_start3A_34 = arith.constant 2 : i32
    %dma_start3A_35 = arith.constant 2 : i32
    %dma_start3A_36 = arith.constant 0 : i32
    %dma_start3A_37 = arith.constant 0 : i32
    %dma_start3A_38 = tpu.memref_slice %arg8[%dma_start3A_35, %dma_start3A_36, %dma_start3A_37] : memref<8x128x64xf32, #tpu.memory_space<vmem>> -> memref<1x128x64xf32, #tpu.memory_space<vmem>>
    %dma_start3A_39 = tpu.memref_squeeze %dma_start3A_38 : memref<1x128x64xf32, #tpu.memory_space<vmem>> -> memref<128x64xf32, #tpu.memory_space<vmem>>
    %dma_start3A_40 = arith.constant 0 : i32
    %dma_start3A_41 = tpu.memref_slice %arg6[%dma_start3A_33, %dma_start3A_34, %dma_start3A_40] : memref<3x8x128xi32, #tpu.memory_space<vmem>> -> memref<1x1x128xi32, #tpu.memory_space<vmem>>
    %dma_start3A_42 = tpu.memref_squeeze %dma_start3A_41 : memref<1x1x128xi32, #tpu.memory_space<vmem>> -> memref<128xi32, #tpu.memory_space<vmem>>
    %dma_start3A_43 = arith.constant 0 : i32
    %dma_start3A_44 = arith.constant 0 : i32
    %dma_start3A_45 = tpu.memref_slice %arg2[%dma_start3A_43, %dma_start3A_44] : memref<10000x64xf32, #tpu.memory_space<hbm>> -> memref<10000x64xf32, #tpu.memory_space<hbm>>
    tpu.enqueue_indirect_dma source(%dma_start3A_45 : memref<10000x64xf32, #tpu.memory_space<hbm>>) target(%dma_start3A_39 : memref<128x64xf32, #tpu.memory_space<vmem>>) offsets(%dma_start3A_42 : memref<128xi32, #tpu.memory_space<vmem>>) semaphore(%arg12 : memref<!tpu.dma_semaphore, #tpu.memory_space<semaphore_mem>>)
    %dma_start3A_46 = arith.constant 0 : i32
    %dma_start3A_47 = arith.constant 3 : i32
    %dma_start3A_48 = arith.constant 3 : i32
    %dma_start3A_49 = arith.constant 0 : i32
    %dma_start3A_50 = arith.constant 0 : i32
    %dma_start3A_51 = tpu.memref_slice %arg8[%dma_start3A_48, %dma_start3A_49, %dma_start3A_50] : memref<8x128x64xf32, #tpu.memory_space<vmem>> -> memref<1x128x64xf32, #tpu.memory_space<vmem>>
    %dma_start3A_52 = tpu.memref_squeeze %dma_start3A_51 : memref<1x128x64xf32, #tpu.memory_space<vmem>> -> memref<128x64xf32, #tpu.memory_space<vmem>>
    %dma_start3A_53 = arith.constant 0 : i32
    %dma_start3A_54 = tpu.memref_slice %arg6[%dma_start3A_46, %dma_start3A_47, %dma_start3A_53] : memref<3x8x128xi32, #tpu.memory_space<vmem>> -> memref<1x1x128xi32, #tpu.memory_space<vmem>>
    %dma_start3A_55 = tpu.memref_squeeze %dma_start3A_54 : memref<1x1x128xi32, #tpu.memory_space<vmem>> -> memref<128xi32, #tpu.memory_space<vmem>>
    %dma_start3A_56 = arith.constant 0 : i32
    %dma_start3A_57 = arith.constant 0 : i32
    %dma_start3A_58 = tpu.memref_slice %arg2[%dma_start3A_56, %dma_start3A_57] : memref<10000x64xf32, #tpu.memory_space<hbm>> -> memref<10000x64xf32, #tpu.memory_space<hbm>>
    tpu.enqueue_indirect_dma source(%dma_start3A_58 : memref<10000x64xf32, #tpu.memory_space<hbm>>) target(%dma_start3A_52 : memref<128x64xf32, #tpu.memory_space<vmem>>) offsets(%dma_start3A_55 : memref<128xi32, #tpu.memory_space<vmem>>) semaphore(%arg13 : memref<!tpu.dma_semaphore, #tpu.memory_space<semaphore_mem>>)
    %scan3A = arith.constant 0 : i32
    %scan3A_59 = arith.constant 0 : i32
    %scan3A_60 = arith.constant 10 : i32
    %scan3A_61 = arith.addi %scan3A_59, %scan3A_60 : i32
    %scan3A_62 = arith.constant 1 : i32
    scf.for %scan3A_120 = %scan3A_59 to %scan3A_61 step %scan3A_62  : i32 {
      %jit3A = arith.constant 3 : i32
      %eq3A_121 = arith.constant 0 : i32
      %eq3A_122 = arith.cmpi eq, %jit3A, %eq3A_121 : i32
      %jit3A_123 = arith.constant 1 : i32
      %select_n3A = arith.select %eq3A_122, %jit3A_123, %jit3A : i32
      %rem3A = arith.remsi %scan3A_120, %select_n3A : i32
      %ne3A = arith.constant 0 : i32
      %ne3A_124 = arith.cmpi ne, %rem3A, %ne3A : i32
      %lt3A_125 = arith.constant 0 : i32
      %lt3A_126 = arith.cmpi slt, %rem3A, %lt3A_125 : i32
      %lt3A_127 = arith.constant 0 : i32
      %lt3A_128 = arith.cmpi slt, %select_n3A, %lt3A_127 : i32
      %ne3A_129 = arith.xori %lt3A_126, %lt3A_128 : i1
      %and3A = arith.andi %ne3A_129, %ne3A_124 : i1
      %add3A_130 = arith.addi %rem3A, %select_n3A : i32
      %select_n3A_131 = arith.select %and3A, %add3A_130, %rem3A : i32
      %add3A_132 = arith.constant 1 : i32
      %add3A_133 = arith.addi %scan3A_120, %add3A_132 : i32
      %jit3A_134 = arith.constant 3 : i32
      %eq3A_135 = arith.constant 0 : i32
      %eq3A_136 = arith.cmpi eq, %jit3A_134, %eq3A_135 : i32
      %jit3A_137 = arith.constant 1 : i32
      %select_n3A_138 = arith.select %eq3A_136, %jit3A_137, %jit3A_134 : i32
      %rem3A_139 = arith.remsi %add3A_133, %select_n3A_138 : i32
      %ne3A_140 = arith.constant 0 : i32
      %ne3A_141 = arith.cmpi ne, %rem3A_139, %ne3A_140 : i32
      %lt3A_142 = arith.constant 0 : i32
      %lt3A_143 = arith.cmpi slt, %rem3A_139, %lt3A_142 : i32
      %lt3A_144 = arith.constant 0 : i32
      %lt3A_145 = arith.cmpi slt, %select_n3A_138, %lt3A_144 : i32
      %ne3A_146 = arith.xori %lt3A_143, %lt3A_145 : i1
      %and3A_147 = arith.andi %ne3A_146, %ne3A_141 : i1
      %add3A_148 = arith.addi %rem3A_139, %select_n3A_138 : i32
      %select_n3A_149 = arith.select %and3A_147, %add3A_148, %rem3A_139 : i32
      %mul3A_150 = arith.constant 8 : i32
      %mul3A_151 = arith.muli %scan3A_120, %mul3A_150 : i32
      %add3A_152 = arith.constant 0 : i32
      %add3A_153 = arith.addi %mul3A_151, %add3A_152 : i32
      %add3A_154 = arith.constant 1 : i32
      %add3A_155 = arith.addi %scan3A_120, %add3A_154 : i32
      %lt3A_156 = arith.constant 10 : i32
      %lt3A_157 = arith.cmpi slt, %add3A_155, %lt3A_156 : i32
      %convert_element_type3A_158 = arith.extui %lt3A_157 : i1 to i32
      %cond3A_159 = arith.constant 0 : i32
      %cond3A_160 = arith.cmpi ne, %convert_element_type3A_158, %cond3A_159 : i32
      scf.if %cond3A_160 {
        %add3A_531 = arith.constant 1 : i32
        %add3A_532 = arith.addi %scan3A_120, %add3A_531 : i32
        %mul3A_533 = arith.constant 8 : i32
        %mul3A_534 = arith.muli %add3A_532, %mul3A_533 : i32
        %dma_start3A_535 = arith.constant 0 : i32
        %dma_start3A_536 = arith.constant 0 : i32
        %dma_start3A_537 = tpu.memref_slice %arg6[%select_n3A_149, %dma_start3A_535, %dma_start3A_536] : memref<3x8x128xi32, #tpu.memory_space<vmem>> -> memref<1x8x128xi32, #tpu.memory_space<vmem>>
        %dma_start3A_538 = tpu.memref_squeeze %dma_start3A_537 : memref<1x8x128xi32, #tpu.memory_space<vmem>> -> memref<8x128xi32, #tpu.memory_space<vmem>>
        %dma_start3A_539 = arith.constant 0 : i32
        %dma_start3A_540 = tpu.memref_slice %arg3[%add3A, %mul3A_534, %dma_start3A_539] : memref<32x80x128xi32, #tpu.memory_space<hbm>> -> memref<1x8x128xi32, #tpu.memory_space<hbm>>
        %dma_start3A_541 = tpu.memref_squeeze %dma_start3A_540 : memref<1x8x128xi32, #tpu.memory_space<hbm>> -> memref<8x128xi32, #tpu.memory_space<hbm>>
        %dma_start3A_542 = arith.constant 0 : i32
        %dma_start3A_543 = arith.constant 0 : i32
        %dma_start3A_544 = tpu.memref_slice %arg6[%select_n3A_149, %dma_start3A_542, %dma_start3A_543] : memref<3x8x128xi32, #tpu.memory_space<vmem>> -> memref<1x8x128xi32, #tpu.memory_space<vmem>>
        %dma_start3A_545 = tpu.memref_squeeze %dma_start3A_544 : memref<1x8x128xi32, #tpu.memory_space<vmem>> -> memref<8x128xi32, #tpu.memory_space<vmem>>
        %dma_start3A_546 = arith.constant 0 : i32
        %dma_start3A_547 = tpu.memref_slice %arg3[%add3A, %mul3A_534, %dma_start3A_546] : memref<32x80x128xi32, #tpu.memory_space<hbm>> -> memref<1x8x128xi32, #tpu.memory_space<hbm>>
        %dma_start3A_548 = tpu.memref_squeeze %dma_start3A_547 : memref<1x8x128xi32, #tpu.memory_space<hbm>> -> memref<8x128xi32, #tpu.memory_space<hbm>>
        tpu.enqueue_dma source(%dma_start3A_548 : memref<8x128xi32, #tpu.memory_space<hbm>>) target(%dma_start3A_545 : memref<8x128xi32, #tpu.memory_space<vmem>>) target_semaphore(%arg26 : memref<!tpu.dma_semaphore, #tpu.memory_space<semaphore_mem>>)
        %dma_start3A_549 = arith.constant 0 : i32
        %dma_start3A_550 = arith.constant 0 : i32
        %dma_start3A_551 = tpu.memref_slice %arg7[%select_n3A_149, %dma_start3A_549, %dma_start3A_550] : memref<3x8x128xi32, #tpu.memory_space<vmem>> -> memref<1x8x128xi32, #tpu.memory_space<vmem>>
        %dma_start3A_552 = tpu.memref_squeeze %dma_start3A_551 : memref<1x8x128xi32, #tpu.memory_space<vmem>> -> memref<8x128xi32, #tpu.memory_space<vmem>>
        %dma_start3A_553 = arith.constant 0 : i32
        %dma_start3A_554 = tpu.memref_slice %arg4[%add3A, %mul3A_534, %dma_start3A_553] : memref<32x80x128xi32, #tpu.memory_space<hbm>> -> memref<1x8x128xi32, #tpu.memory_space<hbm>>
        %dma_start3A_555 = tpu.memref_squeeze %dma_start3A_554 : memref<1x8x128xi32, #tpu.memory_space<hbm>> -> memref<8x128xi32, #tpu.memory_space<hbm>>
        %dma_start3A_556 = arith.constant 0 : i32
        %dma_start3A_557 = arith.constant 0 : i32
        %dma_start3A_558 = tpu.memref_slice %arg7[%select_n3A_149, %dma_start3A_556, %dma_start3A_557] : memref<3x8x128xi32, #tpu.memory_space<vmem>> -> memref<1x8x128xi32, #tpu.memory_space<vmem>>
        %dma_start3A_559 = tpu.memref_squeeze %dma_start3A_558 : memref<1x8x128xi32, #tpu.memory_space<vmem>> -> memref<8x128xi32, #tpu.memory_space<vmem>>
        %dma_start3A_560 = arith.constant 0 : i32
        %dma_start3A_561 = tpu.memref_slice %arg4[%add3A, %mul3A_534, %dma_start3A_560] : memref<32x80x128xi32, #tpu.memory_space<hbm>> -> memref<1x8x128xi32, #tpu.memory_space<hbm>>
        %dma_start3A_562 = tpu.memref_squeeze %dma_start3A_561 : memref<1x8x128xi32, #tpu.memory_space<hbm>> -> memref<8x128xi32, #tpu.memory_space<hbm>>
        tpu.enqueue_dma source(%dma_start3A_562 : memref<8x128xi32, #tpu.memory_space<hbm>>) target(%dma_start3A_559 : memref<8x128xi32, #tpu.memory_space<vmem>>) target_semaphore(%arg26 : memref<!tpu.dma_semaphore, #tpu.memory_space<semaphore_mem>>)
      } else {
      }
      %dma_wait3A_161 = arith.constant 0 : i32
      %dma_wait3A_162 = arith.constant 0 : i32
      %dma_wait3A_163 = arith.constant 0 : i32
      %dma_wait3A_164 = arith.constant 0 : i32
      %dma_wait3A_165 = tpu.memref_slice %arg8[%dma_wait3A_162, %dma_wait3A_163, %dma_wait3A_164] : memref<8x128x64xf32, #tpu.memory_space<vmem>> -> memref<1x128x64xf32, #tpu.memory_space<vmem>>
      %dma_wait3A_166 = tpu.memref_squeeze %dma_wait3A_165 : memref<1x128x64xf32, #tpu.memory_space<vmem>> -> memref<128x64xf32, #tpu.memory_space<vmem>>
      %dma_wait3A_167 = arith.constant 0 : i32
      %dma_wait3A_168 = tpu.memref_slice %arg6[%select_n3A_131, %dma_wait3A_161, %dma_wait3A_167] : memref<3x8x128xi32, #tpu.memory_space<vmem>> -> memref<1x1x128xi32, #tpu.memory_space<vmem>>
      %dma_wait3A_169 = tpu.memref_squeeze %dma_wait3A_168 : memref<1x1x128xi32, #tpu.memory_space<vmem>> -> memref<128xi32, #tpu.memory_space<vmem>>
      %dma_wait3A_170 = arith.constant 0 : i32
      %dma_wait3A_171 = arith.constant 0 : i32
      %dma_wait3A_172 = tpu.memref_slice %arg2[%dma_wait3A_170, %dma_wait3A_171] : memref<10000x64xf32, #tpu.memory_space<hbm>> -> memref<10000x64xf32, #tpu.memory_space<hbm>>
      tpu.wait_indirect_dma semaphore(%arg10 : memref<!tpu.dma_semaphore, #tpu.memory_space<semaphore_mem>>) src(%dma_wait3A_172 : memref<10000x64xf32, #tpu.memory_space<hbm>>) dst(%dma_wait3A_166 : memref<128x64xf32, #tpu.memory_space<vmem>>)
      %dma_start3A_173 = arith.constant 0 : i32
      %dma_start3A_174 = arith.constant 0 : i32
      %dma_start3A_175 = arith.constant 0 : i32
      %dma_start3A_176 = arith.constant 0 : i32
      %dma_start3A_177 = tpu.memref_slice %arg8[%dma_start3A_173, %dma_start3A_175, %dma_start3A_176] : memref<8x128x64xf32, #tpu.memory_space<vmem>> -> memref<1x128x64xf32, #tpu.memory_space<vmem>>
      %dma_start3A_178 = tpu.memref_squeeze %dma_start3A_177 : memref<1x128x64xf32, #tpu.memory_space<vmem>> -> memref<128x64xf32, #tpu.memory_space<vmem>>
      %dma_start3A_179 = arith.constant 0 : i32
      %dma_start3A_180 = tpu.memref_slice %arg7[%select_n3A_131, %dma_start3A_174, %dma_start3A_179] : memref<3x8x128xi32, #tpu.memory_space<vmem>> -> memref<1x1x128xi32, #tpu.memory_space<vmem>>
      %dma_start3A_181 = tpu.memref_squeeze %dma_start3A_180 : memref<1x1x128xi32, #tpu.memory_space<vmem>> -> memref<128xi32, #tpu.memory_space<vmem>>
      %dma_start3A_182 = arith.constant 0 : i32
      %dma_start3A_183 = arith.constant 0 : i32
      %dma_start3A_184 = tpu.memref_slice %arg9[%dma_start3A_182, %dma_start3A_183] : memref<10112x64xf32, #tpu.memory_space<vmem_shared>> -> memref<10112x64xf32, #tpu.memory_space<vmem_shared>>
      tpu.enqueue_indirect_dma source(%dma_start3A_178 : memref<128x64xf32, #tpu.memory_space<vmem>>) target(%dma_start3A_184 : memref<10112x64xf32, #tpu.memory_space<vmem_shared>>) offsets(%dma_start3A_181 : memref<128xi32, #tpu.memory_space<vmem>>) semaphore(%arg18 : memref<!tpu.dma_semaphore, #tpu.memory_space<semaphore_mem>>) {add = true}
      %ge3A = arith.constant 4 : i32
      %ge3A_185 = arith.cmpi sge, %add3A_153, %ge3A : i32
      %convert_element_type3A_186 = arith.extui %ge3A_185 : i1 to i32
      %cond3A_187 = arith.constant 0 : i32
      %cond3A_188 = arith.cmpi ne, %convert_element_type3A_186, %cond3A_187 : i32
      scf.if %cond3A_188 {
        %sub3A = arith.constant 1 : i32
        %sub3A_531 = arith.subi %scan3A_120, %sub3A : i32
        %jit3A_532 = arith.constant 3 : i32
        %eq3A_533 = arith.constant 0 : i32
        %eq3A_534 = arith.cmpi eq, %jit3A_532, %eq3A_533 : i32
        %jit3A_535 = arith.constant 1 : i32
        %select_n3A_536 = arith.select %eq3A_534, %jit3A_535, %jit3A_532 : i32
        %rem3A_537 = arith.remsi %sub3A_531, %select_n3A_536 : i32
        %ne3A_538 = arith.constant 0 : i32
        %ne3A_539 = arith.cmpi ne, %rem3A_537, %ne3A_538 : i32
        %lt3A_540 = arith.constant 0 : i32
        %lt3A_541 = arith.cmpi slt, %rem3A_537, %lt3A_540 : i32
        %lt3A_542 = arith.constant 0 : i32
        %lt3A_543 = arith.cmpi slt, %select_n3A_536, %lt3A_542 : i32
        %ne3A_544 = arith.xori %lt3A_541, %lt3A_543 : i1
        %and3A_545 = arith.andi %ne3A_544, %ne3A_539 : i1
        %add3A_546 = arith.addi %rem3A_537, %select_n3A_536 : i32
        %select_n3A_547 = arith.select %and3A_545, %add3A_546, %rem3A_537 : i32
        %dma_wait3A_548 = arith.constant 4 : i32
        %dma_wait3A_549 = arith.constant 4 : i32
        %dma_wait3A_550 = arith.constant 0 : i32
        %dma_wait3A_551 = arith.constant 0 : i32
        %dma_wait3A_552 = tpu.memref_slice %arg8[%dma_wait3A_548, %dma_wait3A_550, %dma_wait3A_551] : memref<8x128x64xf32, #tpu.memory_space<vmem>> -> memref<1x128x64xf32, #tpu.memory_space<vmem>>
        %dma_wait3A_553 = tpu.memref_squeeze %dma_wait3A_552 : memref<1x128x64xf32, #tpu.memory_space<vmem>> -> memref<128x64xf32, #tpu.memory_space<vmem>>
        %dma_wait3A_554 = arith.constant 0 : i32
        %dma_wait3A_555 = tpu.memref_slice %arg7[%select_n3A_547, %dma_wait3A_549, %dma_wait3A_554] : memref<3x8x128xi32, #tpu.memory_space<vmem>> -> memref<1x1x128xi32, #tpu.memory_space<vmem>>
        %dma_wait3A_556 = tpu.memref_squeeze %dma_wait3A_555 : memref<1x1x128xi32, #tpu.memory_space<vmem>> -> memref<128xi32, #tpu.memory_space<vmem>>
        %dma_wait3A_557 = arith.constant 0 : i32
        %dma_wait3A_558 = arith.constant 0 : i32
        %dma_wait3A_559 = tpu.memref_slice %arg9[%dma_wait3A_557, %dma_wait3A_558] : memref<10112x64xf32, #tpu.memory_space<vmem_shared>> -> memref<10112x64xf32, #tpu.memory_space<vmem_shared>>
        tpu.wait_indirect_dma semaphore(%arg22 : memref<!tpu.dma_semaphore, #tpu.memory_space<semaphore_mem>>) src(%dma_wait3A_553 : memref<128x64xf32, #tpu.memory_space<vmem>>) dst(%dma_wait3A_559 : memref<10112x64xf32, #tpu.memory_space<vmem_shared>>)
      } else {
      }
      %dma_start3A_189 = arith.constant 4 : i32
      %dma_start3A_190 = arith.constant 4 : i32
      %dma_start3A_191 = arith.constant 0 : i32
      %dma_start3A_192 = arith.constant 0 : i32
      %dma_start3A_193 = tpu.memref_slice %arg8[%dma_start3A_190, %dma_start3A_191, %dma_start3A_192] : memref<8x128x64xf32, #tpu.memory_space<vmem>> -> memref<1x128x64xf32, #tpu.memory_space<vmem>>
      %dma_start3A_194 = tpu.memref_squeeze %dma_start3A_193 : memref<1x128x64xf32, #tpu.memory_space<vmem>> -> memref<128x64xf32, #tpu.memory_space<vmem>>
      %dma_start3A_195 = arith.constant 0 : i32
      %dma_start3A_196 = tpu.memref_slice %arg6[%select_n3A_131, %dma_start3A_189, %dma_start3A_195] : memref<3x8x128xi32, #tpu.memory_space<vmem>> -> memref<1x1x128xi32, #tpu.memory_space<vmem>>
      %dma_start3A_197 = tpu.memref_squeeze %dma_start3A_196 : memref<1x1x128xi32, #tpu.memory_space<vmem>> -> memref<128xi32, #tpu.memory_space<vmem>>
      %dma_start3A_198 = arith.constant 0 : i32
      %dma_start3A_199 = arith.constant 0 : i32
      %dma_start3A_200 = tpu.memref_slice %arg2[%dma_start3A_198, %dma_start3A_199] : memref<10000x64xf32, #tpu.memory_space<hbm>> -> memref<10000x64xf32, #tpu.memory_space<hbm>>
      tpu.enqueue_indirect_dma source(%dma_start3A_200 : memref<10000x64xf32, #tpu.memory_space<hbm>>) target(%dma_start3A_194 : memref<128x64xf32, #tpu.memory_space<vmem>>) offsets(%dma_start3A_197 : memref<128xi32, #tpu.memory_space<vmem>>) semaphore(%arg14 : memref<!tpu.dma_semaphore, #tpu.memory_space<semaphore_mem>>)
      %mul3A_201 = arith.constant 8 : i32
      %mul3A_202 = arith.muli %scan3A_120, %mul3A_201 : i32
      %add3A_203 = arith.constant 1 : i32
      %add3A_204 = arith.addi %mul3A_202, %add3A_203 : i32
      %dma_wait3A_205 = arith.constant 1 : i32
      %dma_wait3A_206 = arith.constant 1 : i32
      %dma_wait3A_207 = arith.constant 0 : i32
      %dma_wait3A_208 = arith.constant 0 : i32
      %dma_wait3A_209 = tpu.memref_slice %arg8[%dma_wait3A_206, %dma_wait3A_207, %dma_wait3A_208] : memref<8x128x64xf32, #tpu.memory_space<vmem>> -> memref<1x128x64xf32, #tpu.memory_space<vmem>>
      %dma_wait3A_210 = tpu.memref_squeeze %dma_wait3A_209 : memref<1x128x64xf32, #tpu.memory_space<vmem>> -> memref<128x64xf32, #tpu.memory_space<vmem>>
      %dma_wait3A_211 = arith.constant 0 : i32
      %dma_wait3A_212 = tpu.memref_slice %arg6[%select_n3A_131, %dma_wait3A_205, %dma_wait3A_211] : memref<3x8x128xi32, #tpu.memory_space<vmem>> -> memref<1x1x128xi32, #tpu.memory_space<vmem>>
      %dma_wait3A_213 = tpu.memref_squeeze %dma_wait3A_212 : memref<1x1x128xi32, #tpu.memory_space<vmem>> -> memref<128xi32, #tpu.memory_space<vmem>>
      %dma_wait3A_214 = arith.constant 0 : i32
      %dma_wait3A_215 = arith.constant 0 : i32
      %dma_wait3A_216 = tpu.memref_slice %arg2[%dma_wait3A_214, %dma_wait3A_215] : memref<10000x64xf32, #tpu.memory_space<hbm>> -> memref<10000x64xf32, #tpu.memory_space<hbm>>
      tpu.wait_indirect_dma semaphore(%arg11 : memref<!tpu.dma_semaphore, #tpu.memory_space<semaphore_mem>>) src(%dma_wait3A_216 : memref<10000x64xf32, #tpu.memory_space<hbm>>) dst(%dma_wait3A_210 : memref<128x64xf32, #tpu.memory_space<vmem>>)
      %dma_start3A_217 = arith.constant 1 : i32
      %dma_start3A_218 = arith.constant 1 : i32
      %dma_start3A_219 = arith.constant 0 : i32
      %dma_start3A_220 = arith.constant 0 : i32
      %dma_start3A_221 = tpu.memref_slice %arg8[%dma_start3A_217, %dma_start3A_219, %dma_start3A_220] : memref<8x128x64xf32, #tpu.memory_space<vmem>> -> memref<1x128x64xf32, #tpu.memory_space<vmem>>
      %dma_start3A_222 = tpu.memref_squeeze %dma_start3A_221 : memref<1x128x64xf32, #tpu.memory_space<vmem>> -> memref<128x64xf32, #tpu.memory_space<vmem>>
      %dma_start3A_223 = arith.constant 0 : i32
      %dma_start3A_224 = tpu.memref_slice %arg7[%select_n3A_131, %dma_start3A_218, %dma_start3A_223] : memref<3x8x128xi32, #tpu.memory_space<vmem>> -> memref<1x1x128xi32, #tpu.memory_space<vmem>>
      %dma_start3A_225 = tpu.memref_squeeze %dma_start3A_224 : memref<1x1x128xi32, #tpu.memory_space<vmem>> -> memref<128xi32, #tpu.memory_space<vmem>>
      %dma_start3A_226 = arith.constant 0 : i32
      %dma_start3A_227 = arith.constant 0 : i32
      %dma_start3A_228 = tpu.memref_slice %arg9[%dma_start3A_226, %dma_start3A_227] : memref<10112x64xf32, #tpu.memory_space<vmem_shared>> -> memref<10112x64xf32, #tpu.memory_space<vmem_shared>>
      tpu.enqueue_indirect_dma source(%dma_start3A_222 : memref<128x64xf32, #tpu.memory_space<vmem>>) target(%dma_start3A_228 : memref<10112x64xf32, #tpu.memory_space<vmem_shared>>) offsets(%dma_start3A_225 : memref<128xi32, #tpu.memory_space<vmem>>) semaphore(%arg19 : memref<!tpu.dma_semaphore, #tpu.memory_space<semaphore_mem>>) {add = true}
      %ge3A_229 = arith.constant 4 : i32
      %ge3A_230 = arith.cmpi sge, %add3A_204, %ge3A_229 : i32
      %convert_element_type3A_231 = arith.extui %ge3A_230 : i1 to i32
      %cond3A_232 = arith.constant 0 : i32
      %cond3A_233 = arith.cmpi ne, %convert_element_type3A_231, %cond3A_232 : i32
      scf.if %cond3A_233 {
        %sub3A = arith.constant 1 : i32
        %sub3A_531 = arith.subi %scan3A_120, %sub3A : i32
        %jit3A_532 = arith.constant 3 : i32
        %eq3A_533 = arith.constant 0 : i32
        %eq3A_534 = arith.cmpi eq, %jit3A_532, %eq3A_533 : i32
        %jit3A_535 = arith.constant 1 : i32
        %select_n3A_536 = arith.select %eq3A_534, %jit3A_535, %jit3A_532 : i32
        %rem3A_537 = arith.remsi %sub3A_531, %select_n3A_536 : i32
        %ne3A_538 = arith.constant 0 : i32
        %ne3A_539 = arith.cmpi ne, %rem3A_537, %ne3A_538 : i32
        %lt3A_540 = arith.constant 0 : i32
        %lt3A_541 = arith.cmpi slt, %rem3A_537, %lt3A_540 : i32
        %lt3A_542 = arith.constant 0 : i32
        %lt3A_543 = arith.cmpi slt, %select_n3A_536, %lt3A_542 : i32
        %ne3A_544 = arith.xori %lt3A_541, %lt3A_543 : i1
        %and3A_545 = arith.andi %ne3A_544, %ne3A_539 : i1
        %add3A_546 = arith.addi %rem3A_537, %select_n3A_536 : i32
        %select_n3A_547 = arith.select %and3A_545, %add3A_546, %rem3A_537 : i32
        %dma_wait3A_548 = arith.constant 5 : i32
        %dma_wait3A_549 = arith.constant 5 : i32
        %dma_wait3A_550 = arith.constant 0 : i32
        %dma_wait3A_551 = arith.constant 0 : i32
        %dma_wait3A_552 = tpu.memref_slice %arg8[%dma_wait3A_548, %dma_wait3A_550, %dma_wait3A_551] : memref<8x128x64xf32, #tpu.memory_space<vmem>> -> memref<1x128x64xf32, #tpu.memory_space<vmem>>
        %dma_wait3A_553 = tpu.memref_squeeze %dma_wait3A_552 : memref<1x128x64xf32, #tpu.memory_space<vmem>> -> memref<128x64xf32, #tpu.memory_space<vmem>>
        %dma_wait3A_554 = arith.constant 0 : i32
        %dma_wait3A_555 = tpu.memref_slice %arg7[%select_n3A_547, %dma_wait3A_549, %dma_wait3A_554] : memref<3x8x128xi32, #tpu.memory_space<vmem>> -> memref<1x1x128xi32, #tpu.memory_space<vmem>>
        %dma_wait3A_556 = tpu.memref_squeeze %dma_wait3A_555 : memref<1x1x128xi32, #tpu.memory_space<vmem>> -> memref<128xi32, #tpu.memory_space<vmem>>
        %dma_wait3A_557 = arith.constant 0 : i32
        %dma_wait3A_558 = arith.constant 0 : i32
        %dma_wait3A_559 = tpu.memref_slice %arg9[%dma_wait3A_557, %dma_wait3A_558] : memref<10112x64xf32, #tpu.memory_space<vmem_shared>> -> memref<10112x64xf32, #tpu.memory_space<vmem_shared>>
        tpu.wait_indirect_dma semaphore(%arg23 : memref<!tpu.dma_semaphore, #tpu.memory_space<semaphore_mem>>) src(%dma_wait3A_553 : memref<128x64xf32, #tpu.memory_space<vmem>>) dst(%dma_wait3A_559 : memref<10112x64xf32, #tpu.memory_space<vmem_shared>>)
      } else {
      }
      %dma_start3A_234 = arith.constant 5 : i32
      %dma_start3A_235 = arith.constant 5 : i32
      %dma_start3A_236 = arith.constant 0 : i32
      %dma_start3A_237 = arith.constant 0 : i32
      %dma_start3A_238 = tpu.memref_slice %arg8[%dma_start3A_235, %dma_start3A_236, %dma_start3A_237] : memref<8x128x64xf32, #tpu.memory_space<vmem>> -> memref<1x128x64xf32, #tpu.memory_space<vmem>>
      %dma_start3A_239 = tpu.memref_squeeze %dma_start3A_238 : memref<1x128x64xf32, #tpu.memory_space<vmem>> -> memref<128x64xf32, #tpu.memory_space<vmem>>
      %dma_start3A_240 = arith.constant 0 : i32
      %dma_start3A_241 = tpu.memref_slice %arg6[%select_n3A_131, %dma_start3A_234, %dma_start3A_240] : memref<3x8x128xi32, #tpu.memory_space<vmem>> -> memref<1x1x128xi32, #tpu.memory_space<vmem>>
      %dma_start3A_242 = tpu.memref_squeeze %dma_start3A_241 : memref<1x1x128xi32, #tpu.memory_space<vmem>> -> memref<128xi32, #tpu.memory_space<vmem>>
      %dma_start3A_243 = arith.constant 0 : i32
      %dma_start3A_244 = arith.constant 0 : i32
      %dma_start3A_245 = tpu.memref_slice %arg2[%dma_start3A_243, %dma_start3A_244] : memref<10000x64xf32, #tpu.memory_space<hbm>> -> memref<10000x64xf32, #tpu.memory_space<hbm>>
      tpu.enqueue_indirect_dma source(%dma_start3A_245 : memref<10000x64xf32, #tpu.memory_space<hbm>>) target(%dma_start3A_239 : memref<128x64xf32, #tpu.memory_space<vmem>>) offsets(%dma_start3A_242 : memref<128xi32, #tpu.memory_space<vmem>>) semaphore(%arg15 : memref<!tpu.dma_semaphore, #tpu.memory_space<semaphore_mem>>)
      %mul3A_246 = arith.constant 8 : i32
      %mul3A_247 = arith.muli %scan3A_120, %mul3A_246 : i32
      %add3A_248 = arith.constant 2 : i32
      %add3A_249 = arith.addi %mul3A_247, %add3A_248 : i32
      %dma_wait3A_250 = arith.constant 2 : i32
      %dma_wait3A_251 = arith.constant 2 : i32
      %dma_wait3A_252 = arith.constant 0 : i32
      %dma_wait3A_253 = arith.constant 0 : i32
      %dma_wait3A_254 = tpu.memref_slice %arg8[%dma_wait3A_251, %dma_wait3A_252, %dma_wait3A_253] : memref<8x128x64xf32, #tpu.memory_space<vmem>> -> memref<1x128x64xf32, #tpu.memory_space<vmem>>
      %dma_wait3A_255 = tpu.memref_squeeze %dma_wait3A_254 : memref<1x128x64xf32, #tpu.memory_space<vmem>> -> memref<128x64xf32, #tpu.memory_space<vmem>>
      %dma_wait3A_256 = arith.constant 0 : i32
      %dma_wait3A_257 = tpu.memref_slice %arg6[%select_n3A_131, %dma_wait3A_250, %dma_wait3A_256] : memref<3x8x128xi32, #tpu.memory_space<vmem>> -> memref<1x1x128xi32, #tpu.memory_space<vmem>>
      %dma_wait3A_258 = tpu.memref_squeeze %dma_wait3A_257 : memref<1x1x128xi32, #tpu.memory_space<vmem>> -> memref<128xi32, #tpu.memory_space<vmem>>
      %dma_wait3A_259 = arith.constant 0 : i32
      %dma_wait3A_260 = arith.constant 0 : i32
      %dma_wait3A_261 = tpu.memref_slice %arg2[%dma_wait3A_259, %dma_wait3A_260] : memref<10000x64xf32, #tpu.memory_space<hbm>> -> memref<10000x64xf32, #tpu.memory_space<hbm>>
      tpu.wait_indirect_dma semaphore(%arg12 : memref<!tpu.dma_semaphore, #tpu.memory_space<semaphore_mem>>) src(%dma_wait3A_261 : memref<10000x64xf32, #tpu.memory_space<hbm>>) dst(%dma_wait3A_255 : memref<128x64xf32, #tpu.memory_space<vmem>>)
      %dma_start3A_262 = arith.constant 2 : i32
      %dma_start3A_263 = arith.constant 2 : i32
      %dma_start3A_264 = arith.constant 0 : i32
      %dma_start3A_265 = arith.constant 0 : i32
      %dma_start3A_266 = tpu.memref_slice %arg8[%dma_start3A_262, %dma_start3A_264, %dma_start3A_265] : memref<8x128x64xf32, #tpu.memory_space<vmem>> -> memref<1x128x64xf32, #tpu.memory_space<vmem>>
      %dma_start3A_267 = tpu.memref_squeeze %dma_start3A_266 : memref<1x128x64xf32, #tpu.memory_space<vmem>> -> memref<128x64xf32, #tpu.memory_space<vmem>>
      %dma_start3A_268 = arith.constant 0 : i32
      %dma_start3A_269 = tpu.memref_slice %arg7[%select_n3A_131, %dma_start3A_263, %dma_start3A_268] : memref<3x8x128xi32, #tpu.memory_space<vmem>> -> memref<1x1x128xi32, #tpu.memory_space<vmem>>
      %dma_start3A_270 = tpu.memref_squeeze %dma_start3A_269 : memref<1x1x128xi32, #tpu.memory_space<vmem>> -> memref<128xi32, #tpu.memory_space<vmem>>
      %dma_start3A_271 = arith.constant 0 : i32
      %dma_start3A_272 = arith.constant 0 : i32
      %dma_start3A_273 = tpu.memref_slice %arg9[%dma_start3A_271, %dma_start3A_272] : memref<10112x64xf32, #tpu.memory_space<vmem_shared>> -> memref<10112x64xf32, #tpu.memory_space<vmem_shared>>
      tpu.enqueue_indirect_dma source(%dma_start3A_267 : memref<128x64xf32, #tpu.memory_space<vmem>>) target(%dma_start3A_273 : memref<10112x64xf32, #tpu.memory_space<vmem_shared>>) offsets(%dma_start3A_270 : memref<128xi32, #tpu.memory_space<vmem>>) semaphore(%arg20 : memref<!tpu.dma_semaphore, #tpu.memory_space<semaphore_mem>>) {add = true}
      %ge3A_274 = arith.constant 4 : i32
      %ge3A_275 = arith.cmpi sge, %add3A_249, %ge3A_274 : i32
      %convert_element_type3A_276 = arith.extui %ge3A_275 : i1 to i32
      %cond3A_277 = arith.constant 0 : i32
      %cond3A_278 = arith.cmpi ne, %convert_element_type3A_276, %cond3A_277 : i32
      scf.if %cond3A_278 {
        %sub3A = arith.constant 1 : i32
        %sub3A_531 = arith.subi %scan3A_120, %sub3A : i32
        %jit3A_532 = arith.constant 3 : i32
        %eq3A_533 = arith.constant 0 : i32
        %eq3A_534 = arith.cmpi eq, %jit3A_532, %eq3A_533 : i32
        %jit3A_535 = arith.constant 1 : i32
        %select_n3A_536 = arith.select %eq3A_534, %jit3A_535, %jit3A_532 : i32
        %rem3A_537 = arith.remsi %sub3A_531, %select_n3A_536 : i32
        %ne3A_538 = arith.constant 0 : i32
        %ne3A_539 = arith.cmpi ne, %rem3A_537, %ne3A_538 : i32
        %lt3A_540 = arith.constant 0 : i32
        %lt3A_541 = arith.cmpi slt, %rem3A_537, %lt3A_540 : i32
        %lt3A_542 = arith.constant 0 : i32
        %lt3A_543 = arith.cmpi slt, %select_n3A_536, %lt3A_542 : i32
        %ne3A_544 = arith.xori %lt3A_541, %lt3A_543 : i1
        %and3A_545 = arith.andi %ne3A_544, %ne3A_539 : i1
        %add3A_546 = arith.addi %rem3A_537, %select_n3A_536 : i32
        %select_n3A_547 = arith.select %and3A_545, %add3A_546, %rem3A_537 : i32
        %dma_wait3A_548 = arith.constant 6 : i32
        %dma_wait3A_549 = arith.constant 6 : i32
        %dma_wait3A_550 = arith.constant 0 : i32
        %dma_wait3A_551 = arith.constant 0 : i32
        %dma_wait3A_552 = tpu.memref_slice %arg8[%dma_wait3A_548, %dma_wait3A_550, %dma_wait3A_551] : memref<8x128x64xf32, #tpu.memory_space<vmem>> -> memref<1x128x64xf32, #tpu.memory_space<vmem>>
        %dma_wait3A_553 = tpu.memref_squeeze %dma_wait3A_552 : memref<1x128x64xf32, #tpu.memory_space<vmem>> -> memref<128x64xf32, #tpu.memory_space<vmem>>
        %dma_wait3A_554 = arith.constant 0 : i32
        %dma_wait3A_555 = tpu.memref_slice %arg7[%select_n3A_547, %dma_wait3A_549, %dma_wait3A_554] : memref<3x8x128xi32, #tpu.memory_space<vmem>> -> memref<1x1x128xi32, #tpu.memory_space<vmem>>
        %dma_wait3A_556 = tpu.memref_squeeze %dma_wait3A_555 : memref<1x1x128xi32, #tpu.memory_space<vmem>> -> memref<128xi32, #tpu.memory_space<vmem>>
        %dma_wait3A_557 = arith.constant 0 : i32
        %dma_wait3A_558 = arith.constant 0 : i32
        %dma_wait3A_559 = tpu.memref_slice %arg9[%dma_wait3A_557, %dma_wait3A_558] : memref<10112x64xf32, #tpu.memory_space<vmem_shared>> -> memref<10112x64xf32, #tpu.memory_space<vmem_shared>>
        tpu.wait_indirect_dma semaphore(%arg24 : memref<!tpu.dma_semaphore, #tpu.memory_space<semaphore_mem>>) src(%dma_wait3A_553 : memref<128x64xf32, #tpu.memory_space<vmem>>) dst(%dma_wait3A_559 : memref<10112x64xf32, #tpu.memory_space<vmem_shared>>)
      } else {
      }
      %dma_start3A_279 = arith.constant 6 : i32
      %dma_start3A_280 = arith.constant 6 : i32
      %dma_start3A_281 = arith.constant 0 : i32
      %dma_start3A_282 = arith.constant 0 : i32
      %dma_start3A_283 = tpu.memref_slice %arg8[%dma_start3A_280, %dma_start3A_281, %dma_start3A_282] : memref<8x128x64xf32, #tpu.memory_space<vmem>> -> memref<1x128x64xf32, #tpu.memory_space<vmem>>
      %dma_start3A_284 = tpu.memref_squeeze %dma_start3A_283 : memref<1x128x64xf32, #tpu.memory_space<vmem>> -> memref<128x64xf32, #tpu.memory_space<vmem>>
      %dma_start3A_285 = arith.constant 0 : i32
      %dma_start3A_286 = tpu.memref_slice %arg6[%select_n3A_131, %dma_start3A_279, %dma_start3A_285] : memref<3x8x128xi32, #tpu.memory_space<vmem>> -> memref<1x1x128xi32, #tpu.memory_space<vmem>>
      %dma_start3A_287 = tpu.memref_squeeze %dma_start3A_286 : memref<1x1x128xi32, #tpu.memory_space<vmem>> -> memref<128xi32, #tpu.memory_space<vmem>>
      %dma_start3A_288 = arith.constant 0 : i32
      %dma_start3A_289 = arith.constant 0 : i32
      %dma_start3A_290 = tpu.memref_slice %arg2[%dma_start3A_288, %dma_start3A_289] : memref<10000x64xf32, #tpu.memory_space<hbm>> -> memref<10000x64xf32, #tpu.memory_space<hbm>>
      tpu.enqueue_indirect_dma source(%dma_start3A_290 : memref<10000x64xf32, #tpu.memory_space<hbm>>) target(%dma_start3A_284 : memref<128x64xf32, #tpu.memory_space<vmem>>) offsets(%dma_start3A_287 : memref<128xi32, #tpu.memory_space<vmem>>) semaphore(%arg16 : memref<!tpu.dma_semaphore, #tpu.memory_space<semaphore_mem>>)
      %mul3A_291 = arith.constant 8 : i32
      %mul3A_292 = arith.muli %scan3A_120, %mul3A_291 : i32
      %add3A_293 = arith.constant 3 : i32
      %add3A_294 = arith.addi %mul3A_292, %add3A_293 : i32
      %dma_wait3A_295 = arith.constant 3 : i32
      %dma_wait3A_296 = arith.constant 3 : i32
      %dma_wait3A_297 = arith.constant 0 : i32
      %dma_wait3A_298 = arith.constant 0 : i32
      %dma_wait3A_299 = tpu.memref_slice %arg8[%dma_wait3A_296, %dma_wait3A_297, %dma_wait3A_298] : memref<8x128x64xf32, #tpu.memory_space<vmem>> -> memref<1x128x64xf32, #tpu.memory_space<vmem>>
      %dma_wait3A_300 = tpu.memref_squeeze %dma_wait3A_299 : memref<1x128x64xf32, #tpu.memory_space<vmem>> -> memref<128x64xf32, #tpu.memory_space<vmem>>
      %dma_wait3A_301 = arith.constant 0 : i32
      %dma_wait3A_302 = tpu.memref_slice %arg6[%select_n3A_131, %dma_wait3A_295, %dma_wait3A_301] : memref<3x8x128xi32, #tpu.memory_space<vmem>> -> memref<1x1x128xi32, #tpu.memory_space<vmem>>
      %dma_wait3A_303 = tpu.memref_squeeze %dma_wait3A_302 : memref<1x1x128xi32, #tpu.memory_space<vmem>> -> memref<128xi32, #tpu.memory_space<vmem>>
      %dma_wait3A_304 = arith.constant 0 : i32
      %dma_wait3A_305 = arith.constant 0 : i32
      %dma_wait3A_306 = tpu.memref_slice %arg2[%dma_wait3A_304, %dma_wait3A_305] : memref<10000x64xf32, #tpu.memory_space<hbm>> -> memref<10000x64xf32, #tpu.memory_space<hbm>>
      tpu.wait_indirect_dma semaphore(%arg13 : memref<!tpu.dma_semaphore, #tpu.memory_space<semaphore_mem>>) src(%dma_wait3A_306 : memref<10000x64xf32, #tpu.memory_space<hbm>>) dst(%dma_wait3A_300 : memref<128x64xf32, #tpu.memory_space<vmem>>)
      %dma_start3A_307 = arith.constant 3 : i32
      %dma_start3A_308 = arith.constant 3 : i32
      %dma_start3A_309 = arith.constant 0 : i32
      %dma_start3A_310 = arith.constant 0 : i32
      %dma_start3A_311 = tpu.memref_slice %arg8[%dma_start3A_307, %dma_start3A_309, %dma_start3A_310] : memref<8x128x64xf32, #tpu.memory_space<vmem>> -> memref<1x128x64xf32, #tpu.memory_space<vmem>>
      %dma_start3A_312 = tpu.memref_squeeze %dma_start3A_311 : memref<1x128x64xf32, #tpu.memory_space<vmem>> -> memref<128x64xf32, #tpu.memory_space<vmem>>
      %dma_start3A_313 = arith.constant 0 : i32
      %dma_start3A_314 = tpu.memref_slice %arg7[%select_n3A_131, %dma_start3A_308, %dma_start3A_313] : memref<3x8x128xi32, #tpu.memory_space<vmem>> -> memref<1x1x128xi32, #tpu.memory_space<vmem>>
      %dma_start3A_315 = tpu.memref_squeeze %dma_start3A_314 : memref<1x1x128xi32, #tpu.memory_space<vmem>> -> memref<128xi32, #tpu.memory_space<vmem>>
      %dma_start3A_316 = arith.constant 0 : i32
      %dma_start3A_317 = arith.constant 0 : i32
      %dma_start3A_318 = tpu.memref_slice %arg9[%dma_start3A_316, %dma_start3A_317] : memref<10112x64xf32, #tpu.memory_space<vmem_shared>> -> memref<10112x64xf32, #tpu.memory_space<vmem_shared>>
      tpu.enqueue_indirect_dma source(%dma_start3A_312 : memref<128x64xf32, #tpu.memory_space<vmem>>) target(%dma_start3A_318 : memref<10112x64xf32, #tpu.memory_space<vmem_shared>>) offsets(%dma_start3A_315 : memref<128xi32, #tpu.memory_space<vmem>>) semaphore(%arg21 : memref<!tpu.dma_semaphore, #tpu.memory_space<semaphore_mem>>) {add = true}
      %ge3A_319 = arith.constant 4 : i32
      %ge3A_320 = arith.cmpi sge, %add3A_294, %ge3A_319 : i32
      %convert_element_type3A_321 = arith.extui %ge3A_320 : i1 to i32
      %cond3A_322 = arith.constant 0 : i32
      %cond3A_323 = arith.cmpi ne, %convert_element_type3A_321, %cond3A_322 : i32
      scf.if %cond3A_323 {
        %sub3A = arith.constant 1 : i32
        %sub3A_531 = arith.subi %scan3A_120, %sub3A : i32
        %jit3A_532 = arith.constant 3 : i32
        %eq3A_533 = arith.constant 0 : i32
        %eq3A_534 = arith.cmpi eq, %jit3A_532, %eq3A_533 : i32
        %jit3A_535 = arith.constant 1 : i32
        %select_n3A_536 = arith.select %eq3A_534, %jit3A_535, %jit3A_532 : i32
        %rem3A_537 = arith.remsi %sub3A_531, %select_n3A_536 : i32
        %ne3A_538 = arith.constant 0 : i32
        %ne3A_539 = arith.cmpi ne, %rem3A_537, %ne3A_538 : i32
        %lt3A_540 = arith.constant 0 : i32
        %lt3A_541 = arith.cmpi slt, %rem3A_537, %lt3A_540 : i32
        %lt3A_542 = arith.constant 0 : i32
        %lt3A_543 = arith.cmpi slt, %select_n3A_536, %lt3A_542 : i32
        %ne3A_544 = arith.xori %lt3A_541, %lt3A_543 : i1
        %and3A_545 = arith.andi %ne3A_544, %ne3A_539 : i1
        %add3A_546 = arith.addi %rem3A_537, %select_n3A_536 : i32
        %select_n3A_547 = arith.select %and3A_545, %add3A_546, %rem3A_537 : i32
        %dma_wait3A_548 = arith.constant 7 : i32
        %dma_wait3A_549 = arith.constant 7 : i32
        %dma_wait3A_550 = arith.constant 0 : i32
        %dma_wait3A_551 = arith.constant 0 : i32
        %dma_wait3A_552 = tpu.memref_slice %arg8[%dma_wait3A_548, %dma_wait3A_550, %dma_wait3A_551] : memref<8x128x64xf32, #tpu.memory_space<vmem>> -> memref<1x128x64xf32, #tpu.memory_space<vmem>>
        %dma_wait3A_553 = tpu.memref_squeeze %dma_wait3A_552 : memref<1x128x64xf32, #tpu.memory_space<vmem>> -> memref<128x64xf32, #tpu.memory_space<vmem>>
        %dma_wait3A_554 = arith.constant 0 : i32
        %dma_wait3A_555 = tpu.memref_slice %arg7[%select_n3A_547, %dma_wait3A_549, %dma_wait3A_554] : memref<3x8x128xi32, #tpu.memory_space<vmem>> -> memref<1x1x128xi32, #tpu.memory_space<vmem>>
        %dma_wait3A_556 = tpu.memref_squeeze %dma_wait3A_555 : memref<1x1x128xi32, #tpu.memory_space<vmem>> -> memref<128xi32, #tpu.memory_space<vmem>>
        %dma_wait3A_557 = arith.constant 0 : i32
        %dma_wait3A_558 = arith.constant 0 : i32
        %dma_wait3A_559 = tpu.memref_slice %arg9[%dma_wait3A_557, %dma_wait3A_558] : memref<10112x64xf32, #tpu.memory_space<vmem_shared>> -> memref<10112x64xf32, #tpu.memory_space<vmem_shared>>
        tpu.wait_indirect_dma semaphore(%arg25 : memref<!tpu.dma_semaphore, #tpu.memory_space<semaphore_mem>>) src(%dma_wait3A_553 : memref<128x64xf32, #tpu.memory_space<vmem>>) dst(%dma_wait3A_559 : memref<10112x64xf32, #tpu.memory_space<vmem_shared>>)
      } else {
      }
      %add3A_324 = arith.constant 1 : i32
      %add3A_325 = arith.addi %scan3A_120, %add3A_324 : i32
      %lt3A_326 = arith.constant 10 : i32
      %lt3A_327 = arith.cmpi slt, %add3A_325, %lt3A_326 : i32
      %convert_element_type3A_328 = arith.extui %lt3A_327 : i1 to i32
      %cond3A_329 = arith.constant 0 : i32
      %cond3A_330 = arith.cmpi ne, %convert_element_type3A_328, %cond3A_329 : i32
      scf.if %cond3A_330 {
        %add3A_531 = arith.constant 1 : i32
        %add3A_532 = arith.addi %scan3A_120, %add3A_531 : i32
        %mul3A_533 = arith.constant 8 : i32
        %mul3A_534 = arith.muli %add3A_532, %mul3A_533 : i32
        %dma_wait3A_535 = arith.constant 0 : i32
        %dma_wait3A_536 = arith.constant 0 : i32
        %dma_wait3A_537 = tpu.memref_slice %arg6[%select_n3A_149, %dma_wait3A_535, %dma_wait3A_536] : memref<3x8x128xi32, #tpu.memory_space<vmem>> -> memref<1x8x128xi32, #tpu.memory_space<vmem>>
        %dma_wait3A_538 = tpu.memref_squeeze %dma_wait3A_537 : memref<1x8x128xi32, #tpu.memory_space<vmem>> -> memref<8x128xi32, #tpu.memory_space<vmem>>
        %dma_wait3A_539 = arith.constant 0 : i32
        %dma_wait3A_540 = tpu.memref_slice %arg3[%add3A, %mul3A_534, %dma_wait3A_539] : memref<32x80x128xi32, #tpu.memory_space<hbm>> -> memref<1x8x128xi32, #tpu.memory_space<hbm>>
        %dma_wait3A_541 = tpu.memref_squeeze %dma_wait3A_540 : memref<1x8x128xi32, #tpu.memory_space<hbm>> -> memref<8x128xi32, #tpu.memory_space<hbm>>
        %dma_wait3A_542 = arith.constant 0 : i32
        %dma_wait3A_543 = arith.constant 0 : i32
        %dma_wait3A_544 = tpu.memref_slice %arg6[%select_n3A_149, %dma_wait3A_542, %dma_wait3A_543] : memref<3x8x128xi32, #tpu.memory_space<vmem>> -> memref<1x8x128xi32, #tpu.memory_space<vmem>>
        %dma_wait3A_545 = tpu.memref_squeeze %dma_wait3A_544 : memref<1x8x128xi32, #tpu.memory_space<vmem>> -> memref<8x128xi32, #tpu.memory_space<vmem>>
        %dma_wait3A_546 = arith.constant 0 : i32
        %dma_wait3A_547 = tpu.memref_slice %arg3[%add3A, %mul3A_534, %dma_wait3A_546] : memref<32x80x128xi32, #tpu.memory_space<hbm>> -> memref<1x8x128xi32, #tpu.memory_space<hbm>>
        %dma_wait3A_548 = tpu.memref_squeeze %dma_wait3A_547 : memref<1x8x128xi32, #tpu.memory_space<hbm>> -> memref<8x128xi32, #tpu.memory_space<hbm>>
        tpu.wait_dma2 semaphore(%arg26 : memref<!tpu.dma_semaphore, #tpu.memory_space<semaphore_mem>>) src(%dma_wait3A_548 : memref<8x128xi32, #tpu.memory_space<hbm>>) dst(%dma_wait3A_545 : memref<8x128xi32, #tpu.memory_space<vmem>>)
        %dma_wait3A_549 = arith.constant 0 : i32
        %dma_wait3A_550 = arith.constant 0 : i32
        %dma_wait3A_551 = tpu.memref_slice %arg7[%select_n3A_149, %dma_wait3A_549, %dma_wait3A_550] : memref<3x8x128xi32, #tpu.memory_space<vmem>> -> memref<1x8x128xi32, #tpu.memory_space<vmem>>
        %dma_wait3A_552 = tpu.memref_squeeze %dma_wait3A_551 : memref<1x8x128xi32, #tpu.memory_space<vmem>> -> memref<8x128xi32, #tpu.memory_space<vmem>>
        %dma_wait3A_553 = arith.constant 0 : i32
        %dma_wait3A_554 = tpu.memref_slice %arg4[%add3A, %mul3A_534, %dma_wait3A_553] : memref<32x80x128xi32, #tpu.memory_space<hbm>> -> memref<1x8x128xi32, #tpu.memory_space<hbm>>
        %dma_wait3A_555 = tpu.memref_squeeze %dma_wait3A_554 : memref<1x8x128xi32, #tpu.memory_space<hbm>> -> memref<8x128xi32, #tpu.memory_space<hbm>>
        %dma_wait3A_556 = arith.constant 0 : i32
        %dma_wait3A_557 = arith.constant 0 : i32
        %dma_wait3A_558 = tpu.memref_slice %arg7[%select_n3A_149, %dma_wait3A_556, %dma_wait3A_557] : memref<3x8x128xi32, #tpu.memory_space<vmem>> -> memref<1x8x128xi32, #tpu.memory_space<vmem>>
        %dma_wait3A_559 = tpu.memref_squeeze %dma_wait3A_558 : memref<1x8x128xi32, #tpu.memory_space<vmem>> -> memref<8x128xi32, #tpu.memory_space<vmem>>
        %dma_wait3A_560 = arith.constant 0 : i32
        %dma_wait3A_561 = tpu.memref_slice %arg4[%add3A, %mul3A_534, %dma_wait3A_560] : memref<32x80x128xi32, #tpu.memory_space<hbm>> -> memref<1x8x128xi32, #tpu.memory_space<hbm>>
        %dma_wait3A_562 = tpu.memref_squeeze %dma_wait3A_561 : memref<1x8x128xi32, #tpu.memory_space<hbm>> -> memref<8x128xi32, #tpu.memory_space<hbm>>
        tpu.wait_dma2 semaphore(%arg26 : memref<!tpu.dma_semaphore, #tpu.memory_space<semaphore_mem>>) src(%dma_wait3A_562 : memref<8x128xi32, #tpu.memory_space<hbm>>) dst(%dma_wait3A_559 : memref<8x128xi32, #tpu.memory_space<vmem>>)
      } else {
      }
      %dma_start3A_331 = arith.constant 7 : i32
      %dma_start3A_332 = arith.constant 7 : i32
      %dma_start3A_333 = arith.constant 0 : i32
      %dma_start3A_334 = arith.constant 0 : i32
      %dma_start3A_335 = tpu.memref_slice %arg8[%dma_start3A_332, %dma_start3A_333, %dma_start3A_334] : memref<8x128x64xf32, #tpu.memory_space<vmem>> -> memref<1x128x64xf32, #tpu.memory_space<vmem>>
      %dma_start3A_336 = tpu.memref_squeeze %dma_start3A_335 : memref<1x128x64xf32, #tpu.memory_space<vmem>> -> memref<128x64xf32, #tpu.memory_space<vmem>>
      %dma_start3A_337 = arith.constant 0 : i32
      %dma_start3A_338 = tpu.memref_slice %arg6[%select_n3A_131, %dma_start3A_331, %dma_start3A_337] : memref<3x8x128xi32, #tpu.memory_space<vmem>> -> memref<1x1x128xi32, #tpu.memory_space<vmem>>
      %dma_start3A_339 = tpu.memref_squeeze %dma_start3A_338 : memref<1x1x128xi32, #tpu.memory_space<vmem>> -> memref<128xi32, #tpu.memory_space<vmem>>
      %dma_start3A_340 = arith.constant 0 : i32
      %dma_start3A_341 = arith.constant 0 : i32
      %dma_start3A_342 = tpu.memref_slice %arg2[%dma_start3A_340, %dma_start3A_341] : memref<10000x64xf32, #tpu.memory_space<hbm>> -> memref<10000x64xf32, #tpu.memory_space<hbm>>
      tpu.enqueue_indirect_dma source(%dma_start3A_342 : memref<10000x64xf32, #tpu.memory_space<hbm>>) target(%dma_start3A_336 : memref<128x64xf32, #tpu.memory_space<vmem>>) offsets(%dma_start3A_339 : memref<128xi32, #tpu.memory_space<vmem>>) semaphore(%arg17 : memref<!tpu.dma_semaphore, #tpu.memory_space<semaphore_mem>>)
      %mul3A_343 = arith.constant 8 : i32
      %mul3A_344 = arith.muli %scan3A_120, %mul3A_343 : i32
      %add3A_345 = arith.constant 4 : i32
      %add3A_346 = arith.addi %mul3A_344, %add3A_345 : i32
      %dma_wait3A_347 = arith.constant 4 : i32
      %dma_wait3A_348 = arith.constant 4 : i32
      %dma_wait3A_349 = arith.constant 0 : i32
      %dma_wait3A_350 = arith.constant 0 : i32
      %dma_wait3A_351 = tpu.memref_slice %arg8[%dma_wait3A_348, %dma_wait3A_349, %dma_wait3A_350] : memref<8x128x64xf32, #tpu.memory_space<vmem>> -> memref<1x128x64xf32, #tpu.memory_space<vmem>>
      %dma_wait3A_352 = tpu.memref_squeeze %dma_wait3A_351 : memref<1x128x64xf32, #tpu.memory_space<vmem>> -> memref<128x64xf32, #tpu.memory_space<vmem>>
      %dma_wait3A_353 = arith.constant 0 : i32
      %dma_wait3A_354 = tpu.memref_slice %arg6[%select_n3A_131, %dma_wait3A_347, %dma_wait3A_353] : memref<3x8x128xi32, #tpu.memory_space<vmem>> -> memref<1x1x128xi32, #tpu.memory_space<vmem>>
      %dma_wait3A_355 = tpu.memref_squeeze %dma_wait3A_354 : memref<1x1x128xi32, #tpu.memory_space<vmem>> -> memref<128xi32, #tpu.memory_space<vmem>>
      %dma_wait3A_356 = arith.constant 0 : i32
      %dma_wait3A_357 = arith.constant 0 : i32
      %dma_wait3A_358 = tpu.memref_slice %arg2[%dma_wait3A_356, %dma_wait3A_357] : memref<10000x64xf32, #tpu.memory_space<hbm>> -> memref<10000x64xf32, #tpu.memory_space<hbm>>
      tpu.wait_indirect_dma semaphore(%arg14 : memref<!tpu.dma_semaphore, #tpu.memory_space<semaphore_mem>>) src(%dma_wait3A_358 : memref<10000x64xf32, #tpu.memory_space<hbm>>) dst(%dma_wait3A_352 : memref<128x64xf32, #tpu.memory_space<vmem>>)
      %dma_start3A_359 = arith.constant 4 : i32
      %dma_start3A_360 = arith.constant 4 : i32
      %dma_start3A_361 = arith.constant 0 : i32
      %dma_start3A_362 = arith.constant 0 : i32
      %dma_start3A_363 = tpu.memref_slice %arg8[%dma_start3A_359, %dma_start3A_361, %dma_start3A_362] : memref<8x128x64xf32, #tpu.memory_space<vmem>> -> memref<1x128x64xf32, #tpu.memory_space<vmem>>
      %dma_start3A_364 = tpu.memref_squeeze %dma_start3A_363 : memref<1x128x64xf32, #tpu.memory_space<vmem>> -> memref<128x64xf32, #tpu.memory_space<vmem>>
      %dma_start3A_365 = arith.constant 0 : i32
      %dma_start3A_366 = tpu.memref_slice %arg7[%select_n3A_131, %dma_start3A_360, %dma_start3A_365] : memref<3x8x128xi32, #tpu.memory_space<vmem>> -> memref<1x1x128xi32, #tpu.memory_space<vmem>>
      %dma_start3A_367 = tpu.memref_squeeze %dma_start3A_366 : memref<1x1x128xi32, #tpu.memory_space<vmem>> -> memref<128xi32, #tpu.memory_space<vmem>>
      %dma_start3A_368 = arith.constant 0 : i32
      %dma_start3A_369 = arith.constant 0 : i32
      %dma_start3A_370 = tpu.memref_slice %arg9[%dma_start3A_368, %dma_start3A_369] : memref<10112x64xf32, #tpu.memory_space<vmem_shared>> -> memref<10112x64xf32, #tpu.memory_space<vmem_shared>>
      tpu.enqueue_indirect_dma source(%dma_start3A_364 : memref<128x64xf32, #tpu.memory_space<vmem>>) target(%dma_start3A_370 : memref<10112x64xf32, #tpu.memory_space<vmem_shared>>) offsets(%dma_start3A_367 : memref<128xi32, #tpu.memory_space<vmem>>) semaphore(%arg22 : memref<!tpu.dma_semaphore, #tpu.memory_space<semaphore_mem>>) {add = true}
      %dma_wait3A_371 = arith.constant 0 : i32
      %dma_wait3A_372 = arith.constant 0 : i32
      %dma_wait3A_373 = arith.constant 0 : i32
      %dma_wait3A_374 = arith.constant 0 : i32
      %dma_wait3A_375 = tpu.memref_slice %arg8[%dma_wait3A_371, %dma_wait3A_373, %dma_wait3A_374] : memref<8x128x64xf32, #tpu.memory_space<vmem>> -> memref<1x128x64xf32, #tpu.memory_space<vmem>>
      %dma_wait3A_376 = tpu.memref_squeeze %dma_wait3A_375 : memref<1x128x64xf32, #tpu.memory_space<vmem>> -> memref<128x64xf32, #tpu.memory_space<vmem>>
      %dma_wait3A_377 = arith.constant 0 : i32
      %dma_wait3A_378 = tpu.memref_slice %arg7[%select_n3A_131, %dma_wait3A_372, %dma_wait3A_377] : memref<3x8x128xi32, #tpu.memory_space<vmem>> -> memref<1x1x128xi32, #tpu.memory_space<vmem>>
      %dma_wait3A_379 = tpu.memref_squeeze %dma_wait3A_378 : memref<1x1x128xi32, #tpu.memory_space<vmem>> -> memref<128xi32, #tpu.memory_space<vmem>>
      %dma_wait3A_380 = arith.constant 0 : i32
      %dma_wait3A_381 = arith.constant 0 : i32
      %dma_wait3A_382 = tpu.memref_slice %arg9[%dma_wait3A_380, %dma_wait3A_381] : memref<10112x64xf32, #tpu.memory_space<vmem_shared>> -> memref<10112x64xf32, #tpu.memory_space<vmem_shared>>
      tpu.wait_indirect_dma semaphore(%arg18 : memref<!tpu.dma_semaphore, #tpu.memory_space<semaphore_mem>>) src(%dma_wait3A_376 : memref<128x64xf32, #tpu.memory_space<vmem>>) dst(%dma_wait3A_382 : memref<10112x64xf32, #tpu.memory_space<vmem_shared>>)
      %add3A_383 = arith.constant 4 : i32
      %add3A_384 = arith.addi %add3A_346, %add3A_383 : i32
      %lt3A_385 = arith.constant 80 : i32
      %lt3A_386 = arith.cmpi slt, %add3A_384, %lt3A_385 : i32
      %convert_element_type3A_387 = arith.extui %lt3A_386 : i1 to i32
      %cond3A_388 = arith.constant 0 : i32
      %cond3A_389 = arith.cmpi ne, %convert_element_type3A_387, %cond3A_388 : i32
      scf.if %cond3A_389 {
        %dma_start3A_531 = arith.constant 0 : i32
        %dma_start3A_532 = arith.constant 0 : i32
        %dma_start3A_533 = arith.constant 0 : i32
        %dma_start3A_534 = arith.constant 0 : i32
        %dma_start3A_535 = tpu.memref_slice %arg8[%dma_start3A_532, %dma_start3A_533, %dma_start3A_534] : memref<8x128x64xf32, #tpu.memory_space<vmem>> -> memref<1x128x64xf32, #tpu.memory_space<vmem>>
        %dma_start3A_536 = tpu.memref_squeeze %dma_start3A_535 : memref<1x128x64xf32, #tpu.memory_space<vmem>> -> memref<128x64xf32, #tpu.memory_space<vmem>>
        %dma_start3A_537 = arith.constant 0 : i32
        %dma_start3A_538 = tpu.memref_slice %arg6[%select_n3A_149, %dma_start3A_531, %dma_start3A_537] : memref<3x8x128xi32, #tpu.memory_space<vmem>> -> memref<1x1x128xi32, #tpu.memory_space<vmem>>
        %dma_start3A_539 = tpu.memref_squeeze %dma_start3A_538 : memref<1x1x128xi32, #tpu.memory_space<vmem>> -> memref<128xi32, #tpu.memory_space<vmem>>
        %dma_start3A_540 = arith.constant 0 : i32
        %dma_start3A_541 = arith.constant 0 : i32
        %dma_start3A_542 = tpu.memref_slice %arg2[%dma_start3A_540, %dma_start3A_541] : memref<10000x64xf32, #tpu.memory_space<hbm>> -> memref<10000x64xf32, #tpu.memory_space<hbm>>
        tpu.enqueue_indirect_dma source(%dma_start3A_542 : memref<10000x64xf32, #tpu.memory_space<hbm>>) target(%dma_start3A_536 : memref<128x64xf32, #tpu.memory_space<vmem>>) offsets(%dma_start3A_539 : memref<128xi32, #tpu.memory_space<vmem>>) semaphore(%arg10 : memref<!tpu.dma_semaphore, #tpu.memory_space<semaphore_mem>>)
      } else {
      }
      %mul3A_390 = arith.constant 8 : i32
      %mul3A_391 = arith.muli %scan3A_120, %mul3A_390 : i32
      %add3A_392 = arith.constant 5 : i32
      %add3A_393 = arith.addi %mul3A_391, %add3A_392 : i32
      %dma_wait3A_394 = arith.constant 5 : i32
      %dma_wait3A_395 = arith.constant 5 : i32
      %dma_wait3A_396 = arith.constant 0 : i32
      %dma_wait3A_397 = arith.constant 0 : i32
      %dma_wait3A_398 = tpu.memref_slice %arg8[%dma_wait3A_395, %dma_wait3A_396, %dma_wait3A_397] : memref<8x128x64xf32, #tpu.memory_space<vmem>> -> memref<1x128x64xf32, #tpu.memory_space<vmem>>
      %dma_wait3A_399 = tpu.memref_squeeze %dma_wait3A_398 : memref<1x128x64xf32, #tpu.memory_space<vmem>> -> memref<128x64xf32, #tpu.memory_space<vmem>>
      %dma_wait3A_400 = arith.constant 0 : i32
      %dma_wait3A_401 = tpu.memref_slice %arg6[%select_n3A_131, %dma_wait3A_394, %dma_wait3A_400] : memref<3x8x128xi32, #tpu.memory_space<vmem>> -> memref<1x1x128xi32, #tpu.memory_space<vmem>>
      %dma_wait3A_402 = tpu.memref_squeeze %dma_wait3A_401 : memref<1x1x128xi32, #tpu.memory_space<vmem>> -> memref<128xi32, #tpu.memory_space<vmem>>
      %dma_wait3A_403 = arith.constant 0 : i32
      %dma_wait3A_404 = arith.constant 0 : i32
      %dma_wait3A_405 = tpu.memref_slice %arg2[%dma_wait3A_403, %dma_wait3A_404] : memref<10000x64xf32, #tpu.memory_space<hbm>> -> memref<10000x64xf32, #tpu.memory_space<hbm>>
      tpu.wait_indirect_dma semaphore(%arg15 : memref<!tpu.dma_semaphore, #tpu.memory_space<semaphore_mem>>) src(%dma_wait3A_405 : memref<10000x64xf32, #tpu.memory_space<hbm>>) dst(%dma_wait3A_399 : memref<128x64xf32, #tpu.memory_space<vmem>>)
      %dma_start3A_406 = arith.constant 5 : i32
      %dma_start3A_407 = arith.constant 5 : i32
      %dma_start3A_408 = arith.constant 0 : i32
      %dma_start3A_409 = arith.constant 0 : i32
      %dma_start3A_410 = tpu.memref_slice %arg8[%dma_start3A_406, %dma_start3A_408, %dma_start3A_409] : memref<8x128x64xf32, #tpu.memory_space<vmem>> -> memref<1x128x64xf32, #tpu.memory_space<vmem>>
      %dma_start3A_411 = tpu.memref_squeeze %dma_start3A_410 : memref<1x128x64xf32, #tpu.memory_space<vmem>> -> memref<128x64xf32, #tpu.memory_space<vmem>>
      %dma_start3A_412 = arith.constant 0 : i32
      %dma_start3A_413 = tpu.memref_slice %arg7[%select_n3A_131, %dma_start3A_407, %dma_start3A_412] : memref<3x8x128xi32, #tpu.memory_space<vmem>> -> memref<1x1x128xi32, #tpu.memory_space<vmem>>
      %dma_start3A_414 = tpu.memref_squeeze %dma_start3A_413 : memref<1x1x128xi32, #tpu.memory_space<vmem>> -> memref<128xi32, #tpu.memory_space<vmem>>
      %dma_start3A_415 = arith.constant 0 : i32
      %dma_start3A_416 = arith.constant 0 : i32
      %dma_start3A_417 = tpu.memref_slice %arg9[%dma_start3A_415, %dma_start3A_416] : memref<10112x64xf32, #tpu.memory_space<vmem_shared>> -> memref<10112x64xf32, #tpu.memory_space<vmem_shared>>
      tpu.enqueue_indirect_dma source(%dma_start3A_411 : memref<128x64xf32, #tpu.memory_space<vmem>>) target(%dma_start3A_417 : memref<10112x64xf32, #tpu.memory_space<vmem_shared>>) offsets(%dma_start3A_414 : memref<128xi32, #tpu.memory_space<vmem>>) semaphore(%arg23 : memref<!tpu.dma_semaphore, #tpu.memory_space<semaphore_mem>>) {add = true}
      %dma_wait3A_418 = arith.constant 1 : i32
      %dma_wait3A_419 = arith.constant 1 : i32
      %dma_wait3A_420 = arith.constant 0 : i32
      %dma_wait3A_421 = arith.constant 0 : i32
      %dma_wait3A_422 = tpu.memref_slice %arg8[%dma_wait3A_418, %dma_wait3A_420, %dma_wait3A_421] : memref<8x128x64xf32, #tpu.memory_space<vmem>> -> memref<1x128x64xf32, #tpu.memory_space<vmem>>
      %dma_wait3A_423 = tpu.memref_squeeze %dma_wait3A_422 : memref<1x128x64xf32, #tpu.memory_space<vmem>> -> memref<128x64xf32, #tpu.memory_space<vmem>>
      %dma_wait3A_424 = arith.constant 0 : i32
      %dma_wait3A_425 = tpu.memref_slice %arg7[%select_n3A_131, %dma_wait3A_419, %dma_wait3A_424] : memref<3x8x128xi32, #tpu.memory_space<vmem>> -> memref<1x1x128xi32, #tpu.memory_space<vmem>>
      %dma_wait3A_426 = tpu.memref_squeeze %dma_wait3A_425 : memref<1x1x128xi32, #tpu.memory_space<vmem>> -> memref<128xi32, #tpu.memory_space<vmem>>
      %dma_wait3A_427 = arith.constant 0 : i32
      %dma_wait3A_428 = arith.constant 0 : i32
      %dma_wait3A_429 = tpu.memref_slice %arg9[%dma_wait3A_427, %dma_wait3A_428] : memref<10112x64xf32, #tpu.memory_space<vmem_shared>> -> memref<10112x64xf32, #tpu.memory_space<vmem_shared>>
      tpu.wait_indirect_dma semaphore(%arg19 : memref<!tpu.dma_semaphore, #tpu.memory_space<semaphore_mem>>) src(%dma_wait3A_423 : memref<128x64xf32, #tpu.memory_space<vmem>>) dst(%dma_wait3A_429 : memref<10112x64xf32, #tpu.memory_space<vmem_shared>>)
      %add3A_430 = arith.constant 4 : i32
      %add3A_431 = arith.addi %add3A_393, %add3A_430 : i32
      %lt3A_432 = arith.constant 80 : i32
      %lt3A_433 = arith.cmpi slt, %add3A_431, %lt3A_432 : i32
      %convert_element_type3A_434 = arith.extui %lt3A_433 : i1 to i32
      %cond3A_435 = arith.constant 0 : i32
      %cond3A_436 = arith.cmpi ne, %convert_element_type3A_434, %cond3A_435 : i32
      scf.if %cond3A_436 {
        %dma_start3A_531 = arith.constant 1 : i32
        %dma_start3A_532 = arith.constant 1 : i32
        %dma_start3A_533 = arith.constant 0 : i32
        %dma_start3A_534 = arith.constant 0 : i32
        %dma_start3A_535 = tpu.memref_slice %arg8[%dma_start3A_532, %dma_start3A_533, %dma_start3A_534] : memref<8x128x64xf32, #tpu.memory_space<vmem>> -> memref<1x128x64xf32, #tpu.memory_space<vmem>>
        %dma_start3A_536 = tpu.memref_squeeze %dma_start3A_535 : memref<1x128x64xf32, #tpu.memory_space<vmem>> -> memref<128x64xf32, #tpu.memory_space<vmem>>
        %dma_start3A_537 = arith.constant 0 : i32
        %dma_start3A_538 = tpu.memref_slice %arg6[%select_n3A_149, %dma_start3A_531, %dma_start3A_537] : memref<3x8x128xi32, #tpu.memory_space<vmem>> -> memref<1x1x128xi32, #tpu.memory_space<vmem>>
        %dma_start3A_539 = tpu.memref_squeeze %dma_start3A_538 : memref<1x1x128xi32, #tpu.memory_space<vmem>> -> memref<128xi32, #tpu.memory_space<vmem>>
        %dma_start3A_540 = arith.constant 0 : i32
        %dma_start3A_541 = arith.constant 0 : i32
        %dma_start3A_542 = tpu.memref_slice %arg2[%dma_start3A_540, %dma_start3A_541] : memref<10000x64xf32, #tpu.memory_space<hbm>> -> memref<10000x64xf32, #tpu.memory_space<hbm>>
        tpu.enqueue_indirect_dma source(%dma_start3A_542 : memref<10000x64xf32, #tpu.memory_space<hbm>>) target(%dma_start3A_536 : memref<128x64xf32, #tpu.memory_space<vmem>>) offsets(%dma_start3A_539 : memref<128xi32, #tpu.memory_space<vmem>>) semaphore(%arg11 : memref<!tpu.dma_semaphore, #tpu.memory_space<semaphore_mem>>)
      } else {
      }
      %mul3A_437 = arith.constant 8 : i32
      %mul3A_438 = arith.muli %scan3A_120, %mul3A_437 : i32
      %add3A_439 = arith.constant 6 : i32
      %add3A_440 = arith.addi %mul3A_438, %add3A_439 : i32
      %dma_wait3A_441 = arith.constant 6 : i32
      %dma_wait3A_442 = arith.constant 6 : i32
      %dma_wait3A_443 = arith.constant 0 : i32
      %dma_wait3A_444 = arith.constant 0 : i32
      %dma_wait3A_445 = tpu.memref_slice %arg8[%dma_wait3A_442, %dma_wait3A_443, %dma_wait3A_444] : memref<8x128x64xf32, #tpu.memory_space<vmem>> -> memref<1x128x64xf32, #tpu.memory_space<vmem>>
      %dma_wait3A_446 = tpu.memref_squeeze %dma_wait3A_445 : memref<1x128x64xf32, #tpu.memory_space<vmem>> -> memref<128x64xf32, #tpu.memory_space<vmem>>
      %dma_wait3A_447 = arith.constant 0 : i32
      %dma_wait3A_448 = tpu.memref_slice %arg6[%select_n3A_131, %dma_wait3A_441, %dma_wait3A_447] : memref<3x8x128xi32, #tpu.memory_space<vmem>> -> memref<1x1x128xi32, #tpu.memory_space<vmem>>
      %dma_wait3A_449 = tpu.memref_squeeze %dma_wait3A_448 : memref<1x1x128xi32, #tpu.memory_space<vmem>> -> memref<128xi32, #tpu.memory_space<vmem>>
      %dma_wait3A_450 = arith.constant 0 : i32
      %dma_wait3A_451 = arith.constant 0 : i32
      %dma_wait3A_452 = tpu.memref_slice %arg2[%dma_wait3A_450, %dma_wait3A_451] : memref<10000x64xf32, #tpu.memory_space<hbm>> -> memref<10000x64xf32, #tpu.memory_space<hbm>>
      tpu.wait_indirect_dma semaphore(%arg16 : memref<!tpu.dma_semaphore, #tpu.memory_space<semaphore_mem>>) src(%dma_wait3A_452 : memref<10000x64xf32, #tpu.memory_space<hbm>>) dst(%dma_wait3A_446 : memref<128x64xf32, #tpu.memory_space<vmem>>)
      %dma_start3A_453 = arith.constant 6 : i32
      %dma_start3A_454 = arith.constant 6 : i32
      %dma_start3A_455 = arith.constant 0 : i32
      %dma_start3A_456 = arith.constant 0 : i32
      %dma_start3A_457 = tpu.memref_slice %arg8[%dma_start3A_453, %dma_start3A_455, %dma_start3A_456] : memref<8x128x64xf32, #tpu.memory_space<vmem>> -> memref<1x128x64xf32, #tpu.memory_space<vmem>>
      %dma_start3A_458 = tpu.memref_squeeze %dma_start3A_457 : memref<1x128x64xf32, #tpu.memory_space<vmem>> -> memref<128x64xf32, #tpu.memory_space<vmem>>
      %dma_start3A_459 = arith.constant 0 : i32
      %dma_start3A_460 = tpu.memref_slice %arg7[%select_n3A_131, %dma_start3A_454, %dma_start3A_459] : memref<3x8x128xi32, #tpu.memory_space<vmem>> -> memref<1x1x128xi32, #tpu.memory_space<vmem>>
      %dma_start3A_461 = tpu.memref_squeeze %dma_start3A_460 : memref<1x1x128xi32, #tpu.memory_space<vmem>> -> memref<128xi32, #tpu.memory_space<vmem>>
      %dma_start3A_462 = arith.constant 0 : i32
      %dma_start3A_463 = arith.constant 0 : i32
      %dma_start3A_464 = tpu.memref_slice %arg9[%dma_start3A_462, %dma_start3A_463] : memref<10112x64xf32, #tpu.memory_space<vmem_shared>> -> memref<10112x64xf32, #tpu.memory_space<vmem_shared>>
      tpu.enqueue_indirect_dma source(%dma_start3A_458 : memref<128x64xf32, #tpu.memory_space<vmem>>) target(%dma_start3A_464 : memref<10112x64xf32, #tpu.memory_space<vmem_shared>>) offsets(%dma_start3A_461 : memref<128xi32, #tpu.memory_space<vmem>>) semaphore(%arg24 : memref<!tpu.dma_semaphore, #tpu.memory_space<semaphore_mem>>) {add = true}
      %dma_wait3A_465 = arith.constant 2 : i32
      %dma_wait3A_466 = arith.constant 2 : i32
      %dma_wait3A_467 = arith.constant 0 : i32
      %dma_wait3A_468 = arith.constant 0 : i32
      %dma_wait3A_469 = tpu.memref_slice %arg8[%dma_wait3A_465, %dma_wait3A_467, %dma_wait3A_468] : memref<8x128x64xf32, #tpu.memory_space<vmem>> -> memref<1x128x64xf32, #tpu.memory_space<vmem>>
      %dma_wait3A_470 = tpu.memref_squeeze %dma_wait3A_469 : memref<1x128x64xf32, #tpu.memory_space<vmem>> -> memref<128x64xf32, #tpu.memory_space<vmem>>
      %dma_wait3A_471 = arith.constant 0 : i32
      %dma_wait3A_472 = tpu.memref_slice %arg7[%select_n3A_131, %dma_wait3A_466, %dma_wait3A_471] : memref<3x8x128xi32, #tpu.memory_space<vmem>> -> memref<1x1x128xi32, #tpu.memory_space<vmem>>
      %dma_wait3A_473 = tpu.memref_squeeze %dma_wait3A_472 : memref<1x1x128xi32, #tpu.memory_space<vmem>> -> memref<128xi32, #tpu.memory_space<vmem>>
      %dma_wait3A_474 = arith.constant 0 : i32
      %dma_wait3A_475 = arith.constant 0 : i32
      %dma_wait3A_476 = tpu.memref_slice %arg9[%dma_wait3A_474, %dma_wait3A_475] : memref<10112x64xf32, #tpu.memory_space<vmem_shared>> -> memref<10112x64xf32, #tpu.memory_space<vmem_shared>>
      tpu.wait_indirect_dma semaphore(%arg20 : memref<!tpu.dma_semaphore, #tpu.memory_space<semaphore_mem>>) src(%dma_wait3A_470 : memref<128x64xf32, #tpu.memory_space<vmem>>) dst(%dma_wait3A_476 : memref<10112x64xf32, #tpu.memory_space<vmem_shared>>)
      %add3A_477 = arith.constant 4 : i32
      %add3A_478 = arith.addi %add3A_440, %add3A_477 : i32
      %lt3A_479 = arith.constant 80 : i32
      %lt3A_480 = arith.cmpi slt, %add3A_478, %lt3A_479 : i32
      %convert_element_type3A_481 = arith.extui %lt3A_480 : i1 to i32
      %cond3A_482 = arith.constant 0 : i32
      %cond3A_483 = arith.cmpi ne, %convert_element_type3A_481, %cond3A_482 : i32
      scf.if %cond3A_483 {
        %dma_start3A_531 = arith.constant 2 : i32
        %dma_start3A_532 = arith.constant 2 : i32
        %dma_start3A_533 = arith.constant 0 : i32
        %dma_start3A_534 = arith.constant 0 : i32
        %dma_start3A_535 = tpu.memref_slice %arg8[%dma_start3A_532, %dma_start3A_533, %dma_start3A_534] : memref<8x128x64xf32, #tpu.memory_space<vmem>> -> memref<1x128x64xf32, #tpu.memory_space<vmem>>
        %dma_start3A_536 = tpu.memref_squeeze %dma_start3A_535 : memref<1x128x64xf32, #tpu.memory_space<vmem>> -> memref<128x64xf32, #tpu.memory_space<vmem>>
        %dma_start3A_537 = arith.constant 0 : i32
        %dma_start3A_538 = tpu.memref_slice %arg6[%select_n3A_149, %dma_start3A_531, %dma_start3A_537] : memref<3x8x128xi32, #tpu.memory_space<vmem>> -> memref<1x1x128xi32, #tpu.memory_space<vmem>>
        %dma_start3A_539 = tpu.memref_squeeze %dma_start3A_538 : memref<1x1x128xi32, #tpu.memory_space<vmem>> -> memref<128xi32, #tpu.memory_space<vmem>>
        %dma_start3A_540 = arith.constant 0 : i32
        %dma_start3A_541 = arith.constant 0 : i32
        %dma_start3A_542 = tpu.memref_slice %arg2[%dma_start3A_540, %dma_start3A_541] : memref<10000x64xf32, #tpu.memory_space<hbm>> -> memref<10000x64xf32, #tpu.memory_space<hbm>>
        tpu.enqueue_indirect_dma source(%dma_start3A_542 : memref<10000x64xf32, #tpu.memory_space<hbm>>) target(%dma_start3A_536 : memref<128x64xf32, #tpu.memory_space<vmem>>) offsets(%dma_start3A_539 : memref<128xi32, #tpu.memory_space<vmem>>) semaphore(%arg12 : memref<!tpu.dma_semaphore, #tpu.memory_space<semaphore_mem>>)
      } else {
      }
      %mul3A_484 = arith.constant 8 : i32
      %mul3A_485 = arith.muli %scan3A_120, %mul3A_484 : i32
      %add3A_486 = arith.constant 7 : i32
      %add3A_487 = arith.addi %mul3A_485, %add3A_486 : i32
      %dma_wait3A_488 = arith.constant 7 : i32
      %dma_wait3A_489 = arith.constant 7 : i32
      %dma_wait3A_490 = arith.constant 0 : i32
      %dma_wait3A_491 = arith.constant 0 : i32
      %dma_wait3A_492 = tpu.memref_slice %arg8[%dma_wait3A_489, %dma_wait3A_490, %dma_wait3A_491] : memref<8x128x64xf32, #tpu.memory_space<vmem>> -> memref<1x128x64xf32, #tpu.memory_space<vmem>>
      %dma_wait3A_493 = tpu.memref_squeeze %dma_wait3A_492 : memref<1x128x64xf32, #tpu.memory_space<vmem>> -> memref<128x64xf32, #tpu.memory_space<vmem>>
      %dma_wait3A_494 = arith.constant 0 : i32
      %dma_wait3A_495 = tpu.memref_slice %arg6[%select_n3A_131, %dma_wait3A_488, %dma_wait3A_494] : memref<3x8x128xi32, #tpu.memory_space<vmem>> -> memref<1x1x128xi32, #tpu.memory_space<vmem>>
      %dma_wait3A_496 = tpu.memref_squeeze %dma_wait3A_495 : memref<1x1x128xi32, #tpu.memory_space<vmem>> -> memref<128xi32, #tpu.memory_space<vmem>>
      %dma_wait3A_497 = arith.constant 0 : i32
      %dma_wait3A_498 = arith.constant 0 : i32
      %dma_wait3A_499 = tpu.memref_slice %arg2[%dma_wait3A_497, %dma_wait3A_498] : memref<10000x64xf32, #tpu.memory_space<hbm>> -> memref<10000x64xf32, #tpu.memory_space<hbm>>
      tpu.wait_indirect_dma semaphore(%arg17 : memref<!tpu.dma_semaphore, #tpu.memory_space<semaphore_mem>>) src(%dma_wait3A_499 : memref<10000x64xf32, #tpu.memory_space<hbm>>) dst(%dma_wait3A_493 : memref<128x64xf32, #tpu.memory_space<vmem>>)
      %dma_start3A_500 = arith.constant 7 : i32
      %dma_start3A_501 = arith.constant 7 : i32
      %dma_start3A_502 = arith.constant 0 : i32
      %dma_start3A_503 = arith.constant 0 : i32
      %dma_start3A_504 = tpu.memref_slice %arg8[%dma_start3A_500, %dma_start3A_502, %dma_start3A_503] : memref<8x128x64xf32, #tpu.memory_space<vmem>> -> memref<1x128x64xf32, #tpu.memory_space<vmem>>
      %dma_start3A_505 = tpu.memref_squeeze %dma_start3A_504 : memref<1x128x64xf32, #tpu.memory_space<vmem>> -> memref<128x64xf32, #tpu.memory_space<vmem>>
      %dma_start3A_506 = arith.constant 0 : i32
      %dma_start3A_507 = tpu.memref_slice %arg7[%select_n3A_131, %dma_start3A_501, %dma_start3A_506] : memref<3x8x128xi32, #tpu.memory_space<vmem>> -> memref<1x1x128xi32, #tpu.memory_space<vmem>>
      %dma_start3A_508 = tpu.memref_squeeze %dma_start3A_507 : memref<1x1x128xi32, #tpu.memory_space<vmem>> -> memref<128xi32, #tpu.memory_space<vmem>>
      %dma_start3A_509 = arith.constant 0 : i32
      %dma_start3A_510 = arith.constant 0 : i32
      %dma_start3A_511 = tpu.memref_slice %arg9[%dma_start3A_509, %dma_start3A_510] : memref<10112x64xf32, #tpu.memory_space<vmem_shared>> -> memref<10112x64xf32, #tpu.memory_space<vmem_shared>>
      tpu.enqueue_indirect_dma source(%dma_start3A_505 : memref<128x64xf32, #tpu.memory_space<vmem>>) target(%dma_start3A_511 : memref<10112x64xf32, #tpu.memory_space<vmem_shared>>) offsets(%dma_start3A_508 : memref<128xi32, #tpu.memory_space<vmem>>) semaphore(%arg25 : memref<!tpu.dma_semaphore, #tpu.memory_space<semaphore_mem>>) {add = true}
      %dma_wait3A_512 = arith.constant 3 : i32
      %dma_wait3A_513 = arith.constant 3 : i32
      %dma_wait3A_514 = arith.constant 0 : i32
      %dma_wait3A_515 = arith.constant 0 : i32
      %dma_wait3A_516 = tpu.memref_slice %arg8[%dma_wait3A_512, %dma_wait3A_514, %dma_wait3A_515] : memref<8x128x64xf32, #tpu.memory_space<vmem>> -> memref<1x128x64xf32, #tpu.memory_space<vmem>>
      %dma_wait3A_517 = tpu.memref_squeeze %dma_wait3A_516 : memref<1x128x64xf32, #tpu.memory_space<vmem>> -> memref<128x64xf32, #tpu.memory_space<vmem>>
      %dma_wait3A_518 = arith.constant 0 : i32
      %dma_wait3A_519 = tpu.memref_slice %arg7[%select_n3A_131, %dma_wait3A_513, %dma_wait3A_518] : memref<3x8x128xi32, #tpu.memory_space<vmem>> -> memref<1x1x128xi32, #tpu.memory_space<vmem>>
      %dma_wait3A_520 = tpu.memref_squeeze %dma_wait3A_519 : memref<1x1x128xi32, #tpu.memory_space<vmem>> -> memref<128xi32, #tpu.memory_space<vmem>>
      %dma_wait3A_521 = arith.constant 0 : i32
      %dma_wait3A_522 = arith.constant 0 : i32
      %dma_wait3A_523 = tpu.memref_slice %arg9[%dma_wait3A_521, %dma_wait3A_522] : memref<10112x64xf32, #tpu.memory_space<vmem_shared>> -> memref<10112x64xf32, #tpu.memory_space<vmem_shared>>
      tpu.wait_indirect_dma semaphore(%arg21 : memref<!tpu.dma_semaphore, #tpu.memory_space<semaphore_mem>>) src(%dma_wait3A_517 : memref<128x64xf32, #tpu.memory_space<vmem>>) dst(%dma_wait3A_523 : memref<10112x64xf32, #tpu.memory_space<vmem_shared>>)
      %add3A_524 = arith.constant 4 : i32
      %add3A_525 = arith.addi %add3A_487, %add3A_524 : i32
      %lt3A_526 = arith.constant 80 : i32
      %lt3A_527 = arith.cmpi slt, %add3A_525, %lt3A_526 : i32
      %convert_element_type3A_528 = arith.extui %lt3A_527 : i1 to i32
      %cond3A_529 = arith.constant 0 : i32
      %cond3A_530 = arith.cmpi ne, %convert_element_type3A_528, %cond3A_529 : i32
      scf.if %cond3A_530 {
        %dma_start3A_531 = arith.constant 3 : i32
        %dma_start3A_532 = arith.constant 3 : i32
        %dma_start3A_533 = arith.constant 0 : i32
        %dma_start3A_534 = arith.constant 0 : i32
        %dma_start3A_535 = tpu.memref_slice %arg8[%dma_start3A_532, %dma_start3A_533, %dma_start3A_534] : memref<8x128x64xf32, #tpu.memory_space<vmem>> -> memref<1x128x64xf32, #tpu.memory_space<vmem>>
        %dma_start3A_536 = tpu.memref_squeeze %dma_start3A_535 : memref<1x128x64xf32, #tpu.memory_space<vmem>> -> memref<128x64xf32, #tpu.memory_space<vmem>>
        %dma_start3A_537 = arith.constant 0 : i32
        %dma_start3A_538 = tpu.memref_slice %arg6[%select_n3A_149, %dma_start3A_531, %dma_start3A_537] : memref<3x8x128xi32, #tpu.memory_space<vmem>> -> memref<1x1x128xi32, #tpu.memory_space<vmem>>
        %dma_start3A_539 = tpu.memref_squeeze %dma_start3A_538 : memref<1x1x128xi32, #tpu.memory_space<vmem>> -> memref<128xi32, #tpu.memory_space<vmem>>
        %dma_start3A_540 = arith.constant 0 : i32
        %dma_start3A_541 = arith.constant 0 : i32
        %dma_start3A_542 = tpu.memref_slice %arg2[%dma_start3A_540, %dma_start3A_541] : memref<10000x64xf32, #tpu.memory_space<hbm>> -> memref<10000x64xf32, #tpu.memory_space<hbm>>
        tpu.enqueue_indirect_dma source(%dma_start3A_542 : memref<10000x64xf32, #tpu.memory_space<hbm>>) target(%dma_start3A_536 : memref<128x64xf32, #tpu.memory_space<vmem>>) offsets(%dma_start3A_539 : memref<128xi32, #tpu.memory_space<vmem>>) semaphore(%arg13 : memref<!tpu.dma_semaphore, #tpu.memory_space<semaphore_mem>>)
      } else {
      }
    }
    %scan3A_63 = arith.constant 10 : i32
    %dma_wait3A = arith.constant 4 : i32
    %dma_wait3A_64 = arith.constant 0 : i32
    %dma_wait3A_65 = arith.constant 4 : i32
    %dma_wait3A_66 = arith.constant 0 : i32
    %dma_wait3A_67 = arith.constant 0 : i32
    %dma_wait3A_68 = tpu.memref_slice %arg8[%dma_wait3A, %dma_wait3A_66, %dma_wait3A_67] : memref<8x128x64xf32, #tpu.memory_space<vmem>> -> memref<1x128x64xf32, #tpu.memory_space<vmem>>
    %dma_wait3A_69 = tpu.memref_squeeze %dma_wait3A_68 : memref<1x128x64xf32, #tpu.memory_space<vmem>> -> memref<128x64xf32, #tpu.memory_space<vmem>>
    %dma_wait3A_70 = arith.constant 0 : i32
    %dma_wait3A_71 = tpu.memref_slice %arg7[%dma_wait3A_64, %dma_wait3A_65, %dma_wait3A_70] : memref<3x8x128xi32, #tpu.memory_space<vmem>> -> memref<1x1x128xi32, #tpu.memory_space<vmem>>
    %dma_wait3A_72 = tpu.memref_squeeze %dma_wait3A_71 : memref<1x1x128xi32, #tpu.memory_space<vmem>> -> memref<128xi32, #tpu.memory_space<vmem>>
    %dma_wait3A_73 = arith.constant 0 : i32
    %dma_wait3A_74 = arith.constant 0 : i32
    %dma_wait3A_75 = tpu.memref_slice %arg9[%dma_wait3A_73, %dma_wait3A_74] : memref<10112x64xf32, #tpu.memory_space<vmem_shared>> -> memref<10112x64xf32, #tpu.memory_space<vmem_shared>>
    tpu.wait_indirect_dma semaphore(%arg22 : memref<!tpu.dma_semaphore, #tpu.memory_space<semaphore_mem>>) src(%dma_wait3A_69 : memref<128x64xf32, #tpu.memory_space<vmem>>) dst(%dma_wait3A_75 : memref<10112x64xf32, #tpu.memory_space<vmem_shared>>)
    %dma_wait3A_76 = arith.constant 5 : i32
    %dma_wait3A_77 = arith.constant 0 : i32
    %dma_wait3A_78 = arith.constant 5 : i32
    %dma_wait3A_79 = arith.constant 0 : i32
    %dma_wait3A_80 = arith.constant 0 : i32
    %dma_wait3A_81 = tpu.memref_slice %arg8[%dma_wait3A_76, %dma_wait3A_79, %dma_wait3A_80] : memref<8x128x64xf32, #tpu.memory_space<vmem>> -> memref<1x128x64xf32, #tpu.memory_space<vmem>>
    %dma_wait3A_82 = tpu.memref_squeeze %dma_wait3A_81 : memref<1x128x64xf32, #tpu.memory_space<vmem>> -> memref<128x64xf32, #tpu.memory_space<vmem>>
    %dma_wait3A_83 = arith.constant 0 : i32
    %dma_wait3A_84 = tpu.memref_slice %arg7[%dma_wait3A_77, %dma_wait3A_78, %dma_wait3A_83] : memref<3x8x128xi32, #tpu.memory_space<vmem>> -> memref<1x1x128xi32, #tpu.memory_space<vmem>>
    %dma_wait3A_85 = tpu.memref_squeeze %dma_wait3A_84 : memref<1x1x128xi32, #tpu.memory_space<vmem>> -> memref<128xi32, #tpu.memory_space<vmem>>
    %dma_wait3A_86 = arith.constant 0 : i32
    %dma_wait3A_87 = arith.constant 0 : i32
    %dma_wait3A_88 = tpu.memref_slice %arg9[%dma_wait3A_86, %dma_wait3A_87] : memref<10112x64xf32, #tpu.memory_space<vmem_shared>> -> memref<10112x64xf32, #tpu.memory_space<vmem_shared>>
    tpu.wait_indirect_dma semaphore(%arg23 : memref<!tpu.dma_semaphore, #tpu.memory_space<semaphore_mem>>) src(%dma_wait3A_82 : memref<128x64xf32, #tpu.memory_space<vmem>>) dst(%dma_wait3A_88 : memref<10112x64xf32, #tpu.memory_space<vmem_shared>>)
    %dma_wait3A_89 = arith.constant 6 : i32
    %dma_wait3A_90 = arith.constant 0 : i32
    %dma_wait3A_91 = arith.constant 6 : i32
    %dma_wait3A_92 = arith.constant 0 : i32
    %dma_wait3A_93 = arith.constant 0 : i32
    %dma_wait3A_94 = tpu.memref_slice %arg8[%dma_wait3A_89, %dma_wait3A_92, %dma_wait3A_93] : memref<8x128x64xf32, #tpu.memory_space<vmem>> -> memref<1x128x64xf32, #tpu.memory_space<vmem>>
    %dma_wait3A_95 = tpu.memref_squeeze %dma_wait3A_94 : memref<1x128x64xf32, #tpu.memory_space<vmem>> -> memref<128x64xf32, #tpu.memory_space<vmem>>
    %dma_wait3A_96 = arith.constant 0 : i32
    %dma_wait3A_97 = tpu.memref_slice %arg7[%dma_wait3A_90, %dma_wait3A_91, %dma_wait3A_96] : memref<3x8x128xi32, #tpu.memory_space<vmem>> -> memref<1x1x128xi32, #tpu.memory_space<vmem>>
    %dma_wait3A_98 = tpu.memref_squeeze %dma_wait3A_97 : memref<1x1x128xi32, #tpu.memory_space<vmem>> -> memref<128xi32, #tpu.memory_space<vmem>>
    %dma_wait3A_99 = arith.constant 0 : i32
    %dma_wait3A_100 = arith.constant 0 : i32
    %dma_wait3A_101 = tpu.memref_slice %arg9[%dma_wait3A_99, %dma_wait3A_100] : memref<10112x64xf32, #tpu.memory_space<vmem_shared>> -> memref<10112x64xf32, #tpu.memory_space<vmem_shared>>
    tpu.wait_indirect_dma semaphore(%arg24 : memref<!tpu.dma_semaphore, #tpu.memory_space<semaphore_mem>>) src(%dma_wait3A_95 : memref<128x64xf32, #tpu.memory_space<vmem>>) dst(%dma_wait3A_101 : memref<10112x64xf32, #tpu.memory_space<vmem_shared>>)
    %dma_wait3A_102 = arith.constant 7 : i32
    %dma_wait3A_103 = arith.constant 0 : i32
    %dma_wait3A_104 = arith.constant 7 : i32
    %dma_wait3A_105 = arith.constant 0 : i32
    %dma_wait3A_106 = arith.constant 0 : i32
    %dma_wait3A_107 = tpu.memref_slice %arg8[%dma_wait3A_102, %dma_wait3A_105, %dma_wait3A_106] : memref<8x128x64xf32, #tpu.memory_space<vmem>> -> memref<1x128x64xf32, #tpu.memory_space<vmem>>
    %dma_wait3A_108 = tpu.memref_squeeze %dma_wait3A_107 : memref<1x128x64xf32, #tpu.memory_space<vmem>> -> memref<128x64xf32, #tpu.memory_space<vmem>>
    %dma_wait3A_109 = arith.constant 0 : i32
    %dma_wait3A_110 = tpu.memref_slice %arg7[%dma_wait3A_103, %dma_wait3A_104, %dma_wait3A_109] : memref<3x8x128xi32, #tpu.memory_space<vmem>> -> memref<1x1x128xi32, #tpu.memory_space<vmem>>
    %dma_wait3A_111 = tpu.memref_squeeze %dma_wait3A_110 : memref<1x1x128xi32, #tpu.memory_space<vmem>> -> memref<128xi32, #tpu.memory_space<vmem>>
    %dma_wait3A_112 = arith.constant 0 : i32
    %dma_wait3A_113 = arith.constant 0 : i32
    %dma_wait3A_114 = tpu.memref_slice %arg9[%dma_wait3A_112, %dma_wait3A_113] : memref<10112x64xf32, #tpu.memory_space<vmem_shared>> -> memref<10112x64xf32, #tpu.memory_space<vmem_shared>>
    tpu.wait_indirect_dma semaphore(%arg25 : memref<!tpu.dma_semaphore, #tpu.memory_space<semaphore_mem>>) src(%dma_wait3A_108 : memref<128x64xf32, #tpu.memory_space<vmem>>) dst(%dma_wait3A_114 : memref<10112x64xf32, #tpu.memory_space<vmem_shared>>)
    %barrier3A_115 = arith.constant 0 : index
    tpu.barrier barrier_id(%barrier3A_115)
    %mul3A_116 = arith.constant 632 : i32
    %mul3A_117 = arith.muli %arg1, %mul3A_116 : i32
    %mul3A_118 = arith.constant 632 : i32
    %mul3A_119 = arith.muli %arg1, %mul3A_118 : i32
    "tpu.region"() ({
      %run_scoped3A_120 = tpu.sem_alloc : memref<!tpu.dma_semaphore, #tpu.memory_space<semaphore_mem>>
      %dma_start3A_121 = arith.constant 0 : i32
      %dma_start3A_122 = tpu.memref_slice %arg5[%arg0, %mul3A_119, %dma_start3A_121] : memref<2x10112x64xf32, #tpu.memory_space<hbm>> -> memref<1x632x64xf32, #tpu.memory_space<hbm>>
      %dma_start3A_123 = tpu.memref_squeeze %dma_start3A_122 : memref<1x632x64xf32, #tpu.memory_space<hbm>> -> memref<632x64xf32, #tpu.memory_space<hbm>>
      %dma_start3A_124 = arith.constant 0 : i32
      %dma_start3A_125 = tpu.memref_slice %arg9[%mul3A_117, %dma_start3A_124] : memref<10112x64xf32, #tpu.memory_space<vmem_shared>> -> memref<632x64xf32, #tpu.memory_space<vmem_shared>>
      tpu.enqueue_dma source(%dma_start3A_125 : memref<632x64xf32, #tpu.memory_space<vmem_shared>>) target(%dma_start3A_123 : memref<632x64xf32, #tpu.memory_space<hbm>>) target_semaphore(%run_scoped3A_120 : memref<!tpu.dma_semaphore, #tpu.memory_space<semaphore_mem>>)
      %dma_wait3A_126 = arith.constant 0 : i32
      %dma_wait3A_127 = tpu.memref_slice %arg5[%arg0, %mul3A_119, %dma_wait3A_126] : memref<2x10112x64xf32, #tpu.memory_space<hbm>> -> memref<1x632x64xf32, #tpu.memory_space<hbm>>
      %dma_wait3A_128 = tpu.memref_squeeze %dma_wait3A_127 : memref<1x632x64xf32, #tpu.memory_space<hbm>> -> memref<632x64xf32, #tpu.memory_space<hbm>>
      %dma_wait3A_129 = arith.constant 0 : i32
      %dma_wait3A_130 = tpu.memref_slice %arg9[%mul3A_117, %dma_wait3A_129] : memref<10112x64xf32, #tpu.memory_space<vmem_shared>> -> memref<632x64xf32, #tpu.memory_space<vmem_shared>>
      tpu.wait_dma2 semaphore(%run_scoped3A_120 : memref<!tpu.dma_semaphore, #tpu.memory_space<semaphore_mem>>) src(%dma_wait3A_130 : memref<632x64xf32, #tpu.memory_space<vmem_shared>>) dst(%dma_wait3A_128 : memref<632x64xf32, #tpu.memory_space<hbm>>)
      tpu.yield
    }) : () -> ()
    return
  }
}

#map = affine_map<(d0, d1) -> (0, 0)>
#map1 = affine_map<(d0, d1) -> (0, 0, 0)>
module attributes {stable_mosaic.version = 14 : i64} {
  func.func @_seg_body(%arg0: i32, %arg1: i32, %arg2: memref<10000x64xf32, #tpu.memory_space<hbm>>, %arg3: memref<32x80x128xi32, #tpu.memory_space<hbm>>, %arg4: memref<32x80x128xi32, #tpu.memory_space<hbm>>, %arg5: memref<2x10112x64xf32, #tpu.memory_space<hbm>>, %arg6: memref<3x8x128xi32, #tpu.memory_space<vmem>>, %arg7: memref<3x8x128xi32, #tpu.memory_space<vmem>>, %arg8: memref<8x128x64xf32, #tpu.memory_space<vmem>>, %arg9: memref<10112x64xf32, #tpu.memory_space<vmem_shared>>, %arg10: memref<!tpu.dma_semaphore, #tpu.memory_space<semaphore_mem>>, %arg11: memref<!tpu.dma_semaphore, #tpu.memory_space<semaphore_mem>>, %arg12: memref<!tpu.dma_semaphore, #tpu.memory_space<semaphore_mem>>, %arg13: memref<!tpu.dma_semaphore, #tpu.memory_space<semaphore_mem>>, %arg14: memref<!tpu.dma_semaphore, #tpu.memory_space<semaphore_mem>>, %arg15: memref<!tpu.dma_semaphore, #tpu.memory_space<semaphore_mem>>, %arg16: memref<!tpu.dma_semaphore, #tpu.memory_space<semaphore_mem>>, %arg17: memref<!tpu.dma_semaphore, #tpu.memory_space<semaphore_mem>>, %arg18: memref<!tpu.dma_semaphore, #tpu.memory_space<semaphore_mem>>, %arg19: memref<!tpu.dma_semaphore, #tpu.memory_space<semaphore_mem>>, %arg20: memref<!tpu.dma_semaphore, #tpu.memory_space<semaphore_mem>>, %arg21: memref<!tpu.dma_semaphore, #tpu.memory_space<semaphore_mem>>, %arg22: memref<!tpu.dma_semaphore, #tpu.memory_space<semaphore_mem>>, %arg23: memref<!tpu.dma_semaphore, #tpu.memory_space<semaphore_mem>>, %arg24: memref<!tpu.dma_semaphore, #tpu.memory_space<semaphore_mem>>, %arg25: memref<!tpu.dma_semaphore, #tpu.memory_space<semaphore_mem>>, %arg26: memref<!tpu.dma_semaphore, #tpu.memory_space<semaphore_mem>>) attributes {dimension_semantics = [#tpu.dimension_semantics<core_parallel>, #tpu.dimension_semantics<subcore_parallel>], iteration_bounds = array<i64: 2, 16>, scalar_prefetch = 0 : i64, scratch_operands = 21 : i64, tpu.core_type = #tpu.core_type<sc_vector_subcore>, window_params = [{transform_indices = #map}, {transform_indices = #map1}, {transform_indices = #map1}, {transform_indices = #map1}]} {
    %mul3A = arith.constant 16 : i32
    %mul3A_0 = arith.muli %arg0, %mul3A : i32
    %add3A = arith.addi %mul3A_0, %arg1 : i32
    %run_scoped3A = arith.constant 0 : i32
    "tpu.region"() ({
      %run_scoped3A_120 = tpu.sem_alloc : memref<!tpu.dma_semaphore, #tpu.memory_space<semaphore_mem>>
      %dma_start3A_121 = arith.constant 0 : i32
      %dma_start3A_122 = arith.constant 0 : i32
      %dma_start3A_123 = tpu.memref_slice %arg6[%run_scoped3A, %dma_start3A_121, %dma_start3A_122] : memref<3x8x128xi32, #tpu.memory_space<vmem>> -> memref<1x8x128xi32, #tpu.memory_space<vmem>>
      %dma_start3A_124 = tpu.memref_squeeze %dma_start3A_123 : memref<1x8x128xi32, #tpu.memory_space<vmem>> -> memref<8x128xi32, #tpu.memory_space<vmem>>
      %dma_start3A_125 = arith.constant 0 : i32
      %dma_start3A_126 = arith.constant 0 : i32
      %dma_start3A_127 = tpu.memref_slice %arg3[%add3A, %dma_start3A_125, %dma_start3A_126] : memref<32x80x128xi32, #tpu.memory_space<hbm>> -> memref<1x8x128xi32, #tpu.memory_space<hbm>>
      %dma_start3A_128 = tpu.memref_squeeze %dma_start3A_127 : memref<1x8x128xi32, #tpu.memory_space<hbm>> -> memref<8x128xi32, #tpu.memory_space<hbm>>
      %dma_start3A_129 = arith.constant 0 : i32
      %dma_start3A_130 = arith.constant 0 : i32
      %dma_start3A_131 = tpu.memref_slice %arg6[%run_scoped3A, %dma_start3A_129, %dma_start3A_130] : memref<3x8x128xi32, #tpu.memory_space<vmem>> -> memref<1x8x128xi32, #tpu.memory_space<vmem>>
      %dma_start3A_132 = tpu.memref_squeeze %dma_start3A_131 : memref<1x8x128xi32, #tpu.memory_space<vmem>> -> memref<8x128xi32, #tpu.memory_space<vmem>>
      %dma_start3A_133 = arith.constant 0 : i32
      %dma_start3A_134 = arith.constant 0 : i32
      %dma_start3A_135 = tpu.memref_slice %arg3[%add3A, %dma_start3A_133, %dma_start3A_134] : memref<32x80x128xi32, #tpu.memory_space<hbm>> -> memref<1x8x128xi32, #tpu.memory_space<hbm>>
      %dma_start3A_136 = tpu.memref_squeeze %dma_start3A_135 : memref<1x8x128xi32, #tpu.memory_space<hbm>> -> memref<8x128xi32, #tpu.memory_space<hbm>>
      tpu.enqueue_dma source(%dma_start3A_136 : memref<8x128xi32, #tpu.memory_space<hbm>>) target(%dma_start3A_132 : memref<8x128xi32, #tpu.memory_space<vmem>>) target_semaphore(%run_scoped3A_120 : memref<!tpu.dma_semaphore, #tpu.memory_space<semaphore_mem>>)
      %dma_wait3A_137 = arith.constant 0 : i32
      %dma_wait3A_138 = arith.constant 0 : i32
      %dma_wait3A_139 = tpu.memref_slice %arg6[%run_scoped3A, %dma_wait3A_137, %dma_wait3A_138] : memref<3x8x128xi32, #tpu.memory_space<vmem>> -> memref<1x8x128xi32, #tpu.memory_space<vmem>>
      %dma_wait3A_140 = tpu.memref_squeeze %dma_wait3A_139 : memref<1x8x128xi32, #tpu.memory_space<vmem>> -> memref<8x128xi32, #tpu.memory_space<vmem>>
      %dma_wait3A_141 = arith.constant 0 : i32
      %dma_wait3A_142 = arith.constant 0 : i32
      %dma_wait3A_143 = tpu.memref_slice %arg3[%add3A, %dma_wait3A_141, %dma_wait3A_142] : memref<32x80x128xi32, #tpu.memory_space<hbm>> -> memref<1x8x128xi32, #tpu.memory_space<hbm>>
      %dma_wait3A_144 = tpu.memref_squeeze %dma_wait3A_143 : memref<1x8x128xi32, #tpu.memory_space<hbm>> -> memref<8x128xi32, #tpu.memory_space<hbm>>
      %dma_wait3A_145 = arith.constant 0 : i32
      %dma_wait3A_146 = arith.constant 0 : i32
      %dma_wait3A_147 = tpu.memref_slice %arg6[%run_scoped3A, %dma_wait3A_145, %dma_wait3A_146] : memref<3x8x128xi32, #tpu.memory_space<vmem>> -> memref<1x8x128xi32, #tpu.memory_space<vmem>>
      %dma_wait3A_148 = tpu.memref_squeeze %dma_wait3A_147 : memref<1x8x128xi32, #tpu.memory_space<vmem>> -> memref<8x128xi32, #tpu.memory_space<vmem>>
      %dma_wait3A_149 = arith.constant 0 : i32
      %dma_wait3A_150 = arith.constant 0 : i32
      %dma_wait3A_151 = tpu.memref_slice %arg3[%add3A, %dma_wait3A_149, %dma_wait3A_150] : memref<32x80x128xi32, #tpu.memory_space<hbm>> -> memref<1x8x128xi32, #tpu.memory_space<hbm>>
      %dma_wait3A_152 = tpu.memref_squeeze %dma_wait3A_151 : memref<1x8x128xi32, #tpu.memory_space<hbm>> -> memref<8x128xi32, #tpu.memory_space<hbm>>
      tpu.wait_dma2 semaphore(%run_scoped3A_120 : memref<!tpu.dma_semaphore, #tpu.memory_space<semaphore_mem>>) src(%dma_wait3A_152 : memref<8x128xi32, #tpu.memory_space<hbm>>) dst(%dma_wait3A_148 : memref<8x128xi32, #tpu.memory_space<vmem>>)
      tpu.yield
    }) : () -> ()
    %run_scoped3A_1 = arith.constant 0 : i32
    "tpu.region"() ({
      %run_scoped3A_120 = tpu.sem_alloc : memref<!tpu.dma_semaphore, #tpu.memory_space<semaphore_mem>>
      %dma_start3A_121 = arith.constant 0 : i32
      %dma_start3A_122 = arith.constant 0 : i32
      %dma_start3A_123 = tpu.memref_slice %arg7[%run_scoped3A_1, %dma_start3A_121, %dma_start3A_122] : memref<3x8x128xi32, #tpu.memory_space<vmem>> -> memref<1x8x128xi32, #tpu.memory_space<vmem>>
      %dma_start3A_124 = tpu.memref_squeeze %dma_start3A_123 : memref<1x8x128xi32, #tpu.memory_space<vmem>> -> memref<8x128xi32, #tpu.memory_space<vmem>>
      %dma_start3A_125 = arith.constant 0 : i32
      %dma_start3A_126 = arith.constant 0 : i32
      %dma_start3A_127 = tpu.memref_slice %arg4[%add3A, %dma_start3A_125, %dma_start3A_126] : memref<32x80x128xi32, #tpu.memory_space<hbm>> -> memref<1x8x128xi32, #tpu.memory_space<hbm>>
      %dma_start3A_128 = tpu.memref_squeeze %dma_start3A_127 : memref<1x8x128xi32, #tpu.memory_space<hbm>> -> memref<8x128xi32, #tpu.memory_space<hbm>>
      %dma_start3A_129 = arith.constant 0 : i32
      %dma_start3A_130 = arith.constant 0 : i32
      %dma_start3A_131 = tpu.memref_slice %arg7[%run_scoped3A_1, %dma_start3A_129, %dma_start3A_130] : memref<3x8x128xi32, #tpu.memory_space<vmem>> -> memref<1x8x128xi32, #tpu.memory_space<vmem>>
      %dma_start3A_132 = tpu.memref_squeeze %dma_start3A_131 : memref<1x8x128xi32, #tpu.memory_space<vmem>> -> memref<8x128xi32, #tpu.memory_space<vmem>>
      %dma_start3A_133 = arith.constant 0 : i32
      %dma_start3A_134 = arith.constant 0 : i32
      %dma_start3A_135 = tpu.memref_slice %arg4[%add3A, %dma_start3A_133, %dma_start3A_134] : memref<32x80x128xi32, #tpu.memory_space<hbm>> -> memref<1x8x128xi32, #tpu.memory_space<hbm>>
      %dma_start3A_136 = tpu.memref_squeeze %dma_start3A_135 : memref<1x8x128xi32, #tpu.memory_space<hbm>> -> memref<8x128xi32, #tpu.memory_space<hbm>>
      tpu.enqueue_dma source(%dma_start3A_136 : memref<8x128xi32, #tpu.memory_space<hbm>>) target(%dma_start3A_132 : memref<8x128xi32, #tpu.memory_space<vmem>>) target_semaphore(%run_scoped3A_120 : memref<!tpu.dma_semaphore, #tpu.memory_space<semaphore_mem>>)
      %dma_wait3A_137 = arith.constant 0 : i32
      %dma_wait3A_138 = arith.constant 0 : i32
      %dma_wait3A_139 = tpu.memref_slice %arg7[%run_scoped3A_1, %dma_wait3A_137, %dma_wait3A_138] : memref<3x8x128xi32, #tpu.memory_space<vmem>> -> memref<1x8x128xi32, #tpu.memory_space<vmem>>
      %dma_wait3A_140 = tpu.memref_squeeze %dma_wait3A_139 : memref<1x8x128xi32, #tpu.memory_space<vmem>> -> memref<8x128xi32, #tpu.memory_space<vmem>>
      %dma_wait3A_141 = arith.constant 0 : i32
      %dma_wait3A_142 = arith.constant 0 : i32
      %dma_wait3A_143 = tpu.memref_slice %arg4[%add3A, %dma_wait3A_141, %dma_wait3A_142] : memref<32x80x128xi32, #tpu.memory_space<hbm>> -> memref<1x8x128xi32, #tpu.memory_space<hbm>>
      %dma_wait3A_144 = tpu.memref_squeeze %dma_wait3A_143 : memref<1x8x128xi32, #tpu.memory_space<hbm>> -> memref<8x128xi32, #tpu.memory_space<hbm>>
      %dma_wait3A_145 = arith.constant 0 : i32
      %dma_wait3A_146 = arith.constant 0 : i32
      %dma_wait3A_147 = tpu.memref_slice %arg7[%run_scoped3A_1, %dma_wait3A_145, %dma_wait3A_146] : memref<3x8x128xi32, #tpu.memory_space<vmem>> -> memref<1x8x128xi32, #tpu.memory_space<vmem>>
      %dma_wait3A_148 = tpu.memref_squeeze %dma_wait3A_147 : memref<1x8x128xi32, #tpu.memory_space<vmem>> -> memref<8x128xi32, #tpu.memory_space<vmem>>
      %dma_wait3A_149 = arith.constant 0 : i32
      %dma_wait3A_150 = arith.constant 0 : i32
      %dma_wait3A_151 = tpu.memref_slice %arg4[%add3A, %dma_wait3A_149, %dma_wait3A_150] : memref<32x80x128xi32, #tpu.memory_space<hbm>> -> memref<1x8x128xi32, #tpu.memory_space<hbm>>
      %dma_wait3A_152 = tpu.memref_squeeze %dma_wait3A_151 : memref<1x8x128xi32, #tpu.memory_space<hbm>> -> memref<8x128xi32, #tpu.memory_space<hbm>>
      tpu.wait_dma2 semaphore(%run_scoped3A_120 : memref<!tpu.dma_semaphore, #tpu.memory_space<semaphore_mem>>) src(%dma_wait3A_152 : memref<8x128xi32, #tpu.memory_space<hbm>>) dst(%dma_wait3A_148 : memref<8x128xi32, #tpu.memory_space<vmem>>)
      tpu.yield
    }) : () -> ()
    %lt3A = arith.constant 15 : i32
    %lt3A_2 = arith.cmpi slt, %arg1, %lt3A : i32
    %convert_element_type3A = arith.extui %lt3A_2 : i1 to i32
    %cond3A = arith.constant 0 : i32
    %cond3A_3 = arith.cmpi ne, %convert_element_type3A, %cond3A : i32
    scf.if %cond3A_3 {
      %mul3A_120 = arith.constant 632 : i32
      %mul3A_121 = arith.muli %arg1, %mul3A_120 : i32
      %mul3A_122 = arith.constant 632 : i32
      %mul3A_123 = arith.muli %arg1, %mul3A_122 : i32
      "tpu.region"() ({
        %run_scoped3A_124 = tpu.sem_alloc : memref<!tpu.dma_semaphore, #tpu.memory_space<semaphore_mem>>
        %dma_start3A_125 = arith.constant 0 : i32
        %dma_start3A_126 = tpu.memref_slice %arg9[%mul3A_123, %dma_start3A_125] : memref<10112x64xf32, #tpu.memory_space<vmem_shared>> -> memref<632x64xf32, #tpu.memory_space<vmem_shared>>
        %dma_start3A_127 = arith.constant 0 : i32
        %dma_start3A_128 = tpu.memref_slice %arg2[%mul3A_121, %dma_start3A_127] : memref<10000x64xf32, #tpu.memory_space<hbm>> -> memref<632x64xf32, #tpu.memory_space<hbm>>
        tpu.enqueue_dma source(%dma_start3A_128 : memref<632x64xf32, #tpu.memory_space<hbm>>) target(%dma_start3A_126 : memref<632x64xf32, #tpu.memory_space<vmem_shared>>) target_semaphore(%run_scoped3A_124 : memref<!tpu.dma_semaphore, #tpu.memory_space<semaphore_mem>>)
        %dma_wait3A_129 = arith.constant 0 : i32
        %dma_wait3A_130 = tpu.memref_slice %arg9[%mul3A_123, %dma_wait3A_129] : memref<10112x64xf32, #tpu.memory_space<vmem_shared>> -> memref<632x64xf32, #tpu.memory_space<vmem_shared>>
        %dma_wait3A_131 = arith.constant 0 : i32
        %dma_wait3A_132 = tpu.memref_slice %arg2[%mul3A_121, %dma_wait3A_131] : memref<10000x64xf32, #tpu.memory_space<hbm>> -> memref<632x64xf32, #tpu.memory_space<hbm>>
        tpu.wait_dma2 semaphore(%run_scoped3A_124 : memref<!tpu.dma_semaphore, #tpu.memory_space<semaphore_mem>>) src(%dma_wait3A_132 : memref<632x64xf32, #tpu.memory_space<hbm>>) dst(%dma_wait3A_130 : memref<632x64xf32, #tpu.memory_space<vmem_shared>>)
        tpu.yield
      }) : () -> ()
    } else {
    }
    %eq3A = arith.constant 15 : i32
    %eq3A_4 = arith.cmpi eq, %arg1, %eq3A : i32
    %convert_element_type3A_5 = arith.extui %eq3A_4 : i1 to i32
    %cond3A_6 = arith.constant 0 : i32
    %cond3A_7 = arith.cmpi ne, %convert_element_type3A_5, %cond3A_6 : i32
    scf.if %cond3A_7 {
      "tpu.region"() ({
        %run_scoped3A_120 = tpu.sem_alloc : memref<!tpu.dma_semaphore, #tpu.memory_space<semaphore_mem>>
        %dma_start3A_121 = arith.constant 9480 : i32
        %dma_start3A_122 = arith.constant 0 : i32
        %dma_start3A_123 = tpu.memref_slice %arg9[%dma_start3A_121, %dma_start3A_122] : memref<10112x64xf32, #tpu.memory_space<vmem_shared>> -> memref<520x64xf32, #tpu.memory_space<vmem_shared>>
        %dma_start3A_124 = arith.constant 9480 : i32
        %dma_start3A_125 = arith.constant 0 : i32
        %dma_start3A_126 = tpu.memref_slice %arg2[%dma_start3A_124, %dma_start3A_125] : memref<10000x64xf32, #tpu.memory_space<hbm>> -> memref<520x64xf32, #tpu.memory_space<hbm>>
        tpu.enqueue_dma source(%dma_start3A_126 : memref<520x64xf32, #tpu.memory_space<hbm>>) target(%dma_start3A_123 : memref<520x64xf32, #tpu.memory_space<vmem_shared>>) target_semaphore(%run_scoped3A_120 : memref<!tpu.dma_semaphore, #tpu.memory_space<semaphore_mem>>)
        %dma_wait3A_127 = arith.constant 9480 : i32
        %dma_wait3A_128 = arith.constant 0 : i32
        %dma_wait3A_129 = tpu.memref_slice %arg9[%dma_wait3A_127, %dma_wait3A_128] : memref<10112x64xf32, #tpu.memory_space<vmem_shared>> -> memref<520x64xf32, #tpu.memory_space<vmem_shared>>
        %dma_wait3A_130 = arith.constant 9480 : i32
        %dma_wait3A_131 = arith.constant 0 : i32
        %dma_wait3A_132 = tpu.memref_slice %arg2[%dma_wait3A_130, %dma_wait3A_131] : memref<10000x64xf32, #tpu.memory_space<hbm>> -> memref<520x64xf32, #tpu.memory_space<hbm>>
        tpu.wait_dma2 semaphore(%run_scoped3A_120 : memref<!tpu.dma_semaphore, #tpu.memory_space<semaphore_mem>>) src(%dma_wait3A_132 : memref<520x64xf32, #tpu.memory_space<hbm>>) dst(%dma_wait3A_129 : memref<520x64xf32, #tpu.memory_space<vmem_shared>>)
        tpu.yield
      }) : () -> ()
    } else {
    }
    %barrier3A = arith.constant 0 : index
    tpu.barrier barrier_id(%barrier3A)
    %dma_start3A = arith.constant 0 : i32
    %dma_start3A_8 = arith.constant 0 : i32
    %dma_start3A_9 = arith.constant 0 : i32
    %dma_start3A_10 = arith.constant 0 : i32
    %dma_start3A_11 = arith.constant 0 : i32
    %dma_start3A_12 = tpu.memref_slice %arg8[%dma_start3A_9, %dma_start3A_10, %dma_start3A_11] : memref<8x128x64xf32, #tpu.memory_space<vmem>> -> memref<1x128x64xf32, #tpu.memory_space<vmem>>
    %dma_start3A_13 = tpu.memref_squeeze %dma_start3A_12 : memref<1x128x64xf32, #tpu.memory_space<vmem>> -> memref<128x64xf32, #tpu.memory_space<vmem>>
    %dma_start3A_14 = arith.constant 0 : i32
    %dma_start3A_15 = tpu.memref_slice %arg6[%dma_start3A, %dma_start3A_8, %dma_start3A_14] : memref<3x8x128xi32, #tpu.memory_space<vmem>> -> memref<1x1x128xi32, #tpu.memory_space<vmem>>
    %dma_start3A_16 = tpu.memref_squeeze %dma_start3A_15 : memref<1x1x128xi32, #tpu.memory_space<vmem>> -> memref<128xi32, #tpu.memory_space<vmem>>
    %dma_start3A_17 = arith.constant 0 : i32
    %dma_start3A_18 = arith.constant 0 : i32
    %dma_start3A_19 = tpu.memref_slice %arg2[%dma_start3A_17, %dma_start3A_18] : memref<10000x64xf32, #tpu.memory_space<hbm>> -> memref<10000x64xf32, #tpu.memory_space<hbm>>
    tpu.enqueue_indirect_dma source(%dma_start3A_19 : memref<10000x64xf32, #tpu.memory_space<hbm>>) target(%dma_start3A_13 : memref<128x64xf32, #tpu.memory_space<vmem>>) offsets(%dma_start3A_16 : memref<128xi32, #tpu.memory_space<vmem>>) semaphore(%arg10 : memref<!tpu.dma_semaphore, #tpu.memory_space<semaphore_mem>>)
    %dma_start3A_20 = arith.constant 0 : i32
    %dma_start3A_21 = arith.constant 1 : i32
    %dma_start3A_22 = arith.constant 1 : i32
    %dma_start3A_23 = arith.constant 0 : i32
    %dma_start3A_24 = arith.constant 0 : i32
    %dma_start3A_25 = tpu.memref_slice %arg8[%dma_start3A_22, %dma_start3A_23, %dma_start3A_24] : memref<8x128x64xf32, #tpu.memory_space<vmem>> -> memref<1x128x64xf32, #tpu.memory_space<vmem>>
    %dma_start3A_26 = tpu.memref_squeeze %dma_start3A_25 : memref<1x128x64xf32, #tpu.memory_space<vmem>> -> memref<128x64xf32, #tpu.memory_space<vmem>>
    %dma_start3A_27 = arith.constant 0 : i32
    %dma_start3A_28 = tpu.memref_slice %arg6[%dma_start3A_20, %dma_start3A_21, %dma_start3A_27] : memref<3x8x128xi32, #tpu.memory_space<vmem>> -> memref<1x1x128xi32, #tpu.memory_space<vmem>>
    %dma_start3A_29 = tpu.memref_squeeze %dma_start3A_28 : memref<1x1x128xi32, #tpu.memory_space<vmem>> -> memref<128xi32, #tpu.memory_space<vmem>>
    %dma_start3A_30 = arith.constant 0 : i32
    %dma_start3A_31 = arith.constant 0 : i32
    %dma_start3A_32 = tpu.memref_slice %arg2[%dma_start3A_30, %dma_start3A_31] : memref<10000x64xf32, #tpu.memory_space<hbm>> -> memref<10000x64xf32, #tpu.memory_space<hbm>>
    tpu.enqueue_indirect_dma source(%dma_start3A_32 : memref<10000x64xf32, #tpu.memory_space<hbm>>) target(%dma_start3A_26 : memref<128x64xf32, #tpu.memory_space<vmem>>) offsets(%dma_start3A_29 : memref<128xi32, #tpu.memory_space<vmem>>) semaphore(%arg11 : memref<!tpu.dma_semaphore, #tpu.memory_space<semaphore_mem>>)
    %dma_start3A_33 = arith.constant 0 : i32
    %dma_start3A_34 = arith.constant 2 : i32
    %dma_start3A_35 = arith.constant 2 : i32
    %dma_start3A_36 = arith.constant 0 : i32
    %dma_start3A_37 = arith.constant 0 : i32
    %dma_start3A_38 = tpu.memref_slice %arg8[%dma_start3A_35, %dma_start3A_36, %dma_start3A_37] : memref<8x128x64xf32, #tpu.memory_space<vmem>> -> memref<1x128x64xf32, #tpu.memory_space<vmem>>
    %dma_start3A_39 = tpu.memref_squeeze %dma_start3A_38 : memref<1x128x64xf32, #tpu.memory_space<vmem>> -> memref<128x64xf32, #tpu.memory_space<vmem>>
    %dma_start3A_40 = arith.constant 0 : i32
    %dma_start3A_41 = tpu.memref_slice %arg6[%dma_start3A_33, %dma_start3A_34, %dma_start3A_40] : memref<3x8x128xi32, #tpu.memory_space<vmem>> -> memref<1x1x128xi32, #tpu.memory_space<vmem>>
    %dma_start3A_42 = tpu.memref_squeeze %dma_start3A_41 : memref<1x1x128xi32, #tpu.memory_space<vmem>> -> memref<128xi32, #tpu.memory_space<vmem>>
    %dma_start3A_43 = arith.constant 0 : i32
    %dma_start3A_44 = arith.constant 0 : i32
    %dma_start3A_45 = tpu.memref_slice %arg2[%dma_start3A_43, %dma_start3A_44] : memref<10000x64xf32, #tpu.memory_space<hbm>> -> memref<10000x64xf32, #tpu.memory_space<hbm>>
    tpu.enqueue_indirect_dma source(%dma_start3A_45 : memref<10000x64xf32, #tpu.memory_space<hbm>>) target(%dma_start3A_39 : memref<128x64xf32, #tpu.memory_space<vmem>>) offsets(%dma_start3A_42 : memref<128xi32, #tpu.memory_space<vmem>>) semaphore(%arg12 : memref<!tpu.dma_semaphore, #tpu.memory_space<semaphore_mem>>)
    %dma_start3A_46 = arith.constant 0 : i32
    %dma_start3A_47 = arith.constant 3 : i32
    %dma_start3A_48 = arith.constant 3 : i32
    %dma_start3A_49 = arith.constant 0 : i32
    %dma_start3A_50 = arith.constant 0 : i32
    %dma_start3A_51 = tpu.memref_slice %arg8[%dma_start3A_48, %dma_start3A_49, %dma_start3A_50] : memref<8x128x64xf32, #tpu.memory_space<vmem>> -> memref<1x128x64xf32, #tpu.memory_space<vmem>>
    %dma_start3A_52 = tpu.memref_squeeze %dma_start3A_51 : memref<1x128x64xf32, #tpu.memory_space<vmem>> -> memref<128x64xf32, #tpu.memory_space<vmem>>
    %dma_start3A_53 = arith.constant 0 : i32
    %dma_start3A_54 = tpu.memref_slice %arg6[%dma_start3A_46, %dma_start3A_47, %dma_start3A_53] : memref<3x8x128xi32, #tpu.memory_space<vmem>> -> memref<1x1x128xi32, #tpu.memory_space<vmem>>
    %dma_start3A_55 = tpu.memref_squeeze %dma_start3A_54 : memref<1x1x128xi32, #tpu.memory_space<vmem>> -> memref<128xi32, #tpu.memory_space<vmem>>
    %dma_start3A_56 = arith.constant 0 : i32
    %dma_start3A_57 = arith.constant 0 : i32
    %dma_start3A_58 = tpu.memref_slice %arg2[%dma_start3A_56, %dma_start3A_57] : memref<10000x64xf32, #tpu.memory_space<hbm>> -> memref<10000x64xf32, #tpu.memory_space<hbm>>
    tpu.enqueue_indirect_dma source(%dma_start3A_58 : memref<10000x64xf32, #tpu.memory_space<hbm>>) target(%dma_start3A_52 : memref<128x64xf32, #tpu.memory_space<vmem>>) offsets(%dma_start3A_55 : memref<128xi32, #tpu.memory_space<vmem>>) semaphore(%arg13 : memref<!tpu.dma_semaphore, #tpu.memory_space<semaphore_mem>>)
    %scan3A = arith.constant 0 : i32
    %scan3A_59 = arith.constant 0 : i32
    %scan3A_60 = arith.constant 10 : i32
    %scan3A_61 = arith.addi %scan3A_59, %scan3A_60 : i32
    %scan3A_62 = arith.constant 1 : i32
    scf.for %scan3A_120 = %scan3A_59 to %scan3A_61 step %scan3A_62  : i32 {
      %jit3A = arith.constant 3 : i32
      %eq3A_121 = arith.constant 0 : i32
      %eq3A_122 = arith.cmpi eq, %jit3A, %eq3A_121 : i32
      %jit3A_123 = arith.constant 1 : i32
      %select_n3A = arith.select %eq3A_122, %jit3A_123, %jit3A : i32
      %rem3A = arith.remsi %scan3A_120, %select_n3A : i32
      %ne3A = arith.constant 0 : i32
      %ne3A_124 = arith.cmpi ne, %rem3A, %ne3A : i32
      %lt3A_125 = arith.constant 0 : i32
      %lt3A_126 = arith.cmpi slt, %rem3A, %lt3A_125 : i32
      %lt3A_127 = arith.constant 0 : i32
      %lt3A_128 = arith.cmpi slt, %select_n3A, %lt3A_127 : i32
      %ne3A_129 = arith.xori %lt3A_126, %lt3A_128 : i1
      %and3A = arith.andi %ne3A_129, %ne3A_124 : i1
      %add3A_130 = arith.addi %rem3A, %select_n3A : i32
      %select_n3A_131 = arith.select %and3A, %add3A_130, %rem3A : i32
      %add3A_132 = arith.constant 1 : i32
      %add3A_133 = arith.addi %scan3A_120, %add3A_132 : i32
      %jit3A_134 = arith.constant 3 : i32
      %eq3A_135 = arith.constant 0 : i32
      %eq3A_136 = arith.cmpi eq, %jit3A_134, %eq3A_135 : i32
      %jit3A_137 = arith.constant 1 : i32
      %select_n3A_138 = arith.select %eq3A_136, %jit3A_137, %jit3A_134 : i32
      %rem3A_139 = arith.remsi %add3A_133, %select_n3A_138 : i32
      %ne3A_140 = arith.constant 0 : i32
      %ne3A_141 = arith.cmpi ne, %rem3A_139, %ne3A_140 : i32
      %lt3A_142 = arith.constant 0 : i32
      %lt3A_143 = arith.cmpi slt, %rem3A_139, %lt3A_142 : i32
      %lt3A_144 = arith.constant 0 : i32
      %lt3A_145 = arith.cmpi slt, %select_n3A_138, %lt3A_144 : i32
      %ne3A_146 = arith.xori %lt3A_143, %lt3A_145 : i1
      %and3A_147 = arith.andi %ne3A_146, %ne3A_141 : i1
      %add3A_148 = arith.addi %rem3A_139, %select_n3A_138 : i32
      %select_n3A_149 = arith.select %and3A_147, %add3A_148, %rem3A_139 : i32
      %mul3A_150 = arith.constant 8 : i32
      %mul3A_151 = arith.muli %scan3A_120, %mul3A_150 : i32
      %add3A_152 = arith.constant 0 : i32
      %add3A_153 = arith.addi %mul3A_151, %add3A_152 : i32
      %add3A_154 = arith.constant 1 : i32
      %add3A_155 = arith.addi %scan3A_120, %add3A_154 : i32
      %lt3A_156 = arith.constant 10 : i32
      %lt3A_157 = arith.cmpi slt, %add3A_155, %lt3A_156 : i32
      %convert_element_type3A_158 = arith.extui %lt3A_157 : i1 to i32
      %cond3A_159 = arith.constant 0 : i32
      %cond3A_160 = arith.cmpi ne, %convert_element_type3A_158, %cond3A_159 : i32
      scf.if %cond3A_160 {
        %add3A_531 = arith.constant 1 : i32
        %add3A_532 = arith.addi %scan3A_120, %add3A_531 : i32
        %mul3A_533 = arith.constant 8 : i32
        %mul3A_534 = arith.muli %add3A_532, %mul3A_533 : i32
        %dma_start3A_535 = arith.constant 0 : i32
        %dma_start3A_536 = arith.constant 0 : i32
        %dma_start3A_537 = tpu.memref_slice %arg6[%select_n3A_149, %dma_start3A_535, %dma_start3A_536] : memref<3x8x128xi32, #tpu.memory_space<vmem>> -> memref<1x8x128xi32, #tpu.memory_space<vmem>>
        %dma_start3A_538 = tpu.memref_squeeze %dma_start3A_537 : memref<1x8x128xi32, #tpu.memory_space<vmem>> -> memref<8x128xi32, #tpu.memory_space<vmem>>
        %dma_start3A_539 = arith.constant 0 : i32
        %dma_start3A_540 = tpu.memref_slice %arg3[%add3A, %mul3A_534, %dma_start3A_539] : memref<32x80x128xi32, #tpu.memory_space<hbm>> -> memref<1x8x128xi32, #tpu.memory_space<hbm>>
        %dma_start3A_541 = tpu.memref_squeeze %dma_start3A_540 : memref<1x8x128xi32, #tpu.memory_space<hbm>> -> memref<8x128xi32, #tpu.memory_space<hbm>>
        %dma_start3A_542 = arith.constant 0 : i32
        %dma_start3A_543 = arith.constant 0 : i32
        %dma_start3A_544 = tpu.memref_slice %arg6[%select_n3A_149, %dma_start3A_542, %dma_start3A_543] : memref<3x8x128xi32, #tpu.memory_space<vmem>> -> memref<1x8x128xi32, #tpu.memory_space<vmem>>
        %dma_start3A_545 = tpu.memref_squeeze %dma_start3A_544 : memref<1x8x128xi32, #tpu.memory_space<vmem>> -> memref<8x128xi32, #tpu.memory_space<vmem>>
        %dma_start3A_546 = arith.constant 0 : i32
        %dma_start3A_547 = tpu.memref_slice %arg3[%add3A, %mul3A_534, %dma_start3A_546] : memref<32x80x128xi32, #tpu.memory_space<hbm>> -> memref<1x8x128xi32, #tpu.memory_space<hbm>>
        %dma_start3A_548 = tpu.memref_squeeze %dma_start3A_547 : memref<1x8x128xi32, #tpu.memory_space<hbm>> -> memref<8x128xi32, #tpu.memory_space<hbm>>
        tpu.enqueue_dma source(%dma_start3A_548 : memref<8x128xi32, #tpu.memory_space<hbm>>) target(%dma_start3A_545 : memref<8x128xi32, #tpu.memory_space<vmem>>) target_semaphore(%arg26 : memref<!tpu.dma_semaphore, #tpu.memory_space<semaphore_mem>>)
        %dma_start3A_549 = arith.constant 0 : i32
        %dma_start3A_550 = arith.constant 0 : i32
        %dma_start3A_551 = tpu.memref_slice %arg7[%select_n3A_149, %dma_start3A_549, %dma_start3A_550] : memref<3x8x128xi32, #tpu.memory_space<vmem>> -> memref<1x8x128xi32, #tpu.memory_space<vmem>>
        %dma_start3A_552 = tpu.memref_squeeze %dma_start3A_551 : memref<1x8x128xi32, #tpu.memory_space<vmem>> -> memref<8x128xi32, #tpu.memory_space<vmem>>
        %dma_start3A_553 = arith.constant 0 : i32
        %dma_start3A_554 = tpu.memref_slice %arg4[%add3A, %mul3A_534, %dma_start3A_553] : memref<32x80x128xi32, #tpu.memory_space<hbm>> -> memref<1x8x128xi32, #tpu.memory_space<hbm>>
        %dma_start3A_555 = tpu.memref_squeeze %dma_start3A_554 : memref<1x8x128xi32, #tpu.memory_space<hbm>> -> memref<8x128xi32, #tpu.memory_space<hbm>>
        %dma_start3A_556 = arith.constant 0 : i32
        %dma_start3A_557 = arith.constant 0 : i32
        %dma_start3A_558 = tpu.memref_slice %arg7[%select_n3A_149, %dma_start3A_556, %dma_start3A_557] : memref<3x8x128xi32, #tpu.memory_space<vmem>> -> memref<1x8x128xi32, #tpu.memory_space<vmem>>
        %dma_start3A_559 = tpu.memref_squeeze %dma_start3A_558 : memref<1x8x128xi32, #tpu.memory_space<vmem>> -> memref<8x128xi32, #tpu.memory_space<vmem>>
        %dma_start3A_560 = arith.constant 0 : i32
        %dma_start3A_561 = tpu.memref_slice %arg4[%add3A, %mul3A_534, %dma_start3A_560] : memref<32x80x128xi32, #tpu.memory_space<hbm>> -> memref<1x8x128xi32, #tpu.memory_space<hbm>>
        %dma_start3A_562 = tpu.memref_squeeze %dma_start3A_561 : memref<1x8x128xi32, #tpu.memory_space<hbm>> -> memref<8x128xi32, #tpu.memory_space<hbm>>
        tpu.enqueue_dma source(%dma_start3A_562 : memref<8x128xi32, #tpu.memory_space<hbm>>) target(%dma_start3A_559 : memref<8x128xi32, #tpu.memory_space<vmem>>) target_semaphore(%arg26 : memref<!tpu.dma_semaphore, #tpu.memory_space<semaphore_mem>>)
      } else {
      }
      %dma_wait3A_161 = arith.constant 0 : i32
      %dma_wait3A_162 = arith.constant 0 : i32
      %dma_wait3A_163 = arith.constant 0 : i32
      %dma_wait3A_164 = arith.constant 0 : i32
      %dma_wait3A_165 = tpu.memref_slice %arg8[%dma_wait3A_162, %dma_wait3A_163, %dma_wait3A_164] : memref<8x128x64xf32, #tpu.memory_space<vmem>> -> memref<1x128x64xf32, #tpu.memory_space<vmem>>
      %dma_wait3A_166 = tpu.memref_squeeze %dma_wait3A_165 : memref<1x128x64xf32, #tpu.memory_space<vmem>> -> memref<128x64xf32, #tpu.memory_space<vmem>>
      %dma_wait3A_167 = arith.constant 0 : i32
      %dma_wait3A_168 = tpu.memref_slice %arg6[%select_n3A_131, %dma_wait3A_161, %dma_wait3A_167] : memref<3x8x128xi32, #tpu.memory_space<vmem>> -> memref<1x1x128xi32, #tpu.memory_space<vmem>>
      %dma_wait3A_169 = tpu.memref_squeeze %dma_wait3A_168 : memref<1x1x128xi32, #tpu.memory_space<vmem>> -> memref<128xi32, #tpu.memory_space<vmem>>
      %dma_wait3A_170 = arith.constant 0 : i32
      %dma_wait3A_171 = arith.constant 0 : i32
      %dma_wait3A_172 = tpu.memref_slice %arg2[%dma_wait3A_170, %dma_wait3A_171] : memref<10000x64xf32, #tpu.memory_space<hbm>> -> memref<10000x64xf32, #tpu.memory_space<hbm>>
      tpu.wait_indirect_dma semaphore(%arg10 : memref<!tpu.dma_semaphore, #tpu.memory_space<semaphore_mem>>) src(%dma_wait3A_172 : memref<10000x64xf32, #tpu.memory_space<hbm>>) dst(%dma_wait3A_166 : memref<128x64xf32, #tpu.memory_space<vmem>>)
      %dma_start3A_173 = arith.constant 0 : i32
      %dma_start3A_174 = arith.constant 0 : i32
      %dma_start3A_175 = arith.constant 0 : i32
      %dma_start3A_176 = arith.constant 0 : i32
      %dma_start3A_177 = tpu.memref_slice %arg8[%dma_start3A_173, %dma_start3A_175, %dma_start3A_176] : memref<8x128x64xf32, #tpu.memory_space<vmem>> -> memref<1x128x64xf32, #tpu.memory_space<vmem>>
      %dma_start3A_178 = tpu.memref_squeeze %dma_start3A_177 : memref<1x128x64xf32, #tpu.memory_space<vmem>> -> memref<128x64xf32, #tpu.memory_space<vmem>>
      %dma_start3A_179 = arith.constant 0 : i32
      %dma_start3A_180 = tpu.memref_slice %arg7[%select_n3A_131, %dma_start3A_174, %dma_start3A_179] : memref<3x8x128xi32, #tpu.memory_space<vmem>> -> memref<1x1x128xi32, #tpu.memory_space<vmem>>
      %dma_start3A_181 = tpu.memref_squeeze %dma_start3A_180 : memref<1x1x128xi32, #tpu.memory_space<vmem>> -> memref<128xi32, #tpu.memory_space<vmem>>
      %dma_start3A_182 = arith.constant 0 : i32
      %dma_start3A_183 = arith.constant 0 : i32
      %dma_start3A_184 = tpu.memref_slice %arg9[%dma_start3A_182, %dma_start3A_183] : memref<10112x64xf32, #tpu.memory_space<vmem_shared>> -> memref<10112x64xf32, #tpu.memory_space<vmem_shared>>
      tpu.enqueue_indirect_dma source(%dma_start3A_178 : memref<128x64xf32, #tpu.memory_space<vmem>>) target(%dma_start3A_184 : memref<10112x64xf32, #tpu.memory_space<vmem_shared>>) offsets(%dma_start3A_181 : memref<128xi32, #tpu.memory_space<vmem>>) semaphore(%arg18 : memref<!tpu.dma_semaphore, #tpu.memory_space<semaphore_mem>>) {add = true}
      %ge3A = arith.constant 4 : i32
      %ge3A_185 = arith.cmpi sge, %add3A_153, %ge3A : i32
      %convert_element_type3A_186 = arith.extui %ge3A_185 : i1 to i32
      %cond3A_187 = arith.constant 0 : i32
      %cond3A_188 = arith.cmpi ne, %convert_element_type3A_186, %cond3A_187 : i32
      scf.if %cond3A_188 {
        %sub3A = arith.constant 1 : i32
        %sub3A_531 = arith.subi %scan3A_120, %sub3A : i32
        %jit3A_532 = arith.constant 3 : i32
        %eq3A_533 = arith.constant 0 : i32
        %eq3A_534 = arith.cmpi eq, %jit3A_532, %eq3A_533 : i32
        %jit3A_535 = arith.constant 1 : i32
        %select_n3A_536 = arith.select %eq3A_534, %jit3A_535, %jit3A_532 : i32
        %rem3A_537 = arith.remsi %sub3A_531, %select_n3A_536 : i32
        %ne3A_538 = arith.constant 0 : i32
        %ne3A_539 = arith.cmpi ne, %rem3A_537, %ne3A_538 : i32
        %lt3A_540 = arith.constant 0 : i32
        %lt3A_541 = arith.cmpi slt, %rem3A_537, %lt3A_540 : i32
        %lt3A_542 = arith.constant 0 : i32
        %lt3A_543 = arith.cmpi slt, %select_n3A_536, %lt3A_542 : i32
        %ne3A_544 = arith.xori %lt3A_541, %lt3A_543 : i1
        %and3A_545 = arith.andi %ne3A_544, %ne3A_539 : i1
        %add3A_546 = arith.addi %rem3A_537, %select_n3A_536 : i32
        %select_n3A_547 = arith.select %and3A_545, %add3A_546, %rem3A_537 : i32
        %dma_wait3A_548 = arith.constant 4 : i32
        %dma_wait3A_549 = arith.constant 4 : i32
        %dma_wait3A_550 = arith.constant 0 : i32
        %dma_wait3A_551 = arith.constant 0 : i32
        %dma_wait3A_552 = tpu.memref_slice %arg8[%dma_wait3A_548, %dma_wait3A_550, %dma_wait3A_551] : memref<8x128x64xf32, #tpu.memory_space<vmem>> -> memref<1x128x64xf32, #tpu.memory_space<vmem>>
        %dma_wait3A_553 = tpu.memref_squeeze %dma_wait3A_552 : memref<1x128x64xf32, #tpu.memory_space<vmem>> -> memref<128x64xf32, #tpu.memory_space<vmem>>
        %dma_wait3A_554 = arith.constant 0 : i32
        %dma_wait3A_555 = tpu.memref_slice %arg7[%select_n3A_547, %dma_wait3A_549, %dma_wait3A_554] : memref<3x8x128xi32, #tpu.memory_space<vmem>> -> memref<1x1x128xi32, #tpu.memory_space<vmem>>
        %dma_wait3A_556 = tpu.memref_squeeze %dma_wait3A_555 : memref<1x1x128xi32, #tpu.memory_space<vmem>> -> memref<128xi32, #tpu.memory_space<vmem>>
        %dma_wait3A_557 = arith.constant 0 : i32
        %dma_wait3A_558 = arith.constant 0 : i32
        %dma_wait3A_559 = tpu.memref_slice %arg9[%dma_wait3A_557, %dma_wait3A_558] : memref<10112x64xf32, #tpu.memory_space<vmem_shared>> -> memref<10112x64xf32, #tpu.memory_space<vmem_shared>>
        tpu.wait_indirect_dma semaphore(%arg22 : memref<!tpu.dma_semaphore, #tpu.memory_space<semaphore_mem>>) src(%dma_wait3A_553 : memref<128x64xf32, #tpu.memory_space<vmem>>) dst(%dma_wait3A_559 : memref<10112x64xf32, #tpu.memory_space<vmem_shared>>)
      } else {
      }
      %dma_start3A_189 = arith.constant 4 : i32
      %dma_start3A_190 = arith.constant 4 : i32
      %dma_start3A_191 = arith.constant 0 : i32
      %dma_start3A_192 = arith.constant 0 : i32
      %dma_start3A_193 = tpu.memref_slice %arg8[%dma_start3A_190, %dma_start3A_191, %dma_start3A_192] : memref<8x128x64xf32, #tpu.memory_space<vmem>> -> memref<1x128x64xf32, #tpu.memory_space<vmem>>
      %dma_start3A_194 = tpu.memref_squeeze %dma_start3A_193 : memref<1x128x64xf32, #tpu.memory_space<vmem>> -> memref<128x64xf32, #tpu.memory_space<vmem>>
      %dma_start3A_195 = arith.constant 0 : i32
      %dma_start3A_196 = tpu.memref_slice %arg6[%select_n3A_131, %dma_start3A_189, %dma_start3A_195] : memref<3x8x128xi32, #tpu.memory_space<vmem>> -> memref<1x1x128xi32, #tpu.memory_space<vmem>>
      %dma_start3A_197 = tpu.memref_squeeze %dma_start3A_196 : memref<1x1x128xi32, #tpu.memory_space<vmem>> -> memref<128xi32, #tpu.memory_space<vmem>>
      %dma_start3A_198 = arith.constant 0 : i32
      %dma_start3A_199 = arith.constant 0 : i32
      %dma_start3A_200 = tpu.memref_slice %arg2[%dma_start3A_198, %dma_start3A_199] : memref<10000x64xf32, #tpu.memory_space<hbm>> -> memref<10000x64xf32, #tpu.memory_space<hbm>>
      tpu.enqueue_indirect_dma source(%dma_start3A_200 : memref<10000x64xf32, #tpu.memory_space<hbm>>) target(%dma_start3A_194 : memref<128x64xf32, #tpu.memory_space<vmem>>) offsets(%dma_start3A_197 : memref<128xi32, #tpu.memory_space<vmem>>) semaphore(%arg14 : memref<!tpu.dma_semaphore, #tpu.memory_space<semaphore_mem>>)
      %mul3A_201 = arith.constant 8 : i32
      %mul3A_202 = arith.muli %scan3A_120, %mul3A_201 : i32
      %add3A_203 = arith.constant 1 : i32
      %add3A_204 = arith.addi %mul3A_202, %add3A_203 : i32
      %dma_wait3A_205 = arith.constant 1 : i32
      %dma_wait3A_206 = arith.constant 1 : i32
      %dma_wait3A_207 = arith.constant 0 : i32
      %dma_wait3A_208 = arith.constant 0 : i32
      %dma_wait3A_209 = tpu.memref_slice %arg8[%dma_wait3A_206, %dma_wait3A_207, %dma_wait3A_208] : memref<8x128x64xf32, #tpu.memory_space<vmem>> -> memref<1x128x64xf32, #tpu.memory_space<vmem>>
      %dma_wait3A_210 = tpu.memref_squeeze %dma_wait3A_209 : memref<1x128x64xf32, #tpu.memory_space<vmem>> -> memref<128x64xf32, #tpu.memory_space<vmem>>
      %dma_wait3A_211 = arith.constant 0 : i32
      %dma_wait3A_212 = tpu.memref_slice %arg6[%select_n3A_131, %dma_wait3A_205, %dma_wait3A_211] : memref<3x8x128xi32, #tpu.memory_space<vmem>> -> memref<1x1x128xi32, #tpu.memory_space<vmem>>
      %dma_wait3A_213 = tpu.memref_squeeze %dma_wait3A_212 : memref<1x1x128xi32, #tpu.memory_space<vmem>> -> memref<128xi32, #tpu.memory_space<vmem>>
      %dma_wait3A_214 = arith.constant 0 : i32
      %dma_wait3A_215 = arith.constant 0 : i32
      %dma_wait3A_216 = tpu.memref_slice %arg2[%dma_wait3A_214, %dma_wait3A_215] : memref<10000x64xf32, #tpu.memory_space<hbm>> -> memref<10000x64xf32, #tpu.memory_space<hbm>>
      tpu.wait_indirect_dma semaphore(%arg11 : memref<!tpu.dma_semaphore, #tpu.memory_space<semaphore_mem>>) src(%dma_wait3A_216 : memref<10000x64xf32, #tpu.memory_space<hbm>>) dst(%dma_wait3A_210 : memref<128x64xf32, #tpu.memory_space<vmem>>)
      %dma_start3A_217 = arith.constant 1 : i32
      %dma_start3A_218 = arith.constant 1 : i32
      %dma_start3A_219 = arith.constant 0 : i32
      %dma_start3A_220 = arith.constant 0 : i32
      %dma_start3A_221 = tpu.memref_slice %arg8[%dma_start3A_217, %dma_start3A_219, %dma_start3A_220] : memref<8x128x64xf32, #tpu.memory_space<vmem>> -> memref<1x128x64xf32, #tpu.memory_space<vmem>>
      %dma_start3A_222 = tpu.memref_squeeze %dma_start3A_221 : memref<1x128x64xf32, #tpu.memory_space<vmem>> -> memref<128x64xf32, #tpu.memory_space<vmem>>
      %dma_start3A_223 = arith.constant 0 : i32
      %dma_start3A_224 = tpu.memref_slice %arg7[%select_n3A_131, %dma_start3A_218, %dma_start3A_223] : memref<3x8x128xi32, #tpu.memory_space<vmem>> -> memref<1x1x128xi32, #tpu.memory_space<vmem>>
      %dma_start3A_225 = tpu.memref_squeeze %dma_start3A_224 : memref<1x1x128xi32, #tpu.memory_space<vmem>> -> memref<128xi32, #tpu.memory_space<vmem>>
      %dma_start3A_226 = arith.constant 0 : i32
      %dma_start3A_227 = arith.constant 0 : i32
      %dma_start3A_228 = tpu.memref_slice %arg9[%dma_start3A_226, %dma_start3A_227] : memref<10112x64xf32, #tpu.memory_space<vmem_shared>> -> memref<10112x64xf32, #tpu.memory_space<vmem_shared>>
      tpu.enqueue_indirect_dma source(%dma_start3A_222 : memref<128x64xf32, #tpu.memory_space<vmem>>) target(%dma_start3A_228 : memref<10112x64xf32, #tpu.memory_space<vmem_shared>>) offsets(%dma_start3A_225 : memref<128xi32, #tpu.memory_space<vmem>>) semaphore(%arg19 : memref<!tpu.dma_semaphore, #tpu.memory_space<semaphore_mem>>) {add = true}
      %ge3A_229 = arith.constant 4 : i32
      %ge3A_230 = arith.cmpi sge, %add3A_204, %ge3A_229 : i32
      %convert_element_type3A_231 = arith.extui %ge3A_230 : i1 to i32
      %cond3A_232 = arith.constant 0 : i32
      %cond3A_233 = arith.cmpi ne, %convert_element_type3A_231, %cond3A_232 : i32
      scf.if %cond3A_233 {
        %sub3A = arith.constant 1 : i32
        %sub3A_531 = arith.subi %scan3A_120, %sub3A : i32
        %jit3A_532 = arith.constant 3 : i32
        %eq3A_533 = arith.constant 0 : i32
        %eq3A_534 = arith.cmpi eq, %jit3A_532, %eq3A_533 : i32
        %jit3A_535 = arith.constant 1 : i32
        %select_n3A_536 = arith.select %eq3A_534, %jit3A_535, %jit3A_532 : i32
        %rem3A_537 = arith.remsi %sub3A_531, %select_n3A_536 : i32
        %ne3A_538 = arith.constant 0 : i32
        %ne3A_539 = arith.cmpi ne, %rem3A_537, %ne3A_538 : i32
        %lt3A_540 = arith.constant 0 : i32
        %lt3A_541 = arith.cmpi slt, %rem3A_537, %lt3A_540 : i32
        %lt3A_542 = arith.constant 0 : i32
        %lt3A_543 = arith.cmpi slt, %select_n3A_536, %lt3A_542 : i32
        %ne3A_544 = arith.xori %lt3A_541, %lt3A_543 : i1
        %and3A_545 = arith.andi %ne3A_544, %ne3A_539 : i1
        %add3A_546 = arith.addi %rem3A_537, %select_n3A_536 : i32
        %select_n3A_547 = arith.select %and3A_545, %add3A_546, %rem3A_537 : i32
        %dma_wait3A_548 = arith.constant 5 : i32
        %dma_wait3A_549 = arith.constant 5 : i32
        %dma_wait3A_550 = arith.constant 0 : i32
        %dma_wait3A_551 = arith.constant 0 : i32
        %dma_wait3A_552 = tpu.memref_slice %arg8[%dma_wait3A_548, %dma_wait3A_550, %dma_wait3A_551] : memref<8x128x64xf32, #tpu.memory_space<vmem>> -> memref<1x128x64xf32, #tpu.memory_space<vmem>>
        %dma_wait3A_553 = tpu.memref_squeeze %dma_wait3A_552 : memref<1x128x64xf32, #tpu.memory_space<vmem>> -> memref<128x64xf32, #tpu.memory_space<vmem>>
        %dma_wait3A_554 = arith.constant 0 : i32
        %dma_wait3A_555 = tpu.memref_slice %arg7[%select_n3A_547, %dma_wait3A_549, %dma_wait3A_554] : memref<3x8x128xi32, #tpu.memory_space<vmem>> -> memref<1x1x128xi32, #tpu.memory_space<vmem>>
        %dma_wait3A_556 = tpu.memref_squeeze %dma_wait3A_555 : memref<1x1x128xi32, #tpu.memory_space<vmem>> -> memref<128xi32, #tpu.memory_space<vmem>>
        %dma_wait3A_557 = arith.constant 0 : i32
        %dma_wait3A_558 = arith.constant 0 : i32
        %dma_wait3A_559 = tpu.memref_slice %arg9[%dma_wait3A_557, %dma_wait3A_558] : memref<10112x64xf32, #tpu.memory_space<vmem_shared>> -> memref<10112x64xf32, #tpu.memory_space<vmem_shared>>
        tpu.wait_indirect_dma semaphore(%arg23 : memref<!tpu.dma_semaphore, #tpu.memory_space<semaphore_mem>>) src(%dma_wait3A_553 : memref<128x64xf32, #tpu.memory_space<vmem>>) dst(%dma_wait3A_559 : memref<10112x64xf32, #tpu.memory_space<vmem_shared>>)
      } else {
      }
      %dma_start3A_234 = arith.constant 5 : i32
      %dma_start3A_235 = arith.constant 5 : i32
      %dma_start3A_236 = arith.constant 0 : i32
      %dma_start3A_237 = arith.constant 0 : i32
      %dma_start3A_238 = tpu.memref_slice %arg8[%dma_start3A_235, %dma_start3A_236, %dma_start3A_237] : memref<8x128x64xf32, #tpu.memory_space<vmem>> -> memref<1x128x64xf32, #tpu.memory_space<vmem>>
      %dma_start3A_239 = tpu.memref_squeeze %dma_start3A_238 : memref<1x128x64xf32, #tpu.memory_space<vmem>> -> memref<128x64xf32, #tpu.memory_space<vmem>>
      %dma_start3A_240 = arith.constant 0 : i32
      %dma_start3A_241 = tpu.memref_slice %arg6[%select_n3A_131, %dma_start3A_234, %dma_start3A_240] : memref<3x8x128xi32, #tpu.memory_space<vmem>> -> memref<1x1x128xi32, #tpu.memory_space<vmem>>
      %dma_start3A_242 = tpu.memref_squeeze %dma_start3A_241 : memref<1x1x128xi32, #tpu.memory_space<vmem>> -> memref<128xi32, #tpu.memory_space<vmem>>
      %dma_start3A_243 = arith.constant 0 : i32
      %dma_start3A_244 = arith.constant 0 : i32
      %dma_start3A_245 = tpu.memref_slice %arg2[%dma_start3A_243, %dma_start3A_244] : memref<10000x64xf32, #tpu.memory_space<hbm>> -> memref<10000x64xf32, #tpu.memory_space<hbm>>
      tpu.enqueue_indirect_dma source(%dma_start3A_245 : memref<10000x64xf32, #tpu.memory_space<hbm>>) target(%dma_start3A_239 : memref<128x64xf32, #tpu.memory_space<vmem>>) offsets(%dma_start3A_242 : memref<128xi32, #tpu.memory_space<vmem>>) semaphore(%arg15 : memref<!tpu.dma_semaphore, #tpu.memory_space<semaphore_mem>>)
      %mul3A_246 = arith.constant 8 : i32
      %mul3A_247 = arith.muli %scan3A_120, %mul3A_246 : i32
      %add3A_248 = arith.constant 2 : i32
      %add3A_249 = arith.addi %mul3A_247, %add3A_248 : i32
      %dma_wait3A_250 = arith.constant 2 : i32
      %dma_wait3A_251 = arith.constant 2 : i32
      %dma_wait3A_252 = arith.constant 0 : i32
      %dma_wait3A_253 = arith.constant 0 : i32
      %dma_wait3A_254 = tpu.memref_slice %arg8[%dma_wait3A_251, %dma_wait3A_252, %dma_wait3A_253] : memref<8x128x64xf32, #tpu.memory_space<vmem>> -> memref<1x128x64xf32, #tpu.memory_space<vmem>>
      %dma_wait3A_255 = tpu.memref_squeeze %dma_wait3A_254 : memref<1x128x64xf32, #tpu.memory_space<vmem>> -> memref<128x64xf32, #tpu.memory_space<vmem>>
      %dma_wait3A_256 = arith.constant 0 : i32
      %dma_wait3A_257 = tpu.memref_slice %arg6[%select_n3A_131, %dma_wait3A_250, %dma_wait3A_256] : memref<3x8x128xi32, #tpu.memory_space<vmem>> -> memref<1x1x128xi32, #tpu.memory_space<vmem>>
      %dma_wait3A_258 = tpu.memref_squeeze %dma_wait3A_257 : memref<1x1x128xi32, #tpu.memory_space<vmem>> -> memref<128xi32, #tpu.memory_space<vmem>>
      %dma_wait3A_259 = arith.constant 0 : i32
      %dma_wait3A_260 = arith.constant 0 : i32
      %dma_wait3A_261 = tpu.memref_slice %arg2[%dma_wait3A_259, %dma_wait3A_260] : memref<10000x64xf32, #tpu.memory_space<hbm>> -> memref<10000x64xf32, #tpu.memory_space<hbm>>
      tpu.wait_indirect_dma semaphore(%arg12 : memref<!tpu.dma_semaphore, #tpu.memory_space<semaphore_mem>>) src(%dma_wait3A_261 : memref<10000x64xf32, #tpu.memory_space<hbm>>) dst(%dma_wait3A_255 : memref<128x64xf32, #tpu.memory_space<vmem>>)
      %dma_start3A_262 = arith.constant 2 : i32
      %dma_start3A_263 = arith.constant 2 : i32
      %dma_start3A_264 = arith.constant 0 : i32
      %dma_start3A_265 = arith.constant 0 : i32
      %dma_start3A_266 = tpu.memref_slice %arg8[%dma_start3A_262, %dma_start3A_264, %dma_start3A_265] : memref<8x128x64xf32, #tpu.memory_space<vmem>> -> memref<1x128x64xf32, #tpu.memory_space<vmem>>
      %dma_start3A_267 = tpu.memref_squeeze %dma_start3A_266 : memref<1x128x64xf32, #tpu.memory_space<vmem>> -> memref<128x64xf32, #tpu.memory_space<vmem>>
      %dma_start3A_268 = arith.constant 0 : i32
      %dma_start3A_269 = tpu.memref_slice %arg7[%select_n3A_131, %dma_start3A_263, %dma_start3A_268] : memref<3x8x128xi32, #tpu.memory_space<vmem>> -> memref<1x1x128xi32, #tpu.memory_space<vmem>>
      %dma_start3A_270 = tpu.memref_squeeze %dma_start3A_269 : memref<1x1x128xi32, #tpu.memory_space<vmem>> -> memref<128xi32, #tpu.memory_space<vmem>>
      %dma_start3A_271 = arith.constant 0 : i32
      %dma_start3A_272 = arith.constant 0 : i32
      %dma_start3A_273 = tpu.memref_slice %arg9[%dma_start3A_271, %dma_start3A_272] : memref<10112x64xf32, #tpu.memory_space<vmem_shared>> -> memref<10112x64xf32, #tpu.memory_space<vmem_shared>>
      tpu.enqueue_indirect_dma source(%dma_start3A_267 : memref<128x64xf32, #tpu.memory_space<vmem>>) target(%dma_start3A_273 : memref<10112x64xf32, #tpu.memory_space<vmem_shared>>) offsets(%dma_start3A_270 : memref<128xi32, #tpu.memory_space<vmem>>) semaphore(%arg20 : memref<!tpu.dma_semaphore, #tpu.memory_space<semaphore_mem>>) {add = true}
      %ge3A_274 = arith.constant 4 : i32
      %ge3A_275 = arith.cmpi sge, %add3A_249, %ge3A_274 : i32
      %convert_element_type3A_276 = arith.extui %ge3A_275 : i1 to i32
      %cond3A_277 = arith.constant 0 : i32
      %cond3A_278 = arith.cmpi ne, %convert_element_type3A_276, %cond3A_277 : i32
      scf.if %cond3A_278 {
        %sub3A = arith.constant 1 : i32
        %sub3A_531 = arith.subi %scan3A_120, %sub3A : i32
        %jit3A_532 = arith.constant 3 : i32
        %eq3A_533 = arith.constant 0 : i32
        %eq3A_534 = arith.cmpi eq, %jit3A_532, %eq3A_533 : i32
        %jit3A_535 = arith.constant 1 : i32
        %select_n3A_536 = arith.select %eq3A_534, %jit3A_535, %jit3A_532 : i32
        %rem3A_537 = arith.remsi %sub3A_531, %select_n3A_536 : i32
        %ne3A_538 = arith.constant 0 : i32
        %ne3A_539 = arith.cmpi ne, %rem3A_537, %ne3A_538 : i32
        %lt3A_540 = arith.constant 0 : i32
        %lt3A_541 = arith.cmpi slt, %rem3A_537, %lt3A_540 : i32
        %lt3A_542 = arith.constant 0 : i32
        %lt3A_543 = arith.cmpi slt, %select_n3A_536, %lt3A_542 : i32
        %ne3A_544 = arith.xori %lt3A_541, %lt3A_543 : i1
        %and3A_545 = arith.andi %ne3A_544, %ne3A_539 : i1
        %add3A_546 = arith.addi %rem3A_537, %select_n3A_536 : i32
        %select_n3A_547 = arith.select %and3A_545, %add3A_546, %rem3A_537 : i32
        %dma_wait3A_548 = arith.constant 6 : i32
        %dma_wait3A_549 = arith.constant 6 : i32
        %dma_wait3A_550 = arith.constant 0 : i32
        %dma_wait3A_551 = arith.constant 0 : i32
        %dma_wait3A_552 = tpu.memref_slice %arg8[%dma_wait3A_548, %dma_wait3A_550, %dma_wait3A_551] : memref<8x128x64xf32, #tpu.memory_space<vmem>> -> memref<1x128x64xf32, #tpu.memory_space<vmem>>
        %dma_wait3A_553 = tpu.memref_squeeze %dma_wait3A_552 : memref<1x128x64xf32, #tpu.memory_space<vmem>> -> memref<128x64xf32, #tpu.memory_space<vmem>>
        %dma_wait3A_554 = arith.constant 0 : i32
        %dma_wait3A_555 = tpu.memref_slice %arg7[%select_n3A_547, %dma_wait3A_549, %dma_wait3A_554] : memref<3x8x128xi32, #tpu.memory_space<vmem>> -> memref<1x1x128xi32, #tpu.memory_space<vmem>>
        %dma_wait3A_556 = tpu.memref_squeeze %dma_wait3A_555 : memref<1x1x128xi32, #tpu.memory_space<vmem>> -> memref<128xi32, #tpu.memory_space<vmem>>
        %dma_wait3A_557 = arith.constant 0 : i32
        %dma_wait3A_558 = arith.constant 0 : i32
        %dma_wait3A_559 = tpu.memref_slice %arg9[%dma_wait3A_557, %dma_wait3A_558] : memref<10112x64xf32, #tpu.memory_space<vmem_shared>> -> memref<10112x64xf32, #tpu.memory_space<vmem_shared>>
        tpu.wait_indirect_dma semaphore(%arg24 : memref<!tpu.dma_semaphore, #tpu.memory_space<semaphore_mem>>) src(%dma_wait3A_553 : memref<128x64xf32, #tpu.memory_space<vmem>>) dst(%dma_wait3A_559 : memref<10112x64xf32, #tpu.memory_space<vmem_shared>>)
      } else {
      }
      %dma_start3A_279 = arith.constant 6 : i32
      %dma_start3A_280 = arith.constant 6 : i32
      %dma_start3A_281 = arith.constant 0 : i32
      %dma_start3A_282 = arith.constant 0 : i32
      %dma_start3A_283 = tpu.memref_slice %arg8[%dma_start3A_280, %dma_start3A_281, %dma_start3A_282] : memref<8x128x64xf32, #tpu.memory_space<vmem>> -> memref<1x128x64xf32, #tpu.memory_space<vmem>>
      %dma_start3A_284 = tpu.memref_squeeze %dma_start3A_283 : memref<1x128x64xf32, #tpu.memory_space<vmem>> -> memref<128x64xf32, #tpu.memory_space<vmem>>
      %dma_start3A_285 = arith.constant 0 : i32
      %dma_start3A_286 = tpu.memref_slice %arg6[%select_n3A_131, %dma_start3A_279, %dma_start3A_285] : memref<3x8x128xi32, #tpu.memory_space<vmem>> -> memref<1x1x128xi32, #tpu.memory_space<vmem>>
      %dma_start3A_287 = tpu.memref_squeeze %dma_start3A_286 : memref<1x1x128xi32, #tpu.memory_space<vmem>> -> memref<128xi32, #tpu.memory_space<vmem>>
      %dma_start3A_288 = arith.constant 0 : i32
      %dma_start3A_289 = arith.constant 0 : i32
      %dma_start3A_290 = tpu.memref_slice %arg2[%dma_start3A_288, %dma_start3A_289] : memref<10000x64xf32, #tpu.memory_space<hbm>> -> memref<10000x64xf32, #tpu.memory_space<hbm>>
      tpu.enqueue_indirect_dma source(%dma_start3A_290 : memref<10000x64xf32, #tpu.memory_space<hbm>>) target(%dma_start3A_284 : memref<128x64xf32, #tpu.memory_space<vmem>>) offsets(%dma_start3A_287 : memref<128xi32, #tpu.memory_space<vmem>>) semaphore(%arg16 : memref<!tpu.dma_semaphore, #tpu.memory_space<semaphore_mem>>)
      %mul3A_291 = arith.constant 8 : i32
      %mul3A_292 = arith.muli %scan3A_120, %mul3A_291 : i32
      %add3A_293 = arith.constant 3 : i32
      %add3A_294 = arith.addi %mul3A_292, %add3A_293 : i32
      %dma_wait3A_295 = arith.constant 3 : i32
      %dma_wait3A_296 = arith.constant 3 : i32
      %dma_wait3A_297 = arith.constant 0 : i32
      %dma_wait3A_298 = arith.constant 0 : i32
      %dma_wait3A_299 = tpu.memref_slice %arg8[%dma_wait3A_296, %dma_wait3A_297, %dma_wait3A_298] : memref<8x128x64xf32, #tpu.memory_space<vmem>> -> memref<1x128x64xf32, #tpu.memory_space<vmem>>
      %dma_wait3A_300 = tpu.memref_squeeze %dma_wait3A_299 : memref<1x128x64xf32, #tpu.memory_space<vmem>> -> memref<128x64xf32, #tpu.memory_space<vmem>>
      %dma_wait3A_301 = arith.constant 0 : i32
      %dma_wait3A_302 = tpu.memref_slice %arg6[%select_n3A_131, %dma_wait3A_295, %dma_wait3A_301] : memref<3x8x128xi32, #tpu.memory_space<vmem>> -> memref<1x1x128xi32, #tpu.memory_space<vmem>>
      %dma_wait3A_303 = tpu.memref_squeeze %dma_wait3A_302 : memref<1x1x128xi32, #tpu.memory_space<vmem>> -> memref<128xi32, #tpu.memory_space<vmem>>
      %dma_wait3A_304 = arith.constant 0 : i32
      %dma_wait3A_305 = arith.constant 0 : i32
      %dma_wait3A_306 = tpu.memref_slice %arg2[%dma_wait3A_304, %dma_wait3A_305] : memref<10000x64xf32, #tpu.memory_space<hbm>> -> memref<10000x64xf32, #tpu.memory_space<hbm>>
      tpu.wait_indirect_dma semaphore(%arg13 : memref<!tpu.dma_semaphore, #tpu.memory_space<semaphore_mem>>) src(%dma_wait3A_306 : memref<10000x64xf32, #tpu.memory_space<hbm>>) dst(%dma_wait3A_300 : memref<128x64xf32, #tpu.memory_space<vmem>>)
      %dma_start3A_307 = arith.constant 3 : i32
      %dma_start3A_308 = arith.constant 3 : i32
      %dma_start3A_309 = arith.constant 0 : i32
      %dma_start3A_310 = arith.constant 0 : i32
      %dma_start3A_311 = tpu.memref_slice %arg8[%dma_start3A_307, %dma_start3A_309, %dma_start3A_310] : memref<8x128x64xf32, #tpu.memory_space<vmem>> -> memref<1x128x64xf32, #tpu.memory_space<vmem>>
      %dma_start3A_312 = tpu.memref_squeeze %dma_start3A_311 : memref<1x128x64xf32, #tpu.memory_space<vmem>> -> memref<128x64xf32, #tpu.memory_space<vmem>>
      %dma_start3A_313 = arith.constant 0 : i32
      %dma_start3A_314 = tpu.memref_slice %arg7[%select_n3A_131, %dma_start3A_308, %dma_start3A_313] : memref<3x8x128xi32, #tpu.memory_space<vmem>> -> memref<1x1x128xi32, #tpu.memory_space<vmem>>
      %dma_start3A_315 = tpu.memref_squeeze %dma_start3A_314 : memref<1x1x128xi32, #tpu.memory_space<vmem>> -> memref<128xi32, #tpu.memory_space<vmem>>
      %dma_start3A_316 = arith.constant 0 : i32
      %dma_start3A_317 = arith.constant 0 : i32
      %dma_start3A_318 = tpu.memref_slice %arg9[%dma_start3A_316, %dma_start3A_317] : memref<10112x64xf32, #tpu.memory_space<vmem_shared>> -> memref<10112x64xf32, #tpu.memory_space<vmem_shared>>
      tpu.enqueue_indirect_dma source(%dma_start3A_312 : memref<128x64xf32, #tpu.memory_space<vmem>>) target(%dma_start3A_318 : memref<10112x64xf32, #tpu.memory_space<vmem_shared>>) offsets(%dma_start3A_315 : memref<128xi32, #tpu.memory_space<vmem>>) semaphore(%arg21 : memref<!tpu.dma_semaphore, #tpu.memory_space<semaphore_mem>>) {add = true}
      %ge3A_319 = arith.constant 4 : i32
      %ge3A_320 = arith.cmpi sge, %add3A_294, %ge3A_319 : i32
      %convert_element_type3A_321 = arith.extui %ge3A_320 : i1 to i32
      %cond3A_322 = arith.constant 0 : i32
      %cond3A_323 = arith.cmpi ne, %convert_element_type3A_321, %cond3A_322 : i32
      scf.if %cond3A_323 {
        %sub3A = arith.constant 1 : i32
        %sub3A_531 = arith.subi %scan3A_120, %sub3A : i32
        %jit3A_532 = arith.constant 3 : i32
        %eq3A_533 = arith.constant 0 : i32
        %eq3A_534 = arith.cmpi eq, %jit3A_532, %eq3A_533 : i32
        %jit3A_535 = arith.constant 1 : i32
        %select_n3A_536 = arith.select %eq3A_534, %jit3A_535, %jit3A_532 : i32
        %rem3A_537 = arith.remsi %sub3A_531, %select_n3A_536 : i32
        %ne3A_538 = arith.constant 0 : i32
        %ne3A_539 = arith.cmpi ne, %rem3A_537, %ne3A_538 : i32
        %lt3A_540 = arith.constant 0 : i32
        %lt3A_541 = arith.cmpi slt, %rem3A_537, %lt3A_540 : i32
        %lt3A_542 = arith.constant 0 : i32
        %lt3A_543 = arith.cmpi slt, %select_n3A_536, %lt3A_542 : i32
        %ne3A_544 = arith.xori %lt3A_541, %lt3A_543 : i1
        %and3A_545 = arith.andi %ne3A_544, %ne3A_539 : i1
        %add3A_546 = arith.addi %rem3A_537, %select_n3A_536 : i32
        %select_n3A_547 = arith.select %and3A_545, %add3A_546, %rem3A_537 : i32
        %dma_wait3A_548 = arith.constant 7 : i32
        %dma_wait3A_549 = arith.constant 7 : i32
        %dma_wait3A_550 = arith.constant 0 : i32
        %dma_wait3A_551 = arith.constant 0 : i32
        %dma_wait3A_552 = tpu.memref_slice %arg8[%dma_wait3A_548, %dma_wait3A_550, %dma_wait3A_551] : memref<8x128x64xf32, #tpu.memory_space<vmem>> -> memref<1x128x64xf32, #tpu.memory_space<vmem>>
        %dma_wait3A_553 = tpu.memref_squeeze %dma_wait3A_552 : memref<1x128x64xf32, #tpu.memory_space<vmem>> -> memref<128x64xf32, #tpu.memory_space<vmem>>
        %dma_wait3A_554 = arith.constant 0 : i32
        %dma_wait3A_555 = tpu.memref_slice %arg7[%select_n3A_547, %dma_wait3A_549, %dma_wait3A_554] : memref<3x8x128xi32, #tpu.memory_space<vmem>> -> memref<1x1x128xi32, #tpu.memory_space<vmem>>
        %dma_wait3A_556 = tpu.memref_squeeze %dma_wait3A_555 : memref<1x1x128xi32, #tpu.memory_space<vmem>> -> memref<128xi32, #tpu.memory_space<vmem>>
        %dma_wait3A_557 = arith.constant 0 : i32
        %dma_wait3A_558 = arith.constant 0 : i32
        %dma_wait3A_559 = tpu.memref_slice %arg9[%dma_wait3A_557, %dma_wait3A_558] : memref<10112x64xf32, #tpu.memory_space<vmem_shared>> -> memref<10112x64xf32, #tpu.memory_space<vmem_shared>>
        tpu.wait_indirect_dma semaphore(%arg25 : memref<!tpu.dma_semaphore, #tpu.memory_space<semaphore_mem>>) src(%dma_wait3A_553 : memref<128x64xf32, #tpu.memory_space<vmem>>) dst(%dma_wait3A_559 : memref<10112x64xf32, #tpu.memory_space<vmem_shared>>)
      } else {
      }
      %add3A_324 = arith.constant 1 : i32
      %add3A_325 = arith.addi %scan3A_120, %add3A_324 : i32
      %lt3A_326 = arith.constant 10 : i32
      %lt3A_327 = arith.cmpi slt, %add3A_325, %lt3A_326 : i32
      %convert_element_type3A_328 = arith.extui %lt3A_327 : i1 to i32
      %cond3A_329 = arith.constant 0 : i32
      %cond3A_330 = arith.cmpi ne, %convert_element_type3A_328, %cond3A_329 : i32
      scf.if %cond3A_330 {
        %add3A_531 = arith.constant 1 : i32
        %add3A_532 = arith.addi %scan3A_120, %add3A_531 : i32
        %mul3A_533 = arith.constant 8 : i32
        %mul3A_534 = arith.muli %add3A_532, %mul3A_533 : i32
        %dma_wait3A_535 = arith.constant 0 : i32
        %dma_wait3A_536 = arith.constant 0 : i32
        %dma_wait3A_537 = tpu.memref_slice %arg6[%select_n3A_149, %dma_wait3A_535, %dma_wait3A_536] : memref<3x8x128xi32, #tpu.memory_space<vmem>> -> memref<1x8x128xi32, #tpu.memory_space<vmem>>
        %dma_wait3A_538 = tpu.memref_squeeze %dma_wait3A_537 : memref<1x8x128xi32, #tpu.memory_space<vmem>> -> memref<8x128xi32, #tpu.memory_space<vmem>>
        %dma_wait3A_539 = arith.constant 0 : i32
        %dma_wait3A_540 = tpu.memref_slice %arg3[%add3A, %mul3A_534, %dma_wait3A_539] : memref<32x80x128xi32, #tpu.memory_space<hbm>> -> memref<1x8x128xi32, #tpu.memory_space<hbm>>
        %dma_wait3A_541 = tpu.memref_squeeze %dma_wait3A_540 : memref<1x8x128xi32, #tpu.memory_space<hbm>> -> memref<8x128xi32, #tpu.memory_space<hbm>>
        %dma_wait3A_542 = arith.constant 0 : i32
        %dma_wait3A_543 = arith.constant 0 : i32
        %dma_wait3A_544 = tpu.memref_slice %arg6[%select_n3A_149, %dma_wait3A_542, %dma_wait3A_543] : memref<3x8x128xi32, #tpu.memory_space<vmem>> -> memref<1x8x128xi32, #tpu.memory_space<vmem>>
        %dma_wait3A_545 = tpu.memref_squeeze %dma_wait3A_544 : memref<1x8x128xi32, #tpu.memory_space<vmem>> -> memref<8x128xi32, #tpu.memory_space<vmem>>
        %dma_wait3A_546 = arith.constant 0 : i32
        %dma_wait3A_547 = tpu.memref_slice %arg3[%add3A, %mul3A_534, %dma_wait3A_546] : memref<32x80x128xi32, #tpu.memory_space<hbm>> -> memref<1x8x128xi32, #tpu.memory_space<hbm>>
        %dma_wait3A_548 = tpu.memref_squeeze %dma_wait3A_547 : memref<1x8x128xi32, #tpu.memory_space<hbm>> -> memref<8x128xi32, #tpu.memory_space<hbm>>
        tpu.wait_dma2 semaphore(%arg26 : memref<!tpu.dma_semaphore, #tpu.memory_space<semaphore_mem>>) src(%dma_wait3A_548 : memref<8x128xi32, #tpu.memory_space<hbm>>) dst(%dma_wait3A_545 : memref<8x128xi32, #tpu.memory_space<vmem>>)
        %dma_wait3A_549 = arith.constant 0 : i32
        %dma_wait3A_550 = arith.constant 0 : i32
        %dma_wait3A_551 = tpu.memref_slice %arg7[%select_n3A_149, %dma_wait3A_549, %dma_wait3A_550] : memref<3x8x128xi32, #tpu.memory_space<vmem>> -> memref<1x8x128xi32, #tpu.memory_space<vmem>>
        %dma_wait3A_552 = tpu.memref_squeeze %dma_wait3A_551 : memref<1x8x128xi32, #tpu.memory_space<vmem>> -> memref<8x128xi32, #tpu.memory_space<vmem>>
        %dma_wait3A_553 = arith.constant 0 : i32
        %dma_wait3A_554 = tpu.memref_slice %arg4[%add3A, %mul3A_534, %dma_wait3A_553] : memref<32x80x128xi32, #tpu.memory_space<hbm>> -> memref<1x8x128xi32, #tpu.memory_space<hbm>>
        %dma_wait3A_555 = tpu.memref_squeeze %dma_wait3A_554 : memref<1x8x128xi32, #tpu.memory_space<hbm>> -> memref<8x128xi32, #tpu.memory_space<hbm>>
        %dma_wait3A_556 = arith.constant 0 : i32
        %dma_wait3A_557 = arith.constant 0 : i32
        %dma_wait3A_558 = tpu.memref_slice %arg7[%select_n3A_149, %dma_wait3A_556, %dma_wait3A_557] : memref<3x8x128xi32, #tpu.memory_space<vmem>> -> memref<1x8x128xi32, #tpu.memory_space<vmem>>
        %dma_wait3A_559 = tpu.memref_squeeze %dma_wait3A_558 : memref<1x8x128xi32, #tpu.memory_space<vmem>> -> memref<8x128xi32, #tpu.memory_space<vmem>>
        %dma_wait3A_560 = arith.constant 0 : i32
        %dma_wait3A_561 = tpu.memref_slice %arg4[%add3A, %mul3A_534, %dma_wait3A_560] : memref<32x80x128xi32, #tpu.memory_space<hbm>> -> memref<1x8x128xi32, #tpu.memory_space<hbm>>
        %dma_wait3A_562 = tpu.memref_squeeze %dma_wait3A_561 : memref<1x8x128xi32, #tpu.memory_space<hbm>> -> memref<8x128xi32, #tpu.memory_space<hbm>>
        tpu.wait_dma2 semaphore(%arg26 : memref<!tpu.dma_semaphore, #tpu.memory_space<semaphore_mem>>) src(%dma_wait3A_562 : memref<8x128xi32, #tpu.memory_space<hbm>>) dst(%dma_wait3A_559 : memref<8x128xi32, #tpu.memory_space<vmem>>)
      } else {
      }
      %dma_start3A_331 = arith.constant 7 : i32
      %dma_start3A_332 = arith.constant 7 : i32
      %dma_start3A_333 = arith.constant 0 : i32
      %dma_start3A_334 = arith.constant 0 : i32
      %dma_start3A_335 = tpu.memref_slice %arg8[%dma_start3A_332, %dma_start3A_333, %dma_start3A_334] : memref<8x128x64xf32, #tpu.memory_space<vmem>> -> memref<1x128x64xf32, #tpu.memory_space<vmem>>
      %dma_start3A_336 = tpu.memref_squeeze %dma_start3A_335 : memref<1x128x64xf32, #tpu.memory_space<vmem>> -> memref<128x64xf32, #tpu.memory_space<vmem>>
      %dma_start3A_337 = arith.constant 0 : i32
      %dma_start3A_338 = tpu.memref_slice %arg6[%select_n3A_131, %dma_start3A_331, %dma_start3A_337] : memref<3x8x128xi32, #tpu.memory_space<vmem>> -> memref<1x1x128xi32, #tpu.memory_space<vmem>>
      %dma_start3A_339 = tpu.memref_squeeze %dma_start3A_338 : memref<1x1x128xi32, #tpu.memory_space<vmem>> -> memref<128xi32, #tpu.memory_space<vmem>>
      %dma_start3A_340 = arith.constant 0 : i32
      %dma_start3A_341 = arith.constant 0 : i32
      %dma_start3A_342 = tpu.memref_slice %arg2[%dma_start3A_340, %dma_start3A_341] : memref<10000x64xf32, #tpu.memory_space<hbm>> -> memref<10000x64xf32, #tpu.memory_space<hbm>>
      tpu.enqueue_indirect_dma source(%dma_start3A_342 : memref<10000x64xf32, #tpu.memory_space<hbm>>) target(%dma_start3A_336 : memref<128x64xf32, #tpu.memory_space<vmem>>) offsets(%dma_start3A_339 : memref<128xi32, #tpu.memory_space<vmem>>) semaphore(%arg17 : memref<!tpu.dma_semaphore, #tpu.memory_space<semaphore_mem>>)
      %mul3A_343 = arith.constant 8 : i32
      %mul3A_344 = arith.muli %scan3A_120, %mul3A_343 : i32
      %add3A_345 = arith.constant 4 : i32
      %add3A_346 = arith.addi %mul3A_344, %add3A_345 : i32
      %dma_wait3A_347 = arith.constant 4 : i32
      %dma_wait3A_348 = arith.constant 4 : i32
      %dma_wait3A_349 = arith.constant 0 : i32
      %dma_wait3A_350 = arith.constant 0 : i32
      %dma_wait3A_351 = tpu.memref_slice %arg8[%dma_wait3A_348, %dma_wait3A_349, %dma_wait3A_350] : memref<8x128x64xf32, #tpu.memory_space<vmem>> -> memref<1x128x64xf32, #tpu.memory_space<vmem>>
      %dma_wait3A_352 = tpu.memref_squeeze %dma_wait3A_351 : memref<1x128x64xf32, #tpu.memory_space<vmem>> -> memref<128x64xf32, #tpu.memory_space<vmem>>
      %dma_wait3A_353 = arith.constant 0 : i32
      %dma_wait3A_354 = tpu.memref_slice %arg6[%select_n3A_131, %dma_wait3A_347, %dma_wait3A_353] : memref<3x8x128xi32, #tpu.memory_space<vmem>> -> memref<1x1x128xi32, #tpu.memory_space<vmem>>
      %dma_wait3A_355 = tpu.memref_squeeze %dma_wait3A_354 : memref<1x1x128xi32, #tpu.memory_space<vmem>> -> memref<128xi32, #tpu.memory_space<vmem>>
      %dma_wait3A_356 = arith.constant 0 : i32
      %dma_wait3A_357 = arith.constant 0 : i32
      %dma_wait3A_358 = tpu.memref_slice %arg2[%dma_wait3A_356, %dma_wait3A_357] : memref<10000x64xf32, #tpu.memory_space<hbm>> -> memref<10000x64xf32, #tpu.memory_space<hbm>>
      tpu.wait_indirect_dma semaphore(%arg14 : memref<!tpu.dma_semaphore, #tpu.memory_space<semaphore_mem>>) src(%dma_wait3A_358 : memref<10000x64xf32, #tpu.memory_space<hbm>>) dst(%dma_wait3A_352 : memref<128x64xf32, #tpu.memory_space<vmem>>)
      %dma_start3A_359 = arith.constant 4 : i32
      %dma_start3A_360 = arith.constant 4 : i32
      %dma_start3A_361 = arith.constant 0 : i32
      %dma_start3A_362 = arith.constant 0 : i32
      %dma_start3A_363 = tpu.memref_slice %arg8[%dma_start3A_359, %dma_start3A_361, %dma_start3A_362] : memref<8x128x64xf32, #tpu.memory_space<vmem>> -> memref<1x128x64xf32, #tpu.memory_space<vmem>>
      %dma_start3A_364 = tpu.memref_squeeze %dma_start3A_363 : memref<1x128x64xf32, #tpu.memory_space<vmem>> -> memref<128x64xf32, #tpu.memory_space<vmem>>
      %dma_start3A_365 = arith.constant 0 : i32
      %dma_start3A_366 = tpu.memref_slice %arg7[%select_n3A_131, %dma_start3A_360, %dma_start3A_365] : memref<3x8x128xi32, #tpu.memory_space<vmem>> -> memref<1x1x128xi32, #tpu.memory_space<vmem>>
      %dma_start3A_367 = tpu.memref_squeeze %dma_start3A_366 : memref<1x1x128xi32, #tpu.memory_space<vmem>> -> memref<128xi32, #tpu.memory_space<vmem>>
      %dma_start3A_368 = arith.constant 0 : i32
      %dma_start3A_369 = arith.constant 0 : i32
      %dma_start3A_370 = tpu.memref_slice %arg9[%dma_start3A_368, %dma_start3A_369] : memref<10112x64xf32, #tpu.memory_space<vmem_shared>> -> memref<10112x64xf32, #tpu.memory_space<vmem_shared>>
      tpu.enqueue_indirect_dma source(%dma_start3A_364 : memref<128x64xf32, #tpu.memory_space<vmem>>) target(%dma_start3A_370 : memref<10112x64xf32, #tpu.memory_space<vmem_shared>>) offsets(%dma_start3A_367 : memref<128xi32, #tpu.memory_space<vmem>>) semaphore(%arg22 : memref<!tpu.dma_semaphore, #tpu.memory_space<semaphore_mem>>) {add = true}
      %dma_wait3A_371 = arith.constant 0 : i32
      %dma_wait3A_372 = arith.constant 0 : i32
      %dma_wait3A_373 = arith.constant 0 : i32
      %dma_wait3A_374 = arith.constant 0 : i32
      %dma_wait3A_375 = tpu.memref_slice %arg8[%dma_wait3A_371, %dma_wait3A_373, %dma_wait3A_374] : memref<8x128x64xf32, #tpu.memory_space<vmem>> -> memref<1x128x64xf32, #tpu.memory_space<vmem>>
      %dma_wait3A_376 = tpu.memref_squeeze %dma_wait3A_375 : memref<1x128x64xf32, #tpu.memory_space<vmem>> -> memref<128x64xf32, #tpu.memory_space<vmem>>
      %dma_wait3A_377 = arith.constant 0 : i32
      %dma_wait3A_378 = tpu.memref_slice %arg7[%select_n3A_131, %dma_wait3A_372, %dma_wait3A_377] : memref<3x8x128xi32, #tpu.memory_space<vmem>> -> memref<1x1x128xi32, #tpu.memory_space<vmem>>
      %dma_wait3A_379 = tpu.memref_squeeze %dma_wait3A_378 : memref<1x1x128xi32, #tpu.memory_space<vmem>> -> memref<128xi32, #tpu.memory_space<vmem>>
      %dma_wait3A_380 = arith.constant 0 : i32
      %dma_wait3A_381 = arith.constant 0 : i32
      %dma_wait3A_382 = tpu.memref_slice %arg9[%dma_wait3A_380, %dma_wait3A_381] : memref<10112x64xf32, #tpu.memory_space<vmem_shared>> -> memref<10112x64xf32, #tpu.memory_space<vmem_shared>>
      tpu.wait_indirect_dma semaphore(%arg18 : memref<!tpu.dma_semaphore, #tpu.memory_space<semaphore_mem>>) src(%dma_wait3A_376 : memref<128x64xf32, #tpu.memory_space<vmem>>) dst(%dma_wait3A_382 : memref<10112x64xf32, #tpu.memory_space<vmem_shared>>)
      %add3A_383 = arith.constant 4 : i32
      %add3A_384 = arith.addi %add3A_346, %add3A_383 : i32
      %lt3A_385 = arith.constant 80 : i32
      %lt3A_386 = arith.cmpi slt, %add3A_384, %lt3A_385 : i32
      %convert_element_type3A_387 = arith.extui %lt3A_386 : i1 to i32
      %cond3A_388 = arith.constant 0 : i32
      %cond3A_389 = arith.cmpi ne, %convert_element_type3A_387, %cond3A_388 : i32
      scf.if %cond3A_389 {
        %dma_start3A_531 = arith.constant 0 : i32
        %dma_start3A_532 = arith.constant 0 : i32
        %dma_start3A_533 = arith.constant 0 : i32
        %dma_start3A_534 = arith.constant 0 : i32
        %dma_start3A_535 = tpu.memref_slice %arg8[%dma_start3A_532, %dma_start3A_533, %dma_start3A_534] : memref<8x128x64xf32, #tpu.memory_space<vmem>> -> memref<1x128x64xf32, #tpu.memory_space<vmem>>
        %dma_start3A_536 = tpu.memref_squeeze %dma_start3A_535 : memref<1x128x64xf32, #tpu.memory_space<vmem>> -> memref<128x64xf32, #tpu.memory_space<vmem>>
        %dma_start3A_537 = arith.constant 0 : i32
        %dma_start3A_538 = tpu.memref_slice %arg6[%select_n3A_149, %dma_start3A_531, %dma_start3A_537] : memref<3x8x128xi32, #tpu.memory_space<vmem>> -> memref<1x1x128xi32, #tpu.memory_space<vmem>>
        %dma_start3A_539 = tpu.memref_squeeze %dma_start3A_538 : memref<1x1x128xi32, #tpu.memory_space<vmem>> -> memref<128xi32, #tpu.memory_space<vmem>>
        %dma_start3A_540 = arith.constant 0 : i32
        %dma_start3A_541 = arith.constant 0 : i32
        %dma_start3A_542 = tpu.memref_slice %arg2[%dma_start3A_540, %dma_start3A_541] : memref<10000x64xf32, #tpu.memory_space<hbm>> -> memref<10000x64xf32, #tpu.memory_space<hbm>>
        tpu.enqueue_indirect_dma source(%dma_start3A_542 : memref<10000x64xf32, #tpu.memory_space<hbm>>) target(%dma_start3A_536 : memref<128x64xf32, #tpu.memory_space<vmem>>) offsets(%dma_start3A_539 : memref<128xi32, #tpu.memory_space<vmem>>) semaphore(%arg10 : memref<!tpu.dma_semaphore, #tpu.memory_space<semaphore_mem>>)
      } else {
      }
      %mul3A_390 = arith.constant 8 : i32
      %mul3A_391 = arith.muli %scan3A_120, %mul3A_390 : i32
      %add3A_392 = arith.constant 5 : i32
      %add3A_393 = arith.addi %mul3A_391, %add3A_392 : i32
      %dma_wait3A_394 = arith.constant 5 : i32
      %dma_wait3A_395 = arith.constant 5 : i32
      %dma_wait3A_396 = arith.constant 0 : i32
      %dma_wait3A_397 = arith.constant 0 : i32
      %dma_wait3A_398 = tpu.memref_slice %arg8[%dma_wait3A_395, %dma_wait3A_396, %dma_wait3A_397] : memref<8x128x64xf32, #tpu.memory_space<vmem>> -> memref<1x128x64xf32, #tpu.memory_space<vmem>>
      %dma_wait3A_399 = tpu.memref_squeeze %dma_wait3A_398 : memref<1x128x64xf32, #tpu.memory_space<vmem>> -> memref<128x64xf32, #tpu.memory_space<vmem>>
      %dma_wait3A_400 = arith.constant 0 : i32
      %dma_wait3A_401 = tpu.memref_slice %arg6[%select_n3A_131, %dma_wait3A_394, %dma_wait3A_400] : memref<3x8x128xi32, #tpu.memory_space<vmem>> -> memref<1x1x128xi32, #tpu.memory_space<vmem>>
      %dma_wait3A_402 = tpu.memref_squeeze %dma_wait3A_401 : memref<1x1x128xi32, #tpu.memory_space<vmem>> -> memref<128xi32, #tpu.memory_space<vmem>>
      %dma_wait3A_403 = arith.constant 0 : i32
      %dma_wait3A_404 = arith.constant 0 : i32
      %dma_wait3A_405 = tpu.memref_slice %arg2[%dma_wait3A_403, %dma_wait3A_404] : memref<10000x64xf32, #tpu.memory_space<hbm>> -> memref<10000x64xf32, #tpu.memory_space<hbm>>
      tpu.wait_indirect_dma semaphore(%arg15 : memref<!tpu.dma_semaphore, #tpu.memory_space<semaphore_mem>>) src(%dma_wait3A_405 : memref<10000x64xf32, #tpu.memory_space<hbm>>) dst(%dma_wait3A_399 : memref<128x64xf32, #tpu.memory_space<vmem>>)
      %dma_start3A_406 = arith.constant 5 : i32
      %dma_start3A_407 = arith.constant 5 : i32
      %dma_start3A_408 = arith.constant 0 : i32
      %dma_start3A_409 = arith.constant 0 : i32
      %dma_start3A_410 = tpu.memref_slice %arg8[%dma_start3A_406, %dma_start3A_408, %dma_start3A_409] : memref<8x128x64xf32, #tpu.memory_space<vmem>> -> memref<1x128x64xf32, #tpu.memory_space<vmem>>
      %dma_start3A_411 = tpu.memref_squeeze %dma_start3A_410 : memref<1x128x64xf32, #tpu.memory_space<vmem>> -> memref<128x64xf32, #tpu.memory_space<vmem>>
      %dma_start3A_412 = arith.constant 0 : i32
      %dma_start3A_413 = tpu.memref_slice %arg7[%select_n3A_131, %dma_start3A_407, %dma_start3A_412] : memref<3x8x128xi32, #tpu.memory_space<vmem>> -> memref<1x1x128xi32, #tpu.memory_space<vmem>>
      %dma_start3A_414 = tpu.memref_squeeze %dma_start3A_413 : memref<1x1x128xi32, #tpu.memory_space<vmem>> -> memref<128xi32, #tpu.memory_space<vmem>>
      %dma_start3A_415 = arith.constant 0 : i32
      %dma_start3A_416 = arith.constant 0 : i32
      %dma_start3A_417 = tpu.memref_slice %arg9[%dma_start3A_415, %dma_start3A_416] : memref<10112x64xf32, #tpu.memory_space<vmem_shared>> -> memref<10112x64xf32, #tpu.memory_space<vmem_shared>>
      tpu.enqueue_indirect_dma source(%dma_start3A_411 : memref<128x64xf32, #tpu.memory_space<vmem>>) target(%dma_start3A_417 : memref<10112x64xf32, #tpu.memory_space<vmem_shared>>) offsets(%dma_start3A_414 : memref<128xi32, #tpu.memory_space<vmem>>) semaphore(%arg23 : memref<!tpu.dma_semaphore, #tpu.memory_space<semaphore_mem>>) {add = true}
      %dma_wait3A_418 = arith.constant 1 : i32
      %dma_wait3A_419 = arith.constant 1 : i32
      %dma_wait3A_420 = arith.constant 0 : i32
      %dma_wait3A_421 = arith.constant 0 : i32
      %dma_wait3A_422 = tpu.memref_slice %arg8[%dma_wait3A_418, %dma_wait3A_420, %dma_wait3A_421] : memref<8x128x64xf32, #tpu.memory_space<vmem>> -> memref<1x128x64xf32, #tpu.memory_space<vmem>>
      %dma_wait3A_423 = tpu.memref_squeeze %dma_wait3A_422 : memref<1x128x64xf32, #tpu.memory_space<vmem>> -> memref<128x64xf32, #tpu.memory_space<vmem>>
      %dma_wait3A_424 = arith.constant 0 : i32
      %dma_wait3A_425 = tpu.memref_slice %arg7[%select_n3A_131, %dma_wait3A_419, %dma_wait3A_424] : memref<3x8x128xi32, #tpu.memory_space<vmem>> -> memref<1x1x128xi32, #tpu.memory_space<vmem>>
      %dma_wait3A_426 = tpu.memref_squeeze %dma_wait3A_425 : memref<1x1x128xi32, #tpu.memory_space<vmem>> -> memref<128xi32, #tpu.memory_space<vmem>>
      %dma_wait3A_427 = arith.constant 0 : i32
      %dma_wait3A_428 = arith.constant 0 : i32
      %dma_wait3A_429 = tpu.memref_slice %arg9[%dma_wait3A_427, %dma_wait3A_428] : memref<10112x64xf32, #tpu.memory_space<vmem_shared>> -> memref<10112x64xf32, #tpu.memory_space<vmem_shared>>
      tpu.wait_indirect_dma semaphore(%arg19 : memref<!tpu.dma_semaphore, #tpu.memory_space<semaphore_mem>>) src(%dma_wait3A_423 : memref<128x64xf32, #tpu.memory_space<vmem>>) dst(%dma_wait3A_429 : memref<10112x64xf32, #tpu.memory_space<vmem_shared>>)
      %add3A_430 = arith.constant 4 : i32
      %add3A_431 = arith.addi %add3A_393, %add3A_430 : i32
      %lt3A_432 = arith.constant 80 : i32
      %lt3A_433 = arith.cmpi slt, %add3A_431, %lt3A_432 : i32
      %convert_element_type3A_434 = arith.extui %lt3A_433 : i1 to i32
      %cond3A_435 = arith.constant 0 : i32
      %cond3A_436 = arith.cmpi ne, %convert_element_type3A_434, %cond3A_435 : i32
      scf.if %cond3A_436 {
        %dma_start3A_531 = arith.constant 1 : i32
        %dma_start3A_532 = arith.constant 1 : i32
        %dma_start3A_533 = arith.constant 0 : i32
        %dma_start3A_534 = arith.constant 0 : i32
        %dma_start3A_535 = tpu.memref_slice %arg8[%dma_start3A_532, %dma_start3A_533, %dma_start3A_534] : memref<8x128x64xf32, #tpu.memory_space<vmem>> -> memref<1x128x64xf32, #tpu.memory_space<vmem>>
        %dma_start3A_536 = tpu.memref_squeeze %dma_start3A_535 : memref<1x128x64xf32, #tpu.memory_space<vmem>> -> memref<128x64xf32, #tpu.memory_space<vmem>>
        %dma_start3A_537 = arith.constant 0 : i32
        %dma_start3A_538 = tpu.memref_slice %arg6[%select_n3A_149, %dma_start3A_531, %dma_start3A_537] : memref<3x8x128xi32, #tpu.memory_space<vmem>> -> memref<1x1x128xi32, #tpu.memory_space<vmem>>
        %dma_start3A_539 = tpu.memref_squeeze %dma_start3A_538 : memref<1x1x128xi32, #tpu.memory_space<vmem>> -> memref<128xi32, #tpu.memory_space<vmem>>
        %dma_start3A_540 = arith.constant 0 : i32
        %dma_start3A_541 = arith.constant 0 : i32
        %dma_start3A_542 = tpu.memref_slice %arg2[%dma_start3A_540, %dma_start3A_541] : memref<10000x64xf32, #tpu.memory_space<hbm>> -> memref<10000x64xf32, #tpu.memory_space<hbm>>
        tpu.enqueue_indirect_dma source(%dma_start3A_542 : memref<10000x64xf32, #tpu.memory_space<hbm>>) target(%dma_start3A_536 : memref<128x64xf32, #tpu.memory_space<vmem>>) offsets(%dma_start3A_539 : memref<128xi32, #tpu.memory_space<vmem>>) semaphore(%arg11 : memref<!tpu.dma_semaphore, #tpu.memory_space<semaphore_mem>>)
      } else {
      }
      %mul3A_437 = arith.constant 8 : i32
      %mul3A_438 = arith.muli %scan3A_120, %mul3A_437 : i32
      %add3A_439 = arith.constant 6 : i32
      %add3A_440 = arith.addi %mul3A_438, %add3A_439 : i32
      %dma_wait3A_441 = arith.constant 6 : i32
      %dma_wait3A_442 = arith.constant 6 : i32
      %dma_wait3A_443 = arith.constant 0 : i32
      %dma_wait3A_444 = arith.constant 0 : i32
      %dma_wait3A_445 = tpu.memref_slice %arg8[%dma_wait3A_442, %dma_wait3A_443, %dma_wait3A_444] : memref<8x128x64xf32, #tpu.memory_space<vmem>> -> memref<1x128x64xf32, #tpu.memory_space<vmem>>
      %dma_wait3A_446 = tpu.memref_squeeze %dma_wait3A_445 : memref<1x128x64xf32, #tpu.memory_space<vmem>> -> memref<128x64xf32, #tpu.memory_space<vmem>>
      %dma_wait3A_447 = arith.constant 0 : i32
      %dma_wait3A_448 = tpu.memref_slice %arg6[%select_n3A_131, %dma_wait3A_441, %dma_wait3A_447] : memref<3x8x128xi32, #tpu.memory_space<vmem>> -> memref<1x1x128xi32, #tpu.memory_space<vmem>>
      %dma_wait3A_449 = tpu.memref_squeeze %dma_wait3A_448 : memref<1x1x128xi32, #tpu.memory_space<vmem>> -> memref<128xi32, #tpu.memory_space<vmem>>
      %dma_wait3A_450 = arith.constant 0 : i32
      %dma_wait3A_451 = arith.constant 0 : i32
      %dma_wait3A_452 = tpu.memref_slice %arg2[%dma_wait3A_450, %dma_wait3A_451] : memref<10000x64xf32, #tpu.memory_space<hbm>> -> memref<10000x64xf32, #tpu.memory_space<hbm>>
      tpu.wait_indirect_dma semaphore(%arg16 : memref<!tpu.dma_semaphore, #tpu.memory_space<semaphore_mem>>) src(%dma_wait3A_452 : memref<10000x64xf32, #tpu.memory_space<hbm>>) dst(%dma_wait3A_446 : memref<128x64xf32, #tpu.memory_space<vmem>>)
      %dma_start3A_453 = arith.constant 6 : i32
      %dma_start3A_454 = arith.constant 6 : i32
      %dma_start3A_455 = arith.constant 0 : i32
      %dma_start3A_456 = arith.constant 0 : i32
      %dma_start3A_457 = tpu.memref_slice %arg8[%dma_start3A_453, %dma_start3A_455, %dma_start3A_456] : memref<8x128x64xf32, #tpu.memory_space<vmem>> -> memref<1x128x64xf32, #tpu.memory_space<vmem>>
      %dma_start3A_458 = tpu.memref_squeeze %dma_start3A_457 : memref<1x128x64xf32, #tpu.memory_space<vmem>> -> memref<128x64xf32, #tpu.memory_space<vmem>>
      %dma_start3A_459 = arith.constant 0 : i32
      %dma_start3A_460 = tpu.memref_slice %arg7[%select_n3A_131, %dma_start3A_454, %dma_start3A_459] : memref<3x8x128xi32, #tpu.memory_space<vmem>> -> memref<1x1x128xi32, #tpu.memory_space<vmem>>
      %dma_start3A_461 = tpu.memref_squeeze %dma_start3A_460 : memref<1x1x128xi32, #tpu.memory_space<vmem>> -> memref<128xi32, #tpu.memory_space<vmem>>
      %dma_start3A_462 = arith.constant 0 : i32
      %dma_start3A_463 = arith.constant 0 : i32
      %dma_start3A_464 = tpu.memref_slice %arg9[%dma_start3A_462, %dma_start3A_463] : memref<10112x64xf32, #tpu.memory_space<vmem_shared>> -> memref<10112x64xf32, #tpu.memory_space<vmem_shared>>
      tpu.enqueue_indirect_dma source(%dma_start3A_458 : memref<128x64xf32, #tpu.memory_space<vmem>>) target(%dma_start3A_464 : memref<10112x64xf32, #tpu.memory_space<vmem_shared>>) offsets(%dma_start3A_461 : memref<128xi32, #tpu.memory_space<vmem>>) semaphore(%arg24 : memref<!tpu.dma_semaphore, #tpu.memory_space<semaphore_mem>>) {add = true}
      %dma_wait3A_465 = arith.constant 2 : i32
      %dma_wait3A_466 = arith.constant 2 : i32
      %dma_wait3A_467 = arith.constant 0 : i32
      %dma_wait3A_468 = arith.constant 0 : i32
      %dma_wait3A_469 = tpu.memref_slice %arg8[%dma_wait3A_465, %dma_wait3A_467, %dma_wait3A_468] : memref<8x128x64xf32, #tpu.memory_space<vmem>> -> memref<1x128x64xf32, #tpu.memory_space<vmem>>
      %dma_wait3A_470 = tpu.memref_squeeze %dma_wait3A_469 : memref<1x128x64xf32, #tpu.memory_space<vmem>> -> memref<128x64xf32, #tpu.memory_space<vmem>>
      %dma_wait3A_471 = arith.constant 0 : i32
      %dma_wait3A_472 = tpu.memref_slice %arg7[%select_n3A_131, %dma_wait3A_466, %dma_wait3A_471] : memref<3x8x128xi32, #tpu.memory_space<vmem>> -> memref<1x1x128xi32, #tpu.memory_space<vmem>>
      %dma_wait3A_473 = tpu.memref_squeeze %dma_wait3A_472 : memref<1x1x128xi32, #tpu.memory_space<vmem>> -> memref<128xi32, #tpu.memory_space<vmem>>
      %dma_wait3A_474 = arith.constant 0 : i32
      %dma_wait3A_475 = arith.constant 0 : i32
      %dma_wait3A_476 = tpu.memref_slice %arg9[%dma_wait3A_474, %dma_wait3A_475] : memref<10112x64xf32, #tpu.memory_space<vmem_shared>> -> memref<10112x64xf32, #tpu.memory_space<vmem_shared>>
      tpu.wait_indirect_dma semaphore(%arg20 : memref<!tpu.dma_semaphore, #tpu.memory_space<semaphore_mem>>) src(%dma_wait3A_470 : memref<128x64xf32, #tpu.memory_space<vmem>>) dst(%dma_wait3A_476 : memref<10112x64xf32, #tpu.memory_space<vmem_shared>>)
      %add3A_477 = arith.constant 4 : i32
      %add3A_478 = arith.addi %add3A_440, %add3A_477 : i32
      %lt3A_479 = arith.constant 80 : i32
      %lt3A_480 = arith.cmpi slt, %add3A_478, %lt3A_479 : i32
      %convert_element_type3A_481 = arith.extui %lt3A_480 : i1 to i32
      %cond3A_482 = arith.constant 0 : i32
      %cond3A_483 = arith.cmpi ne, %convert_element_type3A_481, %cond3A_482 : i32
      scf.if %cond3A_483 {
        %dma_start3A_531 = arith.constant 2 : i32
        %dma_start3A_532 = arith.constant 2 : i32
        %dma_start3A_533 = arith.constant 0 : i32
        %dma_start3A_534 = arith.constant 0 : i32
        %dma_start3A_535 = tpu.memref_slice %arg8[%dma_start3A_532, %dma_start3A_533, %dma_start3A_534] : memref<8x128x64xf32, #tpu.memory_space<vmem>> -> memref<1x128x64xf32, #tpu.memory_space<vmem>>
        %dma_start3A_536 = tpu.memref_squeeze %dma_start3A_535 : memref<1x128x64xf32, #tpu.memory_space<vmem>> -> memref<128x64xf32, #tpu.memory_space<vmem>>
        %dma_start3A_537 = arith.constant 0 : i32
        %dma_start3A_538 = tpu.memref_slice %arg6[%select_n3A_149, %dma_start3A_531, %dma_start3A_537] : memref<3x8x128xi32, #tpu.memory_space<vmem>> -> memref<1x1x128xi32, #tpu.memory_space<vmem>>
        %dma_start3A_539 = tpu.memref_squeeze %dma_start3A_538 : memref<1x1x128xi32, #tpu.memory_space<vmem>> -> memref<128xi32, #tpu.memory_space<vmem>>
        %dma_start3A_540 = arith.constant 0 : i32
        %dma_start3A_541 = arith.constant 0 : i32
        %dma_start3A_542 = tpu.memref_slice %arg2[%dma_start3A_540, %dma_start3A_541] : memref<10000x64xf32, #tpu.memory_space<hbm>> -> memref<10000x64xf32, #tpu.memory_space<hbm>>
        tpu.enqueue_indirect_dma source(%dma_start3A_542 : memref<10000x64xf32, #tpu.memory_space<hbm>>) target(%dma_start3A_536 : memref<128x64xf32, #tpu.memory_space<vmem>>) offsets(%dma_start3A_539 : memref<128xi32, #tpu.memory_space<vmem>>) semaphore(%arg12 : memref<!tpu.dma_semaphore, #tpu.memory_space<semaphore_mem>>)
      } else {
      }
      %mul3A_484 = arith.constant 8 : i32
      %mul3A_485 = arith.muli %scan3A_120, %mul3A_484 : i32
      %add3A_486 = arith.constant 7 : i32
      %add3A_487 = arith.addi %mul3A_485, %add3A_486 : i32
      %dma_wait3A_488 = arith.constant 7 : i32
      %dma_wait3A_489 = arith.constant 7 : i32
      %dma_wait3A_490 = arith.constant 0 : i32
      %dma_wait3A_491 = arith.constant 0 : i32
      %dma_wait3A_492 = tpu.memref_slice %arg8[%dma_wait3A_489, %dma_wait3A_490, %dma_wait3A_491] : memref<8x128x64xf32, #tpu.memory_space<vmem>> -> memref<1x128x64xf32, #tpu.memory_space<vmem>>
      %dma_wait3A_493 = tpu.memref_squeeze %dma_wait3A_492 : memref<1x128x64xf32, #tpu.memory_space<vmem>> -> memref<128x64xf32, #tpu.memory_space<vmem>>
      %dma_wait3A_494 = arith.constant 0 : i32
      %dma_wait3A_495 = tpu.memref_slice %arg6[%select_n3A_131, %dma_wait3A_488, %dma_wait3A_494] : memref<3x8x128xi32, #tpu.memory_space<vmem>> -> memref<1x1x128xi32, #tpu.memory_space<vmem>>
      %dma_wait3A_496 = tpu.memref_squeeze %dma_wait3A_495 : memref<1x1x128xi32, #tpu.memory_space<vmem>> -> memref<128xi32, #tpu.memory_space<vmem>>
      %dma_wait3A_497 = arith.constant 0 : i32
      %dma_wait3A_498 = arith.constant 0 : i32
      %dma_wait3A_499 = tpu.memref_slice %arg2[%dma_wait3A_497, %dma_wait3A_498] : memref<10000x64xf32, #tpu.memory_space<hbm>> -> memref<10000x64xf32, #tpu.memory_space<hbm>>
      tpu.wait_indirect_dma semaphore(%arg17 : memref<!tpu.dma_semaphore, #tpu.memory_space<semaphore_mem>>) src(%dma_wait3A_499 : memref<10000x64xf32, #tpu.memory_space<hbm>>) dst(%dma_wait3A_493 : memref<128x64xf32, #tpu.memory_space<vmem>>)
      %dma_start3A_500 = arith.constant 7 : i32
      %dma_start3A_501 = arith.constant 7 : i32
      %dma_start3A_502 = arith.constant 0 : i32
      %dma_start3A_503 = arith.constant 0 : i32
      %dma_start3A_504 = tpu.memref_slice %arg8[%dma_start3A_500, %dma_start3A_502, %dma_start3A_503] : memref<8x128x64xf32, #tpu.memory_space<vmem>> -> memref<1x128x64xf32, #tpu.memory_space<vmem>>
      %dma_start3A_505 = tpu.memref_squeeze %dma_start3A_504 : memref<1x128x64xf32, #tpu.memory_space<vmem>> -> memref<128x64xf32, #tpu.memory_space<vmem>>
      %dma_start3A_506 = arith.constant 0 : i32
      %dma_start3A_507 = tpu.memref_slice %arg7[%select_n3A_131, %dma_start3A_501, %dma_start3A_506] : memref<3x8x128xi32, #tpu.memory_space<vmem>> -> memref<1x1x128xi32, #tpu.memory_space<vmem>>
      %dma_start3A_508 = tpu.memref_squeeze %dma_start3A_507 : memref<1x1x128xi32, #tpu.memory_space<vmem>> -> memref<128xi32, #tpu.memory_space<vmem>>
      %dma_start3A_509 = arith.constant 0 : i32
      %dma_start3A_510 = arith.constant 0 : i32
      %dma_start3A_511 = tpu.memref_slice %arg9[%dma_start3A_509, %dma_start3A_510] : memref<10112x64xf32, #tpu.memory_space<vmem_shared>> -> memref<10112x64xf32, #tpu.memory_space<vmem_shared>>
      tpu.enqueue_indirect_dma source(%dma_start3A_505 : memref<128x64xf32, #tpu.memory_space<vmem>>) target(%dma_start3A_511 : memref<10112x64xf32, #tpu.memory_space<vmem_shared>>) offsets(%dma_start3A_508 : memref<128xi32, #tpu.memory_space<vmem>>) semaphore(%arg25 : memref<!tpu.dma_semaphore, #tpu.memory_space<semaphore_mem>>) {add = true}
      %dma_wait3A_512 = arith.constant 3 : i32
      %dma_wait3A_513 = arith.constant 3 : i32
      %dma_wait3A_514 = arith.constant 0 : i32
      %dma_wait3A_515 = arith.constant 0 : i32
      %dma_wait3A_516 = tpu.memref_slice %arg8[%dma_wait3A_512, %dma_wait3A_514, %dma_wait3A_515] : memref<8x128x64xf32, #tpu.memory_space<vmem>> -> memref<1x128x64xf32, #tpu.memory_space<vmem>>
      %dma_wait3A_517 = tpu.memref_squeeze %dma_wait3A_516 : memref<1x128x64xf32, #tpu.memory_space<vmem>> -> memref<128x64xf32, #tpu.memory_space<vmem>>
      %dma_wait3A_518 = arith.constant 0 : i32
      %dma_wait3A_519 = tpu.memref_slice %arg7[%select_n3A_131, %dma_wait3A_513, %dma_wait3A_518] : memref<3x8x128xi32, #tpu.memory_space<vmem>> -> memref<1x1x128xi32, #tpu.memory_space<vmem>>
      %dma_wait3A_520 = tpu.memref_squeeze %dma_wait3A_519 : memref<1x1x128xi32, #tpu.memory_space<vmem>> -> memref<128xi32, #tpu.memory_space<vmem>>
      %dma_wait3A_521 = arith.constant 0 : i32
      %dma_wait3A_522 = arith.constant 0 : i32
      %dma_wait3A_523 = tpu.memref_slice %arg9[%dma_wait3A_521, %dma_wait3A_522] : memref<10112x64xf32, #tpu.memory_space<vmem_shared>> -> memref<10112x64xf32, #tpu.memory_space<vmem_shared>>
      tpu.wait_indirect_dma semaphore(%arg21 : memref<!tpu.dma_semaphore, #tpu.memory_space<semaphore_mem>>) src(%dma_wait3A_517 : memref<128x64xf32, #tpu.memory_space<vmem>>) dst(%dma_wait3A_523 : memref<10112x64xf32, #tpu.memory_space<vmem_shared>>)
      %add3A_524 = arith.constant 4 : i32
      %add3A_525 = arith.addi %add3A_487, %add3A_524 : i32
      %lt3A_526 = arith.constant 80 : i32
      %lt3A_527 = arith.cmpi slt, %add3A_525, %lt3A_526 : i32
      %convert_element_type3A_528 = arith.extui %lt3A_527 : i1 to i32
      %cond3A_529 = arith.constant 0 : i32
      %cond3A_530 = arith.cmpi ne, %convert_element_type3A_528, %cond3A_529 : i32
      scf.if %cond3A_530 {
        %dma_start3A_531 = arith.constant 3 : i32
        %dma_start3A_532 = arith.constant 3 : i32
        %dma_start3A_533 = arith.constant 0 : i32
        %dma_start3A_534 = arith.constant 0 : i32
        %dma_start3A_535 = tpu.memref_slice %arg8[%dma_start3A_532, %dma_start3A_533, %dma_start3A_534] : memref<8x128x64xf32, #tpu.memory_space<vmem>> -> memref<1x128x64xf32, #tpu.memory_space<vmem>>
        %dma_start3A_536 = tpu.memref_squeeze %dma_start3A_535 : memref<1x128x64xf32, #tpu.memory_space<vmem>> -> memref<128x64xf32, #tpu.memory_space<vmem>>
        %dma_start3A_537 = arith.constant 0 : i32
        %dma_start3A_538 = tpu.memref_slice %arg6[%select_n3A_149, %dma_start3A_531, %dma_start3A_537] : memref<3x8x128xi32, #tpu.memory_space<vmem>> -> memref<1x1x128xi32, #tpu.memory_space<vmem>>
        %dma_start3A_539 = tpu.memref_squeeze %dma_start3A_538 : memref<1x1x128xi32, #tpu.memory_space<vmem>> -> memref<128xi32, #tpu.memory_space<vmem>>
        %dma_start3A_540 = arith.constant 0 : i32
        %dma_start3A_541 = arith.constant 0 : i32
        %dma_start3A_542 = tpu.memref_slice %arg2[%dma_start3A_540, %dma_start3A_541] : memref<10000x64xf32, #tpu.memory_space<hbm>> -> memref<10000x64xf32, #tpu.memory_space<hbm>>
        tpu.enqueue_indirect_dma source(%dma_start3A_542 : memref<10000x64xf32, #tpu.memory_space<hbm>>) target(%dma_start3A_536 : memref<128x64xf32, #tpu.memory_space<vmem>>) offsets(%dma_start3A_539 : memref<128xi32, #tpu.memory_space<vmem>>) semaphore(%arg13 : memref<!tpu.dma_semaphore, #tpu.memory_space<semaphore_mem>>)
      } else {
      }
    }
    %scan3A_63 = arith.constant 10 : i32
    %dma_wait3A = arith.constant 4 : i32
    %dma_wait3A_64 = arith.constant 0 : i32
    %dma_wait3A_65 = arith.constant 4 : i32
    %dma_wait3A_66 = arith.constant 0 : i32
    %dma_wait3A_67 = arith.constant 0 : i32
    %dma_wait3A_68 = tpu.memref_slice %arg8[%dma_wait3A, %dma_wait3A_66, %dma_wait3A_67] : memref<8x128x64xf32, #tpu.memory_space<vmem>> -> memref<1x128x64xf32, #tpu.memory_space<vmem>>
    %dma_wait3A_69 = tpu.memref_squeeze %dma_wait3A_68 : memref<1x128x64xf32, #tpu.memory_space<vmem>> -> memref<128x64xf32, #tpu.memory_space<vmem>>
    %dma_wait3A_70 = arith.constant 0 : i32
    %dma_wait3A_71 = tpu.memref_slice %arg7[%dma_wait3A_64, %dma_wait3A_65, %dma_wait3A_70] : memref<3x8x128xi32, #tpu.memory_space<vmem>> -> memref<1x1x128xi32, #tpu.memory_space<vmem>>
    %dma_wait3A_72 = tpu.memref_squeeze %dma_wait3A_71 : memref<1x1x128xi32, #tpu.memory_space<vmem>> -> memref<128xi32, #tpu.memory_space<vmem>>
    %dma_wait3A_73 = arith.constant 0 : i32
    %dma_wait3A_74 = arith.constant 0 : i32
    %dma_wait3A_75 = tpu.memref_slice %arg9[%dma_wait3A_73, %dma_wait3A_74] : memref<10112x64xf32, #tpu.memory_space<vmem_shared>> -> memref<10112x64xf32, #tpu.memory_space<vmem_shared>>
    tpu.wait_indirect_dma semaphore(%arg22 : memref<!tpu.dma_semaphore, #tpu.memory_space<semaphore_mem>>) src(%dma_wait3A_69 : memref<128x64xf32, #tpu.memory_space<vmem>>) dst(%dma_wait3A_75 : memref<10112x64xf32, #tpu.memory_space<vmem_shared>>)
    %dma_wait3A_76 = arith.constant 5 : i32
    %dma_wait3A_77 = arith.constant 0 : i32
    %dma_wait3A_78 = arith.constant 5 : i32
    %dma_wait3A_79 = arith.constant 0 : i32
    %dma_wait3A_80 = arith.constant 0 : i32
    %dma_wait3A_81 = tpu.memref_slice %arg8[%dma_wait3A_76, %dma_wait3A_79, %dma_wait3A_80] : memref<8x128x64xf32, #tpu.memory_space<vmem>> -> memref<1x128x64xf32, #tpu.memory_space<vmem>>
    %dma_wait3A_82 = tpu.memref_squeeze %dma_wait3A_81 : memref<1x128x64xf32, #tpu.memory_space<vmem>> -> memref<128x64xf32, #tpu.memory_space<vmem>>
    %dma_wait3A_83 = arith.constant 0 : i32
    %dma_wait3A_84 = tpu.memref_slice %arg7[%dma_wait3A_77, %dma_wait3A_78, %dma_wait3A_83] : memref<3x8x128xi32, #tpu.memory_space<vmem>> -> memref<1x1x128xi32, #tpu.memory_space<vmem>>
    %dma_wait3A_85 = tpu.memref_squeeze %dma_wait3A_84 : memref<1x1x128xi32, #tpu.memory_space<vmem>> -> memref<128xi32, #tpu.memory_space<vmem>>
    %dma_wait3A_86 = arith.constant 0 : i32
    %dma_wait3A_87 = arith.constant 0 : i32
    %dma_wait3A_88 = tpu.memref_slice %arg9[%dma_wait3A_86, %dma_wait3A_87] : memref<10112x64xf32, #tpu.memory_space<vmem_shared>> -> memref<10112x64xf32, #tpu.memory_space<vmem_shared>>
    tpu.wait_indirect_dma semaphore(%arg23 : memref<!tpu.dma_semaphore, #tpu.memory_space<semaphore_mem>>) src(%dma_wait3A_82 : memref<128x64xf32, #tpu.memory_space<vmem>>) dst(%dma_wait3A_88 : memref<10112x64xf32, #tpu.memory_space<vmem_shared>>)
    %dma_wait3A_89 = arith.constant 6 : i32
    %dma_wait3A_90 = arith.constant 0 : i32
    %dma_wait3A_91 = arith.constant 6 : i32
    %dma_wait3A_92 = arith.constant 0 : i32
    %dma_wait3A_93 = arith.constant 0 : i32
    %dma_wait3A_94 = tpu.memref_slice %arg8[%dma_wait3A_89, %dma_wait3A_92, %dma_wait3A_93] : memref<8x128x64xf32, #tpu.memory_space<vmem>> -> memref<1x128x64xf32, #tpu.memory_space<vmem>>
    %dma_wait3A_95 = tpu.memref_squeeze %dma_wait3A_94 : memref<1x128x64xf32, #tpu.memory_space<vmem>> -> memref<128x64xf32, #tpu.memory_space<vmem>>
    %dma_wait3A_96 = arith.constant 0 : i32
    %dma_wait3A_97 = tpu.memref_slice %arg7[%dma_wait3A_90, %dma_wait3A_91, %dma_wait3A_96] : memref<3x8x128xi32, #tpu.memory_space<vmem>> -> memref<1x1x128xi32, #tpu.memory_space<vmem>>
    %dma_wait3A_98 = tpu.memref_squeeze %dma_wait3A_97 : memref<1x1x128xi32, #tpu.memory_space<vmem>> -> memref<128xi32, #tpu.memory_space<vmem>>
    %dma_wait3A_99 = arith.constant 0 : i32
    %dma_wait3A_100 = arith.constant 0 : i32
    %dma_wait3A_101 = tpu.memref_slice %arg9[%dma_wait3A_99, %dma_wait3A_100] : memref<10112x64xf32, #tpu.memory_space<vmem_shared>> -> memref<10112x64xf32, #tpu.memory_space<vmem_shared>>
    tpu.wait_indirect_dma semaphore(%arg24 : memref<!tpu.dma_semaphore, #tpu.memory_space<semaphore_mem>>) src(%dma_wait3A_95 : memref<128x64xf32, #tpu.memory_space<vmem>>) dst(%dma_wait3A_101 : memref<10112x64xf32, #tpu.memory_space<vmem_shared>>)
    %dma_wait3A_102 = arith.constant 7 : i32
    %dma_wait3A_103 = arith.constant 0 : i32
    %dma_wait3A_104 = arith.constant 7 : i32
    %dma_wait3A_105 = arith.constant 0 : i32
    %dma_wait3A_106 = arith.constant 0 : i32
    %dma_wait3A_107 = tpu.memref_slice %arg8[%dma_wait3A_102, %dma_wait3A_105, %dma_wait3A_106] : memref<8x128x64xf32, #tpu.memory_space<vmem>> -> memref<1x128x64xf32, #tpu.memory_space<vmem>>
    %dma_wait3A_108 = tpu.memref_squeeze %dma_wait3A_107 : memref<1x128x64xf32, #tpu.memory_space<vmem>> -> memref<128x64xf32, #tpu.memory_space<vmem>>
    %dma_wait3A_109 = arith.constant 0 : i32
    %dma_wait3A_110 = tpu.memref_slice %arg7[%dma_wait3A_103, %dma_wait3A_104, %dma_wait3A_109] : memref<3x8x128xi32, #tpu.memory_space<vmem>> -> memref<1x1x128xi32, #tpu.memory_space<vmem>>
    %dma_wait3A_111 = tpu.memref_squeeze %dma_wait3A_110 : memref<1x1x128xi32, #tpu.memory_space<vmem>> -> memref<128xi32, #tpu.memory_space<vmem>>
    %dma_wait3A_112 = arith.constant 0 : i32
    %dma_wait3A_113 = arith.constant 0 : i32
    %dma_wait3A_114 = tpu.memref_slice %arg9[%dma_wait3A_112, %dma_wait3A_113] : memref<10112x64xf32, #tpu.memory_space<vmem_shared>> -> memref<10112x64xf32, #tpu.memory_space<vmem_shared>>
    tpu.wait_indirect_dma semaphore(%arg25 : memref<!tpu.dma_semaphore, #tpu.memory_space<semaphore_mem>>) src(%dma_wait3A_108 : memref<128x64xf32, #tpu.memory_space<vmem>>) dst(%dma_wait3A_114 : memref<10112x64xf32, #tpu.memory_space<vmem_shared>>)
    %barrier3A_115 = arith.constant 0 : index
    tpu.barrier barrier_id(%barrier3A_115)
    %mul3A_116 = arith.constant 632 : i32
    %mul3A_117 = arith.muli %arg1, %mul3A_116 : i32
    %mul3A_118 = arith.constant 632 : i32
    %mul3A_119 = arith.muli %arg1, %mul3A_118 : i32
    "tpu.region"() ({
      %run_scoped3A_120 = tpu.sem_alloc : memref<!tpu.dma_semaphore, #tpu.memory_space<semaphore_mem>>
      %dma_start3A_121 = arith.constant 0 : i32
      %dma_start3A_122 = tpu.memref_slice %arg5[%arg0, %mul3A_119, %dma_start3A_121] : memref<2x10112x64xf32, #tpu.memory_space<hbm>> -> memref<1x632x64xf32, #tpu.memory_space<hbm>>
      %dma_start3A_123 = tpu.memref_squeeze %dma_start3A_122 : memref<1x632x64xf32, #tpu.memory_space<hbm>> -> memref<632x64xf32, #tpu.memory_space<hbm>>
      %dma_start3A_124 = arith.constant 0 : i32
      %dma_start3A_125 = tpu.memref_slice %arg9[%mul3A_117, %dma_start3A_124] : memref<10112x64xf32, #tpu.memory_space<vmem_shared>> -> memref<632x64xf32, #tpu.memory_space<vmem_shared>>
      tpu.enqueue_dma source(%dma_start3A_125 : memref<632x64xf32, #tpu.memory_space<vmem_shared>>) target(%dma_start3A_123 : memref<632x64xf32, #tpu.memory_space<hbm>>) target_semaphore(%run_scoped3A_120 : memref<!tpu.dma_semaphore, #tpu.memory_space<semaphore_mem>>)
      %dma_wait3A_126 = arith.constant 0 : i32
      %dma_wait3A_127 = tpu.memref_slice %arg5[%arg0, %mul3A_119, %dma_wait3A_126] : memref<2x10112x64xf32, #tpu.memory_space<hbm>> -> memref<1x632x64xf32, #tpu.memory_space<hbm>>
      %dma_wait3A_128 = tpu.memref_squeeze %dma_wait3A_127 : memref<1x632x64xf32, #tpu.memory_space<hbm>> -> memref<632x64xf32, #tpu.memory_space<hbm>>
      %dma_wait3A_129 = arith.constant 0 : i32
      %dma_wait3A_130 = tpu.memref_slice %arg9[%mul3A_117, %dma_wait3A_129] : memref<10112x64xf32, #tpu.memory_space<vmem_shared>> -> memref<632x64xf32, #tpu.memory_space<vmem_shared>>
      tpu.wait_dma2 semaphore(%run_scoped3A_120 : memref<!tpu.dma_semaphore, #tpu.memory_space<semaphore_mem>>) src(%dma_wait3A_130 : memref<632x64xf32, #tpu.memory_space<vmem_shared>>) dst(%dma_wait3A_128 : memref<632x64xf32, #tpu.memory_space<hbm>>)
      tpu.yield
    }) : () -> ()
    return
  }
}

module attributes {stable_mosaic.version = 14 : i64} {
  func.func @_mm_body(%arg0: memref<10000x128xf32, #tpu.memory_space<vmem>>, %arg1: memref<128x64xf32, #tpu.memory_space<vmem>>, %arg2: memref<10000x64xf32, #tpu.memory_space<vmem>>) attributes {dimension_semantics = [], scalar_prefetch = 0 : i64, scratch_operands = 0 : i64, tpu.core_type = #tpu.core_type<tc>} {
    %get3A = arith.constant 0 : index
    %get3A_0 = arith.constant 0 : index
    %get3A_1 = vector.load %arg0[%get3A, %get3A_0] : memref<10000x128xf32, #tpu.memory_space<vmem>>, vector<10000x128xf32>
    %get3A_2 = arith.constant 0 : index
    %get3A_3 = arith.constant 0 : index
    %get3A_4 = vector.load %arg1[%get3A_2, %get3A_3] : memref<128x64xf32, #tpu.memory_space<vmem>>, vector<128x64xf32>
    %dot_general3A = arith.constant dense<0.000000e+00> : vector<10000x64xf32>
    %dot_general3A_5 = tpu.matmul %get3A_1, %get3A_4, %dot_general3A {dimension_numbers = #tpu.dot_dimension_numbers<[1], [0], [0], [1], [0, 0, 1, 1], [], []>, transpose_lhs_hint = false} : vector<10000x128xf32>, vector<128x64xf32>, vector<10000x64xf32> -> vector<10000x64xf32>
    %swap3A = arith.constant 0 : index
    %swap3A_6 = arith.constant 0 : index
    %swap3A_7 = vector.load %arg2[%swap3A, %swap3A_6] : memref<10000x64xf32, #tpu.memory_space<vmem>>, vector<10000x64xf32>
    tpu.vector_store %arg2[%swap3A, %swap3A_6], %dot_general3A_5 {strides = array<i32>} : memref<10000x64xf32, #tpu.memory_space<vmem>>, vector<10000x64xf32>,
    return
  }
}

module attributes {stable_mosaic.version = 14 : i64} {
  func.func @_mid_body(%arg0: memref<5000x128xf32, #tpu.memory_space<vmem>>, %arg1: memref<2x5056x128xf32, #tpu.memory_space<vmem>>, %arg2: memref<1x64xf32, #tpu.memory_space<vmem>>, %arg3: memref<64x64xf32, #tpu.memory_space<vmem>>, %arg4: memref<1x64xf32, #tpu.memory_space<vmem>>, %arg5: memref<1x64xf32, #tpu.memory_space<vmem>>, %arg6: memref<1x64xf32, #tpu.memory_space<vmem>>, %arg7: memref<64x64xf32, #tpu.memory_space<vmem>>, %arg8: memref<5000x128xf32, #tpu.memory_space<vmem>>) attributes {dimension_semantics = [], scalar_prefetch = 0 : i64, scratch_operands = 0 : i64, tpu.core_type = #tpu.core_type<tc>} {
    %get3A = arith.constant 0 : index
    %get3A_0 = arith.constant 0 : index
    %get3A_1 = arith.constant 0 : index
    %get3A_2 = vector.load %arg1[%get3A, %get3A_0, %get3A_1] : memref<2x5056x128xf32, #tpu.memory_space<vmem>>, vector<1x5000x128xf32>
    %get3A_3 = vector.shape_cast %get3A_2 : vector<1x5000x128xf32> to vector<5000x128xf32>
    %get3A_4 = arith.constant 1 : index
    %get3A_5 = arith.constant 0 : index
    %get3A_6 = arith.constant 0 : index
    %get3A_7 = vector.load %arg1[%get3A_4, %get3A_5, %get3A_6] : memref<2x5056x128xf32, #tpu.memory_space<vmem>>, vector<1x5000x128xf32>
    %get3A_8 = vector.shape_cast %get3A_7 : vector<1x5000x128xf32> to vector<5000x128xf32>
    %add3A = arith.addf %get3A_3, %get3A_8 : vector<5000x128xf32>
    %get3A_9 = arith.constant 0 : index
    %get3A_10 = arith.constant 0 : index
    %get3A_11 = vector.load %arg0[%get3A_9, %get3A_10] : memref<5000x128xf32, #tpu.memory_space<vmem>>, vector<5000x128xf32>
    %sub3A = arith.subf %add3A, %get3A_11 : vector<5000x128xf32>
    %get3A_12 = arith.constant 0 : index
    %get3A_13 = arith.constant 0 : index
    %get3A_14 = vector.load %arg2[%get3A_12, %get3A_13] : memref<1x64xf32, #tpu.memory_space<vmem>>, vector<1x64xf32>
    %concatenate3A = tpu.concatenate %get3A_14, %get3A_14 in 1 : vector<1x64xf32>, vector<1x64xf32> -> vector<1x128xf32>
    %add3A_15 = vector.broadcast %concatenate3A : vector<1x128xf32> to vector<5000x128xf32>
    %add3A_16 = arith.addf %sub3A, %add3A_15 : vector<5000x128xf32>
    %max3A = arith.constant 0.000000e+00 : f32
    %max3A_17 = vector.broadcast %max3A : f32 to vector<5000x128xf32>
    %max3A_18 = arith.maximumf %add3A_16, %max3A_17 : vector<5000x128xf32>
    %get3A_19 = arith.constant 0 : index
    %get3A_20 = arith.constant 0 : index
    %get3A_21 = vector.load %arg3[%get3A_19, %get3A_20] : memref<64x64xf32, #tpu.memory_space<vmem>>, vector<64x64xf32>
    %broadcast_in_dim3A = arith.constant 0.000000e+00 : f32
    %broadcast_in_dim3A_22 = vector.broadcast %broadcast_in_dim3A : f32 to vector<64x64xf32>
    %concatenate3A_23 = tpu.concatenate %get3A_21, %broadcast_in_dim3A_22 in 1 : vector<64x64xf32>, vector<64x64xf32> -> vector<64x128xf32>
    %concatenate3A_24 = tpu.concatenate %broadcast_in_dim3A_22, %get3A_21 in 1 : vector<64x64xf32>, vector<64x64xf32> -> vector<64x128xf32>
    %concatenate3A_25 = tpu.concatenate %concatenate3A_23, %concatenate3A_24 in 0 : vector<64x128xf32>, vector<64x128xf32> -> vector<128x128xf32>
    %dot_general3A = arith.constant dense<0.000000e+00> : vector<5000x128xf32>
    %dot_general3A_26 = tpu.matmul %max3A_18, %concatenate3A_25, %dot_general3A {dimension_numbers = #tpu.dot_dimension_numbers<[1], [0], [0], [1], [0, 0, 1, 1], [], []>, transpose_lhs_hint = false} : vector<5000x128xf32>, vector<128x128xf32>, vector<5000x128xf32> -> vector<5000x128xf32>
    %get3A_27 = arith.constant 0 : index
    %get3A_28 = arith.constant 0 : index
    %get3A_29 = vector.load %arg4[%get3A_27, %get3A_28] : memref<1x64xf32, #tpu.memory_space<vmem>>, vector<1x64xf32>
    %concatenate3A_30 = tpu.concatenate %get3A_29, %get3A_29 in 1 : vector<1x64xf32>, vector<1x64xf32> -> vector<1x128xf32>
    %add3A_31 = vector.broadcast %concatenate3A_30 : vector<1x128xf32> to vector<5000x128xf32>
    %add3A_32 = arith.addf %dot_general3A_26, %add3A_31 : vector<5000x128xf32>
    %max3A_33 = arith.constant 0.000000e+00 : f32
    %max3A_34 = vector.broadcast %max3A_33 : f32 to vector<5000x128xf32>
    %max3A_35 = arith.maximumf %add3A_32, %max3A_34 : vector<5000x128xf32>
    %reduce_sum3A = arith.constant dense<0.000000e+00> : vector<128xf32>
    %reduce_sum3A_36 = vector.multi_reduction <add>, %max3A_35, %reduce_sum3A [0] : vector<5000x128xf32> to vector<128xf32>
    %broadcast_in_dim3A_37 = vector.shape_cast %reduce_sum3A_36 : vector<128xf32> to vector<1x128xf32>
    %div3A = arith.constant 5.000000e+03 : f32
    %div3A_38 = vector.broadcast %div3A : f32 to vector<1x128xf32>
    %div3A_39 = arith.divf %broadcast_in_dim3A_37, %div3A_38 : vector<1x128xf32>
    %mul3A = arith.mulf %max3A_35, %max3A_35 : vector<5000x128xf32>
    %reduce_sum3A_40 = arith.constant dense<0.000000e+00> : vector<128xf32>
    %reduce_sum3A_41 = vector.multi_reduction <add>, %mul3A, %reduce_sum3A_40 [0] : vector<5000x128xf32> to vector<128xf32>
    %broadcast_in_dim3A_42 = vector.shape_cast %reduce_sum3A_41 : vector<128xf32> to vector<1x128xf32>
    %div3A_43 = arith.constant 5.000000e+03 : f32
    %div3A_44 = vector.broadcast %div3A_43 : f32 to vector<1x128xf32>
    %div3A_45 = arith.divf %broadcast_in_dim3A_42, %div3A_44 : vector<1x128xf32>
    %slice3A = vector.extract_strided_slice %div3A_39 {offsets = [0, 0], sizes = [1, 64], strides = [1, 1]} : vector<1x128xf32> to vector<1x64xf32>
    %slice3A_46 = vector.extract_strided_slice %div3A_39 {offsets = [0, 64], sizes = [1, 64], strides = [1, 1]} : vector<1x128xf32> to vector<1x64xf32>
    %add3A_47 = arith.addf %slice3A, %slice3A_46 : vector<1x64xf32>
    %mul3A_48 = arith.constant 5.000000e-01 : f32
    %mul3A_49 = vector.broadcast %mul3A_48 : f32 to vector<1x64xf32>
    %mul3A_50 = arith.mulf %mul3A_49, %add3A_47 : vector<1x64xf32>
    %slice3A_51 = vector.extract_strided_slice %div3A_45 {offsets = [0, 0], sizes = [1, 64], strides = [1, 1]} : vector<1x128xf32> to vector<1x64xf32>
    %slice3A_52 = vector.extract_strided_slice %div3A_45 {offsets = [0, 64], sizes = [1, 64], strides = [1, 1]} : vector<1x128xf32> to vector<1x64xf32>
    %add3A_53 = arith.addf %slice3A_51, %slice3A_52 : vector<1x64xf32>
    %mul3A_54 = arith.constant 5.000000e-01 : f32
    %mul3A_55 = vector.broadcast %mul3A_54 : f32 to vector<1x64xf32>
    %mul3A_56 = arith.mulf %mul3A_55, %add3A_53 : vector<1x64xf32>
    %mul3A_57 = arith.mulf %mul3A_50, %mul3A_50 : vector<1x64xf32>
    %sub3A_58 = arith.subf %mul3A_56, %mul3A_57 : vector<1x64xf32>
    %concatenate3A_59 = tpu.concatenate %mul3A_50, %mul3A_50 in 1 : vector<1x64xf32>, vector<1x64xf32> -> vector<1x128xf32>
    %concatenate3A_60 = tpu.concatenate %sub3A_58, %sub3A_58 in 1 : vector<1x64xf32>, vector<1x64xf32> -> vector<1x128xf32>
    %sub3A_61 = vector.broadcast %concatenate3A_59 : vector<1x128xf32> to vector<5000x128xf32>
    %sub3A_62 = arith.subf %max3A_35, %sub3A_61 : vector<5000x128xf32>
    %add3A_63 = arith.constant 9.99999974E-6 : f32
    %add3A_64 = vector.broadcast %add3A_63 : f32 to vector<1x128xf32>
    %add3A_65 = arith.addf %concatenate3A_60, %add3A_64 : vector<1x128xf32>
    %rsqrt3A = math.rsqrt %add3A_65 : vector<1x128xf32>
    %mul3A_66 = vector.broadcast %rsqrt3A : vector<1x128xf32> to vector<5000x128xf32>
    %mul3A_67 = arith.mulf %sub3A_62, %mul3A_66 : vector<5000x128xf32>
    %get3A_68 = arith.constant 0 : index
    %get3A_69 = arith.constant 0 : index
    %get3A_70 = vector.load %arg5[%get3A_68, %get3A_69] : memref<1x64xf32, #tpu.memory_space<vmem>>, vector<1x64xf32>
    %concatenate3A_71 = tpu.concatenate %get3A_70, %get3A_70 in 1 : vector<1x64xf32>, vector<1x64xf32> -> vector<1x128xf32>
    %mul3A_72 = vector.broadcast %concatenate3A_71 : vector<1x128xf32> to vector<5000x128xf32>
    %mul3A_73 = arith.mulf %mul3A_67, %mul3A_72 : vector<5000x128xf32>
    %get3A_74 = arith.constant 0 : index
    %get3A_75 = arith.constant 0 : index
    %get3A_76 = vector.load %arg6[%get3A_74, %get3A_75] : memref<1x64xf32, #tpu.memory_space<vmem>>, vector<1x64xf32>
    %concatenate3A_77 = tpu.concatenate %get3A_76, %get3A_76 in 1 : vector<1x64xf32>, vector<1x64xf32> -> vector<1x128xf32>
    %add3A_78 = vector.broadcast %concatenate3A_77 : vector<1x128xf32> to vector<5000x128xf32>
    %add3A_79 = arith.addf %mul3A_73, %add3A_78 : vector<5000x128xf32>
    %get3A_80 = arith.constant 0 : index
    %get3A_81 = arith.constant 0 : index
    %get3A_82 = vector.load %arg7[%get3A_80, %get3A_81] : memref<64x64xf32, #tpu.memory_space<vmem>>, vector<64x64xf32>
    %broadcast_in_dim3A_83 = arith.constant 0.000000e+00 : f32
    %broadcast_in_dim3A_84 = vector.broadcast %broadcast_in_dim3A_83 : f32 to vector<64x64xf32>
    %concatenate3A_85 = tpu.concatenate %get3A_82, %broadcast_in_dim3A_84 in 1 : vector<64x64xf32>, vector<64x64xf32> -> vector<64x128xf32>
    %concatenate3A_86 = tpu.concatenate %broadcast_in_dim3A_84, %get3A_82 in 1 : vector<64x64xf32>, vector<64x64xf32> -> vector<64x128xf32>
    %concatenate3A_87 = tpu.concatenate %concatenate3A_85, %concatenate3A_86 in 0 : vector<64x128xf32>, vector<64x128xf32> -> vector<128x128xf32>
    %dot_general3A_88 = arith.constant dense<0.000000e+00> : vector<5000x128xf32>
    %dot_general3A_89 = tpu.matmul %add3A_79, %concatenate3A_87, %dot_general3A_88 {dimension_numbers = #tpu.dot_dimension_numbers<[1], [0], [0], [1], [0, 0, 1, 1], [], []>, transpose_lhs_hint = false} : vector<5000x128xf32>, vector<128x128xf32>, vector<5000x128xf32> -> vector<5000x128xf32>
    %swap3A = arith.constant 0 : index
    %swap3A_90 = arith.constant 0 : index
    %swap3A_91 = vector.load %arg8[%swap3A, %swap3A_90] : memref<5000x128xf32, #tpu.memory_space<vmem>>, vector<5000x128xf32>
    tpu.vector_store %arg8[%swap3A, %swap3A_90], %dot_general3A_89 {strides = array<i32>} : memref<5000x128xf32, #tpu.memory_space<vmem>>, vector<5000x128xf32>,
    return
  }
}

module attributes {stable_mosaic.version = 14 : i64} {
  func.func @_head_body(%arg0: memref<5000x128xf32, #tpu.memory_space<vmem>>, %arg1: memref<2x5056x128xf32, #tpu.memory_space<vmem>>, %arg2: memref<1x64xf32, #tpu.memory_space<vmem>>, %arg3: memref<64x64xf32, #tpu.memory_space<vmem>>, %arg4: memref<1x64xf32, #tpu.memory_space<vmem>>, %arg5: memref<1x64xf32, #tpu.memory_space<vmem>>, %arg6: memref<1x64xf32, #tpu.memory_space<vmem>>, %arg7: memref<64x64xf32, #tpu.memory_space<vmem>>, %arg8: memref<1x64xf32, #tpu.memory_space<vmem>>, %arg9: memref<64x10xf32, #tpu.memory_space<vmem>>, %arg10: memref<1x10xf32, #tpu.memory_space<vmem>>, %arg11: memref<5000x20xf32, #tpu.memory_space<vmem>>) attributes {dimension_semantics = [], scalar_prefetch = 0 : i64, scratch_operands = 0 : i64, tpu.core_type = #tpu.core_type<tc>} {
    %get3A = arith.constant 0 : index
    %get3A_0 = arith.constant 0 : index
    %get3A_1 = arith.constant 0 : index
    %get3A_2 = vector.load %arg1[%get3A, %get3A_0, %get3A_1] : memref<2x5056x128xf32, #tpu.memory_space<vmem>>, vector<1x5000x128xf32>
    %get3A_3 = vector.shape_cast %get3A_2 : vector<1x5000x128xf32> to vector<5000x128xf32>
    %get3A_4 = arith.constant 1 : index
    %get3A_5 = arith.constant 0 : index
    %get3A_6 = arith.constant 0 : index
    %get3A_7 = vector.load %arg1[%get3A_4, %get3A_5, %get3A_6] : memref<2x5056x128xf32, #tpu.memory_space<vmem>>, vector<1x5000x128xf32>
    %get3A_8 = vector.shape_cast %get3A_7 : vector<1x5000x128xf32> to vector<5000x128xf32>
    %add3A = arith.addf %get3A_3, %get3A_8 : vector<5000x128xf32>
    %get3A_9 = arith.constant 0 : index
    %get3A_10 = arith.constant 0 : index
    %get3A_11 = vector.load %arg0[%get3A_9, %get3A_10] : memref<5000x128xf32, #tpu.memory_space<vmem>>, vector<5000x128xf32>
    %sub3A = arith.subf %add3A, %get3A_11 : vector<5000x128xf32>
    %get3A_12 = arith.constant 0 : index
    %get3A_13 = arith.constant 0 : index
    %get3A_14 = vector.load %arg2[%get3A_12, %get3A_13] : memref<1x64xf32, #tpu.memory_space<vmem>>, vector<1x64xf32>
    %concatenate3A = tpu.concatenate %get3A_14, %get3A_14 in 1 : vector<1x64xf32>, vector<1x64xf32> -> vector<1x128xf32>
    %add3A_15 = vector.broadcast %concatenate3A : vector<1x128xf32> to vector<5000x128xf32>
    %add3A_16 = arith.addf %sub3A, %add3A_15 : vector<5000x128xf32>
    %max3A = arith.constant 0.000000e+00 : f32
    %max3A_17 = vector.broadcast %max3A : f32 to vector<5000x128xf32>
    %max3A_18 = arith.maximumf %add3A_16, %max3A_17 : vector<5000x128xf32>
    %get3A_19 = arith.constant 0 : index
    %get3A_20 = arith.constant 0 : index
    %get3A_21 = vector.load %arg3[%get3A_19, %get3A_20] : memref<64x64xf32, #tpu.memory_space<vmem>>, vector<64x64xf32>
    %broadcast_in_dim3A = arith.constant 0.000000e+00 : f32
    %broadcast_in_dim3A_22 = vector.broadcast %broadcast_in_dim3A : f32 to vector<64x64xf32>
    %concatenate3A_23 = tpu.concatenate %get3A_21, %broadcast_in_dim3A_22 in 1 : vector<64x64xf32>, vector<64x64xf32> -> vector<64x128xf32>
    %concatenate3A_24 = tpu.concatenate %broadcast_in_dim3A_22, %get3A_21 in 1 : vector<64x64xf32>, vector<64x64xf32> -> vector<64x128xf32>
    %concatenate3A_25 = tpu.concatenate %concatenate3A_23, %concatenate3A_24 in 0 : vector<64x128xf32>, vector<64x128xf32> -> vector<128x128xf32>
    %dot_general3A = arith.constant dense<0.000000e+00> : vector<5000x128xf32>
    %dot_general3A_26 = tpu.matmul %max3A_18, %concatenate3A_25, %dot_general3A {dimension_numbers = #tpu.dot_dimension_numbers<[1], [0], [0], [1], [0, 0, 1, 1], [], []>, transpose_lhs_hint = false} : vector<5000x128xf32>, vector<128x128xf32>, vector<5000x128xf32> -> vector<5000x128xf32>
    %get3A_27 = arith.constant 0 : index
    %get3A_28 = arith.constant 0 : index
    %get3A_29 = vector.load %arg4[%get3A_27, %get3A_28] : memref<1x64xf32, #tpu.memory_space<vmem>>, vector<1x64xf32>
    %concatenate3A_30 = tpu.concatenate %get3A_29, %get3A_29 in 1 : vector<1x64xf32>, vector<1x64xf32> -> vector<1x128xf32>
    %add3A_31 = vector.broadcast %concatenate3A_30 : vector<1x128xf32> to vector<5000x128xf32>
    %add3A_32 = arith.addf %dot_general3A_26, %add3A_31 : vector<5000x128xf32>
    %max3A_33 = arith.constant 0.000000e+00 : f32
    %max3A_34 = vector.broadcast %max3A_33 : f32 to vector<5000x128xf32>
    %max3A_35 = arith.maximumf %add3A_32, %max3A_34 : vector<5000x128xf32>
    %reduce_sum3A = arith.constant dense<0.000000e+00> : vector<128xf32>
    %reduce_sum3A_36 = vector.multi_reduction <add>, %max3A_35, %reduce_sum3A [0] : vector<5000x128xf32> to vector<128xf32>
    %broadcast_in_dim3A_37 = vector.shape_cast %reduce_sum3A_36 : vector<128xf32> to vector<1x128xf32>
    %div3A = arith.constant 5.000000e+03 : f32
    %div3A_38 = vector.broadcast %div3A : f32 to vector<1x128xf32>
    %div3A_39 = arith.divf %broadcast_in_dim3A_37, %div3A_38 : vector<1x128xf32>
    %mul3A = arith.mulf %max3A_35, %max3A_35 : vector<5000x128xf32>
    %reduce_sum3A_40 = arith.constant dense<0.000000e+00> : vector<128xf32>
    %reduce_sum3A_41 = vector.multi_reduction <add>, %mul3A, %reduce_sum3A_40 [0] : vector<5000x128xf32> to vector<128xf32>
    %broadcast_in_dim3A_42 = vector.shape_cast %reduce_sum3A_41 : vector<128xf32> to vector<1x128xf32>
    %div3A_43 = arith.constant 5.000000e+03 : f32
    %div3A_44 = vector.broadcast %div3A_43 : f32 to vector<1x128xf32>
    %div3A_45 = arith.divf %broadcast_in_dim3A_42, %div3A_44 : vector<1x128xf32>
    %slice3A = vector.extract_strided_slice %div3A_39 {offsets = [0, 0], sizes = [1, 64], strides = [1, 1]} : vector<1x128xf32> to vector<1x64xf32>
    %slice3A_46 = vector.extract_strided_slice %div3A_39 {offsets = [0, 64], sizes = [1, 64], strides = [1, 1]} : vector<1x128xf32> to vector<1x64xf32>
    %add3A_47 = arith.addf %slice3A, %slice3A_46 : vector<1x64xf32>
    %mul3A_48 = arith.constant 5.000000e-01 : f32
    %mul3A_49 = vector.broadcast %mul3A_48 : f32 to vector<1x64xf32>
    %mul3A_50 = arith.mulf %mul3A_49, %add3A_47 : vector<1x64xf32>
    %slice3A_51 = vector.extract_strided_slice %div3A_45 {offsets = [0, 0], sizes = [1, 64], strides = [1, 1]} : vector<1x128xf32> to vector<1x64xf32>
    %slice3A_52 = vector.extract_strided_slice %div3A_45 {offsets = [0, 64], sizes = [1, 64], strides = [1, 1]} : vector<1x128xf32> to vector<1x64xf32>
    %add3A_53 = arith.addf %slice3A_51, %slice3A_52 : vector<1x64xf32>
    %mul3A_54 = arith.constant 5.000000e-01 : f32
    %mul3A_55 = vector.broadcast %mul3A_54 : f32 to vector<1x64xf32>
    %mul3A_56 = arith.mulf %mul3A_55, %add3A_53 : vector<1x64xf32>
    %mul3A_57 = arith.mulf %mul3A_50, %mul3A_50 : vector<1x64xf32>
    %sub3A_58 = arith.subf %mul3A_56, %mul3A_57 : vector<1x64xf32>
    %concatenate3A_59 = tpu.concatenate %mul3A_50, %mul3A_50 in 1 : vector<1x64xf32>, vector<1x64xf32> -> vector<1x128xf32>
    %concatenate3A_60 = tpu.concatenate %sub3A_58, %sub3A_58 in 1 : vector<1x64xf32>, vector<1x64xf32> -> vector<1x128xf32>
    %sub3A_61 = vector.broadcast %concatenate3A_59 : vector<1x128xf32> to vector<5000x128xf32>
    %sub3A_62 = arith.subf %max3A_35, %sub3A_61 : vector<5000x128xf32>
    %add3A_63 = arith.constant 9.99999974E-6 : f32
    %add3A_64 = vector.broadcast %add3A_63 : f32 to vector<1x128xf32>
    %add3A_65 = arith.addf %concatenate3A_60, %add3A_64 : vector<1x128xf32>
    %rsqrt3A = math.rsqrt %add3A_65 : vector<1x128xf32>
    %mul3A_66 = vector.broadcast %rsqrt3A : vector<1x128xf32> to vector<5000x128xf32>
    %mul3A_67 = arith.mulf %sub3A_62, %mul3A_66 : vector<5000x128xf32>
    %get3A_68 = arith.constant 0 : index
    %get3A_69 = arith.constant 0 : index
    %get3A_70 = vector.load %arg5[%get3A_68, %get3A_69] : memref<1x64xf32, #tpu.memory_space<vmem>>, vector<1x64xf32>
    %concatenate3A_71 = tpu.concatenate %get3A_70, %get3A_70 in 1 : vector<1x64xf32>, vector<1x64xf32> -> vector<1x128xf32>
    %mul3A_72 = vector.broadcast %concatenate3A_71 : vector<1x128xf32> to vector<5000x128xf32>
    %mul3A_73 = arith.mulf %mul3A_67, %mul3A_72 : vector<5000x128xf32>
    %get3A_74 = arith.constant 0 : index
    %get3A_75 = arith.constant 0 : index
    %get3A_76 = vector.load %arg6[%get3A_74, %get3A_75] : memref<1x64xf32, #tpu.memory_space<vmem>>, vector<1x64xf32>
    %concatenate3A_77 = tpu.concatenate %get3A_76, %get3A_76 in 1 : vector<1x64xf32>, vector<1x64xf32> -> vector<1x128xf32>
    %add3A_78 = vector.broadcast %concatenate3A_77 : vector<1x128xf32> to vector<5000x128xf32>
    %add3A_79 = arith.addf %mul3A_73, %add3A_78 : vector<5000x128xf32>
    %get3A_80 = arith.constant 0 : index
    %get3A_81 = arith.constant 0 : index
    %get3A_82 = vector.load %arg7[%get3A_80, %get3A_81] : memref<64x64xf32, #tpu.memory_space<vmem>>, vector<64x64xf32>
    %broadcast_in_dim3A_83 = arith.constant 0.000000e+00 : f32
    %broadcast_in_dim3A_84 = vector.broadcast %broadcast_in_dim3A_83 : f32 to vector<64x64xf32>
    %concatenate3A_85 = tpu.concatenate %get3A_82, %broadcast_in_dim3A_84 in 1 : vector<64x64xf32>, vector<64x64xf32> -> vector<64x128xf32>
    %concatenate3A_86 = tpu.concatenate %broadcast_in_dim3A_84, %get3A_82 in 1 : vector<64x64xf32>, vector<64x64xf32> -> vector<64x128xf32>
    %concatenate3A_87 = tpu.concatenate %concatenate3A_85, %concatenate3A_86 in 0 : vector<64x128xf32>, vector<64x128xf32> -> vector<128x128xf32>
    %dot_general3A_88 = arith.constant dense<0.000000e+00> : vector<5000x128xf32>
    %dot_general3A_89 = tpu.matmul %add3A_79, %concatenate3A_87, %dot_general3A_88 {dimension_numbers = #tpu.dot_dimension_numbers<[1], [0], [0], [1], [0, 0, 1, 1], [], []>, transpose_lhs_hint = false} : vector<5000x128xf32>, vector<128x128xf32>, vector<5000x128xf32> -> vector<5000x128xf32>
    %get3A_90 = arith.constant 0 : index
    %get3A_91 = arith.constant 0 : index
    %get3A_92 = vector.load %arg8[%get3A_90, %get3A_91] : memref<1x64xf32, #tpu.memory_space<vmem>>, vector<1x64xf32>
    %concatenate3A_93 = tpu.concatenate %get3A_92, %get3A_92 in 1 : vector<1x64xf32>, vector<1x64xf32> -> vector<1x128xf32>
    %add3A_94 = vector.broadcast %concatenate3A_93 : vector<1x128xf32> to vector<5000x128xf32>
    %add3A_95 = arith.addf %dot_general3A_89, %add3A_94 : vector<5000x128xf32>
    %max3A_96 = arith.constant 0.000000e+00 : f32
    %max3A_97 = vector.broadcast %max3A_96 : f32 to vector<5000x128xf32>
    %max3A_98 = arith.maximumf %add3A_95, %max3A_97 : vector<5000x128xf32>
    %get3A_99 = arith.constant 0 : index
    %get3A_100 = arith.constant 0 : index
    %get3A_101 = vector.load %arg9[%get3A_99, %get3A_100] : memref<64x10xf32, #tpu.memory_space<vmem>>, vector<64x10xf32>
    %broadcast_in_dim3A_102 = arith.constant 0.000000e+00 : f32
    %broadcast_in_dim3A_103 = vector.broadcast %broadcast_in_dim3A_102 : f32 to vector<64x10xf32>
    %concatenate3A_104 = tpu.concatenate %get3A_101, %broadcast_in_dim3A_103 in 1 : vector<64x10xf32>, vector<64x10xf32> -> vector<64x20xf32>
    %concatenate3A_105 = tpu.concatenate %broadcast_in_dim3A_103, %get3A_101 in 1 : vector<64x10xf32>, vector<64x10xf32> -> vector<64x20xf32>
    %concatenate3A_106 = tpu.concatenate %concatenate3A_104, %concatenate3A_105 in 0 : vector<64x20xf32>, vector<64x20xf32> -> vector<128x20xf32>
    %dot_general3A_107 = arith.constant dense<0.000000e+00> : vector<5000x20xf32>
    %dot_general3A_108 = tpu.matmul %max3A_98, %concatenate3A_106, %dot_general3A_107 {dimension_numbers = #tpu.dot_dimension_numbers<[1], [0], [0], [1], [0, 0, 1, 1], [], []>, transpose_lhs_hint = false} : vector<5000x128xf32>, vector<128x20xf32>, vector<5000x20xf32> -> vector<5000x20xf32>
    %get3A_109 = arith.constant 0 : index
    %get3A_110 = arith.constant 0 : index
    %get3A_111 = vector.load %arg10[%get3A_109, %get3A_110] : memref<1x10xf32, #tpu.memory_space<vmem>>, vector<1x10xf32>
    %concatenate3A_112 = tpu.concatenate %get3A_111, %get3A_111 in 1 : vector<1x10xf32>, vector<1x10xf32> -> vector<1x20xf32>
    %add3A_113 = vector.broadcast %concatenate3A_112 : vector<1x20xf32> to vector<5000x20xf32>
    %add3A_114 = arith.addf %dot_general3A_108, %add3A_113 : vector<5000x20xf32>
    %slice3A_115 = vector.extract_strided_slice %add3A_114 {offsets = [0, 0], sizes = [5000, 10], strides = [1, 1]} : vector<5000x20xf32> to vector<5000x10xf32>
    %slice3A_116 = vector.extract_strided_slice %add3A_114 {offsets = [0, 10], sizes = [5000, 10], strides = [1, 1]} : vector<5000x20xf32> to vector<5000x10xf32>
    %reduce_max3A = arith.constant dense<0xFF800000> : vector<5000xf32>
    %reduce_max3A_117 = vector.multi_reduction <maximumf>, %slice3A_115, %reduce_max3A [1] : vector<5000x10xf32> to vector<5000xf32>
    %broadcast_in_dim3A_118 = vector.shape_cast %reduce_max3A_117 : vector<5000xf32> to vector<5000x1xf32>
    %reduce_max3A_119 = arith.constant dense<0xFF800000> : vector<5000xf32>
    %reduce_max3A_120 = vector.multi_reduction <maximumf>, %slice3A_116, %reduce_max3A_119 [1] : vector<5000x10xf32> to vector<5000xf32>
    %broadcast_in_dim3A_121 = vector.shape_cast %reduce_max3A_120 : vector<5000xf32> to vector<5000x1xf32>
    %sub3A_122 = vector.broadcast %broadcast_in_dim3A_118 : vector<5000x1xf32> to vector<5000x10xf32>
    %sub3A_123 = arith.subf %slice3A_115, %sub3A_122 : vector<5000x10xf32>
    %exp3A = math.exp %sub3A_123 : vector<5000x10xf32>
    %reduce_sum3A_124 = arith.constant dense<0.000000e+00> : vector<5000xf32>
    %reduce_sum3A_125 = vector.multi_reduction <add>, %exp3A, %reduce_sum3A_124 [1] : vector<5000x10xf32> to vector<5000xf32>
    %broadcast_in_dim3A_126 = vector.shape_cast %reduce_sum3A_125 : vector<5000xf32> to vector<5000x1xf32>
    %log3A = math.log %broadcast_in_dim3A_126 : vector<5000x1xf32>
    %add3A_127 = arith.addf %broadcast_in_dim3A_118, %log3A : vector<5000x1xf32>
    %sub3A_128 = vector.broadcast %broadcast_in_dim3A_121 : vector<5000x1xf32> to vector<5000x10xf32>
    %sub3A_129 = arith.subf %slice3A_116, %sub3A_128 : vector<5000x10xf32>
    %exp3A_130 = math.exp %sub3A_129 : vector<5000x10xf32>
    %reduce_sum3A_131 = arith.constant dense<0.000000e+00> : vector<5000xf32>
    %reduce_sum3A_132 = vector.multi_reduction <add>, %exp3A_130, %reduce_sum3A_131 [1] : vector<5000x10xf32> to vector<5000xf32>
    %broadcast_in_dim3A_133 = vector.shape_cast %reduce_sum3A_132 : vector<5000xf32> to vector<5000x1xf32>
    %log3A_134 = math.log %broadcast_in_dim3A_133 : vector<5000x1xf32>
    %add3A_135 = arith.addf %broadcast_in_dim3A_121, %log3A_134 : vector<5000x1xf32>
    %broadcast_in_dim3A_136 = vector.shape_cast %add3A_127 : vector<5000x1xf32> to vector<5000x1xf32>
    %broadcast_in_dim3A_137 = vector.broadcast %broadcast_in_dim3A_136 : vector<5000x1xf32> to vector<5000x10xf32>
    %broadcast_in_dim3A_138 = vector.shape_cast %add3A_135 : vector<5000x1xf32> to vector<5000x1xf32>
    %broadcast_in_dim3A_139 = vector.broadcast %broadcast_in_dim3A_138 : vector<5000x1xf32> to vector<5000x10xf32>
    %concatenate3A_140 = tpu.concatenate %broadcast_in_dim3A_137, %broadcast_in_dim3A_139 in 1 : vector<5000x10xf32>, vector<5000x10xf32> -> vector<5000x20xf32>
    %sub3A_141 = arith.subf %add3A_114, %concatenate3A_140 : vector<5000x20xf32>
    %swap3A = arith.constant 0 : index
    %swap3A_142 = arith.constant 0 : index
    %swap3A_143 = vector.load %arg11[%swap3A, %swap3A_142] : memref<5000x20xf32, #tpu.memory_space<vmem>>, vector<5000x20xf32>
    tpu.vector_store %arg11[%swap3A, %swap3A_142], %sub3A_141 {strides = array<i32>} : memref<5000x20xf32, #tpu.memory_space<vmem>>, vector<5000x20xf32>,
    return
  }
}

</mosaic_0001>

<sc_bundles>
// kernel: kernel.12.cloned.1.call-start
scs
__scs_entry_jumppad:
0x0: {  	(pc) =	sbr.rel $0x88, $3  }
0x1: {  	(tag) =	ssettag $0x0;
	lr =	simm.s32 $0x1  }
0x2: {  	[smem:$0x3F89] =	sst lr;
	_ =	strace $0xD0000000  }
0x3: {  	_ = 	snop  }
0x4: {  	_ = 	snop  }
0x5: {  	_ = 	snop  }
0x6: {  	_ = 	snop  }
0x7: {  	_ = 	snop  }
__scs_overlays_trampoline_lowered:
0x8: {  	[smem:$0x3F98] =	sst s0  }
0x9: {  	[smem:$0x3F99] =	sst s1  }
0xa: {  	[smem:$0x3F9A] =	sst s2  }
0xb: {  	[smem:$0x3F9B] =	sst s3  }
0xc: {  	[smem:$0x3F9C] =	sst s4  }
0xd: {  	[smem:$0x3F9D] =	sst s5  }
0xe: {  	[smem:$0x3F9E] =	sst s6  }
0xf: {  	[smem:$0x3F9F] =	sst s7  }
0x10: {  	[smem:$0x3FA0] =	sst s8  }
0x11: {  	[smem:$0x3FA1] =	sst s9;
	s0 =	simm.s32 @!p0 $0x0  }
0x12: {  	s1 =	sld [smem:$0x3F87];
	s0 =	simm.s32 @p0 $0x1  }
0x13: {  	[smem:$0x3FA2] =	sst s0;
	s0 =	simm.s32 @!p1 $0x0  }
0x14: {  	s2 =	sld [smem:$0x3F86];
	s0 =	simm.s32 @p1 $0x1  }
0x15: {  	[smem:$0x3FA3] =	sst s0;
	s0 =	simm.s32 @!p2 $0x0  }
0x16: {  	s3 =	sld [smem:$0x3FDB];
	s0 =	simm.s32 @p2 $0x1  }
0x17: {  	s4 =	simm.s32 $0x1BF5;
	[smem:$0x3FA5] =	sst s0  }
0x18: {  	s0 =	sld [smem:$0x3F88];
	_ =	swait.ge [sflag:s4], $0x0  }
0x19: {  	s7 =	sld [smem:$0x3F89]  }
0x1a: {  	s8 =	sadd.s32 $0xFFFFE003, lr  }
0x1b: {  	s9 =	sadd.s32 $0xFFFFFEF7, lr;
	s5 =	simm.s32 $0xFFFFFFFF;
	p2 =	slt.u32 s8, $0xFFFFF086  }
0x1c: {  	p1 =	slt.u32 s9, $0xF7A;
	s5 =	simm.s32 @!p2 $0x0  }
0x1d: {  	s5 =	simm.s32 @p1 $0x1;
	p0 =	seq.s32 s7, s2  }
0x1e: {  	s7 =	smul.u32 @!p0 $0xF7A, s2;
	p2 =	seq.s32 @!p0 s5, $0x0  }
0x1f: {  	s9 =	smul.u32 $0xF7A, s1;
	s8 =	simm.s32 @!p0 $0x1BF5;
	p2 =	por !p2, p0  }
0x20: {  	[sflag:s8] =	ssyncset.s32 @!p0 $0xFFFFF086;
	s6 =	sadd.s32 @!p0 s3, s7;
	s7 =	simm.s32 @!p0 $0x108  }
0x21: {  	s3 =	sadd.s32 s3, s9;
	s6 =	sadd.s32 @!p0 $0x88, s6;
	s7 =	simm.s32 @p2 $0x1082  }
0x22: {  	[simem:s7], [sflag:s8] =	dma.local @!p0 [hbm:s6], $0xF7A  }
0x23: {  	s9 =	sor.u32 $0xD0000000, s2;
	s6 =	simm.s32 $0x108;
	_ =	swait.ge @!p0 [sflag:s8], $0x0  }
0x24: {  	s3 =	sadd.s32 $0x88, s3;
	s6 =	simm.s32 @!p1 $0x1082;
	[sflag:s4] =	ssyncset.s32 $0xFFFFF086  }
0x25: {  	[simem:s6], [sflag:s4] =	dma.local [hbm:s3], $0xF7A  }
0x26: {  	[smem:$0x3F89] =	sst s1;
	(tag) =	ssettag s2;
	_ =	strace s9  }
0x27: {  	s1 =	sld [smem:$0x3F99]  }
0x28: {  	s2 =	sld [smem:$0x3F9A]  }
0x29: {  	s4 =	sld [smem:$0x3F9C]  }
0x2a: {  	p0 =	seq.s32 s5, $0x0;
	s5 =	sld [smem:$0x3F9D]  }
0x2b: {  	s6 =	sld [smem:$0x3F9E]  }
0x2c: {  	s7 =	sld [smem:$0x3F9F]  }
0x2d: {  	s3 =	simm.s32 $0x108;
	s8 =	sld [smem:$0x3FA0]  }
0x2e: {  	s3 =	simm.s32 @!p0 $0x1082;
	s9 =	sld [smem:$0x3FA1]  }
0x2f: {  	lr =	sadd.s32 s0, s3;
	s0 =	sld [smem:$0x3F98]  }
0x30: {  	s3 =	sld [smem:$0x3F9B]  }
0x31: {  	[smem:$0x3FA4] =	sst s10  }
0x32: {  	s10 =	sld [smem:$0x3FA2];
	_ =	sdelay $0x3  }
0x33: {  	p0 =	seq.s32 s10, $0x1;
	s10 =	sld [smem:$0x3FA4];
	_ =	sdelay $0x3  }
0x34: {  	[smem:$0x3FA4] =	sst s10  }
0x35: {  	s10 =	sld [smem:$0x3FA3];
	_ =	sdelay $0x3  }
0x36: {  	p1 =	seq.s32 s10, $0x1;
	s10 =	sld [smem:$0x3FA4];
	_ =	sdelay $0x3  }
0x37: {  	[smem:$0x3FA4] =	sst s10  }
0x38: {  	s10 =	sld [smem:$0x3FA5]  }
0x39: {  	_ = 	snop;
	(pc) =	sbr.ind lr, $3  }
0x3a: {  	_ = 	snop  }
0x3b: {  	_ = 	snop  }
0x3c: {  	p2 =	seq.s32 s10, $0x1;
	s10 =	sld [smem:$0x3FA4]  }
0x3d: {  	_ =	shalt  }
0x3e: {  	_ =	shalt  }
0x3f: {  	_ =	shalt  }
0x40: {  	_ =	shalt  }
0x41: {  	_ =	shalt  }
0x42: {  	_ =	shalt  }
0x43: {  	_ =	shalt  }
0x44: {  	_ =	shalt  }
0x45: {  	_ =	shalt  }
0x46: {  	_ =	shalt  }
0x47: {  	_ =	shalt  }
0x48: {  	_ =	shalt  }
0x49: {  	_ =	shalt  }
0x4a: {  	_ =	shalt  }
0x4b: {  	_ =	shalt  }
0x4c: {  	_ =	shalt  }
0x4d: {  	_ =	shalt  }
0x4e: {  	_ =	shalt  }
0x4f: {  	_ =	shalt  }
0x50: {  	_ =	shalt  }
0x51: {  	_ =	shalt  }
0x52: {  	_ =	shalt  }
0x53: {  	_ =	shalt  }
0x54: {  	_ =	shalt  }
0x55: {  	_ =	shalt  }
0x56: {  	_ =	shalt  }
0x57: {  	_ =	shalt  }
0x58: {  	_ =	shalt  }
0x59: {  	_ =	shalt  }
0x5a: {  	_ =	shalt  }
0x5b: {  	_ =	shalt  }
0x5c: {  	_ =	shalt  }
0x5d: {  	_ =	shalt  }
0x5e: {  	_ =	shalt  }
0x5f: {  	_ =	shalt  }
0x60: {  	_ =	shalt  }
0x61: {  	_ =	shalt  }
0x62: {  	_ =	shalt  }
0x63: {  	_ =	shalt  }
0x64: {  	_ =	shalt  }
0x65: {  	_ =	shalt  }
0x66: {  	_ =	shalt  }
0x67: {  	_ =	shalt  }
0x68: {  	_ =	shalt  }
0x69: {  	_ =	shalt  }
0x6a: {  	_ =	shalt  }
0x6b: {  	_ =	shalt  }
0x6c: {  	_ =	shalt  }
0x6d: {  	_ =	shalt  }
0x6e: {  	_ =	shalt  }
0x6f: {  	_ =	shalt  }
0x70: {  	_ =	shalt  }
0x71: {  	_ =	shalt  }
0x72: {  	_ =	shalt  }
0x73: {  	_ =	shalt  }
0x74: {  	_ =	shalt  }
0x75: {  	_ =	shalt  }
0x76: {  	_ =	shalt  }
0x77: {  	_ =	shalt  }
0x78: {  	_ =	shalt  }
0x79: {  	_ =	shalt  }
0x7a: {  	_ =	shalt  }
0x7b: {  	_ =	shalt  }
0x7c: {  	_ =	shalt  }
0x7d: {  	_ =	shalt  }
0x7e: {  	_ =	shalt  }
0x7f: {  	_ =	shalt  }
0x80: {  	_ =	shalt  }
0x81: {  	_ =	shalt  }
0x82: {  	_ =	shalt  }
0x83: {  	_ =	shalt  }
0x84: {  	_ =	shalt  }
0x85: {  	_ =	shalt  }
0x86: {  	_ =	shalt  }
0x87: {  	_ =	shalt  }
.Lfunc_end0:
.L_simem_size_0:
called_computation.1_lowered:
.L_overlay_start_0:
0x88: {  	s2 =	sld [smem:$0x3FD9]  }
0x89: {  	s3 =	sld [smem:$0x3FFE];
	_ =	sdelay $0x1  }
0x8a: {  	s1 =	srdreg.scid  }
0x8b: {  	s0 =	sand.u32 $0x1, s1  }
0x8c: {  	s16 =	sshll.u32 s0, $0xA;
	s2 =	sadd.s32 s3, s2  }
0x8d: {  	s2 =	sadd.s32 s2, s16  }
0x8e: {  	[smem:$0x3FB0] =	sst s2  }
0x8f: {  	_ = 	snop  }
0x90: {  	(tm) =	ssettm $0x1  }
0x91: {  	s17 =	sld [smem:$0x3FFB];
	_ =	sdelay $0x3  }
0x92: {  	_ =	strace s17  }
0x93: {  	s2 =	sld [smem:$0x3FFC];
	_ =	sdelay $0x3  }
0x94: {  	_ =	strace s2  }
0x95: {  	s2 =	sld [smem:$0x3FFD];
	_ =	sdelay $0x3  }
0x96: {  	_ =	strace s2  }
0x97: {  	_ =	strace $0x8FFFFFFF  }
0x98: {  	s18 =	sld [smem:$0x3FDB];
	_ =	sdelay $0x1  }
0x99: {  	s19 =	simm.s32 $_scs_section_size  }
0x9a: {  	s4 =	simm.s32 $_size__tile_overlayer_lowered;
	s5 =	simm.s32 $_tile_overlayer_lowered  }
0x9b: {  	s22 =	simm.s32 $0x1BFF;
	s21 =	sshll.u32 s5, $0x1;
	s2 =	sadd.s32 s19, s18  }
0x9c: {  	s6 =	simm.s32 $0x0;
	s20 =	sshll.u32 s4, $0x1;
	s4 =	sadd.s32 s21, s2  }
0x9d: {  	[timem:s6], [sflag:s22] =	dma.local [hbm:s4], s20  }
0x9e: {  	_ =	swait.ge [sflag:s22], s20  }
0x9f: {  	s3 =	ssub.s32 $0x0, s20;
	[sflag:s22] =	ssyncset.done $0x0  }
0xa0: {  	[sflag:s22] =	ssyncadd.s32 s3;
	_ =	sdelay $0x1  }
0xa1: {  	s23 =	simm.s32 $0x1B8B  }
0xa2: {  	_ =	swait.ge [sflag:s23], $0x1  }
0xa3: {  	[sflag:s23] =	ssyncset.done $0x0  }
0xa4: {  	s25 =	simm.s32 $0x1B8E;
	s24 =	sld [smem:$0x3FFE];
	[sflag:s23] =	ssyncadd.s32 $0xFFFFFFFF  }
0xa5: {  	s26 =	simm.s32 $execute0_lowered;
	[smem:$0x3FD2] =	sst s25  }
0xa6: {  	s4 =	sshll.u32 s26, $0x1;
	_ =	strace $0x80000049;
	[dreg:$0x1] =	wrdreg $0xFFFFFFFF  }
0xa7: {  	s28 =	simm.s32 $_size_execute0_lowered;
	s2 =	sadd.s32 s2, s4;
	[dreg:$0x0] =	wrdreg $0x0  }
0xa8: {  	s4 =	sshll.u32 s28, $0x1;
	[dreg:$0x2] =	wrdreg s2  }
0xa9: {  	[dreg:$0x3] =	wrdreg s4  }
0xaa: {  	[dreg:$0x4] =	wrdreg $0xC0  }
0xab: {  	_ =	task [dreg:s6], $0x5FFFF  }
0xac: {  	[dreg:$0x1] =	wrdreg $0xFFFFFFFF  }
0xad: {  	[dreg:$0x0] =	wrdreg $0x60  }
0xae: {  	[dreg:$0x2] =	wrdreg s24  }
0xaf: {  	[dreg:$0x3] =	wrdreg $0x118000  }
0xb0: {  	[dreg:$0x4] =	wrdreg $0x9  }
0xb1: {  	_ =	task.clear_ibuf [dreg:s6], $0x5FFFF;
	_ =	strace $0x90000049  }
0xb2: {  	s29 =	simm.s32 $0x9;
	_ =	strace $0x8000004B  }
0xb3: {  	_ =	swait.ge [sflag:s29], $0x1  }
0xb4: {  	[sflag:s29] =	ssyncadd.s32 $0xFFFFFFFF  }
0xb5: {  	_ =	strace $0x9000004B  }
0xb6: {  	_ =	sfence  }
0xb7: {  	s30 =	sld [smem:$0x0];
	_ =	sdelay $0x2  }
0xb8: {  	s31 =	sshll.u32 s1, $0xD;
	s1 =	sshrl.u32 s1, $0x2  }
0xb9: {  	s3 =	sand.u32 $0x4000, s31;
	s1 =	sadd.s32 s1, s30  }
0xba: {  	s0 =	sor.u32 s3, s0;
	s1 =	sshll.u32 s1, $0x11  }
0xbb: {  	s0 =	sor.u32 s1, s0  }
0xbc: {  	s0 =	sadd.s32 $0x8F2B, s0  }
0xbd: {  	[sflag:s0] =	ssyncadd.remote.s32 $0x1  }
0xbe: {  	_ =	sfence.sel $0xFFFF  }
0xbf: {  	[dreg:$0x0] =	wrdreg $0xFFFFFFFF;
	(pc) =	sbr.abs _section_cstart, $3  }
0xc0: {  	[dreg:$0x1] =	wrdreg $0xFFFFFFFF  }
0xc1: {  	_ =	task.clear_ibuf [dreg:s6], $0x2FFFF;
	_ =	strace $0x9FFFFFFF  }
0xc2: {  	(tm) =	ssettm $0x7FFFFFFF  }
0xc3: {  	_ =	shalt  }
tec
execute0_lowered:
.L_overlay_start_1:
0x0: {  	(tag) =	ssettag $0x1  }
0x1: {  	s0 =	rddreg [dreg:$0x0]  }
0x2: {  	s2 =	rddreg [dreg:$0x1];
	s3 =	simm.s32 $0x0;
	s1 =	srdreg.scid  }
0x3: {  	s11 =	stileid.u32;
	s19 =	simm.s32 $0x80;
	s28 =	simm.s32 $0x9800  }
0x4: {  	s29 =	simm.s32 $0x2;
	s31 =	simm.s32 $0x3;
	s15 =	simm.s32 $0x4  }
0x5: {  	s13 =	simm.s32 $0x11;
	[smem:$0x7FF] =	sst s3;
	s1 =	sand.u32 $0x1, s1  }
0x6: {  	s20 =	smul.u32 $0x9E00, s11;
	s4 =	sadd.s32 $0x4200, s0;
	s6 =	sadd.s32 $0x17C00, s0  }
0x7: {  	s8 =	sadd.s32 $0x21C00, s0;
	s21 =	smul.u32 $0x2800, s11;
	s3 =	sadd.s32 $0x94200, s2  }
0x8: {  	p0 =	seq.s32 s11, $0xF;
	_ =	strace $0x8000004A;
	s5 =	smul.u32 $0x9E000, s1  }
0x9: {  	s7 =	sshll.u32 s1, $0x4;
	s9 =	ssub.s32 $0x2, s1;
	s1 =	smul.u32 $0x28000, s1  }
0xa: {  	s7 =	sor.u32 s11, s7;
	s10 =	sshrl.u32 s9, $0x1;
	s22 =	sshrl.u32 s20, $0x3  }
0xb: {  	s5 =	sadd.s32 s20, s5;
	s7 =	smul.u32 $0x2800, s7;
	s9 =	ssub.s32 s9, s10  }
0xc: {  	s23 =	sadd.s32 s4, s22;
	s1 =	sadd.s32 s21, s1;
	s10 =	simm.s32 $0x12  }
0xd: {  	s22 =	simm.s32 $0x5;
	s5 =	sshrl.u32 s5, $0x3;
	[dreg:$0x6] =	wrdreg s23  }
0xe: {  	s24 =	sor.u32 $0x400, s1;
	s26 =	smax.u32 s9, $0x1;
	s1 =	sshrl.u32 @p0 s3, $0x3  }
0xf: {  	s23 =	simm.s32 $0x5800;
	s9 =	simm.s32 $0xC;
	s5 =	sadd.s32 s5, s0  }
0x10: {  	s7 =	sshrl.u32 s7, $0x3;
	s0 =	sadd.s32 $0x16A40, s0;
	[dreg:$0x9] =	wrdreg s26  }
0x11: {  	[dreg:$0xc] =	wrdreg s1;
	s26 =	simm.s32 $0x1;
	s1 =	simm.s32 $0xF800  }
0x12: {  	s12 =	sadd.s32 s6, s7;
	s7 =	sadd.s32 s8, s7;
	[dreg:$0x7] =	wrdreg s0  }
0x13: {  	s25 =	sadd.s32 $0x2BC00, s5;
	s0 =	sshrl.u32 s24, $0x3;
	[dreg:$0x3] =	wrdreg s12  }
0x14: {  	s24 =	simm.s32 $0x9;
	s5 =	simm.s32 $0x7;
	[dreg:$0x4] =	wrdreg s7  }
0x15: {  	s12 =	sadd.s32 s20, s2;
	[dreg:$0x8] =	wrdreg s25;
	s30 =	sadd.s32 s0, s8  }
.Ltmp0:
0x16: {  	s0 =	sadd.s32 s0, s6;
	[dreg:$0xa] =	wrdreg s30;
	(pc) =	sbr.rel .LBB2_1-.Ltmp0, $4  }
0x17: {  	s25 =	simm.s32 $0x7800;
	[dreg:$0xb] =	wrdreg s0;
	s0 =	sshll.u32 @!p0 s11, $0x6  }
0x18: {  	s6 =	simm.s32 $0xB;
	[dreg:$0x5] =	wrdreg s12;
	s0 =	sor.u32 @!p0 $0x1C12, s0  }
0x19: {  	s8 =	simm.s32 $0x8;
	[dreg:$0xd] =	wrdreg s0;
	s0 =	sshrl.u32 @!p0 s12, $0x3  }
0x1a: {  	s7 =	simm.s32 $0x0;
	[dreg:$0xe] =	wrdreg s0;
	s0 =	simm.s32 $0xD800  }
.LBB2_3:
0x1b: {  	_ =	swait.ge [sflag:s8], $0x2000  }
0x1c: {  	[sflag:s8] =	ssyncset.done $0x0  }
0x1d: {  	s3 =	sadd.s32 $0xC00, s16;
	[sflag:s8] =	ssyncadd.s32 $0xFFFFE000  }
0x1e: {  	[spmem:s2] =	stream.indirect.scatter.add.f32 [tilespmem:s1], [sflag:$0x10], $0x40, s3, s19, $0xb8;
	[tilespmem:$0x1B600] =	vst v63  }
0x1f: {  	_ =	swait.ge [sflag:s9], $0x2000  }
0x20: {  	[sflag:s9] =	ssyncset.done $0x0  }
0x21: {  	[sflag:s9] =	ssyncadd.s32 $0xFFFFE000  }
.LBB2_5:
0x22: {  	s3 =	simm.s32 $0xD  }
0x23: {  	_ =	swait.ge [sflag:s3], $0x2000  }
0x24: {  	[sflag:s3] =	ssyncset.done $0x0  }
0x25: {  	s16 =	simm.s32 $0xE;
	[sflag:s3] =	ssyncadd.s32 $0xFFFFE000  }
0x26: {  	_ =	swait.ge [sflag:s16], $0x2000  }
0x27: {  	[sflag:s16] =	ssyncset.done $0x0  }
0x28: {  	s17 =	simm.s32 $0xF;
	[sflag:s16] =	ssyncadd.s32 $0xFFFFE000  }
0x29: {  	_ =	swait.ge [sflag:s17], $0x2000  }
0x2a: {  	[sflag:s17] =	ssyncset.done $0x0  }
0x2b: {  	s18 =	simm.s32 $0x10;
	[sflag:s17] =	ssyncadd.s32 $0xFFFFE000  }
0x2c: {  	_ =	swait.ge [sflag:s18], $0x2000  }
0x2d: {  	[sflag:s18] =	ssyncset.done $0x0  }
0x2e: {  	[sflag:s18] =	ssyncadd.s32 $0xFFFFE000  }
0x2f: {  	s20 =	stileid.u32;
	[bflag:$0x0] =	sbarrier.arrive $0xFFFF  }
0x30: {  	s3 =	sshll.u32 s20, $0x6;
	s7 =	rddreg [dreg:$0x5]  }
0x31: {  	s3 =	sor.u32 $0x1C12, s3;
	s10 =	rddreg [dreg:$0x8];
	s7 =	sshrl.u32 s7, $0x3  }
0x32: {  	[hbm:s10], [sflag:s3] =	dma.local [spmem:s7], $0x13C0  }
0x33: {  	s10 =	simm.s32 $0x12  }
0x34: {  	_ =	swait.ge [sflag:s10], $0x13C0  }
0x35: {  	s21 =	rddreg [dreg:$0xf]  }
0x36: {  	s30 =	rddreg [dreg:$0x9];
	s7 =	sadd.s32 $0x1, s21  }
0x37: {  	p1 =	sne.s32 s7, s30  }
.Ltmp1:
0x38: {  	_ = 	snop;
	(pc) =	sbr.rel @!p1 .LBB2_6-.Ltmp1, $3  }
0x39: {  	_ =	sdelay $0x1  }
0x3a: {  	[sflag:s10] =	ssyncset.done $0x0  }
0x3b: {  	[sflag:s10] =	ssyncadd.s32 $0xFFFFEC40  }
.LBB2_1:
0x3c: {  	[dreg:$0xf] =	wrdreg s7  }
0x3d: {  	s16 =	simm.s32 $0x0;
	s3 =	rddreg [dreg:$0x3]  }
0x3e: {  	[tilespmem:s16], [sflag:$0x12] =	stream.linear.gather [hbm4b:s3+s16], $0x400, $0x38;
	[tilespmem:$0x1B600] =	vst v63  }
0x3f: {  	_ =	swait.ge [sflag:s10], $0x400  }
0x40: {  	[sflag:s10] =	ssyncset.done $0x0  }
0x41: {  	s11 =	simm.s32 $0xC00;
	s17 =	rddreg [dreg:$0x4];
	[sflag:s10] =	ssyncadd.s32 $0xFFFFFC00  }
0x42: {  	[tilespmem:s11], [sflag:$0x12] =	stream.linear.gather [hbm4b:s17+s16], $0x400, $0x38;
	[tilespmem:$0x1B600] =	vst v63  }
0x43: {  	_ =	swait.ge [sflag:s10], $0x400  }
0x44: {  	[sflag:s10] =	ssyncset.done $0x0;
	s11 =	rddreg [dreg:$0xc]  }
0x45: {  	s3 =	simm.s32 @p0 $0x1FD2;
	[sflag:s10] =	ssyncadd.s32 $0xFFFFFC00;
	s10 =	rddreg [dreg:$0x7]  }
0x46: {  	[spmem:s11], [sflag:s3] =	dma.local @p0 [hbm:s10], $0x1040  }
0x47: {  	s3 =	simm.s32 @p0 $0x12  }
0x48: {  	_ =	swait.ge @p0 [sflag:s3], $0x1040  }
0x49: {  	s10 =	rddreg [dreg:$0xd]  }
0x4a: {  	[sflag:s3] =	ssyncset.done @p0 $0x0;
	s11 =	rddreg [dreg:$0xe]  }
0x4b: {  	[sflag:s3] =	ssyncadd.s32 @p0 $0xFFFFEFC0;
	s3 =	rddreg [dreg:$0x6]  }
0x4c: {  	[spmem:s11], [sflag:s10] =	dma.local @!p0 [hbm:s3], $0x13C0  }
0x4d: {  	s3 =	simm.s32 @!p0 $0x12  }
0x4e: {  	_ =	swait.ge @!p0 [sflag:s3], $0x13C0  }
0x4f: {  	[sflag:s3] =	ssyncset.done @!p0 $0x0  }
0x50: {  	[sflag:s3] =	ssyncadd.s32 @!p0 $0xFFFFEC40  }
0x51: {  	s18 =	simm.s32 $0x1800;
	[bflag:$0x0] =	sbarrier.arrive $0xFFFF  }
0x52: {  	[tilespmem:s18], [sflag:$0x1] =	stream.indirect.gather [hbm4b:s4+s19], $0x40, s16, s19, $0xb8;
	[tilespmem:$0x1B600] =	vst v63  }
0x53: {  	s20 =	simm.s32 $0x3800  }
0x54: {  	[tilespmem:s20], [sflag:$0x2] =	stream.indirect.gather [hbm4b:s4+s19], $0x40, s19, s19, $0xb8;
	[tilespmem:$0x1B600] =	vst v63  }
0x55: {  	s21 =	simm.s32 $0x100;
	s17 =	rddreg [dreg:$0xb]  }
0x56: {  	[tilespmem:s23], [sflag:$0x3] =	stream.indirect.gather [hbm4b:s4+s19], $0x40, s21, s19, $0xb8;
	[tilespmem:$0x1B600] =	vst v63  }
0x57: {  	s30 =	simm.s32 $0x180;
	s3 =	simm.s32 $0x0;
	s18 =	rddreg [dreg:$0xa]  }
0x58: {  	[tilespmem:s25], [sflag:$0x4] =	stream.indirect.gather [hbm4b:s4+s19], $0x40, s30, s19, $0xb8;
	[tilespmem:$0x1B600] =	vst v63  }
.LBB2_2:
0x59: {  	s7 =	smul.u32 $0xAB, s3;
	_ =	sdelay $0x1  }
0x5a: {  	s10 =	sadd.s32 $0xAB, s7  }
0x5b: {  	s10 =	sshrl.u32 s10, $0x9  }
0x5c: {  	s10 =	sand.u32 $0x7F, s10  }
0x5d: {  	s11 =	smul.u32 $0x3, s10  }
0x5e: {  	s10 =	sadd.s32 $0x1, s3  }
0x5f: {  	s7 =	sshrl.u32 s7, $0x9;
	s11 =	ssub.s32 s10, s11  }
0x60: {  	p1 =	seq.s32 s3, $0x9;
	s7 =	sand.u32 $0x7F, s7;
	s11 =	sand.u32 $0xFF, s11  }
0x61: {  	s14 =	simm.s32 @!p1 $0x0;
	s12 =	smul.u32 $0x3, s7;
	s7 =	sshll.u32 @!p1 s11, $0xA  }
0x62: {  	[tilespmem:s7], [sflag:$0x11] =	stream.linear.gather @!p1 [hbm4b:s17+s14], $0x400, $0x38;
	[tilespmem:$0x1B600] =	vst v63  }
0x63: {  	s12 =	ssub.s32 s3, s12;
	s16 =	sadd.s32 @!p1 $0xC00, s7  }
0x64: {  	[tilespmem:s16], [sflag:$0x11] =	stream.linear.gather @!p1 [hbm4b:s18+s14], $0x400, $0x38;
	[tilespmem:$0x1B600] =	vst v63  }
0x65: {  	s12 =	sand.u32 $0xFF, s12;
	_ =	swait.ge [sflag:s26], $0x2000  }
0x66: {  	s30 =	simm.s32 $0x1800;
	s16 =	sshll.u32 s12, $0xA;
	[sflag:s26] =	ssyncset.done $0x0  }
0x67: {  	p2 =	seq.s32 s3, $0x0;
	s12 =	sadd.s32 $0xC00, s16;
	[sflag:s26] =	ssyncadd.s32 $0xFFFFE000  }
0x68: {  	[spmem:s2] =	stream.indirect.scatter.add.f32 [tilespmem:s30], [sflag:$0x9], $0x40, s12, s19, $0xb8;
	[tilespmem:$0x1B600] =	vst v63  }
0x69: {  	s12 =	simm.s32 @!p2 $0xD  }
0x6a: {  	_ =	swait.ge @!p2 [sflag:s12], $0x2000  }
0x6b: {  	[sflag:s12] =	ssyncset.done @!p2 $0x0  }
0x6c: {  	s30 =	sor.u32 $0x200, s16;
	[sflag:s12] =	ssyncadd.s32 @!p2 $0xFFFFE000  }
0x6d: {  	[tilespmem:s28], [sflag:$0x5] =	stream.indirect.gather [hbm4b:s4+s19], $0x40, s30, s19, $0xb8;
	[tilespmem:$0x1B600] =	vst v63  }
0x6e: {  	_ =	swait.ge [sflag:s29], $0x2000  }
0x6f: {  	s20 =	simm.s32 $0x3800;
	[sflag:s29] =	ssyncset.done $0x0  }
0x70: {  	s14 =	sadd.s32 $0xC80, s16;
	s12 =	simm.s32 @!p2 $0xE;
	[sflag:s29] =	ssyncadd.s32 $0xFFFFE000  }
0x71: {  	[spmem:s2] =	stream.indirect.scatter.add.f32 [tilespmem:s20], [sflag:$0xA], $0x40, s14, s19, $0xb8;
	[tilespmem:$0x1B600] =	vst v63  }
0x72: {  	_ =	swait.ge @!p2 [sflag:s12], $0x2000  }
0x73: {  	[sflag:s12] =	ssyncset.done @!p2 $0x0  }
0x74: {  	s21 =	simm.s32 $0xB800;
	s14 =	sor.u32 $0x280, s16;
	[sflag:s12] =	ssyncadd.s32 @!p2 $0xFFFFE000  }
0x75: {  	[tilespmem:s21], [sflag:$0x6] =	stream.indirect.gather [hbm4b:s4+s19], $0x40, s14, s19, $0xb8;
	[tilespmem:$0x1B600] =	vst v63  }
0x76: {  	_ =	swait.ge [sflag:s31], $0x2000  }
0x77: {  	[sflag:s31] =	ssyncset.done $0x0  }
0x78: {  	s20 =	sadd.s32 $0xD00, s16;
	s12 =	simm.s32 @!p2 $0xF;
	[sflag:s31] =	ssyncadd.s32 $0xFFFFE000  }
0x79: {  	[spmem:s2] =	stream.indirect.scatter.add.f32 [tilespmem:s23], [sflag:$0xB], $0x40, s20, s19, $0xb8;
	[tilespmem:$0x1B600] =	vst v63  }
0x7a: {  	_ =	swait.ge @!p2 [sflag:s12], $0x2000  }
0x7b: {  	[sflag:s12] =	ssyncset.done @!p2 $0x0  }
0x7c: {  	[sflag:s12] =	ssyncadd.s32 @!p2 $0xFFFFE000;
	s12 =	sor.u32 $0x300, s16  }
0x7d: {  	[tilespmem:s0], [sflag:$0x7] =	stream.indirect.gather [hbm4b:s4+s19], $0x40, s12, s19, $0xb8;
	[tilespmem:$0x1B600] =	vst v63  }
0x7e: {  	_ =	swait.ge [sflag:s15], $0x2000  }
0x7f: {  	[sflag:s15] =	ssyncset.done $0x0  }
0x80: {  	s20 =	sadd.s32 $0xD80, s16;
	[sflag:s15] =	ssyncadd.s32 $0xFFFFE000  }
0x81: {  	[spmem:s2] =	stream.indirect.scatter.add.f32 [tilespmem:s25], [sflag:$0xC], $0x40, s20, s19, $0xb8;
	[tilespmem:$0x1B600] =	vst v63  }
0x82: {  	s20 =	simm.s32 @!p2 $0x10  }
0x83: {  	_ =	swait.ge @!p2 [sflag:s20], $0x2000  }
0x84: {  	p3 =	seq.s32 @!p2 s3, $0x9;
	[sflag:s20] =	ssyncset.done @!p2 $0x0  }
0x85: {  	p3 =	por p2, !p3;
	[sflag:s20] =	ssyncadd.s32 @!p2 $0xFFFFE000  }
0x86: {  	_ =	swait.ge @p3 [sflag:s13], $0x400  }
0x87: {  	[sflag:s13] =	ssyncset.done @p3 $0x0  }
0x88: {  	[sflag:s13] =	ssyncadd.s32 @p3 $0xFFFFFC00  }
0x89: {  	_ =	swait.ge @p3 [sflag:s13], $0x400  }
0x8a: {  	[sflag:s13] =	ssyncset.done @p3 $0x0  }
0x8b: {  	s16 =	sor.u32 $0x380, s16;
	[sflag:s13] =	ssyncadd.s32 @p3 $0xFFFFFC00  }
0x8c: {  	[tilespmem:s1], [sflag:$0x8] =	stream.indirect.gather [hbm4b:s4+s19], $0x40, s16, s19, $0xb8;
	[tilespmem:$0x1B600] =	vst v63  }
0x8d: {  	_ =	swait.ge [sflag:s22], $0x2000  }
0x8e: {  	[sflag:s22] =	ssyncset.done $0x0  }
0x8f: {  	s21 =	sadd.s32 $0xC00, s30;
	[sflag:s22] =	ssyncadd.s32 $0xFFFFE000  }
0x90: {  	[spmem:s2] =	stream.indirect.scatter.add.f32 [tilespmem:s28], [sflag:$0xD], $0x40, s21, s19, $0xb8;
	[tilespmem:$0x1B600] =	vst v63  }
0x91: {  	_ =	swait.ge [sflag:s24], $0x2000  }
0x92: {  	[sflag:s24] =	ssyncset.done $0x0  }
0x93: {  	s20 =	simm.s32 @p1 $0x6;
	[sflag:s24] =	ssyncadd.s32 $0xFFFFE000  }
0x94: {  	_ =	swait.ge @p1 [sflag:s20], $0x2000  }
0x95: {  	s30 =	simm.s32 @p1 $0x80;
	[sflag:s20] =	ssyncset.done @p1 $0x0  }
0x96: {  	s21 =	simm.s32 @p1 $0xB800;
	[sflag:s20] =	ssyncadd.s32 @p1 $0xFFFFE000;
	s20 =	sadd.s32 @p1 $0xC00, s14  }
0x97: {  	[spmem:s2] =	stream.indirect.scatter.add.f32 @p1 [tilespmem:s21], [sflag:$0xE], $0x40, s20, s30, $0xb8;
	[tilespmem:$0x1B600] =	vst v63  }
0x98: {  	s20 =	simm.s32 @p1 $0xA  }
0x99: {  	_ =	swait.ge @p1 [sflag:s20], $0x2000  }
0x9a: {  	[sflag:s20] =	ssyncset.done @p1 $0x0  }
0x9b: {  	s21 =	simm.s32 @!p1 $0x1800;
	[sflag:s20] =	ssyncadd.s32 @p1 $0xFFFFE000;
	s20 =	simm.s32 @!p1 $0x80  }
0x9c: {  	[tilespmem:s21], [sflag:$0x1] =	stream.indirect.gather @!p1 [hbm4b:s4+s20], $0x40, s7, s20, $0xb8;
	[tilespmem:$0x1B600] =	vst v63  }
0x9d: {  	s21 =	simm.s32 @!p1 $0x6  }
0x9e: {  	_ =	swait.ge @!p1 [sflag:s21], $0x2000  }
0x9f: {  	[sflag:s21] =	ssyncset.done @!p1 $0x0  }
0xa0: {  	s14 =	sadd.s32 @!p1 $0xC00, s14;
	[sflag:s21] =	ssyncadd.s32 @!p1 $0xFFFFE000;
	s21 =	simm.s32 @!p1 $0xB800  }
0xa1: {  	[spmem:s2] =	stream.indirect.scatter.add.f32 @!p1 [tilespmem:s21], [sflag:$0xE], $0x40, s14, s20, $0xb8;
	[tilespmem:$0x1B600] =	vst v63  }
0xa2: {  	s14 =	simm.s32 @!p1 $0xA  }
0xa3: {  	_ =	swait.ge @!p1 [sflag:s14], $0x2000  }
0xa4: {  	[sflag:s14] =	ssyncset.done @!p1 $0x0  }
0xa5: {  	s7 =	sor.u32 @!p1 $0x80, s7;
	[sflag:s14] =	ssyncadd.s32 @!p1 $0xFFFFE000;
	s14 =	simm.s32 @!p1 $0x3800  }
0xa6: {  	[tilespmem:s14], [sflag:$0x2] =	stream.indirect.gather @!p1 [hbm4b:s4+s20], $0x40, s7, s20, $0xb8;
	[tilespmem:$0x1B600] =	vst v63  }
0xa7: {  	_ =	swait.ge [sflag:s5], $0x2000  }
0xa8: {  	p1 =	sne.s32 s3, $0x9;
	[sflag:s5] =	ssyncset.done $0x0  }
.Ltmp2:
0xa9: {  	s30 =	sadd.s32 $0xC00, s12;
	[sflag:s5] =	ssyncadd.s32 $0xFFFFE000;
	(pc) =	sbr.rel @!p1 .LBB2_3-.Ltmp2, $4  }
0xaa: {  	[spmem:s2] =	stream.indirect.scatter.add.f32 [tilespmem:s0], [sflag:$0xF], $0x40, s30, s19, $0xb8;
	[tilespmem:$0x1B600] =	vst v63  }
0xab: {  	_ =	swait.ge [sflag:s6], $0x2000  }
0xac: {  	[sflag:s6] =	ssyncset.done $0x0  }
0xad: {  	[sflag:s6] =	ssyncadd.s32 $0xFFFFE000  }
0xae: {  	s3 =	sshll.u32 s11, $0xA  }
0xaf: {  	s7 =	sor.u32 $0x100, s3  }
0xb0: {  	[tilespmem:s23], [sflag:$0x3] =	stream.indirect.gather [hbm4b:s4+s19], $0x40, s7, s19, $0xb8;
	[tilespmem:$0x1B600] =	vst v63  }
0xb1: {  	_ =	swait.ge [sflag:s8], $0x2000  }
0xb2: {  	[sflag:s8] =	ssyncset.done $0x0  }
0xb3: {  	s30 =	sadd.s32 $0xC00, s16;
	p1 =	sne.s32 s10, $0xA;
	[sflag:s8] =	ssyncadd.s32 $0xFFFFE000  }
0xb4: {  	[spmem:s2] =	stream.indirect.scatter.add.f32 [tilespmem:s1], [sflag:$0x10], $0x40, s30, s19, $0xb8;
	[tilespmem:$0x1B600] =	vst v63  }
.Ltmp3:
0xb5: {  	_ =	swait.ge [sflag:s9], $0x2000;
	(pc) =	sbr.rel @p1 .LBB2_2-.Ltmp3, $4  }
.Ltmp4:
0xb6: {  	[sflag:s9] =	ssyncset.done $0x0;
	(pc) =	sbr.rel @!p1 .LBB2_5-.Ltmp4, $4  }
0xb7: {  	s3 =	sor.u32 $0x180, s3;
	[sflag:s9] =	ssyncadd.s32 $0xFFFFE000  }
0xb8: {  	[tilespmem:s25], [sflag:$0x4] =	stream.indirect.gather [hbm4b:s4+s19], $0x40, s3, s19, $0xb8;
	[tilespmem:$0x1B600] =	vst v63  }
0xb9: {  	s18 =	sadd.s32 $0x80, s18;
	s17 =	sadd.s32 $0x80, s17;
	s3 =	smov.u32 s10  }
0xba: {  	_ = 	snop  }
.LBB2_6:
0xbb: {  	_ =	sfence.sel $0x180000  }
0xbc: {  	[bflag:$0x0] =	sbarrier.arrive $0xFFFF  }
0xbd: {  	_ =	strace $0x9000004A  }
0xbe: {  	s0 =	stileid.u32;
	[bflag:$0x2] =	sbarrier.arrive $0xFFFF  }
0xbf: {  	p0 =	sne.s32 s0, $0x0;
	s0 =	rddreg [dreg:$0x2]  }
0xc0: {  	s0 =	sadd.s32 @!p0 $0x100000, s0  }
0xc1: {  	[sflag:s0] =	ssyncadd.tile.s32 @!p0 $0x1;
	_ =	shalt  }
.Lfunc_end2:
_tile_overlayer_lowered:
.L_overlay_start_2:
0xc2: {  	(tag) =	ssettag $0x2  }
0xc3: {  	s0 =	rddreg [dreg:$0x0];
	s2 =	stileid.u32  }
0xc4: {  	s1 =	rddreg [dreg:$0x1];
	p0 =	sne.s32 s2, $0x0  }
0xc5: {  	s3 =	rddreg [dreg:$0x2];
	[bflag:$0x3] =	sbarrier.arrive $0xFFFF;
	s2 =	simm.s32 @!p0 $0x1C12  }
0xc6: {  	[timem:s3], [sflag:s2] =	dma.local @!p0 [hbm:s0], s1  }
0xc7: {  	s0 =	simm.s32 @!p0 $0x12  }
0xc8: {  	_ =	swait.ge @!p0 [sflag:s0], s1  }
0xc9: {  	s1 =	ssub.s32 @!p0 $0x0, s1;
	[sflag:s0] =	ssyncset.done @!p0 $0x0  }
0xca: {  	[sflag:s0] =	ssyncadd.s32 @!p0 s1  }
0xcb: {  	[bflag:$0x3] =	sbarrier.arrive $0xFFFF  }
0xcc: {  	_ =	shalt  }

// kernel: kernel.15.cloned.1.call-start
scs
__scs_entry_jumppad:
0x0: {  	(pc) =	sbr.rel $0x88, $3  }
0x1: {  	(tag) =	ssettag $0x0;
	lr =	simm.s32 $0x1  }
0x2: {  	[smem:$0x3F89] =	sst lr;
	_ =	strace $0xD0000000  }
0x3: {  	_ = 	snop  }
0x4: {  	_ = 	snop  }
0x5: {  	_ = 	snop  }
0x6: {  	_ = 	snop  }
0x7: {  	_ = 	snop  }
__scs_overlays_trampoline_lowered:
0x8: {  	[smem:$0x3F98] =	sst s0  }
0x9: {  	[smem:$0x3F99] =	sst s1  }
0xa: {  	[smem:$0x3F9A] =	sst s2  }
0xb: {  	[smem:$0x3F9B] =	sst s3  }
0xc: {  	[smem:$0x3F9C] =	sst s4  }
0xd: {  	[smem:$0x3F9D] =	sst s5  }
0xe: {  	[smem:$0x3F9E] =	sst s6  }
0xf: {  	[smem:$0x3F9F] =	sst s7  }
0x10: {  	[smem:$0x3FA0] =	sst s8  }
0x11: {  	[smem:$0x3FA1] =	sst s9;
	s0 =	simm.s32 @!p0 $0x0  }
0x12: {  	s1 =	sld [smem:$0x3F87];
	s0 =	simm.s32 @p0 $0x1  }
0x13: {  	[smem:$0x3FA2] =	sst s0;
	s0 =	simm.s32 @!p1 $0x0  }
0x14: {  	s2 =	sld [smem:$0x3F86];
	s0 =	simm.s32 @p1 $0x1  }
0x15: {  	[smem:$0x3FA3] =	sst s0;
	s0 =	simm.s32 @!p2 $0x0  }
0x16: {  	s3 =	sld [smem:$0x3FDB];
	s0 =	simm.s32 @p2 $0x1  }
0x17: {  	s4 =	simm.s32 $0x1BF5;
	[smem:$0x3FA5] =	sst s0  }
0x18: {  	s0 =	sld [smem:$0x3F88];
	_ =	swait.ge [sflag:s4], $0x0  }
0x19: {  	s7 =	sld [smem:$0x3F89]  }
0x1a: {  	s8 =	sadd.s32 $0xFFFFE003, lr  }
0x1b: {  	s9 =	sadd.s32 $0xFFFFFEF7, lr;
	s5 =	simm.s32 $0xFFFFFFFF;
	p2 =	slt.u32 s8, $0xFFFFF086  }
0x1c: {  	p1 =	slt.u32 s9, $0xF7A;
	s5 =	simm.s32 @!p2 $0x0  }
0x1d: {  	s5 =	simm.s32 @p1 $0x1;
	p0 =	seq.s32 s7, s2  }
0x1e: {  	s7 =	smul.u32 @!p0 $0xF7A, s2;
	p2 =	seq.s32 @!p0 s5, $0x0  }
0x1f: {  	s9 =	smul.u32 $0xF7A, s1;
	s8 =	simm.s32 @!p0 $0x1BF5;
	p2 =	por !p2, p0  }
0x20: {  	[sflag:s8] =	ssyncset.s32 @!p0 $0xFFFFF086;
	s6 =	sadd.s32 @!p0 s3, s7;
	s7 =	simm.s32 @!p0 $0x108  }
0x21: {  	s3 =	sadd.s32 s3, s9;
	s6 =	sadd.s32 @!p0 $0x88, s6;
	s7 =	simm.s32 @p2 $0x1082  }
0x22: {  	[simem:s7], [sflag:s8] =	dma.local @!p0 [hbm:s6], $0xF7A  }
0x23: {  	s9 =	sor.u32 $0xD0000000, s2;
	s6 =	simm.s32 $0x108;
	_ =	swait.ge @!p0 [sflag:s8], $0x0  }
0x24: {  	s3 =	sadd.s32 $0x88, s3;
	s6 =	simm.s32 @!p1 $0x1082;
	[sflag:s4] =	ssyncset.s32 $0xFFFFF086  }
0x25: {  	[simem:s6], [sflag:s4] =	dma.local [hbm:s3], $0xF7A  }
0x26: {  	[smem:$0x3F89] =	sst s1;
	(tag) =	ssettag s2;
	_ =	strace s9  }
0x27: {  	s1 =	sld [smem:$0x3F99]  }
0x28: {  	s2 =	sld [smem:$0x3F9A]  }
0x29: {  	s4 =	sld [smem:$0x3F9C]  }
0x2a: {  	p0 =	seq.s32 s5, $0x0;
	s5 =	sld [smem:$0x3F9D]  }
0x2b: {  	s6 =	sld [smem:$0x3F9E]  }
0x2c: {  	s7 =	sld [smem:$0x3F9F]  }
0x2d: {  	s3 =	simm.s32 $0x108;
	s8 =	sld [smem:$0x3FA0]  }
0x2e: {  	s3 =	simm.s32 @!p0 $0x1082;
	s9 =	sld [smem:$0x3FA1]  }
0x2f: {  	lr =	sadd.s32 s0, s3;
	s0 =	sld [smem:$0x3F98]  }
0x30: {  	s3 =	sld [smem:$0x3F9B]  }
0x31: {  	[smem:$0x3FA4] =	sst s10  }
0x32: {  	s10 =	sld [smem:$0x3FA2];
	_ =	sdelay $0x3  }
0x33: {  	p0 =	seq.s32 s10, $0x1;
	s10 =	sld [smem:$0x3FA4];
	_ =	sdelay $0x3  }
0x34: {  	[smem:$0x3FA4] =	sst s10  }
0x35: {  	s10 =	sld [smem:$0x3FA3];
	_ =	sdelay $0x3  }
0x36: {  	p1 =	seq.s32 s10, $0x1;
	s10 =	sld [smem:$0x3FA4];
	_ =	sdelay $0x3  }
0x37: {  	[smem:$0x3FA4] =	sst s10  }
0x38: {  	s10 =	sld [smem:$0x3FA5]  }
0x39: {  	_ = 	snop;
	(pc) =	sbr.ind lr, $3  }
0x3a: {  	_ = 	snop  }
0x3b: {  	_ = 	snop  }
0x3c: {  	p2 =	seq.s32 s10, $0x1;
	s10 =	sld [smem:$0x3FA4]  }
0x3d: {  	_ =	shalt  }
0x3e: {  	_ =	shalt  }
0x3f: {  	_ =	shalt  }
0x40: {  	_ =	shalt  }
0x41: {  	_ =	shalt  }
0x42: {  	_ =	shalt  }
0x43: {  	_ =	shalt  }
0x44: {  	_ =	shalt  }
0x45: {  	_ =	shalt  }
0x46: {  	_ =	shalt  }
0x47: {  	_ =	shalt  }
0x48: {  	_ =	shalt  }
0x49: {  	_ =	shalt  }
0x4a: {  	_ =	shalt  }
0x4b: {  	_ =	shalt  }
0x4c: {  	_ =	shalt  }
0x4d: {  	_ =	shalt  }
0x4e: {  	_ =	shalt  }
0x4f: {  	_ =	shalt  }
0x50: {  	_ =	shalt  }
0x51: {  	_ =	shalt  }
0x52: {  	_ =	shalt  }
0x53: {  	_ =	shalt  }
0x54: {  	_ =	shalt  }
0x55: {  	_ =	shalt  }
0x56: {  	_ =	shalt  }
0x57: {  	_ =	shalt  }
0x58: {  	_ =	shalt  }
0x59: {  	_ =	shalt  }
0x5a: {  	_ =	shalt  }
0x5b: {  	_ =	shalt  }
0x5c: {  	_ =	shalt  }
0x5d: {  	_ =	shalt  }
0x5e: {  	_ =	shalt  }
0x5f: {  	_ =	shalt  }
0x60: {  	_ =	shalt  }
0x61: {  	_ =	shalt  }
0x62: {  	_ =	shalt  }
0x63: {  	_ =	shalt  }
0x64: {  	_ =	shalt  }
0x65: {  	_ =	shalt  }
0x66: {  	_ =	shalt  }
0x67: {  	_ =	shalt  }
0x68: {  	_ =	shalt  }
0x69: {  	_ =	shalt  }
0x6a: {  	_ =	shalt  }
0x6b: {  	_ =	shalt  }
0x6c: {  	_ =	shalt  }
0x6d: {  	_ =	shalt  }
0x6e: {  	_ =	shalt  }
0x6f: {  	_ =	shalt  }
0x70: {  	_ =	shalt  }
0x71: {  	_ =	shalt  }
0x72: {  	_ =	shalt  }
0x73: {  	_ =	shalt  }
0x74: {  	_ =	shalt  }
0x75: {  	_ =	shalt  }
0x76: {  	_ =	shalt  }
0x77: {  	_ =	shalt  }
0x78: {  	_ =	shalt  }
0x79: {  	_ =	shalt  }
0x7a: {  	_ =	shalt  }
0x7b: {  	_ =	shalt  }
0x7c: {  	_ =	shalt  }
0x7d: {  	_ =	shalt  }
0x7e: {  	_ =	shalt  }
0x7f: {  	_ =	shalt  }
0x80: {  	_ =	shalt  }
0x81: {  	_ =	shalt  }
0x82: {  	_ =	shalt  }
0x83: {  	_ =	shalt  }
0x84: {  	_ =	shalt  }
0x85: {  	_ =	shalt  }
0x86: {  	_ =	shalt  }
0x87: {  	_ =	shalt  }
.Lfunc_end0:
.L_simem_size_0:
called_computation.2_lowered:
.L_overlay_start_0:
0x88: {  	s2 =	sld [smem:$0x3FD9]  }
0x89: {  	s3 =	sld [smem:$0x3FFE];
	_ =	sdelay $0x1  }
0x8a: {  	s1 =	srdreg.scid  }
0x8b: {  	s0 =	sand.u32 $0x1, s1  }
0x8c: {  	s16 =	sshll.u32 s0, $0xA;
	s2 =	sadd.s32 s3, s2  }
0x8d: {  	s2 =	sadd.s32 s2, s16  }
0x8e: {  	[smem:$0x3FB0] =	sst s2  }
0x8f: {  	_ = 	snop  }
0x90: {  	(tm) =	ssettm $0x1  }
0x91: {  	s17 =	sld [smem:$0x3FFB];
	_ =	sdelay $0x3  }
0x92: {  	_ =	strace s17  }
0x93: {  	s2 =	sld [smem:$0x3FFC];
	_ =	sdelay $0x3  }
0x94: {  	_ =	strace s2  }
0x95: {  	s2 =	sld [smem:$0x3FFD];
	_ =	sdelay $0x3  }
0x96: {  	_ =	strace s2  }
0x97: {  	_ =	strace $0x8FFFFFFF  }
0x98: {  	s18 =	sld [smem:$0x3FDB];
	_ =	sdelay $0x1  }
0x99: {  	s19 =	simm.s32 $_scs_section_size  }
0x9a: {  	s4 =	simm.s32 $_size__tile_overlayer_lowered;
	s5 =	simm.s32 $_tile_overlayer_lowered  }
0x9b: {  	s22 =	simm.s32 $0x1BFF;
	s21 =	sshll.u32 s5, $0x1;
	s2 =	sadd.s32 s19, s18  }
0x9c: {  	s6 =	simm.s32 $0x0;
	s20 =	sshll.u32 s4, $0x1;
	s4 =	sadd.s32 s21, s2  }
0x9d: {  	[timem:s6], [sflag:s22] =	dma.local [hbm:s4], s20  }
0x9e: {  	_ =	swait.ge [sflag:s22], s20  }
0x9f: {  	s3 =	ssub.s32 $0x0, s20;
	[sflag:s22] =	ssyncset.done $0x0  }
0xa0: {  	[sflag:s22] =	ssyncadd.s32 s3;
	_ =	sdelay $0x1  }
0xa1: {  	s23 =	simm.s32 $0x1B8B  }
0xa2: {  	_ =	swait.ge [sflag:s23], $0x1  }
0xa3: {  	[sflag:s23] =	ssyncset.done $0x0  }
0xa4: {  	s25 =	simm.s32 $0x1B8E;
	s24 =	sld [smem:$0x3FFE];
	[sflag:s23] =	ssyncadd.s32 $0xFFFFFFFF  }
0xa5: {  	s26 =	simm.s32 $execute0_lowered;
	[smem:$0x3FD2] =	sst s25  }
0xa6: {  	s4 =	sshll.u32 s26, $0x1;
	_ =	strace $0x8000004C;
	[dreg:$0x1] =	wrdreg $0xFFFFFFFF  }
0xa7: {  	s28 =	simm.s32 $_size_execute0_lowered;
	s2 =	sadd.s32 s2, s4;
	[dreg:$0x0] =	wrdreg $0x0  }
0xa8: {  	s4 =	sshll.u32 s28, $0x1;
	[dreg:$0x2] =	wrdreg s2  }
0xa9: {  	[dreg:$0x3] =	wrdreg s4  }
0xaa: {  	[dreg:$0x4] =	wrdreg $0xC0  }
0xab: {  	_ =	task [dreg:s6], $0x5FFFF  }
0xac: {  	[dreg:$0x1] =	wrdreg $0xFFFFFFFF  }
0xad: {  	[dreg:$0x0] =	wrdreg $0x60  }
0xae: {  	[dreg:$0x2] =	wrdreg s24  }
0xaf: {  	[dreg:$0x3] =	wrdreg $0x118000  }
0xb0: {  	[dreg:$0x4] =	wrdreg $0x9  }
0xb1: {  	_ =	task.clear_ibuf [dreg:s6], $0x5FFFF;
	_ =	strace $0x9000004C  }
0xb2: {  	s29 =	simm.s32 $0x9;
	_ =	strace $0x8000004E  }
0xb3: {  	_ =	swait.ge [sflag:s29], $0x1  }
0xb4: {  	[sflag:s29] =	ssyncadd.s32 $0xFFFFFFFF  }
0xb5: {  	_ =	strace $0x9000004E  }
0xb6: {  	_ =	sfence  }
0xb7: {  	s30 =	sld [smem:$0x0];
	_ =	sdelay $0x2  }
0xb8: {  	s31 =	sshll.u32 s1, $0xD;
	s1 =	sshrl.u32 s1, $0x2  }
0xb9: {  	s3 =	sand.u32 $0x4000, s31;
	s1 =	sadd.s32 s1, s30  }
0xba: {  	s0 =	sor.u32 s3, s0;
	s1 =	sshll.u32 s1, $0x11  }
0xbb: {  	s0 =	sor.u32 s1, s0  }
0xbc: {  	s0 =	sadd.s32 $0x8F2B, s0  }
0xbd: {  	[sflag:s0] =	ssyncadd.remote.s32 $0x1  }
0xbe: {  	_ =	sfence.sel $0xFFFF  }
0xbf: {  	[dreg:$0x0] =	wrdreg $0xFFFFFFFF;
	(pc) =	sbr.abs _section_cstart, $3  }
0xc0: {  	[dreg:$0x1] =	wrdreg $0xFFFFFFFF  }
0xc1: {  	_ =	task.clear_ibuf [dreg:s6], $0x2FFFF;
	_ =	strace $0x9FFFFFFF  }
0xc2: {  	(tm) =	ssettm $0x7FFFFFFF  }
0xc3: {  	_ =	shalt  }
tec
execute0_lowered:
.L_overlay_start_1:
0x0: {  	(tag) =	ssettag $0x1  }
0x1: {  	s0 =	rddreg [dreg:$0x0]  }
0x2: {  	s2 =	rddreg [dreg:$0x1];
	s3 =	simm.s32 $0x0;
	s1 =	srdreg.scid  }
0x3: {  	s11 =	stileid.u32;
	s19 =	simm.s32 $0x80;
	s28 =	simm.s32 $0x9800  }
0x4: {  	s29 =	simm.s32 $0x2;
	s31 =	simm.s32 $0x3;
	s15 =	simm.s32 $0x4  }
0x5: {  	s13 =	simm.s32 $0x11;
	[smem:$0x7FF] =	sst s3;
	s1 =	sand.u32 $0x1, s1  }
0x6: {  	s20 =	smul.u32 $0x9E00, s11;
	s4 =	sadd.s32 $0x4200, s0;
	s6 =	sadd.s32 $0x17C00, s0  }
0x7: {  	s8 =	sadd.s32 $0x21C00, s0;
	s21 =	smul.u32 $0x2800, s11;
	s3 =	sadd.s32 $0x94200, s2  }
0x8: {  	p0 =	seq.s32 s11, $0xF;
	_ =	strace $0x8000004D;
	s5 =	smul.u32 $0x9E000, s1  }
0x9: {  	s7 =	sshll.u32 s1, $0x4;
	s9 =	ssub.s32 $0x2, s1;
	s1 =	smul.u32 $0x28000, s1  }
0xa: {  	s7 =	sor.u32 s11, s7;
	s10 =	sshrl.u32 s9, $0x1;
	s22 =	sshrl.u32 s20, $0x3  }
0xb: {  	s5 =	sadd.s32 s20, s5;
	s7 =	smul.u32 $0x2800, s7;
	s9 =	ssub.s32 s9, s10  }
0xc: {  	s23 =	sadd.s32 s4, s22;
	s1 =	sadd.s32 s21, s1;
	s10 =	simm.s32 $0x12  }
0xd: {  	s22 =	simm.s32 $0x5;
	s5 =	sshrl.u32 s5, $0x3;
	[dreg:$0x6] =	wrdreg s23  }
0xe: {  	s24 =	sor.u32 $0x400, s1;
	s26 =	smax.u32 s9, $0x1;
	s1 =	sshrl.u32 @p0 s3, $0x3  }
0xf: {  	s23 =	simm.s32 $0x5800;
	s9 =	simm.s32 $0xC;
	s5 =	sadd.s32 s5, s0  }
0x10: {  	s7 =	sshrl.u32 s7, $0x3;
	s0 =	sadd.s32 $0x16A40, s0;
	[dreg:$0x9] =	wrdreg s26  }
0x11: {  	[dreg:$0xc] =	wrdreg s1;
	s26 =	simm.s32 $0x1;
	s1 =	simm.s32 $0xF800  }
0x12: {  	s12 =	sadd.s32 s6, s7;
	s7 =	sadd.s32 s8, s7;
	[dreg:$0x7] =	wrdreg s0  }
0x13: {  	s25 =	sadd.s32 $0x2BC00, s5;
	s0 =	sshrl.u32 s24, $0x3;
	[dreg:$0x3] =	wrdreg s12  }
0x14: {  	s24 =	simm.s32 $0x9;
	s5 =	simm.s32 $0x7;
	[dreg:$0x4] =	wrdreg s7  }
0x15: {  	s12 =	sadd.s32 s20, s2;
	[dreg:$0x8] =	wrdreg s25;
	s30 =	sadd.s32 s0, s8  }
.Ltmp0:
0x16: {  	s0 =	sadd.s32 s0, s6;
	[dreg:$0xa] =	wrdreg s30;
	(pc) =	sbr.rel .LBB2_1-.Ltmp0, $4  }
0x17: {  	s25 =	simm.s32 $0x7800;
	[dreg:$0xb] =	wrdreg s0;
	s0 =	sshll.u32 @!p0 s11, $0x6  }
0x18: {  	s6 =	simm.s32 $0xB;
	[dreg:$0x5] =	wrdreg s12;
	s0 =	sor.u32 @!p0 $0x1C12, s0  }
0x19: {  	s8 =	simm.s32 $0x8;
	[dreg:$0xd] =	wrdreg s0;
	s0 =	sshrl.u32 @!p0 s12, $0x3  }
0x1a: {  	s7 =	simm.s32 $0x0;
	[dreg:$0xe] =	wrdreg s0;
	s0 =	simm.s32 $0xD800  }
.LBB2_3:
0x1b: {  	_ =	swait.ge [sflag:s8], $0x2000  }
0x1c: {  	[sflag:s8] =	ssyncset.done $0x0  }
0x1d: {  	s3 =	sadd.s32 $0xC00, s16;
	[sflag:s8] =	ssyncadd.s32 $0xFFFFE000  }
0x1e: {  	[spmem:s2] =	stream.indirect.scatter.add.f32 [tilespmem:s1], [sflag:$0x10], $0x40, s3, s19, $0xb8;
	[tilespmem:$0x1B600] =	vst v63  }
0x1f: {  	_ =	swait.ge [sflag:s9], $0x2000  }
0x20: {  	[sflag:s9] =	ssyncset.done $0x0  }
0x21: {  	[sflag:s9] =	ssyncadd.s32 $0xFFFFE000  }
.LBB2_5:
0x22: {  	s3 =	simm.s32 $0xD  }
0x23: {  	_ =	swait.ge [sflag:s3], $0x2000  }
0x24: {  	[sflag:s3] =	ssyncset.done $0x0  }
0x25: {  	s16 =	simm.s32 $0xE;
	[sflag:s3] =	ssyncadd.s32 $0xFFFFE000  }
0x26: {  	_ =	swait.ge [sflag:s16], $0x2000  }
0x27: {  	[sflag:s16] =	ssyncset.done $0x0  }
0x28: {  	s17 =	simm.s32 $0xF;
	[sflag:s16] =	ssyncadd.s32 $0xFFFFE000  }
0x29: {  	_ =	swait.ge [sflag:s17], $0x2000  }
0x2a: {  	[sflag:s17] =	ssyncset.done $0x0  }
0x2b: {  	s18 =	simm.s32 $0x10;
	[sflag:s17] =	ssyncadd.s32 $0xFFFFE000  }
0x2c: {  	_ =	swait.ge [sflag:s18], $0x2000  }
0x2d: {  	[sflag:s18] =	ssyncset.done $0x0  }
0x2e: {  	[sflag:s18] =	ssyncadd.s32 $0xFFFFE000  }
0x2f: {  	s20 =	stileid.u32;
	[bflag:$0x0] =	sbarrier.arrive $0xFFFF  }
0x30: {  	s3 =	sshll.u32 s20, $0x6;
	s7 =	rddreg [dreg:$0x5]  }
0x31: {  	s3 =	sor.u32 $0x1C12, s3;
	s10 =	rddreg [dreg:$0x8];
	s7 =	sshrl.u32 s7, $0x3  }
0x32: {  	[hbm:s10], [sflag:s3] =	dma.local [spmem:s7], $0x13C0  }
0x33: {  	s10 =	simm.s32 $0x12  }
0x34: {  	_ =	swait.ge [sflag:s10], $0x13C0  }
0x35: {  	s21 =	rddreg [dreg:$0xf]  }
0x36: {  	s30 =	rddreg [dreg:$0x9];
	s7 =	sadd.s32 $0x1, s21  }
0x37: {  	p1 =	sne.s32 s7, s30  }
.Ltmp1:
0x38: {  	_ = 	snop;
	(pc) =	sbr.rel @!p1 .LBB2_6-.Ltmp1, $3  }
0x39: {  	_ =	sdelay $0x1  }
0x3a: {  	[sflag:s10] =	ssyncset.done $0x0  }
0x3b: {  	[sflag:s10] =	ssyncadd.s32 $0xFFFFEC40  }
.LBB2_1:
0x3c: {  	[dreg:$0xf] =	wrdreg s7  }
0x3d: {  	s16 =	simm.s32 $0x0;
	s3 =	rddreg [dreg:$0x3]  }
0x3e: {  	[tilespmem:s16], [sflag:$0x12] =	stream.linear.gather [hbm4b:s3+s16], $0x400, $0x38;
	[tilespmem:$0x1B600] =	vst v63  }
0x3f: {  	_ =	swait.ge [sflag:s10], $0x400  }
0x40: {  	[sflag:s10] =	ssyncset.done $0x0  }
0x41: {  	s11 =	simm.s32 $0xC00;
	s17 =	rddreg [dreg:$0x4];
	[sflag:s10] =	ssyncadd.s32 $0xFFFFFC00  }
0x42: {  	[tilespmem:s11], [sflag:$0x12] =	stream.linear.gather [hbm4b:s17+s16], $0x400, $0x38;
	[tilespmem:$0x1B600] =	vst v63  }
0x43: {  	_ =	swait.ge [sflag:s10], $0x400  }
0x44: {  	[sflag:s10] =	ssyncset.done $0x0;
	s11 =	rddreg [dreg:$0xc]  }
0x45: {  	s3 =	simm.s32 @p0 $0x1FD2;
	[sflag:s10] =	ssyncadd.s32 $0xFFFFFC00;
	s10 =	rddreg [dreg:$0x7]  }
0x46: {  	[spmem:s11], [sflag:s3] =	dma.local @p0 [hbm:s10], $0x1040  }
0x47: {  	s3 =	simm.s32 @p0 $0x12  }
0x48: {  	_ =	swait.ge @p0 [sflag:s3], $0x1040  }
0x49: {  	s10 =	rddreg [dreg:$0xd]  }
0x4a: {  	[sflag:s3] =	ssyncset.done @p0 $0x0;
	s11 =	rddreg [dreg:$0xe]  }
0x4b: {  	[sflag:s3] =	ssyncadd.s32 @p0 $0xFFFFEFC0;
	s3 =	rddreg [dreg:$0x6]  }
0x4c: {  	[spmem:s11], [sflag:s10] =	dma.local @!p0 [hbm:s3], $0x13C0  }
0x4d: {  	s3 =	simm.s32 @!p0 $0x12  }
0x4e: {  	_ =	swait.ge @!p0 [sflag:s3], $0x13C0  }
0x4f: {  	[sflag:s3] =	ssyncset.done @!p0 $0x0  }
0x50: {  	[sflag:s3] =	ssyncadd.s32 @!p0 $0xFFFFEC40  }
0x51: {  	s18 =	simm.s32 $0x1800;
	[bflag:$0x0] =	sbarrier.arrive $0xFFFF  }
0x52: {  	[tilespmem:s18], [sflag:$0x1] =	stream.indirect.gather [hbm4b:s4+s19], $0x40, s16, s19, $0xb8;
	[tilespmem:$0x1B600] =	vst v63  }
0x53: {  	s20 =	simm.s32 $0x3800  }
0x54: {  	[tilespmem:s20], [sflag:$0x2] =	stream.indirect.gather [hbm4b:s4+s19], $0x40, s19, s19, $0xb8;
	[tilespmem:$0x1B600] =	vst v63  }
0x55: {  	s21 =	simm.s32 $0x100;
	s17 =	rddreg [dreg:$0xb]  }
0x56: {  	[tilespmem:s23], [sflag:$0x3] =	stream.indirect.gather [hbm4b:s4+s19], $0x40, s21, s19, $0xb8;
	[tilespmem:$0x1B600] =	vst v63  }
0x57: {  	s30 =	simm.s32 $0x180;
	s3 =	simm.s32 $0x0;
	s18 =	rddreg [dreg:$0xa]  }
0x58: {  	[tilespmem:s25], [sflag:$0x4] =	stream.indirect.gather [hbm4b:s4+s19], $0x40, s30, s19, $0xb8;
	[tilespmem:$0x1B600] =	vst v63  }
.LBB2_2:
0x59: {  	s7 =	smul.u32 $0xAB, s3;
	_ =	sdelay $0x1  }
0x5a: {  	s10 =	sadd.s32 $0xAB, s7  }
0x5b: {  	s10 =	sshrl.u32 s10, $0x9  }
0x5c: {  	s10 =	sand.u32 $0x7F, s10  }
0x5d: {  	s11 =	smul.u32 $0x3, s10  }
0x5e: {  	s10 =	sadd.s32 $0x1, s3  }
0x5f: {  	s7 =	sshrl.u32 s7, $0x9;
	s11 =	ssub.s32 s10, s11  }
0x60: {  	p1 =	seq.s32 s3, $0x9;
	s7 =	sand.u32 $0x7F, s7;
	s11 =	sand.u32 $0xFF, s11  }
0x61: {  	s14 =	simm.s32 @!p1 $0x0;
	s12 =	smul.u32 $0x3, s7;
	s7 =	sshll.u32 @!p1 s11, $0xA  }
0x62: {  	[tilespmem:s7], [sflag:$0x11] =	stream.linear.gather @!p1 [hbm4b:s17+s14], $0x400, $0x38;
	[tilespmem:$0x1B600] =	vst v63  }
0x63: {  	s12 =	ssub.s32 s3, s12;
	s16 =	sadd.s32 @!p1 $0xC00, s7  }
0x64: {  	[tilespmem:s16], [sflag:$0x11] =	stream.linear.gather @!p1 [hbm4b:s18+s14], $0x400, $0x38;
	[tilespmem:$0x1B600] =	vst v63  }
0x65: {  	s12 =	sand.u32 $0xFF, s12;
	_ =	swait.ge [sflag:s26], $0x2000  }
0x66: {  	s30 =	simm.s32 $0x1800;
	s16 =	sshll.u32 s12, $0xA;
	[sflag:s26] =	ssyncset.done $0x0  }
0x67: {  	p2 =	seq.s32 s3, $0x0;
	s12 =	sadd.s32 $0xC00, s16;
	[sflag:s26] =	ssyncadd.s32 $0xFFFFE000  }
0x68: {  	[spmem:s2] =	stream.indirect.scatter.add.f32 [tilespmem:s30], [sflag:$0x9], $0x40, s12, s19, $0xb8;
	[tilespmem:$0x1B600] =	vst v63  }
0x69: {  	s12 =	simm.s32 @!p2 $0xD  }
0x6a: {  	_ =	swait.ge @!p2 [sflag:s12], $0x2000  }
0x6b: {  	[sflag:s12] =	ssyncset.done @!p2 $0x0  }
0x6c: {  	s30 =	sor.u32 $0x200, s16;
	[sflag:s12] =	ssyncadd.s32 @!p2 $0xFFFFE000  }
0x6d: {  	[tilespmem:s28], [sflag:$0x5] =	stream.indirect.gather [hbm4b:s4+s19], $0x40, s30, s19, $0xb8;
	[tilespmem:$0x1B600] =	vst v63  }
0x6e: {  	_ =	swait.ge [sflag:s29], $0x2000  }
0x6f: {  	s20 =	simm.s32 $0x3800;
	[sflag:s29] =	ssyncset.done $0x0  }
0x70: {  	s14 =	sadd.s32 $0xC80, s16;
	s12 =	simm.s32 @!p2 $0xE;
	[sflag:s29] =	ssyncadd.s32 $0xFFFFE000  }
0x71: {  	[spmem:s2] =	stream.indirect.scatter.add.f32 [tilespmem:s20], [sflag:$0xA], $0x40, s14, s19, $0xb8;
	[tilespmem:$0x1B600] =	vst v63  }
0x72: {  	_ =	swait.ge @!p2 [sflag:s12], $0x2000  }
0x73: {  	[sflag:s12] =	ssyncset.done @!p2 $0x0  }
0x74: {  	s21 =	simm.s32 $0xB800;
	s14 =	sor.u32 $0x280, s16;
	[sflag:s12] =	ssyncadd.s32 @!p2 $0xFFFFE000  }
0x75: {  	[tilespmem:s21], [sflag:$0x6] =	stream.indirect.gather [hbm4b:s4+s19], $0x40, s14, s19, $0xb8;
	[tilespmem:$0x1B600] =	vst v63  }
0x76: {  	_ =	swait.ge [sflag:s31], $0x2000  }
0x77: {  	[sflag:s31] =	ssyncset.done $0x0  }
0x78: {  	s20 =	sadd.s32 $0xD00, s16;
	s12 =	simm.s32 @!p2 $0xF;
	[sflag:s31] =	ssyncadd.s32 $0xFFFFE000  }
0x79: {  	[spmem:s2] =	stream.indirect.scatter.add.f32 [tilespmem:s23], [sflag:$0xB], $0x40, s20, s19, $0xb8;
	[tilespmem:$0x1B600] =	vst v63  }
0x7a: {  	_ =	swait.ge @!p2 [sflag:s12], $0x2000  }
0x7b: {  	[sflag:s12] =	ssyncset.done @!p2 $0x0  }
0x7c: {  	[sflag:s12] =	ssyncadd.s32 @!p2 $0xFFFFE000;
	s12 =	sor.u32 $0x300, s16  }
0x7d: {  	[tilespmem:s0], [sflag:$0x7] =	stream.indirect.gather [hbm4b:s4+s19], $0x40, s12, s19, $0xb8;
	[tilespmem:$0x1B600] =	vst v63  }
0x7e: {  	_ =	swait.ge [sflag:s15], $0x2000  }
0x7f: {  	[sflag:s15] =	ssyncset.done $0x0  }
0x80: {  	s20 =	sadd.s32 $0xD80, s16;
	[sflag:s15] =	ssyncadd.s32 $0xFFFFE000  }
0x81: {  	[spmem:s2] =	stream.indirect.scatter.add.f32 [tilespmem:s25], [sflag:$0xC], $0x40, s20, s19, $0xb8;
	[tilespmem:$0x1B600] =	vst v63  }
0x82: {  	s20 =	simm.s32 @!p2 $0x10  }
0x83: {  	_ =	swait.ge @!p2 [sflag:s20], $0x2000  }
0x84: {  	p3 =	seq.s32 @!p2 s3, $0x9;
	[sflag:s20] =	ssyncset.done @!p2 $0x0  }
0x85: {  	p3 =	por p2, !p3;
	[sflag:s20] =	ssyncadd.s32 @!p2 $0xFFFFE000  }
0x86: {  	_ =	swait.ge @p3 [sflag:s13], $0x400  }
0x87: {  	[sflag:s13] =	ssyncset.done @p3 $0x0  }
0x88: {  	[sflag:s13] =	ssyncadd.s32 @p3 $0xFFFFFC00  }
0x89: {  	_ =	swait.ge @p3 [sflag:s13], $0x400  }
0x8a: {  	[sflag:s13] =	ssyncset.done @p3 $0x0  }
0x8b: {  	s16 =	sor.u32 $0x380, s16;
	[sflag:s13] =	ssyncadd.s32 @p3 $0xFFFFFC00  }
0x8c: {  	[tilespmem:s1], [sflag:$0x8] =	stream.indirect.gather [hbm4b:s4+s19], $0x40, s16, s19, $0xb8;
	[tilespmem:$0x1B600] =	vst v63  }
0x8d: {  	_ =	swait.ge [sflag:s22], $0x2000  }
0x8e: {  	[sflag:s22] =	ssyncset.done $0x0  }
0x8f: {  	s21 =	sadd.s32 $0xC00, s30;
	[sflag:s22] =	ssyncadd.s32 $0xFFFFE000  }
0x90: {  	[spmem:s2] =	stream.indirect.scatter.add.f32 [tilespmem:s28], [sflag:$0xD], $0x40, s21, s19, $0xb8;
	[tilespmem:$0x1B600] =	vst v63  }
0x91: {  	_ =	swait.ge [sflag:s24], $0x2000  }
0x92: {  	[sflag:s24] =	ssyncset.done $0x0  }
0x93: {  	s20 =	simm.s32 @p1 $0x6;
	[sflag:s24] =	ssyncadd.s32 $0xFFFFE000  }
0x94: {  	_ =	swait.ge @p1 [sflag:s20], $0x2000  }
0x95: {  	s30 =	simm.s32 @p1 $0x80;
	[sflag:s20] =	ssyncset.done @p1 $0x0  }
0x96: {  	s21 =	simm.s32 @p1 $0xB800;
	[sflag:s20] =	ssyncadd.s32 @p1 $0xFFFFE000;
	s20 =	sadd.s32 @p1 $0xC00, s14  }
0x97: {  	[spmem:s2] =	stream.indirect.scatter.add.f32 @p1 [tilespmem:s21], [sflag:$0xE], $0x40, s20, s30, $0xb8;
	[tilespmem:$0x1B600] =	vst v63  }
0x98: {  	s20 =	simm.s32 @p1 $0xA  }
0x99: {  	_ =	swait.ge @p1 [sflag:s20], $0x2000  }
0x9a: {  	[sflag:s20] =	ssyncset.done @p1 $0x0  }
0x9b: {  	s21 =	simm.s32 @!p1 $0x1800;
	[sflag:s20] =	ssyncadd.s32 @p1 $0xFFFFE000;
	s20 =	simm.s32 @!p1 $0x80  }
0x9c: {  	[tilespmem:s21], [sflag:$0x1] =	stream.indirect.gather @!p1 [hbm4b:s4+s20], $0x40, s7, s20, $0xb8;
	[tilespmem:$0x1B600] =	vst v63  }
0x9d: {  	s21 =	simm.s32 @!p1 $0x6  }
0x9e: {  	_ =	swait.ge @!p1 [sflag:s21], $0x2000  }
0x9f: {  	[sflag:s21] =	ssyncset.done @!p1 $0x0  }
0xa0: {  	s14 =	sadd.s32 @!p1 $0xC00, s14;
	[sflag:s21] =	ssyncadd.s32 @!p1 $0xFFFFE000;
	s21 =	simm.s32 @!p1 $0xB800  }
0xa1: {  	[spmem:s2] =	stream.indirect.scatter.add.f32 @!p1 [tilespmem:s21], [sflag:$0xE], $0x40, s14, s20, $0xb8;
	[tilespmem:$0x1B600] =	vst v63  }
0xa2: {  	s14 =	simm.s32 @!p1 $0xA  }
0xa3: {  	_ =	swait.ge @!p1 [sflag:s14], $0x2000  }
0xa4: {  	[sflag:s14] =	ssyncset.done @!p1 $0x0  }
0xa5: {  	s7 =	sor.u32 @!p1 $0x80, s7;
	[sflag:s14] =	ssyncadd.s32 @!p1 $0xFFFFE000;
	s14 =	simm.s32 @!p1 $0x3800  }
0xa6: {  	[tilespmem:s14], [sflag:$0x2] =	stream.indirect.gather @!p1 [hbm4b:s4+s20], $0x40, s7, s20, $0xb8;
	[tilespmem:$0x1B600] =	vst v63  }
0xa7: {  	_ =	swait.ge [sflag:s5], $0x2000  }
0xa8: {  	p1 =	sne.s32 s3, $0x9;
	[sflag:s5] =	ssyncset.done $0x0  }
.Ltmp2:
0xa9: {  	s30 =	sadd.s32 $0xC00, s12;
	[sflag:s5] =	ssyncadd.s32 $0xFFFFE000;
	(pc) =	sbr.rel @!p1 .LBB2_3-.Ltmp2, $4  }
0xaa: {  	[spmem:s2] =	stream.indirect.scatter.add.f32 [tilespmem:s0], [sflag:$0xF], $0x40, s30, s19, $0xb8;
	[tilespmem:$0x1B600] =	vst v63  }
0xab: {  	_ =	swait.ge [sflag:s6], $0x2000  }
0xac: {  	[sflag:s6] =	ssyncset.done $0x0  }
0xad: {  	[sflag:s6] =	ssyncadd.s32 $0xFFFFE000  }
0xae: {  	s3 =	sshll.u32 s11, $0xA  }
0xaf: {  	s7 =	sor.u32 $0x100, s3  }
0xb0: {  	[tilespmem:s23], [sflag:$0x3] =	stream.indirect.gather [hbm4b:s4+s19], $0x40, s7, s19, $0xb8;
	[tilespmem:$0x1B600] =	vst v63  }
0xb1: {  	_ =	swait.ge [sflag:s8], $0x2000  }
0xb2: {  	[sflag:s8] =	ssyncset.done $0x0  }
0xb3: {  	s30 =	sadd.s32 $0xC00, s16;
	p1 =	sne.s32 s10, $0xA;
	[sflag:s8] =	ssyncadd.s32 $0xFFFFE000  }
0xb4: {  	[spmem:s2] =	stream.indirect.scatter.add.f32 [tilespmem:s1], [sflag:$0x10], $0x40, s30, s19, $0xb8;
	[tilespmem:$0x1B600] =	vst v63  }
.Ltmp3:
0xb5: {  	_ =	swait.ge [sflag:s9], $0x2000;
	(pc) =	sbr.rel @p1 .LBB2_2-.Ltmp3, $4  }
.Ltmp4:
0xb6: {  	[sflag:s9] =	ssyncset.done $0x0;
	(pc) =	sbr.rel @!p1 .LBB2_5-.Ltmp4, $4  }
0xb7: {  	s3 =	sor.u32 $0x180, s3;
	[sflag:s9] =	ssyncadd.s32 $0xFFFFE000  }
0xb8: {  	[tilespmem:s25], [sflag:$0x4] =	stream.indirect.gather [hbm4b:s4+s19], $0x40, s3, s19, $0xb8;
	[tilespmem:$0x1B600] =	vst v63  }
0xb9: {  	s18 =	sadd.s32 $0x80, s18;
	s17 =	sadd.s32 $0x80, s17;
	s3 =	smov.u32 s10  }
0xba: {  	_ = 	snop  }
.LBB2_6:
0xbb: {  	_ =	sfence.sel $0x180000  }
0xbc: {  	[bflag:$0x0] =	sbarrier.arrive $0xFFFF  }
0xbd: {  	_ =	strace $0x9000004D  }
0xbe: {  	s0 =	stileid.u32;
	[bflag:$0x2] =	sbarrier.arrive $0xFFFF  }
0xbf: {  	p0 =	sne.s32 s0, $0x0;
	s0 =	rddreg [dreg:$0x2]  }
0xc0: {  	s0 =	sadd.s32 @!p0 $0x100000, s0  }
0xc1: {  	[sflag:s0] =	ssyncadd.tile.s32 @!p0 $0x1;
	_ =	shalt  }
.Lfunc_end2:
_tile_overlayer_lowered:
.L_overlay_start_2:
0xc2: {  	(tag) =	ssettag $0x2  }
0xc3: {  	s0 =	rddreg [dreg:$0x0];
	s2 =	stileid.u32  }
0xc4: {  	s1 =	rddreg [dreg:$0x1];
	p0 =	sne.s32 s2, $0x0  }
0xc5: {  	s3 =	rddreg [dreg:$0x2];
	[bflag:$0x3] =	sbarrier.arrive $0xFFFF;
	s2 =	simm.s32 @!p0 $0x1C12  }
0xc6: {  	[timem:s3], [sflag:s2] =	dma.local @!p0 [hbm:s0], s1  }
0xc7: {  	s0 =	simm.s32 @!p0 $0x12  }
0xc8: {  	_ =	swait.ge @!p0 [sflag:s0], s1  }
0xc9: {  	s1 =	ssub.s32 @!p0 $0x0, s1;
	[sflag:s0] =	ssyncset.done @!p0 $0x0  }
0xca: {  	[sflag:s0] =	ssyncadd.s32 @!p0 s1  }
0xcb: {  	[bflag:$0x3] =	sbarrier.arrive $0xFFFF  }
0xcc: {  	_ =	shalt  }

// kernel: kernel.9.cloned.1.call-start
scs
__scs_entry_jumppad:
0x0: {  	(pc) =	sbr.rel $0x88, $3  }
0x1: {  	(tag) =	ssettag $0x0;
	lr =	simm.s32 $0x1  }
0x2: {  	[smem:$0x3F89] =	sst lr;
	_ =	strace $0xD0000000  }
0x3: {  	_ = 	snop  }
0x4: {  	_ = 	snop  }
0x5: {  	_ = 	snop  }
0x6: {  	_ = 	snop  }
0x7: {  	_ = 	snop  }
__scs_overlays_trampoline_lowered:
0x8: {  	[smem:$0x3F98] =	sst s0  }
0x9: {  	[smem:$0x3F99] =	sst s1  }
0xa: {  	[smem:$0x3F9A] =	sst s2  }
0xb: {  	[smem:$0x3F9B] =	sst s3  }
0xc: {  	[smem:$0x3F9C] =	sst s4  }
0xd: {  	[smem:$0x3F9D] =	sst s5  }
0xe: {  	[smem:$0x3F9E] =	sst s6  }
0xf: {  	[smem:$0x3F9F] =	sst s7  }
0x10: {  	[smem:$0x3FA0] =	sst s8  }
0x11: {  	[smem:$0x3FA1] =	sst s9;
	s0 =	simm.s32 @!p0 $0x0  }
0x12: {  	s1 =	sld [smem:$0x3F87];
	s0 =	simm.s32 @p0 $0x1  }
0x13: {  	[smem:$0x3FA2] =	sst s0;
	s0 =	simm.s32 @!p1 $0x0  }
0x14: {  	s2 =	sld [smem:$0x3F86];
	s0 =	simm.s32 @p1 $0x1  }
0x15: {  	[smem:$0x3FA3] =	sst s0;
	s0 =	simm.s32 @!p2 $0x0  }
0x16: {  	s3 =	sld [smem:$0x3FDB];
	s0 =	simm.s32 @p2 $0x1  }
0x17: {  	s4 =	simm.s32 $0x1BF5;
	[smem:$0x3FA5] =	sst s0  }
0x18: {  	s0 =	sld [smem:$0x3F88];
	_ =	swait.ge [sflag:s4], $0x0  }
0x19: {  	s7 =	sld [smem:$0x3F89]  }
0x1a: {  	s8 =	sadd.s32 $0xFFFFE003, lr  }
0x1b: {  	s9 =	sadd.s32 $0xFFFFFEF7, lr;
	s5 =	simm.s32 $0xFFFFFFFF;
	p2 =	slt.u32 s8, $0xFFFFF086  }
0x1c: {  	p1 =	slt.u32 s9, $0xF7A;
	s5 =	simm.s32 @!p2 $0x0  }
0x1d: {  	s5 =	simm.s32 @p1 $0x1;
	p0 =	seq.s32 s7, s2  }
0x1e: {  	s7 =	smul.u32 @!p0 $0xF7A, s2;
	p2 =	seq.s32 @!p0 s5, $0x0  }
0x1f: {  	s9 =	smul.u32 $0xF7A, s1;
	s8 =	simm.s32 @!p0 $0x1BF5;
	p2 =	por !p2, p0  }
0x20: {  	[sflag:s8] =	ssyncset.s32 @!p0 $0xFFFFF086;
	s6 =	sadd.s32 @!p0 s3, s7;
	s7 =	simm.s32 @!p0 $0x108  }
0x21: {  	s3 =	sadd.s32 s3, s9;
	s6 =	sadd.s32 @!p0 $0x88, s6;
	s7 =	simm.s32 @p2 $0x1082  }
0x22: {  	[simem:s7], [sflag:s8] =	dma.local @!p0 [hbm:s6], $0xF7A  }
0x23: {  	s9 =	sor.u32 $0xD0000000, s2;
	s6 =	simm.s32 $0x108;
	_ =	swait.ge @!p0 [sflag:s8], $0x0  }
0x24: {  	s3 =	sadd.s32 $0x88, s3;
	s6 =	simm.s32 @!p1 $0x1082;
	[sflag:s4] =	ssyncset.s32 $0xFFFFF086  }
0x25: {  	[simem:s6], [sflag:s4] =	dma.local [hbm:s3], $0xF7A  }
0x26: {  	[smem:$0x3F89] =	sst s1;
	(tag) =	ssettag s2;
	_ =	strace s9  }
0x27: {  	s1 =	sld [smem:$0x3F99]  }
0x28: {  	s2 =	sld [smem:$0x3F9A]  }
0x29: {  	s4 =	sld [smem:$0x3F9C]  }
0x2a: {  	p0 =	seq.s32 s5, $0x0;
	s5 =	sld [smem:$0x3F9D]  }
0x2b: {  	s6 =	sld [smem:$0x3F9E]  }
0x2c: {  	s7 =	sld [smem:$0x3F9F]  }
0x2d: {  	s3 =	simm.s32 $0x108;
	s8 =	sld [smem:$0x3FA0]  }
0x2e: {  	s3 =	simm.s32 @!p0 $0x1082;
	s9 =	sld [smem:$0x3FA1]  }
0x2f: {  	lr =	sadd.s32 s0, s3;
	s0 =	sld [smem:$0x3F98]  }
0x30: {  	s3 =	sld [smem:$0x3F9B]  }
0x31: {  	[smem:$0x3FA4] =	sst s10  }
0x32: {  	s10 =	sld [smem:$0x3FA2];
	_ =	sdelay $0x3  }
0x33: {  	p0 =	seq.s32 s10, $0x1;
	s10 =	sld [smem:$0x3FA4];
	_ =	sdelay $0x3  }
0x34: {  	[smem:$0x3FA4] =	sst s10  }
0x35: {  	s10 =	sld [smem:$0x3FA3];
	_ =	sdelay $0x3  }
0x36: {  	p1 =	seq.s32 s10, $0x1;
	s10 =	sld [smem:$0x3FA4];
	_ =	sdelay $0x3  }
0x37: {  	[smem:$0x3FA4] =	sst s10  }
0x38: {  	s10 =	sld [smem:$0x3FA5]  }
0x39: {  	_ = 	snop;
	(pc) =	sbr.ind lr, $3  }
0x3a: {  	_ = 	snop  }
0x3b: {  	_ = 	snop  }
0x3c: {  	p2 =	seq.s32 s10, $0x1;
	s10 =	sld [smem:$0x3FA4]  }
0x3d: {  	_ =	shalt  }
0x3e: {  	_ =	shalt  }
0x3f: {  	_ =	shalt  }
0x40: {  	_ =	shalt  }
0x41: {  	_ =	shalt  }
0x42: {  	_ =	shalt  }
0x43: {  	_ =	shalt  }
0x44: {  	_ =	shalt  }
0x45: {  	_ =	shalt  }
0x46: {  	_ =	shalt  }
0x47: {  	_ =	shalt  }
0x48: {  	_ =	shalt  }
0x49: {  	_ =	shalt  }
0x4a: {  	_ =	shalt  }
0x4b: {  	_ =	shalt  }
0x4c: {  	_ =	shalt  }
0x4d: {  	_ =	shalt  }
0x4e: {  	_ =	shalt  }
0x4f: {  	_ =	shalt  }
0x50: {  	_ =	shalt  }
0x51: {  	_ =	shalt  }
0x52: {  	_ =	shalt  }
0x53: {  	_ =	shalt  }
0x54: {  	_ =	shalt  }
0x55: {  	_ =	shalt  }
0x56: {  	_ =	shalt  }
0x57: {  	_ =	shalt  }
0x58: {  	_ =	shalt  }
0x59: {  	_ =	shalt  }
0x5a: {  	_ =	shalt  }
0x5b: {  	_ =	shalt  }
0x5c: {  	_ =	shalt  }
0x5d: {  	_ =	shalt  }
0x5e: {  	_ =	shalt  }
0x5f: {  	_ =	shalt  }
0x60: {  	_ =	shalt  }
0x61: {  	_ =	shalt  }
0x62: {  	_ =	shalt  }
0x63: {  	_ =	shalt  }
0x64: {  	_ =	shalt  }
0x65: {  	_ =	shalt  }
0x66: {  	_ =	shalt  }
0x67: {  	_ =	shalt  }
0x68: {  	_ =	shalt  }
0x69: {  	_ =	shalt  }
0x6a: {  	_ =	shalt  }
0x6b: {  	_ =	shalt  }
0x6c: {  	_ =	shalt  }
0x6d: {  	_ =	shalt  }
0x6e: {  	_ =	shalt  }
0x6f: {  	_ =	shalt  }
0x70: {  	_ =	shalt  }
0x71: {  	_ =	shalt  }
0x72: {  	_ =	shalt  }
0x73: {  	_ =	shalt  }
0x74: {  	_ =	shalt  }
0x75: {  	_ =	shalt  }
0x76: {  	_ =	shalt  }
0x77: {  	_ =	shalt  }
0x78: {  	_ =	shalt  }
0x79: {  	_ =	shalt  }
0x7a: {  	_ =	shalt  }
0x7b: {  	_ =	shalt  }
0x7c: {  	_ =	shalt  }
0x7d: {  	_ =	shalt  }
0x7e: {  	_ =	shalt  }
0x7f: {  	_ =	shalt  }
0x80: {  	_ =	shalt  }
0x81: {  	_ =	shalt  }
0x82: {  	_ =	shalt  }
0x83: {  	_ =	shalt  }
0x84: {  	_ =	shalt  }
0x85: {  	_ =	shalt  }
0x86: {  	_ =	shalt  }
0x87: {  	_ =	shalt  }
.Lfunc_end0:
.L_simem_size_0:
called_computation_lowered:
.L_overlay_start_0:
0x88: {  	s2 =	sld [smem:$0x3FD9]  }
0x89: {  	s3 =	sld [smem:$0x3FFE];
	_ =	sdelay $0x1  }
0x8a: {  	s1 =	srdreg.scid  }
0x8b: {  	s0 =	sand.u32 $0x1, s1  }
0x8c: {  	s16 =	sshll.u32 s0, $0xA;
	s2 =	sadd.s32 s3, s2  }
0x8d: {  	s2 =	sadd.s32 s2, s16  }
0x8e: {  	[smem:$0x3FB0] =	sst s2  }
0x8f: {  	_ = 	snop  }
0x90: {  	(tm) =	ssettm $0x1  }
0x91: {  	s17 =	sld [smem:$0x3FFB];
	_ =	sdelay $0x3  }
0x92: {  	_ =	strace s17  }
0x93: {  	s2 =	sld [smem:$0x3FFC];
	_ =	sdelay $0x3  }
0x94: {  	_ =	strace s2  }
0x95: {  	s2 =	sld [smem:$0x3FFD];
	_ =	sdelay $0x3  }
0x96: {  	_ =	strace s2  }
0x97: {  	_ =	strace $0x8FFFFFFF  }
0x98: {  	s18 =	sld [smem:$0x3FDB];
	_ =	sdelay $0x1  }
0x99: {  	s19 =	simm.s32 $_scs_section_size  }
0x9a: {  	s4 =	simm.s32 $_size__tile_overlayer_lowered;
	s5 =	simm.s32 $_tile_overlayer_lowered  }
0x9b: {  	s22 =	simm.s32 $0x1BFF;
	s21 =	sshll.u32 s5, $0x1;
	s2 =	sadd.s32 s19, s18  }
0x9c: {  	s6 =	simm.s32 $0x0;
	s20 =	sshll.u32 s4, $0x1;
	s4 =	sadd.s32 s21, s2  }
0x9d: {  	[timem:s6], [sflag:s22] =	dma.local [hbm:s4], s20  }
0x9e: {  	_ =	swait.ge [sflag:s22], s20  }
0x9f: {  	s3 =	ssub.s32 $0x0, s20;
	[sflag:s22] =	ssyncset.done $0x0  }
0xa0: {  	[sflag:s22] =	ssyncadd.s32 s3;
	_ =	sdelay $0x1  }
0xa1: {  	s23 =	simm.s32 $0x1B8B  }
0xa2: {  	_ =	swait.ge [sflag:s23], $0x1  }
0xa3: {  	[sflag:s23] =	ssyncset.done $0x0  }
0xa4: {  	s25 =	simm.s32 $0x1B8E;
	s24 =	sld [smem:$0x3FFE];
	[sflag:s23] =	ssyncadd.s32 $0xFFFFFFFF  }
0xa5: {  	s26 =	simm.s32 $execute0_lowered;
	[smem:$0x3FD2] =	sst s25  }
0xa6: {  	s4 =	sshll.u32 s26, $0x1;
	_ =	strace $0x80000046;
	[dreg:$0x1] =	wrdreg $0xFFFFFFFF  }
0xa7: {  	s28 =	simm.s32 $_size_execute0_lowered;
	s2 =	sadd.s32 s2, s4;
	[dreg:$0x0] =	wrdreg $0x0  }
0xa8: {  	s4 =	sshll.u32 s28, $0x1;
	[dreg:$0x2] =	wrdreg s2  }
0xa9: {  	[dreg:$0x3] =	wrdreg s4  }
0xaa: {  	[dreg:$0x4] =	wrdreg $0xC0  }
0xab: {  	_ =	task [dreg:s6], $0x5FFFF  }
0xac: {  	[dreg:$0x1] =	wrdreg $0xFFFFFFFF  }
0xad: {  	[dreg:$0x0] =	wrdreg $0x60  }
0xae: {  	[dreg:$0x2] =	wrdreg s24  }
0xaf: {  	[dreg:$0x3] =	wrdreg $0x118000  }
0xb0: {  	[dreg:$0x4] =	wrdreg $0x9  }
0xb1: {  	_ =	task.clear_ibuf [dreg:s6], $0x5FFFF;
	_ =	strace $0x90000046  }
0xb2: {  	s29 =	simm.s32 $0x9;
	_ =	strace $0x80000048  }
0xb3: {  	_ =	swait.ge [sflag:s29], $0x1  }
0xb4: {  	[sflag:s29] =	ssyncadd.s32 $0xFFFFFFFF  }
0xb5: {  	_ =	strace $0x90000048  }
0xb6: {  	_ =	sfence  }
0xb7: {  	s30 =	sld [smem:$0x0];
	_ =	sdelay $0x2  }
0xb8: {  	s31 =	sshll.u32 s1, $0xD;
	s1 =	sshrl.u32 s1, $0x2  }
0xb9: {  	s3 =	sand.u32 $0x4000, s31;
	s1 =	sadd.s32 s1, s30  }
0xba: {  	s0 =	sor.u32 s3, s0;
	s1 =	sshll.u32 s1, $0x11  }
0xbb: {  	s0 =	sor.u32 s1, s0  }
0xbc: {  	s0 =	sadd.s32 $0x8F2B, s0  }
0xbd: {  	[sflag:s0] =	ssyncadd.remote.s32 $0x1  }
0xbe: {  	_ =	sfence.sel $0xFFFF  }
0xbf: {  	[dreg:$0x0] =	wrdreg $0xFFFFFFFF;
	(pc) =	sbr.abs _section_cstart, $3  }
0xc0: {  	[dreg:$0x1] =	wrdreg $0xFFFFFFFF  }
0xc1: {  	_ =	task.clear_ibuf [dreg:s6], $0x2FFFF;
	_ =	strace $0x9FFFFFFF  }
0xc2: {  	(tm) =	ssettm $0x7FFFFFFF  }
0xc3: {  	_ =	shalt  }
tec
execute0_lowered:
.L_overlay_start_1:
0x0: {  	(tag) =	ssettag $0x1  }
0x1: {  	s0 =	rddreg [dreg:$0x0]  }
0x2: {  	s2 =	rddreg [dreg:$0x1];
	s3 =	simm.s32 $0x0;
	s1 =	srdreg.scid  }
0x3: {  	s11 =	stileid.u32;
	s19 =	simm.s32 $0x80;
	s28 =	simm.s32 $0x9800  }
0x4: {  	s29 =	simm.s32 $0x2;
	s31 =	simm.s32 $0x3;
	s15 =	simm.s32 $0x4  }
0x5: {  	s13 =	simm.s32 $0x11;
	[smem:$0x7FF] =	sst s3;
	s1 =	sand.u32 $0x1, s1  }
0x6: {  	s20 =	smul.u32 $0x9E00, s11;
	s4 =	sadd.s32 $0x4200, s0;
	s6 =	sadd.s32 $0x17C00, s0  }
0x7: {  	s8 =	sadd.s32 $0x21C00, s0;
	s21 =	smul.u32 $0x2800, s11;
	s3 =	sadd.s32 $0x94200, s2  }
0x8: {  	p0 =	seq.s32 s11, $0xF;
	_ =	strace $0x80000047;
	s5 =	smul.u32 $0x9E000, s1  }
0x9: {  	s7 =	sshll.u32 s1, $0x4;
	s9 =	ssub.s32 $0x2, s1;
	s1 =	smul.u32 $0x28000, s1  }
0xa: {  	s7 =	sor.u32 s11, s7;
	s10 =	sshrl.u32 s9, $0x1;
	s22 =	sshrl.u32 s20, $0x3  }
0xb: {  	s5 =	sadd.s32 s20, s5;
	s7 =	smul.u32 $0x2800, s7;
	s9 =	ssub.s32 s9, s10  }
0xc: {  	s23 =	sadd.s32 s4, s22;
	s1 =	sadd.s32 s21, s1;
	s10 =	simm.s32 $0x12  }
0xd: {  	s22 =	simm.s32 $0x5;
	s5 =	sshrl.u32 s5, $0x3;
	[dreg:$0x6] =	wrdreg s23  }
0xe: {  	s24 =	sor.u32 $0x400, s1;
	s26 =	smax.u32 s9, $0x1;
	s1 =	sshrl.u32 @p0 s3, $0x3  }
0xf: {  	s23 =	simm.s32 $0x5800;
	s9 =	simm.s32 $0xC;
	s5 =	sadd.s32 s5, s0  }
0x10: {  	s7 =	sshrl.u32 s7, $0x3;
	s0 =	sadd.s32 $0x16A40, s0;
	[dreg:$0x9] =	wrdreg s26  }
0x11: {  	[dreg:$0xc] =	wrdreg s1;
	s26 =	simm.s32 $0x1;
	s1 =	simm.s32 $0xF800  }
0x12: {  	s12 =	sadd.s32 s6, s7;
	s7 =	sadd.s32 s8, s7;
	[dreg:$0x7] =	wrdreg s0  }
0x13: {  	s25 =	sadd.s32 $0x2BC00, s5;
	s0 =	sshrl.u32 s24, $0x3;
	[dreg:$0x3] =	wrdreg s12  }
0x14: {  	s24 =	simm.s32 $0x9;
	s5 =	simm.s32 $0x7;
	[dreg:$0x4] =	wrdreg s7  }
0x15: {  	s12 =	sadd.s32 s20, s2;
	[dreg:$0x8] =	wrdreg s25;
	s30 =	sadd.s32 s0, s8  }
.Ltmp0:
0x16: {  	s0 =	sadd.s32 s0, s6;
	[dreg:$0xa] =	wrdreg s30;
	(pc) =	sbr.rel .LBB2_1-.Ltmp0, $4  }
0x17: {  	s25 =	simm.s32 $0x7800;
	[dreg:$0xb] =	wrdreg s0;
	s0 =	sshll.u32 @!p0 s11, $0x6  }
0x18: {  	s6 =	simm.s32 $0xB;
	[dreg:$0x5] =	wrdreg s12;
	s0 =	sor.u32 @!p0 $0x1C12, s0  }
0x19: {  	s8 =	simm.s32 $0x8;
	[dreg:$0xd] =	wrdreg s0;
	s0 =	sshrl.u32 @!p0 s12, $0x3  }
0x1a: {  	s7 =	simm.s32 $0x0;
	[dreg:$0xe] =	wrdreg s0;
	s0 =	simm.s32 $0xD800  }
.LBB2_3:
0x1b: {  	_ =	swait.ge [sflag:s8], $0x2000  }
0x1c: {  	[sflag:s8] =	ssyncset.done $0x0  }
0x1d: {  	s3 =	sadd.s32 $0xC00, s16;
	[sflag:s8] =	ssyncadd.s32 $0xFFFFE000  }
0x1e: {  	[spmem:s2] =	stream.indirect.scatter.add.f32 [tilespmem:s1], [sflag:$0x10], $0x40, s3, s19, $0xb8;
	[tilespmem:$0x1B600] =	vst v63  }
0x1f: {  	_ =	swait.ge [sflag:s9], $0x2000  }
0x20: {  	[sflag:s9] =	ssyncset.done $0x0  }
0x21: {  	[sflag:s9] =	ssyncadd.s32 $0xFFFFE000  }
.LBB2_5:
0x22: {  	s3 =	simm.s32 $0xD  }
0x23: {  	_ =	swait.ge [sflag:s3], $0x2000  }
0x24: {  	[sflag:s3] =	ssyncset.done $0x0  }
0x25: {  	s16 =	simm.s32 $0xE;
	[sflag:s3] =	ssyncadd.s32 $0xFFFFE000  }
0x26: {  	_ =	swait.ge [sflag:s16], $0x2000  }
0x27: {  	[sflag:s16] =	ssyncset.done $0x0  }
0x28: {  	s17 =	simm.s32 $0xF;
	[sflag:s16] =	ssyncadd.s32 $0xFFFFE000  }
0x29: {  	_ =	swait.ge [sflag:s17], $0x2000  }
0x2a: {  	[sflag:s17] =	ssyncset.done $0x0  }
0x2b: {  	s18 =	simm.s32 $0x10;
	[sflag:s17] =	ssyncadd.s32 $0xFFFFE000  }
0x2c: {  	_ =	swait.ge [sflag:s18], $0x2000  }
0x2d: {  	[sflag:s18] =	ssyncset.done $0x0  }
0x2e: {  	[sflag:s18] =	ssyncadd.s32 $0xFFFFE000  }
0x2f: {  	s20 =	stileid.u32;
	[bflag:$0x0] =	sbarrier.arrive $0xFFFF  }
0x30: {  	s3 =	sshll.u32 s20, $0x6;
	s7 =	rddreg [dreg:$0x5]  }
0x31: {  	s3 =	sor.u32 $0x1C12, s3;
	s10 =	rddreg [dreg:$0x8];
	s7 =	sshrl.u32 s7, $0x3  }
0x32: {  	[hbm:s10], [sflag:s3] =	dma.local [spmem:s7], $0x13C0  }
0x33: {  	s10 =	simm.s32 $0x12  }
0x34: {  	_ =	swait.ge [sflag:s10], $0x13C0  }
0x35: {  	s21 =	rddreg [dreg:$0xf]  }
0x36: {  	s30 =	rddreg [dreg:$0x9];
	s7 =	sadd.s32 $0x1, s21  }
0x37: {  	p1 =	sne.s32 s7, s30  }
.Ltmp1:
0x38: {  	_ = 	snop;
	(pc) =	sbr.rel @!p1 .LBB2_6-.Ltmp1, $3  }
0x39: {  	_ =	sdelay $0x1  }
0x3a: {  	[sflag:s10] =	ssyncset.done $0x0  }
0x3b: {  	[sflag:s10] =	ssyncadd.s32 $0xFFFFEC40  }
.LBB2_1:
0x3c: {  	[dreg:$0xf] =	wrdreg s7  }
0x3d: {  	s16 =	simm.s32 $0x0;
	s3 =	rddreg [dreg:$0x3]  }
0x3e: {  	[tilespmem:s16], [sflag:$0x12] =	stream.linear.gather [hbm4b:s3+s16], $0x400, $0x38;
	[tilespmem:$0x1B600] =	vst v63  }
0x3f: {  	_ =	swait.ge [sflag:s10], $0x400  }
0x40: {  	[sflag:s10] =	ssyncset.done $0x0  }
0x41: {  	s11 =	simm.s32 $0xC00;
	s17 =	rddreg [dreg:$0x4];
	[sflag:s10] =	ssyncadd.s32 $0xFFFFFC00  }
0x42: {  	[tilespmem:s11], [sflag:$0x12] =	stream.linear.gather [hbm4b:s17+s16], $0x400, $0x38;
	[tilespmem:$0x1B600] =	vst v63  }
0x43: {  	_ =	swait.ge [sflag:s10], $0x400  }
0x44: {  	[sflag:s10] =	ssyncset.done $0x0;
	s11 =	rddreg [dreg:$0xc]  }
0x45: {  	s3 =	simm.s32 @p0 $0x1FD2;
	[sflag:s10] =	ssyncadd.s32 $0xFFFFFC00;
	s10 =	rddreg [dreg:$0x7]  }
0x46: {  	[spmem:s11], [sflag:s3] =	dma.local @p0 [hbm:s10], $0x1040  }
0x47: {  	s3 =	simm.s32 @p0 $0x12  }
0x48: {  	_ =	swait.ge @p0 [sflag:s3], $0x1040  }
0x49: {  	s10 =	rddreg [dreg:$0xd]  }
0x4a: {  	[sflag:s3] =	ssyncset.done @p0 $0x0;
	s11 =	rddreg [dreg:$0xe]  }
0x4b: {  	[sflag:s3] =	ssyncadd.s32 @p0 $0xFFFFEFC0;
	s3 =	rddreg [dreg:$0x6]  }
0x4c: {  	[spmem:s11], [sflag:s10] =	dma.local @!p0 [hbm:s3], $0x13C0  }
0x4d: {  	s3 =	simm.s32 @!p0 $0x12  }
0x4e: {  	_ =	swait.ge @!p0 [sflag:s3], $0x13C0  }
0x4f: {  	[sflag:s3] =	ssyncset.done @!p0 $0x0  }
0x50: {  	[sflag:s3] =	ssyncadd.s32 @!p0 $0xFFFFEC40  }
0x51: {  	s18 =	simm.s32 $0x1800;
	[bflag:$0x0] =	sbarrier.arrive $0xFFFF  }
0x52: {  	[tilespmem:s18], [sflag:$0x1] =	stream.indirect.gather [hbm4b:s4+s19], $0x40, s16, s19, $0xb8;
	[tilespmem:$0x1B600] =	vst v63  }
0x53: {  	s20 =	simm.s32 $0x3800  }
0x54: {  	[tilespmem:s20], [sflag:$0x2] =	stream.indirect.gather [hbm4b:s4+s19], $0x40, s19, s19, $0xb8;
	[tilespmem:$0x1B600] =	vst v63  }
0x55: {  	s21 =	simm.s32 $0x100;
	s17 =	rddreg [dreg:$0xb]  }
0x56: {  	[tilespmem:s23], [sflag:$0x3] =	stream.indirect.gather [hbm4b:s4+s19], $0x40, s21, s19, $0xb8;
	[tilespmem:$0x1B600] =	vst v63  }
0x57: {  	s30 =	simm.s32 $0x180;
	s3 =	simm.s32 $0x0;
	s18 =	rddreg [dreg:$0xa]  }
0x58: {  	[tilespmem:s25], [sflag:$0x4] =	stream.indirect.gather [hbm4b:s4+s19], $0x40, s30, s19, $0xb8;
	[tilespmem:$0x1B600] =	vst v63  }
.LBB2_2:
0x59: {  	s7 =	smul.u32 $0xAB, s3;
	_ =	sdelay $0x1  }
0x5a: {  	s10 =	sadd.s32 $0xAB, s7  }
0x5b: {  	s10 =	sshrl.u32 s10, $0x9  }
0x5c: {  	s10 =	sand.u32 $0x7F, s10  }
0x5d: {  	s11 =	smul.u32 $0x3, s10  }
0x5e: {  	s10 =	sadd.s32 $0x1, s3  }
0x5f: {  	s7 =	sshrl.u32 s7, $0x9;
	s11 =	ssub.s32 s10, s11  }
0x60: {  	p1 =	seq.s32 s3, $0x9;
	s7 =	sand.u32 $0x7F, s7;
	s11 =	sand.u32 $0xFF, s11  }
0x61: {  	s14 =	simm.s32 @!p1 $0x0;
	s12 =	smul.u32 $0x3, s7;
	s7 =	sshll.u32 @!p1 s11, $0xA  }
0x62: {  	[tilespmem:s7], [sflag:$0x11] =	stream.linear.gather @!p1 [hbm4b:s17+s14], $0x400, $0x38;
	[tilespmem:$0x1B600] =	vst v63  }
0x63: {  	s12 =	ssub.s32 s3, s12;
	s16 =	sadd.s32 @!p1 $0xC00, s7  }
0x64: {  	[tilespmem:s16], [sflag:$0x11] =	stream.linear.gather @!p1 [hbm4b:s18+s14], $0x400, $0x38;
	[tilespmem:$0x1B600] =	vst v63  }
0x65: {  	s12 =	sand.u32 $0xFF, s12;
	_ =	swait.ge [sflag:s26], $0x2000  }
0x66: {  	s30 =	simm.s32 $0x1800;
	s16 =	sshll.u32 s12, $0xA;
	[sflag:s26] =	ssyncset.done $0x0  }
0x67: {  	p2 =	seq.s32 s3, $0x0;
	s12 =	sadd.s32 $0xC00, s16;
	[sflag:s26] =	ssyncadd.s32 $0xFFFFE000  }
0x68: {  	[spmem:s2] =	stream.indirect.scatter.add.f32 [tilespmem:s30], [sflag:$0x9], $0x40, s12, s19, $0xb8;
	[tilespmem:$0x1B600] =	vst v63  }
0x69: {  	s12 =	simm.s32 @!p2 $0xD  }
0x6a: {  	_ =	swait.ge @!p2 [sflag:s12], $0x2000  }
0x6b: {  	[sflag:s12] =	ssyncset.done @!p2 $0x0  }
0x6c: {  	s30 =	sor.u32 $0x200, s16;
	[sflag:s12] =	ssyncadd.s32 @!p2 $0xFFFFE000  }
0x6d: {  	[tilespmem:s28], [sflag:$0x5] =	stream.indirect.gather [hbm4b:s4+s19], $0x40, s30, s19, $0xb8;
	[tilespmem:$0x1B600] =	vst v63  }
0x6e: {  	_ =	swait.ge [sflag:s29], $0x2000  }
0x6f: {  	s20 =	simm.s32 $0x3800;
	[sflag:s29] =	ssyncset.done $0x0  }
0x70: {  	s14 =	sadd.s32 $0xC80, s16;
	s12 =	simm.s32 @!p2 $0xE;
	[sflag:s29] =	ssyncadd.s32 $0xFFFFE000  }
0x71: {  	[spmem:s2] =	stream.indirect.scatter.add.f32 [tilespmem:s20], [sflag:$0xA], $0x40, s14, s19, $0xb8;
	[tilespmem:$0x1B600] =	vst v63  }
0x72: {  	_ =	swait.ge @!p2 [sflag:s12], $0x2000  }
0x73: {  	[sflag:s12] =	ssyncset.done @!p2 $0x0  }
0x74: {  	s21 =	simm.s32 $0xB800;
	s14 =	sor.u32 $0x280, s16;
	[sflag:s12] =	ssyncadd.s32 @!p2 $0xFFFFE000  }
0x75: {  	[tilespmem:s21], [sflag:$0x6] =	stream.indirect.gather [hbm4b:s4+s19], $0x40, s14, s19, $0xb8;
	[tilespmem:$0x1B600] =	vst v63  }
0x76: {  	_ =	swait.ge [sflag:s31], $0x2000  }
0x77: {  	[sflag:s31] =	ssyncset.done $0x0  }
0x78: {  	s20 =	sadd.s32 $0xD00, s16;
	s12 =	simm.s32 @!p2 $0xF;
	[sflag:s31] =	ssyncadd.s32 $0xFFFFE000  }
0x79: {  	[spmem:s2] =	stream.indirect.scatter.add.f32 [tilespmem:s23], [sflag:$0xB], $0x40, s20, s19, $0xb8;
	[tilespmem:$0x1B600] =	vst v63  }
0x7a: {  	_ =	swait.ge @!p2 [sflag:s12], $0x2000  }
0x7b: {  	[sflag:s12] =	ssyncset.done @!p2 $0x0  }
0x7c: {  	[sflag:s12] =	ssyncadd.s32 @!p2 $0xFFFFE000;
	s12 =	sor.u32 $0x300, s16  }
0x7d: {  	[tilespmem:s0], [sflag:$0x7] =	stream.indirect.gather [hbm4b:s4+s19], $0x40, s12, s19, $0xb8;
	[tilespmem:$0x1B600] =	vst v63  }
0x7e: {  	_ =	swait.ge [sflag:s15], $0x2000  }
0x7f: {  	[sflag:s15] =	ssyncset.done $0x0  }
0x80: {  	s20 =	sadd.s32 $0xD80, s16;
	[sflag:s15] =	ssyncadd.s32 $0xFFFFE000  }
0x81: {  	[spmem:s2] =	stream.indirect.scatter.add.f32 [tilespmem:s25], [sflag:$0xC], $0x40, s20, s19, $0xb8;
	[tilespmem:$0x1B600] =	vst v63  }
0x82: {  	s20 =	simm.s32 @!p2 $0x10  }
0x83: {  	_ =	swait.ge @!p2 [sflag:s20], $0x2000  }
0x84: {  	p3 =	seq.s32 @!p2 s3, $0x9;
	[sflag:s20] =	ssyncset.done @!p2 $0x0  }
0x85: {  	p3 =	por p2, !p3;
	[sflag:s20] =	ssyncadd.s32 @!p2 $0xFFFFE000  }
0x86: {  	_ =	swait.ge @p3 [sflag:s13], $0x400  }
0x87: {  	[sflag:s13] =	ssyncset.done @p3 $0x0  }
0x88: {  	[sflag:s13] =	ssyncadd.s32 @p3 $0xFFFFFC00  }
0x89: {  	_ =	swait.ge @p3 [sflag:s13], $0x400  }
0x8a: {  	[sflag:s13] =	ssyncset.done @p3 $0x0  }
0x8b: {  	s16 =	sor.u32 $0x380, s16;
	[sflag:s13] =	ssyncadd.s32 @p3 $0xFFFFFC00  }
0x8c: {  	[tilespmem:s1], [sflag:$0x8] =	stream.indirect.gather [hbm4b:s4+s19], $0x40, s16, s19, $0xb8;
	[tilespmem:$0x1B600] =	vst v63  }
0x8d: {  	_ =	swait.ge [sflag:s22], $0x2000  }
0x8e: {  	[sflag:s22] =	ssyncset.done $0x0  }
0x8f: {  	s21 =	sadd.s32 $0xC00, s30;
	[sflag:s22] =	ssyncadd.s32 $0xFFFFE000  }
0x90: {  	[spmem:s2] =	stream.indirect.scatter.add.f32 [tilespmem:s28], [sflag:$0xD], $0x40, s21, s19, $0xb8;
	[tilespmem:$0x1B600] =	vst v63  }
0x91: {  	_ =	swait.ge [sflag:s24], $0x2000  }
0x92: {  	[sflag:s24] =	ssyncset.done $0x0  }
0x93: {  	s20 =	simm.s32 @p1 $0x6;
	[sflag:s24] =	ssyncadd.s32 $0xFFFFE000  }
0x94: {  	_ =	swait.ge @p1 [sflag:s20], $0x2000  }
0x95: {  	s30 =	simm.s32 @p1 $0x80;
	[sflag:s20] =	ssyncset.done @p1 $0x0  }
0x96: {  	s21 =	simm.s32 @p1 $0xB800;
	[sflag:s20] =	ssyncadd.s32 @p1 $0xFFFFE000;
	s20 =	sadd.s32 @p1 $0xC00, s14  }
0x97: {  	[spmem:s2] =	stream.indirect.scatter.add.f32 @p1 [tilespmem:s21], [sflag:$0xE], $0x40, s20, s30, $0xb8;
	[tilespmem:$0x1B600] =	vst v63  }
0x98: {  	s20 =	simm.s32 @p1 $0xA  }
0x99: {  	_ =	swait.ge @p1 [sflag:s20], $0x2000  }
0x9a: {  	[sflag:s20] =	ssyncset.done @p1 $0x0  }
0x9b: {  	s21 =	simm.s32 @!p1 $0x1800;
	[sflag:s20] =	ssyncadd.s32 @p1 $0xFFFFE000;
	s20 =	simm.s32 @!p1 $0x80  }
0x9c: {  	[tilespmem:s21], [sflag:$0x1] =	stream.indirect.gather @!p1 [hbm4b:s4+s20], $0x40, s7, s20, $0xb8;
	[tilespmem:$0x1B600] =	vst v63  }
0x9d: {  	s21 =	simm.s32 @!p1 $0x6  }
0x9e: {  	_ =	swait.ge @!p1 [sflag:s21], $0x2000  }
0x9f: {  	[sflag:s21] =	ssyncset.done @!p1 $0x0  }
0xa0: {  	s14 =	sadd.s32 @!p1 $0xC00, s14;
	[sflag:s21] =	ssyncadd.s32 @!p1 $0xFFFFE000;
	s21 =	simm.s32 @!p1 $0xB800  }
0xa1: {  	[spmem:s2] =	stream.indirect.scatter.add.f32 @!p1 [tilespmem:s21], [sflag:$0xE], $0x40, s14, s20, $0xb8;
	[tilespmem:$0x1B600] =	vst v63  }
0xa2: {  	s14 =	simm.s32 @!p1 $0xA  }
0xa3: {  	_ =	swait.ge @!p1 [sflag:s14], $0x2000  }
0xa4: {  	[sflag:s14] =	ssyncset.done @!p1 $0x0  }
0xa5: {  	s7 =	sor.u32 @!p1 $0x80, s7;
	[sflag:s14] =	ssyncadd.s32 @!p1 $0xFFFFE000;
	s14 =	simm.s32 @!p1 $0x3800  }
0xa6: {  	[tilespmem:s14], [sflag:$0x2] =	stream.indirect.gather @!p1 [hbm4b:s4+s20], $0x40, s7, s20, $0xb8;
	[tilespmem:$0x1B600] =	vst v63  }
0xa7: {  	_ =	swait.ge [sflag:s5], $0x2000  }
0xa8: {  	p1 =	sne.s32 s3, $0x9;
	[sflag:s5] =	ssyncset.done $0x0  }
.Ltmp2:
0xa9: {  	s30 =	sadd.s32 $0xC00, s12;
	[sflag:s5] =	ssyncadd.s32 $0xFFFFE000;
	(pc) =	sbr.rel @!p1 .LBB2_3-.Ltmp2, $4  }
0xaa: {  	[spmem:s2] =	stream.indirect.scatter.add.f32 [tilespmem:s0], [sflag:$0xF], $0x40, s30, s19, $0xb8;
	[tilespmem:$0x1B600] =	vst v63  }
0xab: {  	_ =	swait.ge [sflag:s6], $0x2000  }
0xac: {  	[sflag:s6] =	ssyncset.done $0x0  }
0xad: {  	[sflag:s6] =	ssyncadd.s32 $0xFFFFE000  }
0xae: {  	s3 =	sshll.u32 s11, $0xA  }
0xaf: {  	s7 =	sor.u32 $0x100, s3  }
0xb0: {  	[tilespmem:s23], [sflag:$0x3] =	stream.indirect.gather [hbm4b:s4+s19], $0x40, s7, s19, $0xb8;
	[tilespmem:$0x1B600] =	vst v63  }
0xb1: {  	_ =	swait.ge [sflag:s8], $0x2000  }
0xb2: {  	[sflag:s8] =	ssyncset.done $0x0  }
0xb3: {  	s30 =	sadd.s32 $0xC00, s16;
	p1 =	sne.s32 s10, $0xA;
	[sflag:s8] =	ssyncadd.s32 $0xFFFFE000  }
0xb4: {  	[spmem:s2] =	stream.indirect.scatter.add.f32 [tilespmem:s1], [sflag:$0x10], $0x40, s30, s19, $0xb8;
	[tilespmem:$0x1B600] =	vst v63  }
.Ltmp3:
0xb5: {  	_ =	swait.ge [sflag:s9], $0x2000;
	(pc) =	sbr.rel @p1 .LBB2_2-.Ltmp3, $4  }
.Ltmp4:
0xb6: {  	[sflag:s9] =	ssyncset.done $0x0;
	(pc) =	sbr.rel @!p1 .LBB2_5-.Ltmp4, $4  }
0xb7: {  	s3 =	sor.u32 $0x180, s3;
	[sflag:s9] =	ssyncadd.s32 $0xFFFFE000  }
0xb8: {  	[tilespmem:s25], [sflag:$0x4] =	stream.indirect.gather [hbm4b:s4+s19], $0x40, s3, s19, $0xb8;
	[tilespmem:$0x1B600] =	vst v63  }
0xb9: {  	s18 =	sadd.s32 $0x80, s18;
	s17 =	sadd.s32 $0x80, s17;
	s3 =	smov.u32 s10  }
0xba: {  	_ = 	snop  }
.LBB2_6:
0xbb: {  	_ =	sfence.sel $0x180000  }
0xbc: {  	[bflag:$0x0] =	sbarrier.arrive $0xFFFF  }
0xbd: {  	_ =	strace $0x90000047  }
0xbe: {  	s0 =	stileid.u32;
	[bflag:$0x2] =	sbarrier.arrive $0xFFFF  }
0xbf: {  	p0 =	sne.s32 s0, $0x0;
	s0 =	rddreg [dreg:$0x2]  }
0xc0: {  	s0 =	sadd.s32 @!p0 $0x100000, s0  }
0xc1: {  	[sflag:s0] =	ssyncadd.tile.s32 @!p0 $0x1;
	_ =	shalt  }
.Lfunc_end2:
_tile_overlayer_lowered:
.L_overlay_start_2:
0xc2: {  	(tag) =	ssettag $0x2  }
0xc3: {  	s0 =	rddreg [dreg:$0x0];
	s2 =	stileid.u32  }
0xc4: {  	s1 =	rddreg [dreg:$0x1];
	p0 =	sne.s32 s2, $0x0  }
0xc5: {  	s3 =	rddreg [dreg:$0x2];
	[bflag:$0x3] =	sbarrier.arrive $0xFFFF;
	s2 =	simm.s32 @!p0 $0x1C12  }
0xc6: {  	[timem:s3], [sflag:s2] =	dma.local @!p0 [hbm:s0], s1  }
0xc7: {  	s0 =	simm.s32 @!p0 $0x12  }
0xc8: {  	_ =	swait.ge @!p0 [sflag:s0], s1  }
0xc9: {  	s1 =	ssub.s32 @!p0 $0x0, s1;
	[sflag:s0] =	ssyncset.done @!p0 $0x0  }
0xca: {  	[sflag:s0] =	ssyncadd.s32 @!p0 s1  }
0xcb: {  	[bflag:$0x3] =	sbarrier.arrive $0xFFFF  }
0xcc: {  	_ =	shalt  }

</sc_bundles>
